<compile_context>
chip_gen: v7x
topology: tpu7x:2x2x1
jax: 0.10.2.dev20260603
libtpu: 0.0.44.dev20260713+nightly
codegen_flags: <defaults>
</compile_context>

<pallas_src>
import functools

import jax
import jax.numpy as jnp
from jax import lax
from jax.experimental import pallas as pl
from jax.experimental.pallas import tpu as pltpu
from jax.experimental.pallas import tpu_sc as plsc

N = 10000
M = 32
C = 128
NBR = 16

NC, NS = 2, 16
NW = NC * NS
NODES_PER_W = 320
N_PAD = NW * NODES_PER_W
CHUNK = 4
ROWS_PER_CHUNK = CHUNK * M
N_CHUNKS = NODES_PER_W // CHUNK
EDGES_PER_W = NODES_PER_W * M
LAST_NODES = N - (NW - 1) * NODES_PER_W
LAST_EDGES = LAST_NODES * M


def _softplus(x):
    return jnp.maximum(x, 0.0) + jnp.log1p(jnp.exp(-jnp.abs(x)))


_BLK1 = 1024
_SLAB = 128


def _radial_body(x_ref, bd8_ref, b1_ref, w2bd_ref, b20_ref, out_ref):
    bd8 = bd8_ref[...].astype(jnp.bfloat16)
    x = x_ref[...].astype(jnp.bfloat16)
    h = _softplus(jnp.dot(bd8, x, preferred_element_type=jnp.float32)
                  + b1_ref[...])
    out_ref[...] = (jnp.dot(w2bd_ref[...], h,
                            preferred_element_type=jnp.float32)
                    + b20_ref[0, 0])


def _radial_scalar(x_t, bd8, b1c, w2bd, b20):
    return pl.pallas_call(
        _radial_body,
        grid=(M * NBR // _SLAB,),
        in_specs=[
            pl.BlockSpec((_SLAB, N), lambda i: (i, 0)),
            pl.BlockSpec((_SLAB, _SLAB), lambda i: (0, 0)),
            pl.BlockSpec((_SLAB, 1), lambda i: (0, 0)),
            pl.BlockSpec((8, _SLAB), lambda i: (0, 0)),
            pl.BlockSpec((1, 1), lambda i: (0, 0)),
        ],
        out_specs=pl.BlockSpec((8, N), lambda i: (i, 0)),
        out_shape=jax.ShapeDtypeStruct((M, N), jnp.float32),
    )(x_t, bd8, b1c, w2bd, b20)


def _lane_bcast(v, j):
    idx = jnp.full((16,), j, dtype=jnp.int32)
    return lax.gather(
        v, idx[:, None],
        dimension_numbers=lax.GatherDimensionNumbers(
            offset_dims=(), collapsed_slice_dims=(0,), start_index_map=(0,)),
        slice_sizes=(1,),
        mode=lax.GatherScatterMode.PROMISE_IN_BOUNDS)


def _sc_gather_sum(table, idx_flat, s_flat):
    mesh = plsc.VectorSubcoreMesh(core_axis_name="c", subcore_axis_name="s",
                                  num_cores=NC, num_subcores=NS)

    @functools.partial(
        pl.kernel,
        mesh=mesh,
        out_type=jax.ShapeDtypeStruct((N, C), jnp.float32),
        scratch_types=[
            pltpu.VMEM((EDGES_PER_W,), jnp.int32),
            pltpu.VMEM((EDGES_PER_W,), jnp.float32),
            pltpu.VMEM((ROWS_PER_CHUNK, C), jnp.float32),
            pltpu.VMEM((ROWS_PER_CHUNK, C), jnp.float32),
            pltpu.VMEM((NODES_PER_W, C), jnp.float32),
            pltpu.SemaphoreType.DMA,
            pltpu.SemaphoreType.DMA,
        ],
    )
    def k(table_hbm, idx_hbm, s_hbm, out_hbm,
          idx_v, s_v, rb0, rb1, acc_v, sem0, sem1):
        wid = lax.axis_index("s") * NC + lax.axis_index("c")
        base_e = pl.multiple_of(wid * EDGES_PER_W, EDGES_PER_W)
        base_n = pl.multiple_of(wid * NODES_PER_W, NODES_PER_W)

        @pl.when(wid < NW - 1)
        def _():
            pltpu.sync_copy(idx_hbm.at[pl.ds(base_e, EDGES_PER_W)], idx_v)
            pltpu.sync_copy(s_hbm.at[pl.ds(base_e, EDGES_PER_W)], s_v)

        @pl.when(wid == NW - 1)
        def _():
            pltpu.sync_copy(idx_hbm.at[pl.ds(base_e, LAST_EDGES)],
                            idx_v.at[pl.ds(0, LAST_EDGES)])
            pltpu.sync_copy(s_hbm.at[pl.ds(base_e, LAST_EDGES)],
                            s_v.at[pl.ds(0, LAST_EDGES)])

        valid_chunks = (N - 1 - wid * NODES_PER_W) // CHUNK + 1
        nc_w = jnp.minimum(jnp.int32(N_CHUNKS), valid_chunks.astype(jnp.int32))

        def gather_dma(c, buf, sem):
            off = pl.multiple_of(c * ROWS_PER_CHUNK, ROWS_PER_CHUNK)
            return pltpu.make_async_copy(
                table_hbm.at[idx_v.at[pl.ds(off, ROWS_PER_CHUNK)]], buf, sem)

        def compute(c, buf):
            for k_ in range(CHUNK):
                eoff = pl.multiple_of(c * ROWS_PER_CHUNK + k_ * M, M)
                s_a = s_v[pl.ds(eoff, 16)]
                s_b = s_v[pl.ds(eoff + 16, 16)]

                def edge_body(j0, acc):
                    w0 = _lane_bcast(s_a, j0)
                    w1 = _lane_bcast(s_b, j0)
                    r0 = k_ * M + j0
                    r1 = r0 + 16
                    return tuple(
                        acc[f] + w0 * buf[r0, pl.ds(f * 16, 16)]
                               + w1 * buf[r1, pl.ds(f * 16, 16)]
                        for f in range(C // 16))

                acc = lax.fori_loop(
                    0, 16, edge_body,
                    tuple(jnp.zeros((16,), jnp.float32) for _ in range(C // 16)))
                node = c * CHUNK + k_
                for f in range(C // 16):
                    acc_v[node, pl.ds(f * 16, 16)] = acc[f]

        gather_dma(0, rb0, sem0).start()
        gather_dma(1, rb1, sem1).start()

        def loop_body(g, carry):
            c0 = 2 * g
            c1 = 2 * g + 1
            gather_dma(c0, rb0, sem0).wait()
            compute(c0, rb0)

            @pl.when(c0 + 2 < nc_w)
            def _():
                gather_dma(c0 + 2, rb0, sem0).start()

            gather_dma(c1, rb1, sem1).wait()
            compute(c1, rb1)

            @pl.when(c1 + 2 < nc_w)
            def _():
                gather_dma(c1 + 2, rb1, sem1).start()

            return carry

        lax.fori_loop(0, nc_w // 2, loop_body, 0)

        @pl.when(wid < NW - 1)
        def _():
            pltpu.sync_copy(acc_v, out_hbm.at[pl.ds(base_n, NODES_PER_W)])

        @pl.when(wid == NW - 1)
        def _():
            pltpu.sync_copy(acc_v.at[pl.ds(0, LAST_NODES)],
                            out_hbm.at[pl.ds(base_n, LAST_NODES)])

    return k(table, idx_flat, s_flat)


def _finish_body(g_ref, af_ref, tpw_ref, gamma_ref, beta_ref, out_ref):
    g = g_ref[...]
    af = af_ref[...]
    scale = 1.0 / (jnp.sqrt(jnp.float32(C)) * jnp.float32(M))
    agg = jnp.dot(g, tpw_ref[...], preferred_element_type=jnp.float32) * scale
    pre = af + agg
    mean = jnp.mean(pre, axis=0, keepdims=True)
    var = jnp.mean((pre - mean) ** 2, axis=0, keepdims=True)
    bn = (pre - mean) / jnp.sqrt(var + 1e-5) * gamma_ref[...] + beta_ref[...]
    out_ref[...] = _softplus(bn)


def _finish(g, atom_fea, tp_w, gamma, beta):
    return pl.pallas_call(
        _finish_body,
        out_shape=jax.ShapeDtypeStruct((N, C), jnp.float32),
    )(g, atom_fea, tp_w, gamma.reshape(1, C), beta.reshape(1, C))


def kernel(atom_fea, nbr_fea, nbr_idx, pos, W1, b1, W2, b2, tp_w,
           bn_gamma, bn_beta):
    del pos
    eye8 = jnp.eye(8, dtype=jnp.float32)
    bd8 = jnp.kron(eye8, W1.T)
    b1c = jnp.tile(b1, 8).reshape(_SLAB, 1)
    w2bd = jnp.kron(eye8, W2[:, 0].reshape(1, NBR))
    b20 = b2[0].reshape(1, 1)
    x_t = nbr_fea.reshape(N, M * NBR).T

    s_t = _radial_scalar(x_t, bd8, b1c, w2bd, b20)

    s_flat = s_t.T.reshape(-1)
    idx_flat = nbr_idx.reshape(-1)

    g = _sc_gather_sum(atom_fea, idx_flat, s_flat)

    return _finish(g, atom_fea, tp_w, bn_gamma, bn_beta)

# --- scband reference (transcript-rebuilt; emitter-appended) ---
"""Pipeline reference for scband-e3-conv-layer-89816356094338 (READ-ONLY COPY).

The authoritative reference and input builder live on the scoring server;
editing this copy changes nothing except your own understanding.
"""

import jax, jax.numpy as jnp
import numpy as np

N = 10000
M = 32
ATOM_FEA_LEN = 128
NBR_FEA_LEN = 16
SH_DIM = 9


def spherical_harmonics_l2(vec):
    # normalize=True: operate on unit direction vectors (component-normalized real SH, lmax=2)
    n = jnp.linalg.norm(vec, axis=-1, keepdims=True)
    r = vec / jnp.where(n > 0, n, 1.0)
    x = r[..., 0]
    y = r[..., 1]
    z = r[..., 2]
    y0 = jnp.ones_like(x)[..., None]
    c1 = jnp.sqrt(3.0)
    y1 = jnp.stack([c1 * x, c1 * y, c1 * z], axis=-1)
    c2 = jnp.sqrt(15.0)
    y2 = jnp.stack([
        c2 * x * y,
        c2 * y * z,
        (jnp.sqrt(5.0) / 2.0) * (3.0 * z * z - 1.0),
        c2 * x * z,
        (c2 / 2.0) * (x * x - y * y),
    ], axis=-1)
    return jnp.concatenate([y0, y1, y2], axis=-1)


def setup_inputs(seed: int = 0) -> dict:
    key = jax.random.key(seed)
    ks = jax.random.split(key, 12)
    atom_fea = jax.random.normal(ks[0], (N, ATOM_FEA_LEN), dtype=jnp.float32)
    nbr_fea = jax.random.normal(ks[1], (N, M, NBR_FEA_LEN), dtype=jnp.float32)
    nbr_idx = jax.random.randint(ks[2], (N, M), 0, N, dtype=jnp.int32)
    pos = jax.random.normal(ks[3], (N, 3), dtype=jnp.float32)
    # radial_mlp: Linear(16,16) -> Softplus -> Linear(16, sh_dim=9)
    W1 = jax.random.normal(ks[4], (NBR_FEA_LEN, NBR_FEA_LEN), dtype=jnp.float32) / jnp.sqrt(NBR_FEA_LEN)
    b1 = jnp.zeros((NBR_FEA_LEN,), dtype=jnp.float32)
    W2 = jax.random.normal(ks[5], (NBR_FEA_LEN, SH_DIM), dtype=jnp.float32) / jnp.sqrt(NBR_FEA_LEN)
    b2 = jnp.zeros((SH_DIM,), dtype=jnp.float32)
    # FullyConnectedTensorProduct(Cx0e, 1x0e+1x1o+1x2e -> Cx0e): only the 0e x 0e -> 0e path exists,
    # weights shape [C_in, 1, C_out] (k-dim squeezed), e3nn weights ~ N(0,1), path-normalized by 1/sqrt(fan_in)
    tp_w = jax.random.normal(ks[6], (ATOM_FEA_LEN, ATOM_FEA_LEN), dtype=jnp.float32)
    bn_gamma = jnp.ones((ATOM_FEA_LEN,), dtype=jnp.float32)
    bn_beta = jnp.zeros((ATOM_FEA_LEN,), dtype=jnp.float32)
    return {
        "atom_fea": atom_fea,
        "nbr_fea": nbr_fea,
        "nbr_idx": nbr_idx,
        "pos": pos,
        "W1": W1,
        "b1": b1,
        "W2": W2,
        "b2": b2,
        "tp_w": tp_w,
        "bn_gamma": bn_gamma,
        "bn_beta": bn_beta,
    }


def reference(atom_fea, nbr_fea, nbr_idx, pos, W1, b1, W2, b2, tp_w, bn_gamma, bn_beta):
    n_nodes, m = nbr_idx.shape
    src = nbr_idx.reshape(-1)
    dst = jnp.repeat(jnp.arange(n_nodes, dtype=src.dtype), m)
    # gather neighbor features (SparseCore gather)
    h_j = jnp.take(atom_fea, src, axis=0)
    # radial MLP on edge features
    R = jax.nn.softplus(nbr_fea.reshape(n_nodes * m, -1) @ W1 + b1) @ W2 + b2
    # spherical harmonics of relative positions
    rel = jnp.take(pos, src, axis=0) - jnp.take(pos, dst, axis=0)
    Y = spherical_harmonics_l2(rel)
    W_edge = R * Y
    # FCTP: only 0e x 0e -> 0e path contributes; normalized by sqrt(fan_in = C_in * 1)
    y0 = W_edge[:, 0:1]
    msg = ((h_j * y0) @ tp_w) / jnp.sqrt(jnp.asarray(atom_fea.shape[1], jnp.float32))
    # scatter-mean aggregation (SparseCore scatter-add + count)
    counts = jax.ops.segment_sum(jnp.ones((src.shape[0],), dtype=msg.dtype), dst, num_segments=n_nodes)
    agg = jax.ops.segment_sum(msg, dst, num_segments=n_nodes) / jnp.maximum(counts, 1.0)[:, None]
    pre = atom_fea + agg
    # BatchNorm1d (training-mode batch statistics, biased variance, eps=1e-5)
    mean = jnp.mean(pre, axis=0)
    var = jnp.var(pre, axis=0)
    bn = (pre - mean) / jnp.sqrt(var + 1e-5) * bn_gamma + bn_beta
    return jax.nn.softplus(bn)

if __name__ == "__main__":
    import jax
    _d = setup_inputs()
    print(jax.jit(kernel)(*tuple(_d.values())))

</pallas_src>

<mosaic_0001>
#map = affine_map<(d0, d1) -> (0, 0)>
#map1 = affine_map<(d0, d1) -> (0)>
module attributes {stable_mosaic.version = 14 : i64} {
  func.func @k(%arg0: i32, %arg1: i32, %arg2: memref<10000x128xf32, #tpu.memory_space<hbm>>, %arg3: memref<320000xi32, #tpu.memory_space<hbm>>, %arg4: memref<320000xf32, #tpu.memory_space<hbm>>, %arg5: memref<10000x128xf32, #tpu.memory_space<hbm>>, %arg6: memref<10240xi32, #tpu.memory_space<vmem>>, %arg7: memref<10240xf32, #tpu.memory_space<vmem>>, %arg8: memref<128x128xf32, #tpu.memory_space<vmem>>, %arg9: memref<128x128xf32, #tpu.memory_space<vmem>>, %arg10: memref<320x128xf32, #tpu.memory_space<vmem>>, %arg11: memref<!tpu.dma_semaphore, #tpu.memory_space<semaphore_mem>>, %arg12: memref<!tpu.dma_semaphore, #tpu.memory_space<semaphore_mem>>) attributes {dimension_semantics = [#tpu.dimension_semantics<core_parallel>, #tpu.dimension_semantics<subcore_parallel>], iteration_bounds = array<i64: 2, 16>, scalar_prefetch = 0 : i64, scratch_operands = 7 : i64, tpu.core_type = #tpu.core_type<sc_vector_subcore>, window_params = [{transform_indices = #map}, {transform_indices = #map1}, {transform_indices = #map1}, {transform_indices = #map}]} {
    %mul3A = arith.constant 2 : i32
    %mul3A_0 = arith.muli %arg1, %mul3A : i32
    %add3A = arith.addi %mul3A_0, %arg0 : i32
    %mul3A_1 = arith.constant 10240 : i32
    %mul3A_2 = arith.muli %add3A, %mul3A_1 : i32
    %multiple_of3A = tpu.assume_multiple %mul3A_2, 10240 : i32
    %mul3A_3 = arith.constant 320 : i32
    %mul3A_4 = arith.muli %add3A, %mul3A_3 : i32
    %multiple_of3A_5 = tpu.assume_multiple %mul3A_4, 320 : i32
    %lt3A = arith.constant 31 : i32
    %lt3A_6 = arith.cmpi slt, %add3A, %lt3A : i32
    %convert_element_type3A = arith.extui %lt3A_6 : i1 to i32
    %cond3A = arith.constant 0 : i32
    %cond3A_7 = arith.cmpi ne, %convert_element_type3A, %cond3A : i32
    scf.if %cond3A_7 {
      "tpu.region"() ({
        %run_scoped3A = tpu.sem_alloc : memref<!tpu.dma_semaphore, #tpu.memory_space<semaphore_mem>>
        %dma_start3A_89 = tpu.memref_slice %arg3[%multiple_of3A] : memref<320000xi32, #tpu.memory_space<hbm>> -> memref<10240xi32, #tpu.memory_space<hbm>>
        %dma_start3A_90 = tpu.memref_slice %arg3[%multiple_of3A] : memref<320000xi32, #tpu.memory_space<hbm>> -> memref<10240xi32, #tpu.memory_space<hbm>>
        tpu.enqueue_dma source(%dma_start3A_90 : memref<10240xi32, #tpu.memory_space<hbm>>) target(%arg6 : memref<10240xi32, #tpu.memory_space<vmem>>) target_semaphore(%run_scoped3A : memref<!tpu.dma_semaphore, #tpu.memory_space<semaphore_mem>>)
        %dma_wait3A = tpu.memref_slice %arg3[%multiple_of3A] : memref<320000xi32, #tpu.memory_space<hbm>> -> memref<10240xi32, #tpu.memory_space<hbm>>
        %dma_wait3A_91 = tpu.memref_slice %arg3[%multiple_of3A] : memref<320000xi32, #tpu.memory_space<hbm>> -> memref<10240xi32, #tpu.memory_space<hbm>>
        tpu.wait_dma2 semaphore(%run_scoped3A : memref<!tpu.dma_semaphore, #tpu.memory_space<semaphore_mem>>) src(%dma_wait3A_91 : memref<10240xi32, #tpu.memory_space<hbm>>) dst(%arg6 : memref<10240xi32, #tpu.memory_space<vmem>>)
        tpu.yield
      }) : () -> ()
      "tpu.region"() ({
        %run_scoped3A = tpu.sem_alloc : memref<!tpu.dma_semaphore, #tpu.memory_space<semaphore_mem>>
        %dma_start3A_89 = tpu.memref_slice %arg4[%multiple_of3A] : memref<320000xf32, #tpu.memory_space<hbm>> -> memref<10240xf32, #tpu.memory_space<hbm>>
        %dma_start3A_90 = tpu.memref_slice %arg4[%multiple_of3A] : memref<320000xf32, #tpu.memory_space<hbm>> -> memref<10240xf32, #tpu.memory_space<hbm>>
        tpu.enqueue_dma source(%dma_start3A_90 : memref<10240xf32, #tpu.memory_space<hbm>>) target(%arg7 : memref<10240xf32, #tpu.memory_space<vmem>>) target_semaphore(%run_scoped3A : memref<!tpu.dma_semaphore, #tpu.memory_space<semaphore_mem>>)
        %dma_wait3A = tpu.memref_slice %arg4[%multiple_of3A] : memref<320000xf32, #tpu.memory_space<hbm>> -> memref<10240xf32, #tpu.memory_space<hbm>>
        %dma_wait3A_91 = tpu.memref_slice %arg4[%multiple_of3A] : memref<320000xf32, #tpu.memory_space<hbm>> -> memref<10240xf32, #tpu.memory_space<hbm>>
        tpu.wait_dma2 semaphore(%run_scoped3A : memref<!tpu.dma_semaphore, #tpu.memory_space<semaphore_mem>>) src(%dma_wait3A_91 : memref<10240xf32, #tpu.memory_space<hbm>>) dst(%arg7 : memref<10240xf32, #tpu.memory_space<vmem>>)
        tpu.yield
      }) : () -> ()
    } else {
    }
    %eq3A = arith.constant 31 : i32
    %eq3A_8 = arith.cmpi eq, %add3A, %eq3A : i32
    %convert_element_type3A_9 = arith.extui %eq3A_8 : i1 to i32
    %cond3A_10 = arith.constant 0 : i32
    %cond3A_11 = arith.cmpi ne, %convert_element_type3A_9, %cond3A_10 : i32
    scf.if %cond3A_11 {
      "tpu.region"() ({
        %run_scoped3A = tpu.sem_alloc : memref<!tpu.dma_semaphore, #tpu.memory_space<semaphore_mem>>
        %dma_start3A_89 = arith.constant 0 : i32
        %dma_start3A_90 = tpu.memref_slice %arg6[%dma_start3A_89] : memref<10240xi32, #tpu.memory_space<vmem>> -> memref<2560xi32, #tpu.memory_space<vmem>>
        %dma_start3A_91 = tpu.memref_slice %arg3[%multiple_of3A] : memref<320000xi32, #tpu.memory_space<hbm>> -> memref<2560xi32, #tpu.memory_space<hbm>>
        %dma_start3A_92 = arith.constant 0 : i32
        %dma_start3A_93 = tpu.memref_slice %arg6[%dma_start3A_92] : memref<10240xi32, #tpu.memory_space<vmem>> -> memref<2560xi32, #tpu.memory_space<vmem>>
        %dma_start3A_94 = tpu.memref_slice %arg3[%multiple_of3A] : memref<320000xi32, #tpu.memory_space<hbm>> -> memref<2560xi32, #tpu.memory_space<hbm>>
        tpu.enqueue_dma source(%dma_start3A_94 : memref<2560xi32, #tpu.memory_space<hbm>>) target(%dma_start3A_93 : memref<2560xi32, #tpu.memory_space<vmem>>) target_semaphore(%run_scoped3A : memref<!tpu.dma_semaphore, #tpu.memory_space<semaphore_mem>>)
        %dma_wait3A = arith.constant 0 : i32
        %dma_wait3A_95 = tpu.memref_slice %arg6[%dma_wait3A] : memref<10240xi32, #tpu.memory_space<vmem>> -> memref<2560xi32, #tpu.memory_space<vmem>>
        %dma_wait3A_96 = tpu.memref_slice %arg3[%multiple_of3A] : memref<320000xi32, #tpu.memory_space<hbm>> -> memref<2560xi32, #tpu.memory_space<hbm>>
        %dma_wait3A_97 = arith.constant 0 : i32
        %dma_wait3A_98 = tpu.memref_slice %arg6[%dma_wait3A_97] : memref<10240xi32, #tpu.memory_space<vmem>> -> memref<2560xi32, #tpu.memory_space<vmem>>
        %dma_wait3A_99 = tpu.memref_slice %arg3[%multiple_of3A] : memref<320000xi32, #tpu.memory_space<hbm>> -> memref<2560xi32, #tpu.memory_space<hbm>>
        tpu.wait_dma2 semaphore(%run_scoped3A : memref<!tpu.dma_semaphore, #tpu.memory_space<semaphore_mem>>) src(%dma_wait3A_99 : memref<2560xi32, #tpu.memory_space<hbm>>) dst(%dma_wait3A_98 : memref<2560xi32, #tpu.memory_space<vmem>>)
        tpu.yield
      }) : () -> ()
      "tpu.region"() ({
        %run_scoped3A = tpu.sem_alloc : memref<!tpu.dma_semaphore, #tpu.memory_space<semaphore_mem>>
        %dma_start3A_89 = arith.constant 0 : i32
        %dma_start3A_90 = tpu.memref_slice %arg7[%dma_start3A_89] : memref<10240xf32, #tpu.memory_space<vmem>> -> memref<2560xf32, #tpu.memory_space<vmem>>
        %dma_start3A_91 = tpu.memref_slice %arg4[%multiple_of3A] : memref<320000xf32, #tpu.memory_space<hbm>> -> memref<2560xf32, #tpu.memory_space<hbm>>
        %dma_start3A_92 = arith.constant 0 : i32
        %dma_start3A_93 = tpu.memref_slice %arg7[%dma_start3A_92] : memref<10240xf32, #tpu.memory_space<vmem>> -> memref<2560xf32, #tpu.memory_space<vmem>>
        %dma_start3A_94 = tpu.memref_slice %arg4[%multiple_of3A] : memref<320000xf32, #tpu.memory_space<hbm>> -> memref<2560xf32, #tpu.memory_space<hbm>>
        tpu.enqueue_dma source(%dma_start3A_94 : memref<2560xf32, #tpu.memory_space<hbm>>) target(%dma_start3A_93 : memref<2560xf32, #tpu.memory_space<vmem>>) target_semaphore(%run_scoped3A : memref<!tpu.dma_semaphore, #tpu.memory_space<semaphore_mem>>)
        %dma_wait3A = arith.constant 0 : i32
        %dma_wait3A_95 = tpu.memref_slice %arg7[%dma_wait3A] : memref<10240xf32, #tpu.memory_space<vmem>> -> memref<2560xf32, #tpu.memory_space<vmem>>
        %dma_wait3A_96 = tpu.memref_slice %arg4[%multiple_of3A] : memref<320000xf32, #tpu.memory_space<hbm>> -> memref<2560xf32, #tpu.memory_space<hbm>>
        %dma_wait3A_97 = arith.constant 0 : i32
        %dma_wait3A_98 = tpu.memref_slice %arg7[%dma_wait3A_97] : memref<10240xf32, #tpu.memory_space<vmem>> -> memref<2560xf32, #tpu.memory_space<vmem>>
        %dma_wait3A_99 = tpu.memref_slice %arg4[%multiple_of3A] : memref<320000xf32, #tpu.memory_space<hbm>> -> memref<2560xf32, #tpu.memory_space<hbm>>
        tpu.wait_dma2 semaphore(%run_scoped3A : memref<!tpu.dma_semaphore, #tpu.memory_space<semaphore_mem>>) src(%dma_wait3A_99 : memref<2560xf32, #tpu.memory_space<hbm>>) dst(%dma_wait3A_98 : memref<2560xf32, #tpu.memory_space<vmem>>)
        tpu.yield
      }) : () -> ()
    } else {
    }
    %mul3A_12 = arith.constant 320 : i32
    %mul3A_13 = arith.muli %add3A, %mul3A_12 : i32
    %sub3A = arith.constant 9999 : i32
    %sub3A_14 = arith.subi %sub3A, %mul3A_13 : i32
    %jit3A = arith.constant 4 : i32
    %div3A = arith.divsi %sub3A_14, %jit3A : i32
    %sign3A = arith.constant 0 : i32
    %sign3A_15 = arith.cmpi sgt, %sub3A_14, %sign3A : i32
    %sign3A_16 = arith.extui %sign3A_15 : i1 to i32
    %sign3A_17 = arith.constant 0 : i32
    %sign3A_18 = arith.cmpi slt, %sub3A_14, %sign3A_17 : i32
    %sign3A_19 = arith.extui %sign3A_18 : i1 to i32
    %sign3A_20 = arith.subi %sign3A_16, %sign3A_19 : i32
    %sign3A_21 = arith.constant 0 : i32
    %sign3A_22 = arith.cmpi sgt, %jit3A, %sign3A_21 : i32
    %sign3A_23 = arith.extui %sign3A_22 : i1 to i32
    %sign3A_24 = arith.constant 0 : i32
    %sign3A_25 = arith.cmpi slt, %jit3A, %sign3A_24 : i32
    %sign3A_26 = arith.extui %sign3A_25 : i1 to i32
    %sign3A_27 = arith.subi %sign3A_23, %sign3A_26 : i32
    %ne3A = arith.cmpi ne, %sign3A_20, %sign3A_27 : i32
    %rem3A = arith.remsi %sub3A_14, %jit3A : i32
    %ne3A_28 = arith.constant 0 : i32
    %ne3A_29 = arith.cmpi ne, %rem3A, %ne3A_28 : i32
    %and3A = arith.andi %ne3A, %ne3A_29 : i1
    %sub3A_30 = arith.constant 1 : i32
    %sub3A_31 = arith.subi %div3A, %sub3A_30 : i32
    %select_n3A = arith.select %and3A, %sub3A_31, %div3A : i32
    %add3A_32 = arith.constant 1 : i32
    %add3A_33 = arith.addi %select_n3A, %add3A_32 : i32
    %min3A = arith.constant 80 : i32
    %min3A_34 = arith.minsi %min3A, %add3A_33 : i32
    %multiple_of3A_35 = arith.constant 0 : i32
    %multiple_of3A_36 = tpu.assume_multiple %multiple_of3A_35, 128 : i32
    %dma_start3A = tpu.memref_slice %arg6[%multiple_of3A_36] : memref<10240xi32, #tpu.memory_space<vmem>> -> memref<128xi32, #tpu.memory_space<vmem>>
    %dma_start3A_37 = arith.constant 0 : i32
    %dma_start3A_38 = arith.constant 0 : i32
    %dma_start3A_39 = tpu.memref_slice %arg2[%dma_start3A_37, %dma_start3A_38] : memref<10000x128xf32, #tpu.memory_space<hbm>> -> memref<10000x128xf32, #tpu.memory_space<hbm>>
    tpu.enqueue_indirect_dma source(%dma_start3A_39 : memref<10000x128xf32, #tpu.memory_space<hbm>>) target(%arg8 : memref<128x128xf32, #tpu.memory_space<vmem>>) offsets(%dma_start3A : memref<128xi32, #tpu.memory_space<vmem>>) semaphore(%arg11 : memref<!tpu.dma_semaphore, #tpu.memory_space<semaphore_mem>>)
    %multiple_of3A_40 = arith.constant 128 : i32
    %multiple_of3A_41 = tpu.assume_multiple %multiple_of3A_40, 128 : i32
    %dma_start3A_42 = tpu.memref_slice %arg6[%multiple_of3A_41] : memref<10240xi32, #tpu.memory_space<vmem>> -> memref<128xi32, #tpu.memory_space<vmem>>
    %dma_start3A_43 = arith.constant 0 : i32
    %dma_start3A_44 = arith.constant 0 : i32
    %dma_start3A_45 = tpu.memref_slice %arg2[%dma_start3A_43, %dma_start3A_44] : memref<10000x128xf32, #tpu.memory_space<hbm>> -> memref<10000x128xf32, #tpu.memory_space<hbm>>
    tpu.enqueue_indirect_dma source(%dma_start3A_45 : memref<10000x128xf32, #tpu.memory_space<hbm>>) target(%arg9 : memref<128x128xf32, #tpu.memory_space<vmem>>) offsets(%dma_start3A_42 : memref<128xi32, #tpu.memory_space<vmem>>) semaphore(%arg12 : memref<!tpu.dma_semaphore, #tpu.memory_space<semaphore_mem>>)
    %jit3A_46 = arith.constant 2 : i32
    %div3A_47 = arith.divsi %min3A_34, %jit3A_46 : i32
    %sign3A_48 = arith.constant 0 : i32
    %sign3A_49 = arith.cmpi sgt, %min3A_34, %sign3A_48 : i32
    %sign3A_50 = arith.extui %sign3A_49 : i1 to i32
    %sign3A_51 = arith.constant 0 : i32
    %sign3A_52 = arith.cmpi slt, %min3A_34, %sign3A_51 : i32
    %sign3A_53 = arith.extui %sign3A_52 : i1 to i32
    %sign3A_54 = arith.subi %sign3A_50, %sign3A_53 : i32
    %sign3A_55 = arith.constant 0 : i32
    %sign3A_56 = arith.cmpi sgt, %jit3A_46, %sign3A_55 : i32
    %sign3A_57 = arith.extui %sign3A_56 : i1 to i32
    %sign3A_58 = arith.constant 0 : i32
    %sign3A_59 = arith.cmpi slt, %jit3A_46, %sign3A_58 : i32
    %sign3A_60 = arith.extui %sign3A_59 : i1 to i32
    %sign3A_61 = arith.subi %sign3A_57, %sign3A_60 : i32
    %ne3A_62 = arith.cmpi ne, %sign3A_54, %sign3A_61 : i32
    %rem3A_63 = arith.remsi %min3A_34, %jit3A_46 : i32
    %ne3A_64 = arith.constant 0 : i32
    %ne3A_65 = arith.cmpi ne, %rem3A_63, %ne3A_64 : i32
    %and3A_66 = arith.andi %ne3A_62, %ne3A_65 : i1
    %sub3A_67 = arith.constant 1 : i32
    %sub3A_68 = arith.subi %div3A_47, %sub3A_67 : i32
    %select_n3A_69 = arith.select %and3A_66, %sub3A_68, %div3A_47 : i32
    %while3A = arith.constant 0 : i32
    %while3A_70 = arith.constant 0 : i32
    %while3A_71 = arith.subi %select_n3A_69, %while3A_70 : i32
    %while3A_72 = arith.addi %while3A_70, %while3A_71 : i32
    %while3A_73 = arith.constant 1 : i32
    %while3A_74 = arith.divsi %while3A_71, %while3A_73 : i32
    %while3A_75 = arith.muli %while3A_74, %while3A_73 : i32
    %while3A_76 = arith.addi %while3A_70, %while3A_75 : i32
    %while3A_77 = arith.constant 1 : i32
    scf.for %while3A_89 = %while3A_70 to %while3A_76 step %while3A_77  : i32 {
      %mul3A_90 = arith.constant 2 : i32
      %mul3A_91 = arith.muli %mul3A_90, %while3A_89 : i32
      %mul3A_92 = arith.constant 2 : i32
      %mul3A_93 = arith.muli %mul3A_92, %while3A_89 : i32
      %add3A_94 = arith.constant 1 : i32
      %add3A_95 = arith.addi %mul3A_93, %add3A_94 : i32
      %mul3A_96 = arith.constant 128 : i32
      %mul3A_97 = arith.muli %mul3A_91, %mul3A_96 : i32
      %multiple_of3A_98 = tpu.assume_multiple %mul3A_97, 128 : i32
      %dma_wait3A = tpu.memref_slice %arg6[%multiple_of3A_98] : memref<10240xi32, #tpu.memory_space<vmem>> -> memref<128xi32, #tpu.memory_space<vmem>>
      %dma_wait3A_99 = arith.constant 0 : i32
      %dma_wait3A_100 = arith.constant 0 : i32
      %dma_wait3A_101 = tpu.memref_slice %arg2[%dma_wait3A_99, %dma_wait3A_100] : memref<10000x128xf32, #tpu.memory_space<hbm>> -> memref<10000x128xf32, #tpu.memory_space<hbm>>
      tpu.wait_indirect_dma semaphore(%arg11 : memref<!tpu.dma_semaphore, #tpu.memory_space<semaphore_mem>>) src(%dma_wait3A_101 : memref<10000x128xf32, #tpu.memory_space<hbm>>) dst(%arg8 : memref<128x128xf32, #tpu.memory_space<vmem>>)
      %mul3A_102 = arith.constant 128 : i32
      %mul3A_103 = arith.muli %mul3A_91, %mul3A_102 : i32
      %add3A_104 = arith.constant 0 : i32
      %add3A_105 = arith.addi %mul3A_103, %add3A_104 : i32
      %multiple_of3A_106 = tpu.assume_multiple %add3A_105, 32 : i32
      %get3A = arith.index_cast %multiple_of3A_106 : i32 to index
      %get3A_107 = tpu.vector_load %arg7[%get3A] {strides = array<i32>} : memref<10240xf32, #tpu.memory_space<vmem>>, vector<16xf32>,
      %get3A_108 = vector.shape_cast %get3A_107 : vector<16xf32> to vector<16xf32>
      %add3A_109 = arith.constant 16 : i32
      %add3A_110 = arith.addi %multiple_of3A_106, %add3A_109 : i32
      %get3A_111 = arith.index_cast %add3A_110 : i32 to index
      %get3A_112 = tpu.vector_load %arg7[%get3A_111] {strides = array<i32>} : memref<10240xf32, #tpu.memory_space<vmem>>, vector<16xf32>,
      %get3A_113 = vector.shape_cast %get3A_112 : vector<16xf32> to vector<16xf32>
      %broadcast_in_dim3A = arith.constant 0.000000e+00 : f32
      %broadcast_in_dim3A_114 = vector.broadcast %broadcast_in_dim3A : f32 to vector<16xf32>
      %broadcast_in_dim3A_115 = arith.constant 0.000000e+00 : f32
      %broadcast_in_dim3A_116 = vector.broadcast %broadcast_in_dim3A_115 : f32 to vector<16xf32>
      %broadcast_in_dim3A_117 = arith.constant 0.000000e+00 : f32
      %broadcast_in_dim3A_118 = vector.broadcast %broadcast_in_dim3A_117 : f32 to vector<16xf32>
      %broadcast_in_dim3A_119 = arith.constant 0.000000e+00 : f32
      %broadcast_in_dim3A_120 = vector.broadcast %broadcast_in_dim3A_119 : f32 to vector<16xf32>
      %broadcast_in_dim3A_121 = arith.constant 0.000000e+00 : f32
      %broadcast_in_dim3A_122 = vector.broadcast %broadcast_in_dim3A_121 : f32 to vector<16xf32>
      %broadcast_in_dim3A_123 = arith.constant 0.000000e+00 : f32
      %broadcast_in_dim3A_124 = vector.broadcast %broadcast_in_dim3A_123 : f32 to vector<16xf32>
      %broadcast_in_dim3A_125 = arith.constant 0.000000e+00 : f32
      %broadcast_in_dim3A_126 = vector.broadcast %broadcast_in_dim3A_125 : f32 to vector<16xf32>
      %broadcast_in_dim3A_127 = arith.constant 0.000000e+00 : f32
      %broadcast_in_dim3A_128 = vector.broadcast %broadcast_in_dim3A_127 : f32 to vector<16xf32>
      %scan3A = arith.constant 0 : i32
      %scan3A_129 = arith.constant 16 : i32
      %scan3A_130 = arith.addi %scan3A, %scan3A_129 : i32
      %scan3A_131 = arith.constant 1 : i32
      %scan3A_132:8 = scf.for %scan3A_749 = %scan3A to %scan3A_130 step %scan3A_131 iter_args(%scan3A_750 = %broadcast_in_dim3A_114, %scan3A_751 = %broadcast_in_dim3A_116, %scan3A_752 = %broadcast_in_dim3A_118, %scan3A_753 = %broadcast_in_dim3A_120, %scan3A_754 = %broadcast_in_dim3A_122, %scan3A_755 = %broadcast_in_dim3A_124, %scan3A_756 = %broadcast_in_dim3A_126, %scan3A_757 = %broadcast_in_dim3A_128) -> (vector<16xf32>, vector<16xf32>, vector<16xf32>, vector<16xf32>, vector<16xf32>, vector<16xf32>, vector<16xf32>, vector<16xf32>)  : i32 {
        %broadcast_in_dim3A_758 = vector.broadcast %scan3A_749 : i32 to vector<16xi32>
        %broadcast_in_dim3A_759 = vector.shape_cast %broadcast_in_dim3A_758 : vector<16xi32> to vector<16x1xi32>
        %gather3A = vector.shape_cast %broadcast_in_dim3A_759 : vector<16x1xi32> to vector<16xi32>
        %gather3A_760 = tpu.dynamic_gather %get3A_108[%gather3A] in [0] : vector<16xf32>, vector<16xi32> -> vector<16xf32>
        %broadcast_in_dim3A_761 = vector.broadcast %scan3A_749 : i32 to vector<16xi32>
        %broadcast_in_dim3A_762 = vector.shape_cast %broadcast_in_dim3A_761 : vector<16xi32> to vector<16x1xi32>
        %gather3A_763 = vector.shape_cast %broadcast_in_dim3A_762 : vector<16x1xi32> to vector<16xi32>
        %gather3A_764 = tpu.dynamic_gather %get3A_113[%gather3A_763] in [0] : vector<16xf32>, vector<16xi32> -> vector<16xf32>
        %add3A_765 = arith.constant 0 : i32
        %add3A_766 = arith.addi %add3A_765, %scan3A_749 : i32
        %add3A_767 = arith.constant 16 : i32
        %add3A_768 = arith.addi %add3A_766, %add3A_767 : i32
        %get3A_769 = arith.index_cast %add3A_766 : i32 to index
        %get3A_770 = arith.constant 0 : index
        %get3A_771 = tpu.vector_load %arg8[%get3A_769, %get3A_770] {strides = array<i32>} : memref<128x128xf32, #tpu.memory_space<vmem>>, vector<1x16xf32>,
        %get3A_772 = vector.shape_cast %get3A_771 : vector<1x16xf32> to vector<16xf32>
        %mul3A_773 = arith.mulf %gather3A_760, %get3A_772 : vector<16xf32>
        %add3A_774 = arith.addf %scan3A_750, %mul3A_773 : vector<16xf32>
        %get3A_775 = arith.index_cast %add3A_768 : i32 to index
        %get3A_776 = arith.constant 0 : index
        %get3A_777 = tpu.vector_load %arg8[%get3A_775, %get3A_776] {strides = array<i32>} : memref<128x128xf32, #tpu.memory_space<vmem>>, vector<1x16xf32>,
        %get3A_778 = vector.shape_cast %get3A_777 : vector<1x16xf32> to vector<16xf32>
        %mul3A_779 = arith.mulf %gather3A_764, %get3A_778 : vector<16xf32>
        %add3A_780 = arith.addf %add3A_774, %mul3A_779 : vector<16xf32>
        %get3A_781 = arith.index_cast %add3A_766 : i32 to index
        %get3A_782 = arith.constant 16 : index
        %get3A_783 = tpu.vector_load %arg8[%get3A_781, %get3A_782] {strides = array<i32>} : memref<128x128xf32, #tpu.memory_space<vmem>>, vector<1x16xf32>,
        %get3A_784 = vector.shape_cast %get3A_783 : vector<1x16xf32> to vector<16xf32>
        %mul3A_785 = arith.mulf %gather3A_760, %get3A_784 : vector<16xf32>
        %add3A_786 = arith.addf %scan3A_751, %mul3A_785 : vector<16xf32>
        %get3A_787 = arith.index_cast %add3A_768 : i32 to index
        %get3A_788 = arith.constant 16 : index
        %get3A_789 = tpu.vector_load %arg8[%get3A_787, %get3A_788] {strides = array<i32>} : memref<128x128xf32, #tpu.memory_space<vmem>>, vector<1x16xf32>,
        %get3A_790 = vector.shape_cast %get3A_789 : vector<1x16xf32> to vector<16xf32>
        %mul3A_791 = arith.mulf %gather3A_764, %get3A_790 : vector<16xf32>
        %add3A_792 = arith.addf %add3A_786, %mul3A_791 : vector<16xf32>
        %get3A_793 = arith.index_cast %add3A_766 : i32 to index
        %get3A_794 = arith.constant 32 : index
        %get3A_795 = tpu.vector_load %arg8[%get3A_793, %get3A_794] {strides = array<i32>} : memref<128x128xf32, #tpu.memory_space<vmem>>, vector<1x16xf32>,
        %get3A_796 = vector.shape_cast %get3A_795 : vector<1x16xf32> to vector<16xf32>
        %mul3A_797 = arith.mulf %gather3A_760, %get3A_796 : vector<16xf32>
        %add3A_798 = arith.addf %scan3A_752, %mul3A_797 : vector<16xf32>
        %get3A_799 = arith.index_cast %add3A_768 : i32 to index
        %get3A_800 = arith.constant 32 : index
        %get3A_801 = tpu.vector_load %arg8[%get3A_799, %get3A_800] {strides = array<i32>} : memref<128x128xf32, #tpu.memory_space<vmem>>, vector<1x16xf32>,
        %get3A_802 = vector.shape_cast %get3A_801 : vector<1x16xf32> to vector<16xf32>
        %mul3A_803 = arith.mulf %gather3A_764, %get3A_802 : vector<16xf32>
        %add3A_804 = arith.addf %add3A_798, %mul3A_803 : vector<16xf32>
        %get3A_805 = arith.index_cast %add3A_766 : i32 to index
        %get3A_806 = arith.constant 48 : index
        %get3A_807 = tpu.vector_load %arg8[%get3A_805, %get3A_806] {strides = array<i32>} : memref<128x128xf32, #tpu.memory_space<vmem>>, vector<1x16xf32>,
        %get3A_808 = vector.shape_cast %get3A_807 : vector<1x16xf32> to vector<16xf32>
        %mul3A_809 = arith.mulf %gather3A_760, %get3A_808 : vector<16xf32>
        %add3A_810 = arith.addf %scan3A_753, %mul3A_809 : vector<16xf32>
        %get3A_811 = arith.index_cast %add3A_768 : i32 to index
        %get3A_812 = arith.constant 48 : index
        %get3A_813 = tpu.vector_load %arg8[%get3A_811, %get3A_812] {strides = array<i32>} : memref<128x128xf32, #tpu.memory_space<vmem>>, vector<1x16xf32>,
        %get3A_814 = vector.shape_cast %get3A_813 : vector<1x16xf32> to vector<16xf32>
        %mul3A_815 = arith.mulf %gather3A_764, %get3A_814 : vector<16xf32>
        %add3A_816 = arith.addf %add3A_810, %mul3A_815 : vector<16xf32>
        %get3A_817 = arith.index_cast %add3A_766 : i32 to index
        %get3A_818 = arith.constant 64 : index
        %get3A_819 = tpu.vector_load %arg8[%get3A_817, %get3A_818] {strides = array<i32>} : memref<128x128xf32, #tpu.memory_space<vmem>>, vector<1x16xf32>,
        %get3A_820 = vector.shape_cast %get3A_819 : vector<1x16xf32> to vector<16xf32>
        %mul3A_821 = arith.mulf %gather3A_760, %get3A_820 : vector<16xf32>
        %add3A_822 = arith.addf %scan3A_754, %mul3A_821 : vector<16xf32>
        %get3A_823 = arith.index_cast %add3A_768 : i32 to index
        %get3A_824 = arith.constant 64 : index
        %get3A_825 = tpu.vector_load %arg8[%get3A_823, %get3A_824] {strides = array<i32>} : memref<128x128xf32, #tpu.memory_space<vmem>>, vector<1x16xf32>,
        %get3A_826 = vector.shape_cast %get3A_825 : vector<1x16xf32> to vector<16xf32>
        %mul3A_827 = arith.mulf %gather3A_764, %get3A_826 : vector<16xf32>
        %add3A_828 = arith.addf %add3A_822, %mul3A_827 : vector<16xf32>
        %get3A_829 = arith.index_cast %add3A_766 : i32 to index
        %get3A_830 = arith.constant 80 : index
        %get3A_831 = tpu.vector_load %arg8[%get3A_829, %get3A_830] {strides = array<i32>} : memref<128x128xf32, #tpu.memory_space<vmem>>, vector<1x16xf32>,
        %get3A_832 = vector.shape_cast %get3A_831 : vector<1x16xf32> to vector<16xf32>
        %mul3A_833 = arith.mulf %gather3A_760, %get3A_832 : vector<16xf32>
        %add3A_834 = arith.addf %scan3A_755, %mul3A_833 : vector<16xf32>
        %get3A_835 = arith.index_cast %add3A_768 : i32 to index
        %get3A_836 = arith.constant 80 : index
        %get3A_837 = tpu.vector_load %arg8[%get3A_835, %get3A_836] {strides = array<i32>} : memref<128x128xf32, #tpu.memory_space<vmem>>, vector<1x16xf32>,
        %get3A_838 = vector.shape_cast %get3A_837 : vector<1x16xf32> to vector<16xf32>
        %mul3A_839 = arith.mulf %gather3A_764, %get3A_838 : vector<16xf32>
        %add3A_840 = arith.addf %add3A_834, %mul3A_839 : vector<16xf32>
        %get3A_841 = arith.index_cast %add3A_766 : i32 to index
        %get3A_842 = arith.constant 96 : index
        %get3A_843 = tpu.vector_load %arg8[%get3A_841, %get3A_842] {strides = array<i32>} : memref<128x128xf32, #tpu.memory_space<vmem>>, vector<1x16xf32>,
        %get3A_844 = vector.shape_cast %get3A_843 : vector<1x16xf32> to vector<16xf32>
        %mul3A_845 = arith.mulf %gather3A_760, %get3A_844 : vector<16xf32>
        %add3A_846 = arith.addf %scan3A_756, %mul3A_845 : vector<16xf32>
        %get3A_847 = arith.index_cast %add3A_768 : i32 to index
        %get3A_848 = arith.constant 96 : index
        %get3A_849 = tpu.vector_load %arg8[%get3A_847, %get3A_848] {strides = array<i32>} : memref<128x128xf32, #tpu.memory_space<vmem>>, vector<1x16xf32>,
        %get3A_850 = vector.shape_cast %get3A_849 : vector<1x16xf32> to vector<16xf32>
        %mul3A_851 = arith.mulf %gather3A_764, %get3A_850 : vector<16xf32>
        %add3A_852 = arith.addf %add3A_846, %mul3A_851 : vector<16xf32>
        %get3A_853 = arith.index_cast %add3A_766 : i32 to index
        %get3A_854 = arith.constant 112 : index
        %get3A_855 = tpu.vector_load %arg8[%get3A_853, %get3A_854] {strides = array<i32>} : memref<128x128xf32, #tpu.memory_space<vmem>>, vector<1x16xf32>,
        %get3A_856 = vector.shape_cast %get3A_855 : vector<1x16xf32> to vector<16xf32>
        %mul3A_857 = arith.mulf %gather3A_760, %get3A_856 : vector<16xf32>
        %add3A_858 = arith.addf %scan3A_757, %mul3A_857 : vector<16xf32>
        %get3A_859 = arith.index_cast %add3A_768 : i32 to index
        %get3A_860 = arith.constant 112 : index
        %get3A_861 = tpu.vector_load %arg8[%get3A_859, %get3A_860] {strides = array<i32>} : memref<128x128xf32, #tpu.memory_space<vmem>>, vector<1x16xf32>,
        %get3A_862 = vector.shape_cast %get3A_861 : vector<1x16xf32> to vector<16xf32>
        %mul3A_863 = arith.mulf %gather3A_764, %get3A_862 : vector<16xf32>
        %add3A_864 = arith.addf %add3A_858, %mul3A_863 : vector<16xf32>
        scf.yield %add3A_780, %add3A_792, %add3A_804, %add3A_816, %add3A_828, %add3A_840, %add3A_852, %add3A_864 : vector<16xf32>, vector<16xf32>, vector<16xf32>, vector<16xf32>, vector<16xf32>, vector<16xf32>, vector<16xf32>, vector<16xf32>
      }
      %scan3A_133 = arith.constant 16 : i32
      %mul3A_134 = arith.constant 4 : i32
      %mul3A_135 = arith.muli %mul3A_91, %mul3A_134 : i32
      %add3A_136 = arith.constant 0 : i32
      %add3A_137 = arith.addi %mul3A_135, %add3A_136 : i32
      %swap3A = arith.index_cast %add3A_137 : i32 to index
      %swap3A_138 = arith.constant 0 : index
      %swap3A_139 = tpu.vector_load %arg10[%swap3A, %swap3A_138] {strides = array<i32>} : memref<320x128xf32, #tpu.memory_space<vmem>>, vector<1x16xf32>,
      %swap3A_140 = vector.shape_cast %swap3A_139 : vector<1x16xf32> to vector<16xf32>
      %swap3A_141 = vector.shape_cast %scan3A_132#0 : vector<16xf32> to vector<1x16xf32>
      tpu.vector_store %arg10[%swap3A, %swap3A_138], %swap3A_141 {strides = array<i32>} : memref<320x128xf32, #tpu.memory_space<vmem>>, vector<1x16xf32>,
      %swap3A_142 = arith.index_cast %add3A_137 : i32 to index
      %swap3A_143 = arith.constant 16 : index
      %swap3A_144 = tpu.vector_load %arg10[%swap3A_142, %swap3A_143] {strides = array<i32>} : memref<320x128xf32, #tpu.memory_space<vmem>>, vector<1x16xf32>,
      %swap3A_145 = vector.shape_cast %swap3A_144 : vector<1x16xf32> to vector<16xf32>
      %swap3A_146 = vector.shape_cast %scan3A_132#1 : vector<16xf32> to vector<1x16xf32>
      tpu.vector_store %arg10[%swap3A_142, %swap3A_143], %swap3A_146 {strides = array<i32>} : memref<320x128xf32, #tpu.memory_space<vmem>>, vector<1x16xf32>,
      %swap3A_147 = arith.index_cast %add3A_137 : i32 to index
      %swap3A_148 = arith.constant 32 : index
      %swap3A_149 = tpu.vector_load %arg10[%swap3A_147, %swap3A_148] {strides = array<i32>} : memref<320x128xf32, #tpu.memory_space<vmem>>, vector<1x16xf32>,
      %swap3A_150 = vector.shape_cast %swap3A_149 : vector<1x16xf32> to vector<16xf32>
      %swap3A_151 = vector.shape_cast %scan3A_132#2 : vector<16xf32> to vector<1x16xf32>
      tpu.vector_store %arg10[%swap3A_147, %swap3A_148], %swap3A_151 {strides = array<i32>} : memref<320x128xf32, #tpu.memory_space<vmem>>, vector<1x16xf32>,
      %swap3A_152 = arith.index_cast %add3A_137 : i32 to index
      %swap3A_153 = arith.constant 48 : index
      %swap3A_154 = tpu.vector_load %arg10[%swap3A_152, %swap3A_153] {strides = array<i32>} : memref<320x128xf32, #tpu.memory_space<vmem>>, vector<1x16xf32>,
      %swap3A_155 = vector.shape_cast %swap3A_154 : vector<1x16xf32> to vector<16xf32>
      %swap3A_156 = vector.shape_cast %scan3A_132#3 : vector<16xf32> to vector<1x16xf32>
      tpu.vector_store %arg10[%swap3A_152, %swap3A_153], %swap3A_156 {strides = array<i32>} : memref<320x128xf32, #tpu.memory_space<vmem>>, vector<1x16xf32>,
      %swap3A_157 = arith.index_cast %add3A_137 : i32 to index
      %swap3A_158 = arith.constant 64 : index
      %swap3A_159 = tpu.vector_load %arg10[%swap3A_157, %swap3A_158] {strides = array<i32>} : memref<320x128xf32, #tpu.memory_space<vmem>>, vector<1x16xf32>,
      %swap3A_160 = vector.shape_cast %swap3A_159 : vector<1x16xf32> to vector<16xf32>
      %swap3A_161 = vector.shape_cast %scan3A_132#4 : vector<16xf32> to vector<1x16xf32>
      tpu.vector_store %arg10[%swap3A_157, %swap3A_158], %swap3A_161 {strides = array<i32>} : memref<320x128xf32, #tpu.memory_space<vmem>>, vector<1x16xf32>,
      %swap3A_162 = arith.index_cast %add3A_137 : i32 to index
      %swap3A_163 = arith.constant 80 : index
      %swap3A_164 = tpu.vector_load %arg10[%swap3A_162, %swap3A_163] {strides = array<i32>} : memref<320x128xf32, #tpu.memory_space<vmem>>, vector<1x16xf32>,
      %swap3A_165 = vector.shape_cast %swap3A_164 : vector<1x16xf32> to vector<16xf32>
      %swap3A_166 = vector.shape_cast %scan3A_132#5 : vector<16xf32> to vector<1x16xf32>
      tpu.vector_store %arg10[%swap3A_162, %swap3A_163], %swap3A_166 {strides = array<i32>} : memref<320x128xf32, #tpu.memory_space<vmem>>, vector<1x16xf32>,
      %swap3A_167 = arith.index_cast %add3A_137 : i32 to index
      %swap3A_168 = arith.constant 96 : index
      %swap3A_169 = tpu.vector_load %arg10[%swap3A_167, %swap3A_168] {strides = array<i32>} : memref<320x128xf32, #tpu.memory_space<vmem>>, vector<1x16xf32>,
      %swap3A_170 = vector.shape_cast %swap3A_169 : vector<1x16xf32> to vector<16xf32>
      %swap3A_171 = vector.shape_cast %scan3A_132#6 : vector<16xf32> to vector<1x16xf32>
      tpu.vector_store %arg10[%swap3A_167, %swap3A_168], %swap3A_171 {strides = array<i32>} : memref<320x128xf32, #tpu.memory_space<vmem>>, vector<1x16xf32>,
      %swap3A_172 = arith.index_cast %add3A_137 : i32 to index
      %swap3A_173 = arith.constant 112 : index
      %swap3A_174 = tpu.vector_load %arg10[%swap3A_172, %swap3A_173] {strides = array<i32>} : memref<320x128xf32, #tpu.memory_space<vmem>>, vector<1x16xf32>,
      %swap3A_175 = vector.shape_cast %swap3A_174 : vector<1x16xf32> to vector<16xf32>
      %swap3A_176 = vector.shape_cast %scan3A_132#7 : vector<16xf32> to vector<1x16xf32>
      tpu.vector_store %arg10[%swap3A_172, %swap3A_173], %swap3A_176 {strides = array<i32>} : memref<320x128xf32, #tpu.memory_space<vmem>>, vector<1x16xf32>,
      %mul3A_177 = arith.constant 128 : i32
      %mul3A_178 = arith.muli %mul3A_91, %mul3A_177 : i32
      %add3A_179 = arith.constant 32 : i32
      %add3A_180 = arith.addi %mul3A_178, %add3A_179 : i32
      %multiple_of3A_181 = tpu.assume_multiple %add3A_180, 32 : i32
      %get3A_182 = arith.index_cast %multiple_of3A_181 : i32 to index
      %get3A_183 = tpu.vector_load %arg7[%get3A_182] {strides = array<i32>} : memref<10240xf32, #tpu.memory_space<vmem>>, vector<16xf32>,
      %get3A_184 = vector.shape_cast %get3A_183 : vector<16xf32> to vector<16xf32>
      %add3A_185 = arith.constant 16 : i32
      %add3A_186 = arith.addi %multiple_of3A_181, %add3A_185 : i32
      %get3A_187 = arith.index_cast %add3A_186 : i32 to index
      %get3A_188 = tpu.vector_load %arg7[%get3A_187] {strides = array<i32>} : memref<10240xf32, #tpu.memory_space<vmem>>, vector<16xf32>,
      %get3A_189 = vector.shape_cast %get3A_188 : vector<16xf32> to vector<16xf32>
      %broadcast_in_dim3A_190 = arith.constant 0.000000e+00 : f32
      %broadcast_in_dim3A_191 = vector.broadcast %broadcast_in_dim3A_190 : f32 to vector<16xf32>
      %broadcast_in_dim3A_192 = arith.constant 0.000000e+00 : f32
      %broadcast_in_dim3A_193 = vector.broadcast %broadcast_in_dim3A_192 : f32 to vector<16xf32>
      %broadcast_in_dim3A_194 = arith.constant 0.000000e+00 : f32
      %broadcast_in_dim3A_195 = vector.broadcast %broadcast_in_dim3A_194 : f32 to vector<16xf32>
      %broadcast_in_dim3A_196 = arith.constant 0.000000e+00 : f32
      %broadcast_in_dim3A_197 = vector.broadcast %broadcast_in_dim3A_196 : f32 to vector<16xf32>
      %broadcast_in_dim3A_198 = arith.constant 0.000000e+00 : f32
      %broadcast_in_dim3A_199 = vector.broadcast %broadcast_in_dim3A_198 : f32 to vector<16xf32>
      %broadcast_in_dim3A_200 = arith.constant 0.000000e+00 : f32
      %broadcast_in_dim3A_201 = vector.broadcast %broadcast_in_dim3A_200 : f32 to vector<16xf32>
      %broadcast_in_dim3A_202 = arith.constant 0.000000e+00 : f32
      %broadcast_in_dim3A_203 = vector.broadcast %broadcast_in_dim3A_202 : f32 to vector<16xf32>
      %broadcast_in_dim3A_204 = arith.constant 0.000000e+00 : f32
      %broadcast_in_dim3A_205 = vector.broadcast %broadcast_in_dim3A_204 : f32 to vector<16xf32>
      %scan3A_206 = arith.constant 0 : i32
      %scan3A_207 = arith.constant 16 : i32
      %scan3A_208 = arith.addi %scan3A_206, %scan3A_207 : i32
      %scan3A_209 = arith.constant 1 : i32
      %scan3A_210:8 = scf.for %scan3A_749 = %scan3A_206 to %scan3A_208 step %scan3A_209 iter_args(%scan3A_750 = %broadcast_in_dim3A_191, %scan3A_751 = %broadcast_in_dim3A_193, %scan3A_752 = %broadcast_in_dim3A_195, %scan3A_753 = %broadcast_in_dim3A_197, %scan3A_754 = %broadcast_in_dim3A_199, %scan3A_755 = %broadcast_in_dim3A_201, %scan3A_756 = %broadcast_in_dim3A_203, %scan3A_757 = %broadcast_in_dim3A_205) -> (vector<16xf32>, vector<16xf32>, vector<16xf32>, vector<16xf32>, vector<16xf32>, vector<16xf32>, vector<16xf32>, vector<16xf32>)  : i32 {
        %broadcast_in_dim3A_758 = vector.broadcast %scan3A_749 : i32 to vector<16xi32>
        %broadcast_in_dim3A_759 = vector.shape_cast %broadcast_in_dim3A_758 : vector<16xi32> to vector<16x1xi32>
        %gather3A = vector.shape_cast %broadcast_in_dim3A_759 : vector<16x1xi32> to vector<16xi32>
        %gather3A_760 = tpu.dynamic_gather %get3A_184[%gather3A] in [0] : vector<16xf32>, vector<16xi32> -> vector<16xf32>
        %broadcast_in_dim3A_761 = vector.broadcast %scan3A_749 : i32 to vector<16xi32>
        %broadcast_in_dim3A_762 = vector.shape_cast %broadcast_in_dim3A_761 : vector<16xi32> to vector<16x1xi32>
        %gather3A_763 = vector.shape_cast %broadcast_in_dim3A_762 : vector<16x1xi32> to vector<16xi32>
        %gather3A_764 = tpu.dynamic_gather %get3A_189[%gather3A_763] in [0] : vector<16xf32>, vector<16xi32> -> vector<16xf32>
        %add3A_765 = arith.constant 32 : i32
        %add3A_766 = arith.addi %add3A_765, %scan3A_749 : i32
        %add3A_767 = arith.constant 16 : i32
        %add3A_768 = arith.addi %add3A_766, %add3A_767 : i32
        %get3A_769 = arith.index_cast %add3A_766 : i32 to index
        %get3A_770 = arith.constant 0 : index
        %get3A_771 = tpu.vector_load %arg8[%get3A_769, %get3A_770] {strides = array<i32>} : memref<128x128xf32, #tpu.memory_space<vmem>>, vector<1x16xf32>,
        %get3A_772 = vector.shape_cast %get3A_771 : vector<1x16xf32> to vector<16xf32>
        %mul3A_773 = arith.mulf %gather3A_760, %get3A_772 : vector<16xf32>
        %add3A_774 = arith.addf %scan3A_750, %mul3A_773 : vector<16xf32>
        %get3A_775 = arith.index_cast %add3A_768 : i32 to index
        %get3A_776 = arith.constant 0 : index
        %get3A_777 = tpu.vector_load %arg8[%get3A_775, %get3A_776] {strides = array<i32>} : memref<128x128xf32, #tpu.memory_space<vmem>>, vector<1x16xf32>,
        %get3A_778 = vector.shape_cast %get3A_777 : vector<1x16xf32> to vector<16xf32>
        %mul3A_779 = arith.mulf %gather3A_764, %get3A_778 : vector<16xf32>
        %add3A_780 = arith.addf %add3A_774, %mul3A_779 : vector<16xf32>
        %get3A_781 = arith.index_cast %add3A_766 : i32 to index
        %get3A_782 = arith.constant 16 : index
        %get3A_783 = tpu.vector_load %arg8[%get3A_781, %get3A_782] {strides = array<i32>} : memref<128x128xf32, #tpu.memory_space<vmem>>, vector<1x16xf32>,
        %get3A_784 = vector.shape_cast %get3A_783 : vector<1x16xf32> to vector<16xf32>
        %mul3A_785 = arith.mulf %gather3A_760, %get3A_784 : vector<16xf32>
        %add3A_786 = arith.addf %scan3A_751, %mul3A_785 : vector<16xf32>
        %get3A_787 = arith.index_cast %add3A_768 : i32 to index
        %get3A_788 = arith.constant 16 : index
        %get3A_789 = tpu.vector_load %arg8[%get3A_787, %get3A_788] {strides = array<i32>} : memref<128x128xf32, #tpu.memory_space<vmem>>, vector<1x16xf32>,
        %get3A_790 = vector.shape_cast %get3A_789 : vector<1x16xf32> to vector<16xf32>
        %mul3A_791 = arith.mulf %gather3A_764, %get3A_790 : vector<16xf32>
        %add3A_792 = arith.addf %add3A_786, %mul3A_791 : vector<16xf32>
        %get3A_793 = arith.index_cast %add3A_766 : i32 to index
        %get3A_794 = arith.constant 32 : index
        %get3A_795 = tpu.vector_load %arg8[%get3A_793, %get3A_794] {strides = array<i32>} : memref<128x128xf32, #tpu.memory_space<vmem>>, vector<1x16xf32>,
        %get3A_796 = vector.shape_cast %get3A_795 : vector<1x16xf32> to vector<16xf32>
        %mul3A_797 = arith.mulf %gather3A_760, %get3A_796 : vector<16xf32>
        %add3A_798 = arith.addf %scan3A_752, %mul3A_797 : vector<16xf32>
        %get3A_799 = arith.index_cast %add3A_768 : i32 to index
        %get3A_800 = arith.constant 32 : index
        %get3A_801 = tpu.vector_load %arg8[%get3A_799, %get3A_800] {strides = array<i32>} : memref<128x128xf32, #tpu.memory_space<vmem>>, vector<1x16xf32>,
        %get3A_802 = vector.shape_cast %get3A_801 : vector<1x16xf32> to vector<16xf32>
        %mul3A_803 = arith.mulf %gather3A_764, %get3A_802 : vector<16xf32>
        %add3A_804 = arith.addf %add3A_798, %mul3A_803 : vector<16xf32>
        %get3A_805 = arith.index_cast %add3A_766 : i32 to index
        %get3A_806 = arith.constant 48 : index
        %get3A_807 = tpu.vector_load %arg8[%get3A_805, %get3A_806] {strides = array<i32>} : memref<128x128xf32, #tpu.memory_space<vmem>>, vector<1x16xf32>,
        %get3A_808 = vector.shape_cast %get3A_807 : vector<1x16xf32> to vector<16xf32>
        %mul3A_809 = arith.mulf %gather3A_760, %get3A_808 : vector<16xf32>
        %add3A_810 = arith.addf %scan3A_753, %mul3A_809 : vector<16xf32>
        %get3A_811 = arith.index_cast %add3A_768 : i32 to index
        %get3A_812 = arith.constant 48 : index
        %get3A_813 = tpu.vector_load %arg8[%get3A_811, %get3A_812] {strides = array<i32>} : memref<128x128xf32, #tpu.memory_space<vmem>>, vector<1x16xf32>,
        %get3A_814 = vector.shape_cast %get3A_813 : vector<1x16xf32> to vector<16xf32>
        %mul3A_815 = arith.mulf %gather3A_764, %get3A_814 : vector<16xf32>
        %add3A_816 = arith.addf %add3A_810, %mul3A_815 : vector<16xf32>
        %get3A_817 = arith.index_cast %add3A_766 : i32 to index
        %get3A_818 = arith.constant 64 : index
        %get3A_819 = tpu.vector_load %arg8[%get3A_817, %get3A_818] {strides = array<i32>} : memref<128x128xf32, #tpu.memory_space<vmem>>, vector<1x16xf32>,
        %get3A_820 = vector.shape_cast %get3A_819 : vector<1x16xf32> to vector<16xf32>
        %mul3A_821 = arith.mulf %gather3A_760, %get3A_820 : vector<16xf32>
        %add3A_822 = arith.addf %scan3A_754, %mul3A_821 : vector<16xf32>
        %get3A_823 = arith.index_cast %add3A_768 : i32 to index
        %get3A_824 = arith.constant 64 : index
        %get3A_825 = tpu.vector_load %arg8[%get3A_823, %get3A_824] {strides = array<i32>} : memref<128x128xf32, #tpu.memory_space<vmem>>, vector<1x16xf32>,
        %get3A_826 = vector.shape_cast %get3A_825 : vector<1x16xf32> to vector<16xf32>
        %mul3A_827 = arith.mulf %gather3A_764, %get3A_826 : vector<16xf32>
        %add3A_828 = arith.addf %add3A_822, %mul3A_827 : vector<16xf32>
        %get3A_829 = arith.index_cast %add3A_766 : i32 to index
        %get3A_830 = arith.constant 80 : index
        %get3A_831 = tpu.vector_load %arg8[%get3A_829, %get3A_830] {strides = array<i32>} : memref<128x128xf32, #tpu.memory_space<vmem>>, vector<1x16xf32>,
        %get3A_832 = vector.shape_cast %get3A_831 : vector<1x16xf32> to vector<16xf32>
        %mul3A_833 = arith.mulf %gather3A_760, %get3A_832 : vector<16xf32>
        %add3A_834 = arith.addf %scan3A_755, %mul3A_833 : vector<16xf32>
        %get3A_835 = arith.index_cast %add3A_768 : i32 to index
        %get3A_836 = arith.constant 80 : index
        %get3A_837 = tpu.vector_load %arg8[%get3A_835, %get3A_836] {strides = array<i32>} : memref<128x128xf32, #tpu.memory_space<vmem>>, vector<1x16xf32>,
        %get3A_838 = vector.shape_cast %get3A_837 : vector<1x16xf32> to vector<16xf32>
        %mul3A_839 = arith.mulf %gather3A_764, %get3A_838 : vector<16xf32>
        %add3A_840 = arith.addf %add3A_834, %mul3A_839 : vector<16xf32>
        %get3A_841 = arith.index_cast %add3A_766 : i32 to index
        %get3A_842 = arith.constant 96 : index
        %get3A_843 = tpu.vector_load %arg8[%get3A_841, %get3A_842] {strides = array<i32>} : memref<128x128xf32, #tpu.memory_space<vmem>>, vector<1x16xf32>,
        %get3A_844 = vector.shape_cast %get3A_843 : vector<1x16xf32> to vector<16xf32>
        %mul3A_845 = arith.mulf %gather3A_760, %get3A_844 : vector<16xf32>
        %add3A_846 = arith.addf %scan3A_756, %mul3A_845 : vector<16xf32>
        %get3A_847 = arith.index_cast %add3A_768 : i32 to index
        %get3A_848 = arith.constant 96 : index
        %get3A_849 = tpu.vector_load %arg8[%get3A_847, %get3A_848] {strides = array<i32>} : memref<128x128xf32, #tpu.memory_space<vmem>>, vector<1x16xf32>,
        %get3A_850 = vector.shape_cast %get3A_849 : vector<1x16xf32> to vector<16xf32>
        %mul3A_851 = arith.mulf %gather3A_764, %get3A_850 : vector<16xf32>
        %add3A_852 = arith.addf %add3A_846, %mul3A_851 : vector<16xf32>
        %get3A_853 = arith.index_cast %add3A_766 : i32 to index
        %get3A_854 = arith.constant 112 : index
        %get3A_855 = tpu.vector_load %arg8[%get3A_853, %get3A_854] {strides = array<i32>} : memref<128x128xf32, #tpu.memory_space<vmem>>, vector<1x16xf32>,
        %get3A_856 = vector.shape_cast %get3A_855 : vector<1x16xf32> to vector<16xf32>
        %mul3A_857 = arith.mulf %gather3A_760, %get3A_856 : vector<16xf32>
        %add3A_858 = arith.addf %scan3A_757, %mul3A_857 : vector<16xf32>
        %get3A_859 = arith.index_cast %add3A_768 : i32 to index
        %get3A_860 = arith.constant 112 : index
        %get3A_861 = tpu.vector_load %arg8[%get3A_859, %get3A_860] {strides = array<i32>} : memref<128x128xf32, #tpu.memory_space<vmem>>, vector<1x16xf32>,
        %get3A_862 = vector.shape_cast %get3A_861 : vector<1x16xf32> to vector<16xf32>
        %mul3A_863 = arith.mulf %gather3A_764, %get3A_862 : vector<16xf32>
        %add3A_864 = arith.addf %add3A_858, %mul3A_863 : vector<16xf32>
        scf.yield %add3A_780, %add3A_792, %add3A_804, %add3A_816, %add3A_828, %add3A_840, %add3A_852, %add3A_864 : vector<16xf32>, vector<16xf32>, vector<16xf32>, vector<16xf32>, vector<16xf32>, vector<16xf32>, vector<16xf32>, vector<16xf32>
      }
      %scan3A_211 = arith.constant 16 : i32
      %mul3A_212 = arith.constant 4 : i32
      %mul3A_213 = arith.muli %mul3A_91, %mul3A_212 : i32
      %add3A_214 = arith.constant 1 : i32
      %add3A_215 = arith.addi %mul3A_213, %add3A_214 : i32
      %swap3A_216 = arith.index_cast %add3A_215 : i32 to index
      %swap3A_217 = arith.constant 0 : index
      %swap3A_218 = tpu.vector_load %arg10[%swap3A_216, %swap3A_217] {strides = array<i32>} : memref<320x128xf32, #tpu.memory_space<vmem>>, vector<1x16xf32>,
      %swap3A_219 = vector.shape_cast %swap3A_218 : vector<1x16xf32> to vector<16xf32>
      %swap3A_220 = vector.shape_cast %scan3A_210#0 : vector<16xf32> to vector<1x16xf32>
      tpu.vector_store %arg10[%swap3A_216, %swap3A_217], %swap3A_220 {strides = array<i32>} : memref<320x128xf32, #tpu.memory_space<vmem>>, vector<1x16xf32>,
      %swap3A_221 = arith.index_cast %add3A_215 : i32 to index
      %swap3A_222 = arith.constant 16 : index
      %swap3A_223 = tpu.vector_load %arg10[%swap3A_221, %swap3A_222] {strides = array<i32>} : memref<320x128xf32, #tpu.memory_space<vmem>>, vector<1x16xf32>,
      %swap3A_224 = vector.shape_cast %swap3A_223 : vector<1x16xf32> to vector<16xf32>
      %swap3A_225 = vector.shape_cast %scan3A_210#1 : vector<16xf32> to vector<1x16xf32>
      tpu.vector_store %arg10[%swap3A_221, %swap3A_222], %swap3A_225 {strides = array<i32>} : memref<320x128xf32, #tpu.memory_space<vmem>>, vector<1x16xf32>,
      %swap3A_226 = arith.index_cast %add3A_215 : i32 to index
      %swap3A_227 = arith.constant 32 : index
      %swap3A_228 = tpu.vector_load %arg10[%swap3A_226, %swap3A_227] {strides = array<i32>} : memref<320x128xf32, #tpu.memory_space<vmem>>, vector<1x16xf32>,
      %swap3A_229 = vector.shape_cast %swap3A_228 : vector<1x16xf32> to vector<16xf32>
      %swap3A_230 = vector.shape_cast %scan3A_210#2 : vector<16xf32> to vector<1x16xf32>
      tpu.vector_store %arg10[%swap3A_226, %swap3A_227], %swap3A_230 {strides = array<i32>} : memref<320x128xf32, #tpu.memory_space<vmem>>, vector<1x16xf32>,
      %swap3A_231 = arith.index_cast %add3A_215 : i32 to index
      %swap3A_232 = arith.constant 48 : index
      %swap3A_233 = tpu.vector_load %arg10[%swap3A_231, %swap3A_232] {strides = array<i32>} : memref<320x128xf32, #tpu.memory_space<vmem>>, vector<1x16xf32>,
      %swap3A_234 = vector.shape_cast %swap3A_233 : vector<1x16xf32> to vector<16xf32>
      %swap3A_235 = vector.shape_cast %scan3A_210#3 : vector<16xf32> to vector<1x16xf32>
      tpu.vector_store %arg10[%swap3A_231, %swap3A_232], %swap3A_235 {strides = array<i32>} : memref<320x128xf32, #tpu.memory_space<vmem>>, vector<1x16xf32>,
      %swap3A_236 = arith.index_cast %add3A_215 : i32 to index
      %swap3A_237 = arith.constant 64 : index
      %swap3A_238 = tpu.vector_load %arg10[%swap3A_236, %swap3A_237] {strides = array<i32>} : memref<320x128xf32, #tpu.memory_space<vmem>>, vector<1x16xf32>,
      %swap3A_239 = vector.shape_cast %swap3A_238 : vector<1x16xf32> to vector<16xf32>
      %swap3A_240 = vector.shape_cast %scan3A_210#4 : vector<16xf32> to vector<1x16xf32>
      tpu.vector_store %arg10[%swap3A_236, %swap3A_237], %swap3A_240 {strides = array<i32>} : memref<320x128xf32, #tpu.memory_space<vmem>>, vector<1x16xf32>,
      %swap3A_241 = arith.index_cast %add3A_215 : i32 to index
      %swap3A_242 = arith.constant 80 : index
      %swap3A_243 = tpu.vector_load %arg10[%swap3A_241, %swap3A_242] {strides = array<i32>} : memref<320x128xf32, #tpu.memory_space<vmem>>, vector<1x16xf32>,
      %swap3A_244 = vector.shape_cast %swap3A_243 : vector<1x16xf32> to vector<16xf32>
      %swap3A_245 = vector.shape_cast %scan3A_210#5 : vector<16xf32> to vector<1x16xf32>
      tpu.vector_store %arg10[%swap3A_241, %swap3A_242], %swap3A_245 {strides = array<i32>} : memref<320x128xf32, #tpu.memory_space<vmem>>, vector<1x16xf32>,
      %swap3A_246 = arith.index_cast %add3A_215 : i32 to index
      %swap3A_247 = arith.constant 96 : index
      %swap3A_248 = tpu.vector_load %arg10[%swap3A_246, %swap3A_247] {strides = array<i32>} : memref<320x128xf32, #tpu.memory_space<vmem>>, vector<1x16xf32>,
      %swap3A_249 = vector.shape_cast %swap3A_248 : vector<1x16xf32> to vector<16xf32>
      %swap3A_250 = vector.shape_cast %scan3A_210#6 : vector<16xf32> to vector<1x16xf32>
      tpu.vector_store %arg10[%swap3A_246, %swap3A_247], %swap3A_250 {strides = array<i32>} : memref<320x128xf32, #tpu.memory_space<vmem>>, vector<1x16xf32>,
      %swap3A_251 = arith.index_cast %add3A_215 : i32 to index
      %swap3A_252 = arith.constant 112 : index
      %swap3A_253 = tpu.vector_load %arg10[%swap3A_251, %swap3A_252] {strides = array<i32>} : memref<320x128xf32, #tpu.memory_space<vmem>>, vector<1x16xf32>,
      %swap3A_254 = vector.shape_cast %swap3A_253 : vector<1x16xf32> to vector<16xf32>
      %swap3A_255 = vector.shape_cast %scan3A_210#7 : vector<16xf32> to vector<1x16xf32>
      tpu.vector_store %arg10[%swap3A_251, %swap3A_252], %swap3A_255 {strides = array<i32>} : memref<320x128xf32, #tpu.memory_space<vmem>>, vector<1x16xf32>,
      %mul3A_256 = arith.constant 128 : i32
      %mul3A_257 = arith.muli %mul3A_91, %mul3A_256 : i32
      %add3A_258 = arith.constant 64 : i32
      %add3A_259 = arith.addi %mul3A_257, %add3A_258 : i32
      %multiple_of3A_260 = tpu.assume_multiple %add3A_259, 32 : i32
      %get3A_261 = arith.index_cast %multiple_of3A_260 : i32 to index
      %get3A_262 = tpu.vector_load %arg7[%get3A_261] {strides = array<i32>} : memref<10240xf32, #tpu.memory_space<vmem>>, vector<16xf32>,
      %get3A_263 = vector.shape_cast %get3A_262 : vector<16xf32> to vector<16xf32>
      %add3A_264 = arith.constant 16 : i32
      %add3A_265 = arith.addi %multiple_of3A_260, %add3A_264 : i32
      %get3A_266 = arith.index_cast %add3A_265 : i32 to index
      %get3A_267 = tpu.vector_load %arg7[%get3A_266] {strides = array<i32>} : memref<10240xf32, #tpu.memory_space<vmem>>, vector<16xf32>,
      %get3A_268 = vector.shape_cast %get3A_267 : vector<16xf32> to vector<16xf32>
      %broadcast_in_dim3A_269 = arith.constant 0.000000e+00 : f32
      %broadcast_in_dim3A_270 = vector.broadcast %broadcast_in_dim3A_269 : f32 to vector<16xf32>
      %broadcast_in_dim3A_271 = arith.constant 0.000000e+00 : f32
      %broadcast_in_dim3A_272 = vector.broadcast %broadcast_in_dim3A_271 : f32 to vector<16xf32>
      %broadcast_in_dim3A_273 = arith.constant 0.000000e+00 : f32
      %broadcast_in_dim3A_274 = vector.broadcast %broadcast_in_dim3A_273 : f32 to vector<16xf32>
      %broadcast_in_dim3A_275 = arith.constant 0.000000e+00 : f32
      %broadcast_in_dim3A_276 = vector.broadcast %broadcast_in_dim3A_275 : f32 to vector<16xf32>
      %broadcast_in_dim3A_277 = arith.constant 0.000000e+00 : f32
      %broadcast_in_dim3A_278 = vector.broadcast %broadcast_in_dim3A_277 : f32 to vector<16xf32>
      %broadcast_in_dim3A_279 = arith.constant 0.000000e+00 : f32
      %broadcast_in_dim3A_280 = vector.broadcast %broadcast_in_dim3A_279 : f32 to vector<16xf32>
      %broadcast_in_dim3A_281 = arith.constant 0.000000e+00 : f32
      %broadcast_in_dim3A_282 = vector.broadcast %broadcast_in_dim3A_281 : f32 to vector<16xf32>
      %broadcast_in_dim3A_283 = arith.constant 0.000000e+00 : f32
      %broadcast_in_dim3A_284 = vector.broadcast %broadcast_in_dim3A_283 : f32 to vector<16xf32>
      %scan3A_285 = arith.constant 0 : i32
      %scan3A_286 = arith.constant 16 : i32
      %scan3A_287 = arith.addi %scan3A_285, %scan3A_286 : i32
      %scan3A_288 = arith.constant 1 : i32
      %scan3A_289:8 = scf.for %scan3A_749 = %scan3A_285 to %scan3A_287 step %scan3A_288 iter_args(%scan3A_750 = %broadcast_in_dim3A_270, %scan3A_751 = %broadcast_in_dim3A_272, %scan3A_752 = %broadcast_in_dim3A_274, %scan3A_753 = %broadcast_in_dim3A_276, %scan3A_754 = %broadcast_in_dim3A_278, %scan3A_755 = %broadcast_in_dim3A_280, %scan3A_756 = %broadcast_in_dim3A_282, %scan3A_757 = %broadcast_in_dim3A_284) -> (vector<16xf32>, vector<16xf32>, vector<16xf32>, vector<16xf32>, vector<16xf32>, vector<16xf32>, vector<16xf32>, vector<16xf32>)  : i32 {
        %broadcast_in_dim3A_758 = vector.broadcast %scan3A_749 : i32 to vector<16xi32>
        %broadcast_in_dim3A_759 = vector.shape_cast %broadcast_in_dim3A_758 : vector<16xi32> to vector<16x1xi32>
        %gather3A = vector.shape_cast %broadcast_in_dim3A_759 : vector<16x1xi32> to vector<16xi32>
        %gather3A_760 = tpu.dynamic_gather %get3A_263[%gather3A] in [0] : vector<16xf32>, vector<16xi32> -> vector<16xf32>
        %broadcast_in_dim3A_761 = vector.broadcast %scan3A_749 : i32 to vector<16xi32>
        %broadcast_in_dim3A_762 = vector.shape_cast %broadcast_in_dim3A_761 : vector<16xi32> to vector<16x1xi32>
        %gather3A_763 = vector.shape_cast %broadcast_in_dim3A_762 : vector<16x1xi32> to vector<16xi32>
        %gather3A_764 = tpu.dynamic_gather %get3A_268[%gather3A_763] in [0] : vector<16xf32>, vector<16xi32> -> vector<16xf32>
        %add3A_765 = arith.constant 64 : i32
        %add3A_766 = arith.addi %add3A_765, %scan3A_749 : i32
        %add3A_767 = arith.constant 16 : i32
        %add3A_768 = arith.addi %add3A_766, %add3A_767 : i32
        %get3A_769 = arith.index_cast %add3A_766 : i32 to index
        %get3A_770 = arith.constant 0 : index
        %get3A_771 = tpu.vector_load %arg8[%get3A_769, %get3A_770] {strides = array<i32>} : memref<128x128xf32, #tpu.memory_space<vmem>>, vector<1x16xf32>,
        %get3A_772 = vector.shape_cast %get3A_771 : vector<1x16xf32> to vector<16xf32>
        %mul3A_773 = arith.mulf %gather3A_760, %get3A_772 : vector<16xf32>
        %add3A_774 = arith.addf %scan3A_750, %mul3A_773 : vector<16xf32>
        %get3A_775 = arith.index_cast %add3A_768 : i32 to index
        %get3A_776 = arith.constant 0 : index
        %get3A_777 = tpu.vector_load %arg8[%get3A_775, %get3A_776] {strides = array<i32>} : memref<128x128xf32, #tpu.memory_space<vmem>>, vector<1x16xf32>,
        %get3A_778 = vector.shape_cast %get3A_777 : vector<1x16xf32> to vector<16xf32>
        %mul3A_779 = arith.mulf %gather3A_764, %get3A_778 : vector<16xf32>
        %add3A_780 = arith.addf %add3A_774, %mul3A_779 : vector<16xf32>
        %get3A_781 = arith.index_cast %add3A_766 : i32 to index
        %get3A_782 = arith.constant 16 : index
        %get3A_783 = tpu.vector_load %arg8[%get3A_781, %get3A_782] {strides = array<i32>} : memref<128x128xf32, #tpu.memory_space<vmem>>, vector<1x16xf32>,
        %get3A_784 = vector.shape_cast %get3A_783 : vector<1x16xf32> to vector<16xf32>
        %mul3A_785 = arith.mulf %gather3A_760, %get3A_784 : vector<16xf32>
        %add3A_786 = arith.addf %scan3A_751, %mul3A_785 : vector<16xf32>
        %get3A_787 = arith.index_cast %add3A_768 : i32 to index
        %get3A_788 = arith.constant 16 : index
        %get3A_789 = tpu.vector_load %arg8[%get3A_787, %get3A_788] {strides = array<i32>} : memref<128x128xf32, #tpu.memory_space<vmem>>, vector<1x16xf32>,
        %get3A_790 = vector.shape_cast %get3A_789 : vector<1x16xf32> to vector<16xf32>
        %mul3A_791 = arith.mulf %gather3A_764, %get3A_790 : vector<16xf32>
        %add3A_792 = arith.addf %add3A_786, %mul3A_791 : vector<16xf32>
        %get3A_793 = arith.index_cast %add3A_766 : i32 to index
        %get3A_794 = arith.constant 32 : index
        %get3A_795 = tpu.vector_load %arg8[%get3A_793, %get3A_794] {strides = array<i32>} : memref<128x128xf32, #tpu.memory_space<vmem>>, vector<1x16xf32>,
        %get3A_796 = vector.shape_cast %get3A_795 : vector<1x16xf32> to vector<16xf32>
        %mul3A_797 = arith.mulf %gather3A_760, %get3A_796 : vector<16xf32>
        %add3A_798 = arith.addf %scan3A_752, %mul3A_797 : vector<16xf32>
        %get3A_799 = arith.index_cast %add3A_768 : i32 to index
        %get3A_800 = arith.constant 32 : index
        %get3A_801 = tpu.vector_load %arg8[%get3A_799, %get3A_800] {strides = array<i32>} : memref<128x128xf32, #tpu.memory_space<vmem>>, vector<1x16xf32>,
        %get3A_802 = vector.shape_cast %get3A_801 : vector<1x16xf32> to vector<16xf32>
        %mul3A_803 = arith.mulf %gather3A_764, %get3A_802 : vector<16xf32>
        %add3A_804 = arith.addf %add3A_798, %mul3A_803 : vector<16xf32>
        %get3A_805 = arith.index_cast %add3A_766 : i32 to index
        %get3A_806 = arith.constant 48 : index
        %get3A_807 = tpu.vector_load %arg8[%get3A_805, %get3A_806] {strides = array<i32>} : memref<128x128xf32, #tpu.memory_space<vmem>>, vector<1x16xf32>,
        %get3A_808 = vector.shape_cast %get3A_807 : vector<1x16xf32> to vector<16xf32>
        %mul3A_809 = arith.mulf %gather3A_760, %get3A_808 : vector<16xf32>
        %add3A_810 = arith.addf %scan3A_753, %mul3A_809 : vector<16xf32>
        %get3A_811 = arith.index_cast %add3A_768 : i32 to index
        %get3A_812 = arith.constant 48 : index
        %get3A_813 = tpu.vector_load %arg8[%get3A_811, %get3A_812] {strides = array<i32>} : memref<128x128xf32, #tpu.memory_space<vmem>>, vector<1x16xf32>,
        %get3A_814 = vector.shape_cast %get3A_813 : vector<1x16xf32> to vector<16xf32>
        %mul3A_815 = arith.mulf %gather3A_764, %get3A_814 : vector<16xf32>
        %add3A_816 = arith.addf %add3A_810, %mul3A_815 : vector<16xf32>
        %get3A_817 = arith.index_cast %add3A_766 : i32 to index
        %get3A_818 = arith.constant 64 : index
        %get3A_819 = tpu.vector_load %arg8[%get3A_817, %get3A_818] {strides = array<i32>} : memref<128x128xf32, #tpu.memory_space<vmem>>, vector<1x16xf32>,
        %get3A_820 = vector.shape_cast %get3A_819 : vector<1x16xf32> to vector<16xf32>
        %mul3A_821 = arith.mulf %gather3A_760, %get3A_820 : vector<16xf32>
        %add3A_822 = arith.addf %scan3A_754, %mul3A_821 : vector<16xf32>
        %get3A_823 = arith.index_cast %add3A_768 : i32 to index
        %get3A_824 = arith.constant 64 : index
        %get3A_825 = tpu.vector_load %arg8[%get3A_823, %get3A_824] {strides = array<i32>} : memref<128x128xf32, #tpu.memory_space<vmem>>, vector<1x16xf32>,
        %get3A_826 = vector.shape_cast %get3A_825 : vector<1x16xf32> to vector<16xf32>
        %mul3A_827 = arith.mulf %gather3A_764, %get3A_826 : vector<16xf32>
        %add3A_828 = arith.addf %add3A_822, %mul3A_827 : vector<16xf32>
        %get3A_829 = arith.index_cast %add3A_766 : i32 to index
        %get3A_830 = arith.constant 80 : index
        %get3A_831 = tpu.vector_load %arg8[%get3A_829, %get3A_830] {strides = array<i32>} : memref<128x128xf32, #tpu.memory_space<vmem>>, vector<1x16xf32>,
        %get3A_832 = vector.shape_cast %get3A_831 : vector<1x16xf32> to vector<16xf32>
        %mul3A_833 = arith.mulf %gather3A_760, %get3A_832 : vector<16xf32>
        %add3A_834 = arith.addf %scan3A_755, %mul3A_833 : vector<16xf32>
        %get3A_835 = arith.index_cast %add3A_768 : i32 to index
        %get3A_836 = arith.constant 80 : index
        %get3A_837 = tpu.vector_load %arg8[%get3A_835, %get3A_836] {strides = array<i32>} : memref<128x128xf32, #tpu.memory_space<vmem>>, vector<1x16xf32>,
        %get3A_838 = vector.shape_cast %get3A_837 : vector<1x16xf32> to vector<16xf32>
        %mul3A_839 = arith.mulf %gather3A_764, %get3A_838 : vector<16xf32>
        %add3A_840 = arith.addf %add3A_834, %mul3A_839 : vector<16xf32>
        %get3A_841 = arith.index_cast %add3A_766 : i32 to index
        %get3A_842 = arith.constant 96 : index
        %get3A_843 = tpu.vector_load %arg8[%get3A_841, %get3A_842] {strides = array<i32>} : memref<128x128xf32, #tpu.memory_space<vmem>>, vector<1x16xf32>,
        %get3A_844 = vector.shape_cast %get3A_843 : vector<1x16xf32> to vector<16xf32>
        %mul3A_845 = arith.mulf %gather3A_760, %get3A_844 : vector<16xf32>
        %add3A_846 = arith.addf %scan3A_756, %mul3A_845 : vector<16xf32>
        %get3A_847 = arith.index_cast %add3A_768 : i32 to index
        %get3A_848 = arith.constant 96 : index
        %get3A_849 = tpu.vector_load %arg8[%get3A_847, %get3A_848] {strides = array<i32>} : memref<128x128xf32, #tpu.memory_space<vmem>>, vector<1x16xf32>,
        %get3A_850 = vector.shape_cast %get3A_849 : vector<1x16xf32> to vector<16xf32>
        %mul3A_851 = arith.mulf %gather3A_764, %get3A_850 : vector<16xf32>
        %add3A_852 = arith.addf %add3A_846, %mul3A_851 : vector<16xf32>
        %get3A_853 = arith.index_cast %add3A_766 : i32 to index
        %get3A_854 = arith.constant 112 : index
        %get3A_855 = tpu.vector_load %arg8[%get3A_853, %get3A_854] {strides = array<i32>} : memref<128x128xf32, #tpu.memory_space<vmem>>, vector<1x16xf32>,
        %get3A_856 = vector.shape_cast %get3A_855 : vector<1x16xf32> to vector<16xf32>
        %mul3A_857 = arith.mulf %gather3A_760, %get3A_856 : vector<16xf32>
        %add3A_858 = arith.addf %scan3A_757, %mul3A_857 : vector<16xf32>
        %get3A_859 = arith.index_cast %add3A_768 : i32 to index
        %get3A_860 = arith.constant 112 : index
        %get3A_861 = tpu.vector_load %arg8[%get3A_859, %get3A_860] {strides = array<i32>} : memref<128x128xf32, #tpu.memory_space<vmem>>, vector<1x16xf32>,
        %get3A_862 = vector.shape_cast %get3A_861 : vector<1x16xf32> to vector<16xf32>
        %mul3A_863 = arith.mulf %gather3A_764, %get3A_862 : vector<16xf32>
        %add3A_864 = arith.addf %add3A_858, %mul3A_863 : vector<16xf32>
        scf.yield %add3A_780, %add3A_792, %add3A_804, %add3A_816, %add3A_828, %add3A_840, %add3A_852, %add3A_864 : vector<16xf32>, vector<16xf32>, vector<16xf32>, vector<16xf32>, vector<16xf32>, vector<16xf32>, vector<16xf32>, vector<16xf32>
      }
      %scan3A_290 = arith.constant 16 : i32
      %mul3A_291 = arith.constant 4 : i32
      %mul3A_292 = arith.muli %mul3A_91, %mul3A_291 : i32
      %add3A_293 = arith.constant 2 : i32
      %add3A_294 = arith.addi %mul3A_292, %add3A_293 : i32
      %swap3A_295 = arith.index_cast %add3A_294 : i32 to index
      %swap3A_296 = arith.constant 0 : index
      %swap3A_297 = tpu.vector_load %arg10[%swap3A_295, %swap3A_296] {strides = array<i32>} : memref<320x128xf32, #tpu.memory_space<vmem>>, vector<1x16xf32>,
      %swap3A_298 = vector.shape_cast %swap3A_297 : vector<1x16xf32> to vector<16xf32>
      %swap3A_299 = vector.shape_cast %scan3A_289#0 : vector<16xf32> to vector<1x16xf32>
      tpu.vector_store %arg10[%swap3A_295, %swap3A_296], %swap3A_299 {strides = array<i32>} : memref<320x128xf32, #tpu.memory_space<vmem>>, vector<1x16xf32>,
      %swap3A_300 = arith.index_cast %add3A_294 : i32 to index
      %swap3A_301 = arith.constant 16 : index
      %swap3A_302 = tpu.vector_load %arg10[%swap3A_300, %swap3A_301] {strides = array<i32>} : memref<320x128xf32, #tpu.memory_space<vmem>>, vector<1x16xf32>,
      %swap3A_303 = vector.shape_cast %swap3A_302 : vector<1x16xf32> to vector<16xf32>
      %swap3A_304 = vector.shape_cast %scan3A_289#1 : vector<16xf32> to vector<1x16xf32>
      tpu.vector_store %arg10[%swap3A_300, %swap3A_301], %swap3A_304 {strides = array<i32>} : memref<320x128xf32, #tpu.memory_space<vmem>>, vector<1x16xf32>,
      %swap3A_305 = arith.index_cast %add3A_294 : i32 to index
      %swap3A_306 = arith.constant 32 : index
      %swap3A_307 = tpu.vector_load %arg10[%swap3A_305, %swap3A_306] {strides = array<i32>} : memref<320x128xf32, #tpu.memory_space<vmem>>, vector<1x16xf32>,
      %swap3A_308 = vector.shape_cast %swap3A_307 : vector<1x16xf32> to vector<16xf32>
      %swap3A_309 = vector.shape_cast %scan3A_289#2 : vector<16xf32> to vector<1x16xf32>
      tpu.vector_store %arg10[%swap3A_305, %swap3A_306], %swap3A_309 {strides = array<i32>} : memref<320x128xf32, #tpu.memory_space<vmem>>, vector<1x16xf32>,
      %swap3A_310 = arith.index_cast %add3A_294 : i32 to index
      %swap3A_311 = arith.constant 48 : index
      %swap3A_312 = tpu.vector_load %arg10[%swap3A_310, %swap3A_311] {strides = array<i32>} : memref<320x128xf32, #tpu.memory_space<vmem>>, vector<1x16xf32>,
      %swap3A_313 = vector.shape_cast %swap3A_312 : vector<1x16xf32> to vector<16xf32>
      %swap3A_314 = vector.shape_cast %scan3A_289#3 : vector<16xf32> to vector<1x16xf32>
      tpu.vector_store %arg10[%swap3A_310, %swap3A_311], %swap3A_314 {strides = array<i32>} : memref<320x128xf32, #tpu.memory_space<vmem>>, vector<1x16xf32>,
      %swap3A_315 = arith.index_cast %add3A_294 : i32 to index
      %swap3A_316 = arith.constant 64 : index
      %swap3A_317 = tpu.vector_load %arg10[%swap3A_315, %swap3A_316] {strides = array<i32>} : memref<320x128xf32, #tpu.memory_space<vmem>>, vector<1x16xf32>,
      %swap3A_318 = vector.shape_cast %swap3A_317 : vector<1x16xf32> to vector<16xf32>
      %swap3A_319 = vector.shape_cast %scan3A_289#4 : vector<16xf32> to vector<1x16xf32>
      tpu.vector_store %arg10[%swap3A_315, %swap3A_316], %swap3A_319 {strides = array<i32>} : memref<320x128xf32, #tpu.memory_space<vmem>>, vector<1x16xf32>,
      %swap3A_320 = arith.index_cast %add3A_294 : i32 to index
      %swap3A_321 = arith.constant 80 : index
      %swap3A_322 = tpu.vector_load %arg10[%swap3A_320, %swap3A_321] {strides = array<i32>} : memref<320x128xf32, #tpu.memory_space<vmem>>, vector<1x16xf32>,
      %swap3A_323 = vector.shape_cast %swap3A_322 : vector<1x16xf32> to vector<16xf32>
      %swap3A_324 = vector.shape_cast %scan3A_289#5 : vector<16xf32> to vector<1x16xf32>
      tpu.vector_store %arg10[%swap3A_320, %swap3A_321], %swap3A_324 {strides = array<i32>} : memref<320x128xf32, #tpu.memory_space<vmem>>, vector<1x16xf32>,
      %swap3A_325 = arith.index_cast %add3A_294 : i32 to index
      %swap3A_326 = arith.constant 96 : index
      %swap3A_327 = tpu.vector_load %arg10[%swap3A_325, %swap3A_326] {strides = array<i32>} : memref<320x128xf32, #tpu.memory_space<vmem>>, vector<1x16xf32>,
      %swap3A_328 = vector.shape_cast %swap3A_327 : vector<1x16xf32> to vector<16xf32>
      %swap3A_329 = vector.shape_cast %scan3A_289#6 : vector<16xf32> to vector<1x16xf32>
      tpu.vector_store %arg10[%swap3A_325, %swap3A_326], %swap3A_329 {strides = array<i32>} : memref<320x128xf32, #tpu.memory_space<vmem>>, vector<1x16xf32>,
      %swap3A_330 = arith.index_cast %add3A_294 : i32 to index
      %swap3A_331 = arith.constant 112 : index
      %swap3A_332 = tpu.vector_load %arg10[%swap3A_330, %swap3A_331] {strides = array<i32>} : memref<320x128xf32, #tpu.memory_space<vmem>>, vector<1x16xf32>,
      %swap3A_333 = vector.shape_cast %swap3A_332 : vector<1x16xf32> to vector<16xf32>
      %swap3A_334 = vector.shape_cast %scan3A_289#7 : vector<16xf32> to vector<1x16xf32>
      tpu.vector_store %arg10[%swap3A_330, %swap3A_331], %swap3A_334 {strides = array<i32>} : memref<320x128xf32, #tpu.memory_space<vmem>>, vector<1x16xf32>,
      %mul3A_335 = arith.constant 128 : i32
      %mul3A_336 = arith.muli %mul3A_91, %mul3A_335 : i32
      %add3A_337 = arith.constant 96 : i32
      %add3A_338 = arith.addi %mul3A_336, %add3A_337 : i32
      %multiple_of3A_339 = tpu.assume_multiple %add3A_338, 32 : i32
      %get3A_340 = arith.index_cast %multiple_of3A_339 : i32 to index
      %get3A_341 = tpu.vector_load %arg7[%get3A_340] {strides = array<i32>} : memref<10240xf32, #tpu.memory_space<vmem>>, vector<16xf32>,
      %get3A_342 = vector.shape_cast %get3A_341 : vector<16xf32> to vector<16xf32>
      %add3A_343 = arith.constant 16 : i32
      %add3A_344 = arith.addi %multiple_of3A_339, %add3A_343 : i32
      %get3A_345 = arith.index_cast %add3A_344 : i32 to index
      %get3A_346 = tpu.vector_load %arg7[%get3A_345] {strides = array<i32>} : memref<10240xf32, #tpu.memory_space<vmem>>, vector<16xf32>,
      %get3A_347 = vector.shape_cast %get3A_346 : vector<16xf32> to vector<16xf32>
      %broadcast_in_dim3A_348 = arith.constant 0.000000e+00 : f32
      %broadcast_in_dim3A_349 = vector.broadcast %broadcast_in_dim3A_348 : f32 to vector<16xf32>
      %broadcast_in_dim3A_350 = arith.constant 0.000000e+00 : f32
      %broadcast_in_dim3A_351 = vector.broadcast %broadcast_in_dim3A_350 : f32 to vector<16xf32>
      %broadcast_in_dim3A_352 = arith.constant 0.000000e+00 : f32
      %broadcast_in_dim3A_353 = vector.broadcast %broadcast_in_dim3A_352 : f32 to vector<16xf32>
      %broadcast_in_dim3A_354 = arith.constant 0.000000e+00 : f32
      %broadcast_in_dim3A_355 = vector.broadcast %broadcast_in_dim3A_354 : f32 to vector<16xf32>
      %broadcast_in_dim3A_356 = arith.constant 0.000000e+00 : f32
      %broadcast_in_dim3A_357 = vector.broadcast %broadcast_in_dim3A_356 : f32 to vector<16xf32>
      %broadcast_in_dim3A_358 = arith.constant 0.000000e+00 : f32
      %broadcast_in_dim3A_359 = vector.broadcast %broadcast_in_dim3A_358 : f32 to vector<16xf32>
      %broadcast_in_dim3A_360 = arith.constant 0.000000e+00 : f32
      %broadcast_in_dim3A_361 = vector.broadcast %broadcast_in_dim3A_360 : f32 to vector<16xf32>
      %broadcast_in_dim3A_362 = arith.constant 0.000000e+00 : f32
      %broadcast_in_dim3A_363 = vector.broadcast %broadcast_in_dim3A_362 : f32 to vector<16xf32>
      %scan3A_364 = arith.constant 0 : i32
      %scan3A_365 = arith.constant 16 : i32
      %scan3A_366 = arith.addi %scan3A_364, %scan3A_365 : i32
      %scan3A_367 = arith.constant 1 : i32
      %scan3A_368:8 = scf.for %scan3A_749 = %scan3A_364 to %scan3A_366 step %scan3A_367 iter_args(%scan3A_750 = %broadcast_in_dim3A_349, %scan3A_751 = %broadcast_in_dim3A_351, %scan3A_752 = %broadcast_in_dim3A_353, %scan3A_753 = %broadcast_in_dim3A_355, %scan3A_754 = %broadcast_in_dim3A_357, %scan3A_755 = %broadcast_in_dim3A_359, %scan3A_756 = %broadcast_in_dim3A_361, %scan3A_757 = %broadcast_in_dim3A_363) -> (vector<16xf32>, vector<16xf32>, vector<16xf32>, vector<16xf32>, vector<16xf32>, vector<16xf32>, vector<16xf32>, vector<16xf32>)  : i32 {
        %broadcast_in_dim3A_758 = vector.broadcast %scan3A_749 : i32 to vector<16xi32>
        %broadcast_in_dim3A_759 = vector.shape_cast %broadcast_in_dim3A_758 : vector<16xi32> to vector<16x1xi32>
        %gather3A = vector.shape_cast %broadcast_in_dim3A_759 : vector<16x1xi32> to vector<16xi32>
        %gather3A_760 = tpu.dynamic_gather %get3A_342[%gather3A] in [0] : vector<16xf32>, vector<16xi32> -> vector<16xf32>
        %broadcast_in_dim3A_761 = vector.broadcast %scan3A_749 : i32 to vector<16xi32>
        %broadcast_in_dim3A_762 = vector.shape_cast %broadcast_in_dim3A_761 : vector<16xi32> to vector<16x1xi32>
        %gather3A_763 = vector.shape_cast %broadcast_in_dim3A_762 : vector<16x1xi32> to vector<16xi32>
        %gather3A_764 = tpu.dynamic_gather %get3A_347[%gather3A_763] in [0] : vector<16xf32>, vector<16xi32> -> vector<16xf32>
        %add3A_765 = arith.constant 96 : i32
        %add3A_766 = arith.addi %add3A_765, %scan3A_749 : i32
        %add3A_767 = arith.constant 16 : i32
        %add3A_768 = arith.addi %add3A_766, %add3A_767 : i32
        %get3A_769 = arith.index_cast %add3A_766 : i32 to index
        %get3A_770 = arith.constant 0 : index
        %get3A_771 = tpu.vector_load %arg8[%get3A_769, %get3A_770] {strides = array<i32>} : memref<128x128xf32, #tpu.memory_space<vmem>>, vector<1x16xf32>,
        %get3A_772 = vector.shape_cast %get3A_771 : vector<1x16xf32> to vector<16xf32>
        %mul3A_773 = arith.mulf %gather3A_760, %get3A_772 : vector<16xf32>
        %add3A_774 = arith.addf %scan3A_750, %mul3A_773 : vector<16xf32>
        %get3A_775 = arith.index_cast %add3A_768 : i32 to index
        %get3A_776 = arith.constant 0 : index
        %get3A_777 = tpu.vector_load %arg8[%get3A_775, %get3A_776] {strides = array<i32>} : memref<128x128xf32, #tpu.memory_space<vmem>>, vector<1x16xf32>,
        %get3A_778 = vector.shape_cast %get3A_777 : vector<1x16xf32> to vector<16xf32>
        %mul3A_779 = arith.mulf %gather3A_764, %get3A_778 : vector<16xf32>
        %add3A_780 = arith.addf %add3A_774, %mul3A_779 : vector<16xf32>
        %get3A_781 = arith.index_cast %add3A_766 : i32 to index
        %get3A_782 = arith.constant 16 : index
        %get3A_783 = tpu.vector_load %arg8[%get3A_781, %get3A_782] {strides = array<i32>} : memref<128x128xf32, #tpu.memory_space<vmem>>, vector<1x16xf32>,
        %get3A_784 = vector.shape_cast %get3A_783 : vector<1x16xf32> to vector<16xf32>
        %mul3A_785 = arith.mulf %gather3A_760, %get3A_784 : vector<16xf32>
        %add3A_786 = arith.addf %scan3A_751, %mul3A_785 : vector<16xf32>
        %get3A_787 = arith.index_cast %add3A_768 : i32 to index
        %get3A_788 = arith.constant 16 : index
        %get3A_789 = tpu.vector_load %arg8[%get3A_787, %get3A_788] {strides = array<i32>} : memref<128x128xf32, #tpu.memory_space<vmem>>, vector<1x16xf32>,
        %get3A_790 = vector.shape_cast %get3A_789 : vector<1x16xf32> to vector<16xf32>
        %mul3A_791 = arith.mulf %gather3A_764, %get3A_790 : vector<16xf32>
        %add3A_792 = arith.addf %add3A_786, %mul3A_791 : vector<16xf32>
        %get3A_793 = arith.index_cast %add3A_766 : i32 to index
        %get3A_794 = arith.constant 32 : index
        %get3A_795 = tpu.vector_load %arg8[%get3A_793, %get3A_794] {strides = array<i32>} : memref<128x128xf32, #tpu.memory_space<vmem>>, vector<1x16xf32>,
        %get3A_796 = vector.shape_cast %get3A_795 : vector<1x16xf32> to vector<16xf32>
        %mul3A_797 = arith.mulf %gather3A_760, %get3A_796 : vector<16xf32>
        %add3A_798 = arith.addf %scan3A_752, %mul3A_797 : vector<16xf32>
        %get3A_799 = arith.index_cast %add3A_768 : i32 to index
        %get3A_800 = arith.constant 32 : index
        %get3A_801 = tpu.vector_load %arg8[%get3A_799, %get3A_800] {strides = array<i32>} : memref<128x128xf32, #tpu.memory_space<vmem>>, vector<1x16xf32>,
        %get3A_802 = vector.shape_cast %get3A_801 : vector<1x16xf32> to vector<16xf32>
        %mul3A_803 = arith.mulf %gather3A_764, %get3A_802 : vector<16xf32>
        %add3A_804 = arith.addf %add3A_798, %mul3A_803 : vector<16xf32>
        %get3A_805 = arith.index_cast %add3A_766 : i32 to index
        %get3A_806 = arith.constant 48 : index
        %get3A_807 = tpu.vector_load %arg8[%get3A_805, %get3A_806] {strides = array<i32>} : memref<128x128xf32, #tpu.memory_space<vmem>>, vector<1x16xf32>,
        %get3A_808 = vector.shape_cast %get3A_807 : vector<1x16xf32> to vector<16xf32>
        %mul3A_809 = arith.mulf %gather3A_760, %get3A_808 : vector<16xf32>
        %add3A_810 = arith.addf %scan3A_753, %mul3A_809 : vector<16xf32>
        %get3A_811 = arith.index_cast %add3A_768 : i32 to index
        %get3A_812 = arith.constant 48 : index
        %get3A_813 = tpu.vector_load %arg8[%get3A_811, %get3A_812] {strides = array<i32>} : memref<128x128xf32, #tpu.memory_space<vmem>>, vector<1x16xf32>,
        %get3A_814 = vector.shape_cast %get3A_813 : vector<1x16xf32> to vector<16xf32>
        %mul3A_815 = arith.mulf %gather3A_764, %get3A_814 : vector<16xf32>
        %add3A_816 = arith.addf %add3A_810, %mul3A_815 : vector<16xf32>
        %get3A_817 = arith.index_cast %add3A_766 : i32 to index
        %get3A_818 = arith.constant 64 : index
        %get3A_819 = tpu.vector_load %arg8[%get3A_817, %get3A_818] {strides = array<i32>} : memref<128x128xf32, #tpu.memory_space<vmem>>, vector<1x16xf32>,
        %get3A_820 = vector.shape_cast %get3A_819 : vector<1x16xf32> to vector<16xf32>
        %mul3A_821 = arith.mulf %gather3A_760, %get3A_820 : vector<16xf32>
        %add3A_822 = arith.addf %scan3A_754, %mul3A_821 : vector<16xf32>
        %get3A_823 = arith.index_cast %add3A_768 : i32 to index
        %get3A_824 = arith.constant 64 : index
        %get3A_825 = tpu.vector_load %arg8[%get3A_823, %get3A_824] {strides = array<i32>} : memref<128x128xf32, #tpu.memory_space<vmem>>, vector<1x16xf32>,
        %get3A_826 = vector.shape_cast %get3A_825 : vector<1x16xf32> to vector<16xf32>
        %mul3A_827 = arith.mulf %gather3A_764, %get3A_826 : vector<16xf32>
        %add3A_828 = arith.addf %add3A_822, %mul3A_827 : vector<16xf32>
        %get3A_829 = arith.index_cast %add3A_766 : i32 to index
        %get3A_830 = arith.constant 80 : index
        %get3A_831 = tpu.vector_load %arg8[%get3A_829, %get3A_830] {strides = array<i32>} : memref<128x128xf32, #tpu.memory_space<vmem>>, vector<1x16xf32>,
        %get3A_832 = vector.shape_cast %get3A_831 : vector<1x16xf32> to vector<16xf32>
        %mul3A_833 = arith.mulf %gather3A_760, %get3A_832 : vector<16xf32>
        %add3A_834 = arith.addf %scan3A_755, %mul3A_833 : vector<16xf32>
        %get3A_835 = arith.index_cast %add3A_768 : i32 to index
        %get3A_836 = arith.constant 80 : index
        %get3A_837 = tpu.vector_load %arg8[%get3A_835, %get3A_836] {strides = array<i32>} : memref<128x128xf32, #tpu.memory_space<vmem>>, vector<1x16xf32>,
        %get3A_838 = vector.shape_cast %get3A_837 : vector<1x16xf32> to vector<16xf32>
        %mul3A_839 = arith.mulf %gather3A_764, %get3A_838 : vector<16xf32>
        %add3A_840 = arith.addf %add3A_834, %mul3A_839 : vector<16xf32>
        %get3A_841 = arith.index_cast %add3A_766 : i32 to index
        %get3A_842 = arith.constant 96 : index
        %get3A_843 = tpu.vector_load %arg8[%get3A_841, %get3A_842] {strides = array<i32>} : memref<128x128xf32, #tpu.memory_space<vmem>>, vector<1x16xf32>,
        %get3A_844 = vector.shape_cast %get3A_843 : vector<1x16xf32> to vector<16xf32>
        %mul3A_845 = arith.mulf %gather3A_760, %get3A_844 : vector<16xf32>
        %add3A_846 = arith.addf %scan3A_756, %mul3A_845 : vector<16xf32>
        %get3A_847 = arith.index_cast %add3A_768 : i32 to index
        %get3A_848 = arith.constant 96 : index
        %get3A_849 = tpu.vector_load %arg8[%get3A_847, %get3A_848] {strides = array<i32>} : memref<128x128xf32, #tpu.memory_space<vmem>>, vector<1x16xf32>,
        %get3A_850 = vector.shape_cast %get3A_849 : vector<1x16xf32> to vector<16xf32>
        %mul3A_851 = arith.mulf %gather3A_764, %get3A_850 : vector<16xf32>
        %add3A_852 = arith.addf %add3A_846, %mul3A_851 : vector<16xf32>
        %get3A_853 = arith.index_cast %add3A_766 : i32 to index
        %get3A_854 = arith.constant 112 : index
        %get3A_855 = tpu.vector_load %arg8[%get3A_853, %get3A_854] {strides = array<i32>} : memref<128x128xf32, #tpu.memory_space<vmem>>, vector<1x16xf32>,
        %get3A_856 = vector.shape_cast %get3A_855 : vector<1x16xf32> to vector<16xf32>
        %mul3A_857 = arith.mulf %gather3A_760, %get3A_856 : vector<16xf32>
        %add3A_858 = arith.addf %scan3A_757, %mul3A_857 : vector<16xf32>
        %get3A_859 = arith.index_cast %add3A_768 : i32 to index
        %get3A_860 = arith.constant 112 : index
        %get3A_861 = tpu.vector_load %arg8[%get3A_859, %get3A_860] {strides = array<i32>} : memref<128x128xf32, #tpu.memory_space<vmem>>, vector<1x16xf32>,
        %get3A_862 = vector.shape_cast %get3A_861 : vector<1x16xf32> to vector<16xf32>
        %mul3A_863 = arith.mulf %gather3A_764, %get3A_862 : vector<16xf32>
        %add3A_864 = arith.addf %add3A_858, %mul3A_863 : vector<16xf32>
        scf.yield %add3A_780, %add3A_792, %add3A_804, %add3A_816, %add3A_828, %add3A_840, %add3A_852, %add3A_864 : vector<16xf32>, vector<16xf32>, vector<16xf32>, vector<16xf32>, vector<16xf32>, vector<16xf32>, vector<16xf32>, vector<16xf32>
      }
      %scan3A_369 = arith.constant 16 : i32
      %mul3A_370 = arith.constant 4 : i32
      %mul3A_371 = arith.muli %mul3A_91, %mul3A_370 : i32
      %add3A_372 = arith.constant 3 : i32
      %add3A_373 = arith.addi %mul3A_371, %add3A_372 : i32
      %swap3A_374 = arith.index_cast %add3A_373 : i32 to index
      %swap3A_375 = arith.constant 0 : index
      %swap3A_376 = tpu.vector_load %arg10[%swap3A_374, %swap3A_375] {strides = array<i32>} : memref<320x128xf32, #tpu.memory_space<vmem>>, vector<1x16xf32>,
      %swap3A_377 = vector.shape_cast %swap3A_376 : vector<1x16xf32> to vector<16xf32>
      %swap3A_378 = vector.shape_cast %scan3A_368#0 : vector<16xf32> to vector<1x16xf32>
      tpu.vector_store %arg10[%swap3A_374, %swap3A_375], %swap3A_378 {strides = array<i32>} : memref<320x128xf32, #tpu.memory_space<vmem>>, vector<1x16xf32>,
      %swap3A_379 = arith.index_cast %add3A_373 : i32 to index
      %swap3A_380 = arith.constant 16 : index
      %swap3A_381 = tpu.vector_load %arg10[%swap3A_379, %swap3A_380] {strides = array<i32>} : memref<320x128xf32, #tpu.memory_space<vmem>>, vector<1x16xf32>,
      %swap3A_382 = vector.shape_cast %swap3A_381 : vector<1x16xf32> to vector<16xf32>
      %swap3A_383 = vector.shape_cast %scan3A_368#1 : vector<16xf32> to vector<1x16xf32>
      tpu.vector_store %arg10[%swap3A_379, %swap3A_380], %swap3A_383 {strides = array<i32>} : memref<320x128xf32, #tpu.memory_space<vmem>>, vector<1x16xf32>,
      %swap3A_384 = arith.index_cast %add3A_373 : i32 to index
      %swap3A_385 = arith.constant 32 : index
      %swap3A_386 = tpu.vector_load %arg10[%swap3A_384, %swap3A_385] {strides = array<i32>} : memref<320x128xf32, #tpu.memory_space<vmem>>, vector<1x16xf32>,
      %swap3A_387 = vector.shape_cast %swap3A_386 : vector<1x16xf32> to vector<16xf32>
      %swap3A_388 = vector.shape_cast %scan3A_368#2 : vector<16xf32> to vector<1x16xf32>
      tpu.vector_store %arg10[%swap3A_384, %swap3A_385], %swap3A_388 {strides = array<i32>} : memref<320x128xf32, #tpu.memory_space<vmem>>, vector<1x16xf32>,
      %swap3A_389 = arith.index_cast %add3A_373 : i32 to index
      %swap3A_390 = arith.constant 48 : index
      %swap3A_391 = tpu.vector_load %arg10[%swap3A_389, %swap3A_390] {strides = array<i32>} : memref<320x128xf32, #tpu.memory_space<vmem>>, vector<1x16xf32>,
      %swap3A_392 = vector.shape_cast %swap3A_391 : vector<1x16xf32> to vector<16xf32>
      %swap3A_393 = vector.shape_cast %scan3A_368#3 : vector<16xf32> to vector<1x16xf32>
      tpu.vector_store %arg10[%swap3A_389, %swap3A_390], %swap3A_393 {strides = array<i32>} : memref<320x128xf32, #tpu.memory_space<vmem>>, vector<1x16xf32>,
      %swap3A_394 = arith.index_cast %add3A_373 : i32 to index
      %swap3A_395 = arith.constant 64 : index
      %swap3A_396 = tpu.vector_load %arg10[%swap3A_394, %swap3A_395] {strides = array<i32>} : memref<320x128xf32, #tpu.memory_space<vmem>>, vector<1x16xf32>,
      %swap3A_397 = vector.shape_cast %swap3A_396 : vector<1x16xf32> to vector<16xf32>
      %swap3A_398 = vector.shape_cast %scan3A_368#4 : vector<16xf32> to vector<1x16xf32>
      tpu.vector_store %arg10[%swap3A_394, %swap3A_395], %swap3A_398 {strides = array<i32>} : memref<320x128xf32, #tpu.memory_space<vmem>>, vector<1x16xf32>,
      %swap3A_399 = arith.index_cast %add3A_373 : i32 to index
      %swap3A_400 = arith.constant 80 : index
      %swap3A_401 = tpu.vector_load %arg10[%swap3A_399, %swap3A_400] {strides = array<i32>} : memref<320x128xf32, #tpu.memory_space<vmem>>, vector<1x16xf32>,
      %swap3A_402 = vector.shape_cast %swap3A_401 : vector<1x16xf32> to vector<16xf32>
      %swap3A_403 = vector.shape_cast %scan3A_368#5 : vector<16xf32> to vector<1x16xf32>
      tpu.vector_store %arg10[%swap3A_399, %swap3A_400], %swap3A_403 {strides = array<i32>} : memref<320x128xf32, #tpu.memory_space<vmem>>, vector<1x16xf32>,
      %swap3A_404 = arith.index_cast %add3A_373 : i32 to index
      %swap3A_405 = arith.constant 96 : index
      %swap3A_406 = tpu.vector_load %arg10[%swap3A_404, %swap3A_405] {strides = array<i32>} : memref<320x128xf32, #tpu.memory_space<vmem>>, vector<1x16xf32>,
      %swap3A_407 = vector.shape_cast %swap3A_406 : vector<1x16xf32> to vector<16xf32>
      %swap3A_408 = vector.shape_cast %scan3A_368#6 : vector<16xf32> to vector<1x16xf32>
      tpu.vector_store %arg10[%swap3A_404, %swap3A_405], %swap3A_408 {strides = array<i32>} : memref<320x128xf32, #tpu.memory_space<vmem>>, vector<1x16xf32>,
      %swap3A_409 = arith.index_cast %add3A_373 : i32 to index
      %swap3A_410 = arith.constant 112 : index
      %swap3A_411 = tpu.vector_load %arg10[%swap3A_409, %swap3A_410] {strides = array<i32>} : memref<320x128xf32, #tpu.memory_space<vmem>>, vector<1x16xf32>,
      %swap3A_412 = vector.shape_cast %swap3A_411 : vector<1x16xf32> to vector<16xf32>
      %swap3A_413 = vector.shape_cast %scan3A_368#7 : vector<16xf32> to vector<1x16xf32>
      tpu.vector_store %arg10[%swap3A_409, %swap3A_410], %swap3A_413 {strides = array<i32>} : memref<320x128xf32, #tpu.memory_space<vmem>>, vector<1x16xf32>,
      %add3A_414 = arith.constant 2 : i32
      %add3A_415 = arith.addi %mul3A_91, %add3A_414 : i32
      %lt3A_416 = arith.cmpi slt, %add3A_415, %min3A_34 : i32
      %convert_element_type3A_417 = arith.extui %lt3A_416 : i1 to i32
      %cond3A_418 = arith.constant 0 : i32
      %cond3A_419 = arith.cmpi ne, %convert_element_type3A_417, %cond3A_418 : i32
      scf.if %cond3A_419 {
        %add3A_749 = arith.constant 2 : i32
        %add3A_750 = arith.addi %mul3A_91, %add3A_749 : i32
        %mul3A_751 = arith.constant 128 : i32
        %mul3A_752 = arith.muli %add3A_750, %mul3A_751 : i32
        %multiple_of3A_753 = tpu.assume_multiple %mul3A_752, 128 : i32
        %dma_start3A_754 = tpu.memref_slice %arg6[%multiple_of3A_753] : memref<10240xi32, #tpu.memory_space<vmem>> -> memref<128xi32, #tpu.memory_space<vmem>>
        %dma_start3A_755 = arith.constant 0 : i32
        %dma_start3A_756 = arith.constant 0 : i32
        %dma_start3A_757 = tpu.memref_slice %arg2[%dma_start3A_755, %dma_start3A_756] : memref<10000x128xf32, #tpu.memory_space<hbm>> -> memref<10000x128xf32, #tpu.memory_space<hbm>>
        tpu.enqueue_indirect_dma source(%dma_start3A_757 : memref<10000x128xf32, #tpu.memory_space<hbm>>) target(%arg8 : memref<128x128xf32, #tpu.memory_space<vmem>>) offsets(%dma_start3A_754 : memref<128xi32, #tpu.memory_space<vmem>>) semaphore(%arg11 : memref<!tpu.dma_semaphore, #tpu.memory_space<semaphore_mem>>)
      } else {
      }
      %mul3A_420 = arith.constant 128 : i32
      %mul3A_421 = arith.muli %add3A_95, %mul3A_420 : i32
      %multiple_of3A_422 = tpu.assume_multiple %mul3A_421, 128 : i32
      %dma_wait3A_423 = tpu.memref_slice %arg6[%multiple_of3A_422] : memref<10240xi32, #tpu.memory_space<vmem>> -> memref<128xi32, #tpu.memory_space<vmem>>
      %dma_wait3A_424 = arith.constant 0 : i32
      %dma_wait3A_425 = arith.constant 0 : i32
      %dma_wait3A_426 = tpu.memref_slice %arg2[%dma_wait3A_424, %dma_wait3A_425] : memref<10000x128xf32, #tpu.memory_space<hbm>> -> memref<10000x128xf32, #tpu.memory_space<hbm>>
      tpu.wait_indirect_dma semaphore(%arg12 : memref<!tpu.dma_semaphore, #tpu.memory_space<semaphore_mem>>) src(%dma_wait3A_426 : memref<10000x128xf32, #tpu.memory_space<hbm>>) dst(%arg9 : memref<128x128xf32, #tpu.memory_space<vmem>>)
      %mul3A_427 = arith.constant 128 : i32
      %mul3A_428 = arith.muli %add3A_95, %mul3A_427 : i32
      %add3A_429 = arith.constant 0 : i32
      %add3A_430 = arith.addi %mul3A_428, %add3A_429 : i32
      %multiple_of3A_431 = tpu.assume_multiple %add3A_430, 32 : i32
      %get3A_432 = arith.index_cast %multiple_of3A_431 : i32 to index
      %get3A_433 = tpu.vector_load %arg7[%get3A_432] {strides = array<i32>} : memref<10240xf32, #tpu.memory_space<vmem>>, vector<16xf32>,
      %get3A_434 = vector.shape_cast %get3A_433 : vector<16xf32> to vector<16xf32>
      %add3A_435 = arith.constant 16 : i32
      %add3A_436 = arith.addi %multiple_of3A_431, %add3A_435 : i32
      %get3A_437 = arith.index_cast %add3A_436 : i32 to index
      %get3A_438 = tpu.vector_load %arg7[%get3A_437] {strides = array<i32>} : memref<10240xf32, #tpu.memory_space<vmem>>, vector<16xf32>,
      %get3A_439 = vector.shape_cast %get3A_438 : vector<16xf32> to vector<16xf32>
      %broadcast_in_dim3A_440 = arith.constant 0.000000e+00 : f32
      %broadcast_in_dim3A_441 = vector.broadcast %broadcast_in_dim3A_440 : f32 to vector<16xf32>
      %broadcast_in_dim3A_442 = arith.constant 0.000000e+00 : f32
      %broadcast_in_dim3A_443 = vector.broadcast %broadcast_in_dim3A_442 : f32 to vector<16xf32>
      %broadcast_in_dim3A_444 = arith.constant 0.000000e+00 : f32
      %broadcast_in_dim3A_445 = vector.broadcast %broadcast_in_dim3A_444 : f32 to vector<16xf32>
      %broadcast_in_dim3A_446 = arith.constant 0.000000e+00 : f32
      %broadcast_in_dim3A_447 = vector.broadcast %broadcast_in_dim3A_446 : f32 to vector<16xf32>
      %broadcast_in_dim3A_448 = arith.constant 0.000000e+00 : f32
      %broadcast_in_dim3A_449 = vector.broadcast %broadcast_in_dim3A_448 : f32 to vector<16xf32>
      %broadcast_in_dim3A_450 = arith.constant 0.000000e+00 : f32
      %broadcast_in_dim3A_451 = vector.broadcast %broadcast_in_dim3A_450 : f32 to vector<16xf32>
      %broadcast_in_dim3A_452 = arith.constant 0.000000e+00 : f32
      %broadcast_in_dim3A_453 = vector.broadcast %broadcast_in_dim3A_452 : f32 to vector<16xf32>
      %broadcast_in_dim3A_454 = arith.constant 0.000000e+00 : f32
      %broadcast_in_dim3A_455 = vector.broadcast %broadcast_in_dim3A_454 : f32 to vector<16xf32>
      %scan3A_456 = arith.constant 0 : i32
      %scan3A_457 = arith.constant 16 : i32
      %scan3A_458 = arith.addi %scan3A_456, %scan3A_457 : i32
      %scan3A_459 = arith.constant 1 : i32
      %scan3A_460:8 = scf.for %scan3A_749 = %scan3A_456 to %scan3A_458 step %scan3A_459 iter_args(%scan3A_750 = %broadcast_in_dim3A_441, %scan3A_751 = %broadcast_in_dim3A_443, %scan3A_752 = %broadcast_in_dim3A_445, %scan3A_753 = %broadcast_in_dim3A_447, %scan3A_754 = %broadcast_in_dim3A_449, %scan3A_755 = %broadcast_in_dim3A_451, %scan3A_756 = %broadcast_in_dim3A_453, %scan3A_757 = %broadcast_in_dim3A_455) -> (vector<16xf32>, vector<16xf32>, vector<16xf32>, vector<16xf32>, vector<16xf32>, vector<16xf32>, vector<16xf32>, vector<16xf32>)  : i32 {
        %broadcast_in_dim3A_758 = vector.broadcast %scan3A_749 : i32 to vector<16xi32>
        %broadcast_in_dim3A_759 = vector.shape_cast %broadcast_in_dim3A_758 : vector<16xi32> to vector<16x1xi32>
        %gather3A = vector.shape_cast %broadcast_in_dim3A_759 : vector<16x1xi32> to vector<16xi32>
        %gather3A_760 = tpu.dynamic_gather %get3A_434[%gather3A] in [0] : vector<16xf32>, vector<16xi32> -> vector<16xf32>
        %broadcast_in_dim3A_761 = vector.broadcast %scan3A_749 : i32 to vector<16xi32>
        %broadcast_in_dim3A_762 = vector.shape_cast %broadcast_in_dim3A_761 : vector<16xi32> to vector<16x1xi32>
        %gather3A_763 = vector.shape_cast %broadcast_in_dim3A_762 : vector<16x1xi32> to vector<16xi32>
        %gather3A_764 = tpu.dynamic_gather %get3A_439[%gather3A_763] in [0] : vector<16xf32>, vector<16xi32> -> vector<16xf32>
        %add3A_765 = arith.constant 0 : i32
        %add3A_766 = arith.addi %add3A_765, %scan3A_749 : i32
        %add3A_767 = arith.constant 16 : i32
        %add3A_768 = arith.addi %add3A_766, %add3A_767 : i32
        %get3A_769 = arith.index_cast %add3A_766 : i32 to index
        %get3A_770 = arith.constant 0 : index
        %get3A_771 = tpu.vector_load %arg9[%get3A_769, %get3A_770] {strides = array<i32>} : memref<128x128xf32, #tpu.memory_space<vmem>>, vector<1x16xf32>,
        %get3A_772 = vector.shape_cast %get3A_771 : vector<1x16xf32> to vector<16xf32>
        %mul3A_773 = arith.mulf %gather3A_760, %get3A_772 : vector<16xf32>
        %add3A_774 = arith.addf %scan3A_750, %mul3A_773 : vector<16xf32>
        %get3A_775 = arith.index_cast %add3A_768 : i32 to index
        %get3A_776 = arith.constant 0 : index
        %get3A_777 = tpu.vector_load %arg9[%get3A_775, %get3A_776] {strides = array<i32>} : memref<128x128xf32, #tpu.memory_space<vmem>>, vector<1x16xf32>,
        %get3A_778 = vector.shape_cast %get3A_777 : vector<1x16xf32> to vector<16xf32>
        %mul3A_779 = arith.mulf %gather3A_764, %get3A_778 : vector<16xf32>
        %add3A_780 = arith.addf %add3A_774, %mul3A_779 : vector<16xf32>
        %get3A_781 = arith.index_cast %add3A_766 : i32 to index
        %get3A_782 = arith.constant 16 : index
        %get3A_783 = tpu.vector_load %arg9[%get3A_781, %get3A_782] {strides = array<i32>} : memref<128x128xf32, #tpu.memory_space<vmem>>, vector<1x16xf32>,
        %get3A_784 = vector.shape_cast %get3A_783 : vector<1x16xf32> to vector<16xf32>
        %mul3A_785 = arith.mulf %gather3A_760, %get3A_784 : vector<16xf32>
        %add3A_786 = arith.addf %scan3A_751, %mul3A_785 : vector<16xf32>
        %get3A_787 = arith.index_cast %add3A_768 : i32 to index
        %get3A_788 = arith.constant 16 : index
        %get3A_789 = tpu.vector_load %arg9[%get3A_787, %get3A_788] {strides = array<i32>} : memref<128x128xf32, #tpu.memory_space<vmem>>, vector<1x16xf32>,
        %get3A_790 = vector.shape_cast %get3A_789 : vector<1x16xf32> to vector<16xf32>
        %mul3A_791 = arith.mulf %gather3A_764, %get3A_790 : vector<16xf32>
        %add3A_792 = arith.addf %add3A_786, %mul3A_791 : vector<16xf32>
        %get3A_793 = arith.index_cast %add3A_766 : i32 to index
        %get3A_794 = arith.constant 32 : index
        %get3A_795 = tpu.vector_load %arg9[%get3A_793, %get3A_794] {strides = array<i32>} : memref<128x128xf32, #tpu.memory_space<vmem>>, vector<1x16xf32>,
        %get3A_796 = vector.shape_cast %get3A_795 : vector<1x16xf32> to vector<16xf32>
        %mul3A_797 = arith.mulf %gather3A_760, %get3A_796 : vector<16xf32>
        %add3A_798 = arith.addf %scan3A_752, %mul3A_797 : vector<16xf32>
        %get3A_799 = arith.index_cast %add3A_768 : i32 to index
        %get3A_800 = arith.constant 32 : index
        %get3A_801 = tpu.vector_load %arg9[%get3A_799, %get3A_800] {strides = array<i32>} : memref<128x128xf32, #tpu.memory_space<vmem>>, vector<1x16xf32>,
        %get3A_802 = vector.shape_cast %get3A_801 : vector<1x16xf32> to vector<16xf32>
        %mul3A_803 = arith.mulf %gather3A_764, %get3A_802 : vector<16xf32>
        %add3A_804 = arith.addf %add3A_798, %mul3A_803 : vector<16xf32>
        %get3A_805 = arith.index_cast %add3A_766 : i32 to index
        %get3A_806 = arith.constant 48 : index
        %get3A_807 = tpu.vector_load %arg9[%get3A_805, %get3A_806] {strides = array<i32>} : memref<128x128xf32, #tpu.memory_space<vmem>>, vector<1x16xf32>,
        %get3A_808 = vector.shape_cast %get3A_807 : vector<1x16xf32> to vector<16xf32>
        %mul3A_809 = arith.mulf %gather3A_760, %get3A_808 : vector<16xf32>
        %add3A_810 = arith.addf %scan3A_753, %mul3A_809 : vector<16xf32>
        %get3A_811 = arith.index_cast %add3A_768 : i32 to index
        %get3A_812 = arith.constant 48 : index
        %get3A_813 = tpu.vector_load %arg9[%get3A_811, %get3A_812] {strides = array<i32>} : memref<128x128xf32, #tpu.memory_space<vmem>>, vector<1x16xf32>,
        %get3A_814 = vector.shape_cast %get3A_813 : vector<1x16xf32> to vector<16xf32>
        %mul3A_815 = arith.mulf %gather3A_764, %get3A_814 : vector<16xf32>
        %add3A_816 = arith.addf %add3A_810, %mul3A_815 : vector<16xf32>
        %get3A_817 = arith.index_cast %add3A_766 : i32 to index
        %get3A_818 = arith.constant 64 : index
        %get3A_819 = tpu.vector_load %arg9[%get3A_817, %get3A_818] {strides = array<i32>} : memref<128x128xf32, #tpu.memory_space<vmem>>, vector<1x16xf32>,
        %get3A_820 = vector.shape_cast %get3A_819 : vector<1x16xf32> to vector<16xf32>
        %mul3A_821 = arith.mulf %gather3A_760, %get3A_820 : vector<16xf32>
        %add3A_822 = arith.addf %scan3A_754, %mul3A_821 : vector<16xf32>
        %get3A_823 = arith.index_cast %add3A_768 : i32 to index
        %get3A_824 = arith.constant 64 : index
        %get3A_825 = tpu.vector_load %arg9[%get3A_823, %get3A_824] {strides = array<i32>} : memref<128x128xf32, #tpu.memory_space<vmem>>, vector<1x16xf32>,
        %get3A_826 = vector.shape_cast %get3A_825 : vector<1x16xf32> to vector<16xf32>
        %mul3A_827 = arith.mulf %gather3A_764, %get3A_826 : vector<16xf32>
        %add3A_828 = arith.addf %add3A_822, %mul3A_827 : vector<16xf32>
        %get3A_829 = arith.index_cast %add3A_766 : i32 to index
        %get3A_830 = arith.constant 80 : index
        %get3A_831 = tpu.vector_load %arg9[%get3A_829, %get3A_830] {strides = array<i32>} : memref<128x128xf32, #tpu.memory_space<vmem>>, vector<1x16xf32>,
        %get3A_832 = vector.shape_cast %get3A_831 : vector<1x16xf32> to vector<16xf32>
        %mul3A_833 = arith.mulf %gather3A_760, %get3A_832 : vector<16xf32>
        %add3A_834 = arith.addf %scan3A_755, %mul3A_833 : vector<16xf32>
        %get3A_835 = arith.index_cast %add3A_768 : i32 to index
        %get3A_836 = arith.constant 80 : index
        %get3A_837 = tpu.vector_load %arg9[%get3A_835, %get3A_836] {strides = array<i32>} : memref<128x128xf32, #tpu.memory_space<vmem>>, vector<1x16xf32>,
        %get3A_838 = vector.shape_cast %get3A_837 : vector<1x16xf32> to vector<16xf32>
        %mul3A_839 = arith.mulf %gather3A_764, %get3A_838 : vector<16xf32>
        %add3A_840 = arith.addf %add3A_834, %mul3A_839 : vector<16xf32>
        %get3A_841 = arith.index_cast %add3A_766 : i32 to index
        %get3A_842 = arith.constant 96 : index
        %get3A_843 = tpu.vector_load %arg9[%get3A_841, %get3A_842] {strides = array<i32>} : memref<128x128xf32, #tpu.memory_space<vmem>>, vector<1x16xf32>,
        %get3A_844 = vector.shape_cast %get3A_843 : vector<1x16xf32> to vector<16xf32>
        %mul3A_845 = arith.mulf %gather3A_760, %get3A_844 : vector<16xf32>
        %add3A_846 = arith.addf %scan3A_756, %mul3A_845 : vector<16xf32>
        %get3A_847 = arith.index_cast %add3A_768 : i32 to index
        %get3A_848 = arith.constant 96 : index
        %get3A_849 = tpu.vector_load %arg9[%get3A_847, %get3A_848] {strides = array<i32>} : memref<128x128xf32, #tpu.memory_space<vmem>>, vector<1x16xf32>,
        %get3A_850 = vector.shape_cast %get3A_849 : vector<1x16xf32> to vector<16xf32>
        %mul3A_851 = arith.mulf %gather3A_764, %get3A_850 : vector<16xf32>
        %add3A_852 = arith.addf %add3A_846, %mul3A_851 : vector<16xf32>
        %get3A_853 = arith.index_cast %add3A_766 : i32 to index
        %get3A_854 = arith.constant 112 : index
        %get3A_855 = tpu.vector_load %arg9[%get3A_853, %get3A_854] {strides = array<i32>} : memref<128x128xf32, #tpu.memory_space<vmem>>, vector<1x16xf32>,
        %get3A_856 = vector.shape_cast %get3A_855 : vector<1x16xf32> to vector<16xf32>
        %mul3A_857 = arith.mulf %gather3A_760, %get3A_856 : vector<16xf32>
        %add3A_858 = arith.addf %scan3A_757, %mul3A_857 : vector<16xf32>
        %get3A_859 = arith.index_cast %add3A_768 : i32 to index
        %get3A_860 = arith.constant 112 : index
        %get3A_861 = tpu.vector_load %arg9[%get3A_859, %get3A_860] {strides = array<i32>} : memref<128x128xf32, #tpu.memory_space<vmem>>, vector<1x16xf32>,
        %get3A_862 = vector.shape_cast %get3A_861 : vector<1x16xf32> to vector<16xf32>
        %mul3A_863 = arith.mulf %gather3A_764, %get3A_862 : vector<16xf32>
        %add3A_864 = arith.addf %add3A_858, %mul3A_863 : vector<16xf32>
        scf.yield %add3A_780, %add3A_792, %add3A_804, %add3A_816, %add3A_828, %add3A_840, %add3A_852, %add3A_864 : vector<16xf32>, vector<16xf32>, vector<16xf32>, vector<16xf32>, vector<16xf32>, vector<16xf32>, vector<16xf32>, vector<16xf32>
      }
      %scan3A_461 = arith.constant 16 : i32
      %mul3A_462 = arith.constant 4 : i32
      %mul3A_463 = arith.muli %add3A_95, %mul3A_462 : i32
      %add3A_464 = arith.constant 0 : i32
      %add3A_465 = arith.addi %mul3A_463, %add3A_464 : i32
      %swap3A_466 = arith.index_cast %add3A_465 : i32 to index
      %swap3A_467 = arith.constant 0 : index
      %swap3A_468 = tpu.vector_load %arg10[%swap3A_466, %swap3A_467] {strides = array<i32>} : memref<320x128xf32, #tpu.memory_space<vmem>>, vector<1x16xf32>,
      %swap3A_469 = vector.shape_cast %swap3A_468 : vector<1x16xf32> to vector<16xf32>
      %swap3A_470 = vector.shape_cast %scan3A_460#0 : vector<16xf32> to vector<1x16xf32>
      tpu.vector_store %arg10[%swap3A_466, %swap3A_467], %swap3A_470 {strides = array<i32>} : memref<320x128xf32, #tpu.memory_space<vmem>>, vector<1x16xf32>,
      %swap3A_471 = arith.index_cast %add3A_465 : i32 to index
      %swap3A_472 = arith.constant 16 : index
      %swap3A_473 = tpu.vector_load %arg10[%swap3A_471, %swap3A_472] {strides = array<i32>} : memref<320x128xf32, #tpu.memory_space<vmem>>, vector<1x16xf32>,
      %swap3A_474 = vector.shape_cast %swap3A_473 : vector<1x16xf32> to vector<16xf32>
      %swap3A_475 = vector.shape_cast %scan3A_460#1 : vector<16xf32> to vector<1x16xf32>
      tpu.vector_store %arg10[%swap3A_471, %swap3A_472], %swap3A_475 {strides = array<i32>} : memref<320x128xf32, #tpu.memory_space<vmem>>, vector<1x16xf32>,
      %swap3A_476 = arith.index_cast %add3A_465 : i32 to index
      %swap3A_477 = arith.constant 32 : index
      %swap3A_478 = tpu.vector_load %arg10[%swap3A_476, %swap3A_477] {strides = array<i32>} : memref<320x128xf32, #tpu.memory_space<vmem>>, vector<1x16xf32>,
      %swap3A_479 = vector.shape_cast %swap3A_478 : vector<1x16xf32> to vector<16xf32>
      %swap3A_480 = vector.shape_cast %scan3A_460#2 : vector<16xf32> to vector<1x16xf32>
      tpu.vector_store %arg10[%swap3A_476, %swap3A_477], %swap3A_480 {strides = array<i32>} : memref<320x128xf32, #tpu.memory_space<vmem>>, vector<1x16xf32>,
      %swap3A_481 = arith.index_cast %add3A_465 : i32 to index
      %swap3A_482 = arith.constant 48 : index
      %swap3A_483 = tpu.vector_load %arg10[%swap3A_481, %swap3A_482] {strides = array<i32>} : memref<320x128xf32, #tpu.memory_space<vmem>>, vector<1x16xf32>,
      %swap3A_484 = vector.shape_cast %swap3A_483 : vector<1x16xf32> to vector<16xf32>
      %swap3A_485 = vector.shape_cast %scan3A_460#3 : vector<16xf32> to vector<1x16xf32>
      tpu.vector_store %arg10[%swap3A_481, %swap3A_482], %swap3A_485 {strides = array<i32>} : memref<320x128xf32, #tpu.memory_space<vmem>>, vector<1x16xf32>,
      %swap3A_486 = arith.index_cast %add3A_465 : i32 to index
      %swap3A_487 = arith.constant 64 : index
      %swap3A_488 = tpu.vector_load %arg10[%swap3A_486, %swap3A_487] {strides = array<i32>} : memref<320x128xf32, #tpu.memory_space<vmem>>, vector<1x16xf32>,
      %swap3A_489 = vector.shape_cast %swap3A_488 : vector<1x16xf32> to vector<16xf32>
      %swap3A_490 = vector.shape_cast %scan3A_460#4 : vector<16xf32> to vector<1x16xf32>
      tpu.vector_store %arg10[%swap3A_486, %swap3A_487], %swap3A_490 {strides = array<i32>} : memref<320x128xf32, #tpu.memory_space<vmem>>, vector<1x16xf32>,
      %swap3A_491 = arith.index_cast %add3A_465 : i32 to index
      %swap3A_492 = arith.constant 80 : index
      %swap3A_493 = tpu.vector_load %arg10[%swap3A_491, %swap3A_492] {strides = array<i32>} : memref<320x128xf32, #tpu.memory_space<vmem>>, vector<1x16xf32>,
      %swap3A_494 = vector.shape_cast %swap3A_493 : vector<1x16xf32> to vector<16xf32>
      %swap3A_495 = vector.shape_cast %scan3A_460#5 : vector<16xf32> to vector<1x16xf32>
      tpu.vector_store %arg10[%swap3A_491, %swap3A_492], %swap3A_495 {strides = array<i32>} : memref<320x128xf32, #tpu.memory_space<vmem>>, vector<1x16xf32>,
      %swap3A_496 = arith.index_cast %add3A_465 : i32 to index
      %swap3A_497 = arith.constant 96 : index
      %swap3A_498 = tpu.vector_load %arg10[%swap3A_496, %swap3A_497] {strides = array<i32>} : memref<320x128xf32, #tpu.memory_space<vmem>>, vector<1x16xf32>,
      %swap3A_499 = vector.shape_cast %swap3A_498 : vector<1x16xf32> to vector<16xf32>
      %swap3A_500 = vector.shape_cast %scan3A_460#6 : vector<16xf32> to vector<1x16xf32>
      tpu.vector_store %arg10[%swap3A_496, %swap3A_497], %swap3A_500 {strides = array<i32>} : memref<320x128xf32, #tpu.memory_space<vmem>>, vector<1x16xf32>,
      %swap3A_501 = arith.index_cast %add3A_465 : i32 to index
      %swap3A_502 = arith.constant 112 : index
      %swap3A_503 = tpu.vector_load %arg10[%swap3A_501, %swap3A_502] {strides = array<i32>} : memref<320x128xf32, #tpu.memory_space<vmem>>, vector<1x16xf32>,
      %swap3A_504 = vector.shape_cast %swap3A_503 : vector<1x16xf32> to vector<16xf32>
      %swap3A_505 = vector.shape_cast %scan3A_460#7 : vector<16xf32> to vector<1x16xf32>
      tpu.vector_store %arg10[%swap3A_501, %swap3A_502], %swap3A_505 {strides = array<i32>} : memref<320x128xf32, #tpu.memory_space<vmem>>, vector<1x16xf32>,
      %mul3A_506 = arith.constant 128 : i32
      %mul3A_507 = arith.muli %add3A_95, %mul3A_506 : i32
      %add3A_508 = arith.constant 32 : i32
      %add3A_509 = arith.addi %mul3A_507, %add3A_508 : i32
      %multiple_of3A_510 = tpu.assume_multiple %add3A_509, 32 : i32
      %get3A_511 = arith.index_cast %multiple_of3A_510 : i32 to index
      %get3A_512 = tpu.vector_load %arg7[%get3A_511] {strides = array<i32>} : memref<10240xf32, #tpu.memory_space<vmem>>, vector<16xf32>,
      %get3A_513 = vector.shape_cast %get3A_512 : vector<16xf32> to vector<16xf32>
      %add3A_514 = arith.constant 16 : i32
      %add3A_515 = arith.addi %multiple_of3A_510, %add3A_514 : i32
      %get3A_516 = arith.index_cast %add3A_515 : i32 to index
      %get3A_517 = tpu.vector_load %arg7[%get3A_516] {strides = array<i32>} : memref<10240xf32, #tpu.memory_space<vmem>>, vector<16xf32>,
      %get3A_518 = vector.shape_cast %get3A_517 : vector<16xf32> to vector<16xf32>
      %broadcast_in_dim3A_519 = arith.constant 0.000000e+00 : f32
      %broadcast_in_dim3A_520 = vector.broadcast %broadcast_in_dim3A_519 : f32 to vector<16xf32>
      %broadcast_in_dim3A_521 = arith.constant 0.000000e+00 : f32
      %broadcast_in_dim3A_522 = vector.broadcast %broadcast_in_dim3A_521 : f32 to vector<16xf32>
      %broadcast_in_dim3A_523 = arith.constant 0.000000e+00 : f32
      %broadcast_in_dim3A_524 = vector.broadcast %broadcast_in_dim3A_523 : f32 to vector<16xf32>
      %broadcast_in_dim3A_525 = arith.constant 0.000000e+00 : f32
      %broadcast_in_dim3A_526 = vector.broadcast %broadcast_in_dim3A_525 : f32 to vector<16xf32>
      %broadcast_in_dim3A_527 = arith.constant 0.000000e+00 : f32
      %broadcast_in_dim3A_528 = vector.broadcast %broadcast_in_dim3A_527 : f32 to vector<16xf32>
      %broadcast_in_dim3A_529 = arith.constant 0.000000e+00 : f32
      %broadcast_in_dim3A_530 = vector.broadcast %broadcast_in_dim3A_529 : f32 to vector<16xf32>
      %broadcast_in_dim3A_531 = arith.constant 0.000000e+00 : f32
      %broadcast_in_dim3A_532 = vector.broadcast %broadcast_in_dim3A_531 : f32 to vector<16xf32>
      %broadcast_in_dim3A_533 = arith.constant 0.000000e+00 : f32
      %broadcast_in_dim3A_534 = vector.broadcast %broadcast_in_dim3A_533 : f32 to vector<16xf32>
      %scan3A_535 = arith.constant 0 : i32
      %scan3A_536 = arith.constant 16 : i32
      %scan3A_537 = arith.addi %scan3A_535, %scan3A_536 : i32
      %scan3A_538 = arith.constant 1 : i32
      %scan3A_539:8 = scf.for %scan3A_749 = %scan3A_535 to %scan3A_537 step %scan3A_538 iter_args(%scan3A_750 = %broadcast_in_dim3A_520, %scan3A_751 = %broadcast_in_dim3A_522, %scan3A_752 = %broadcast_in_dim3A_524, %scan3A_753 = %broadcast_in_dim3A_526, %scan3A_754 = %broadcast_in_dim3A_528, %scan3A_755 = %broadcast_in_dim3A_530, %scan3A_756 = %broadcast_in_dim3A_532, %scan3A_757 = %broadcast_in_dim3A_534) -> (vector<16xf32>, vector<16xf32>, vector<16xf32>, vector<16xf32>, vector<16xf32>, vector<16xf32>, vector<16xf32>, vector<16xf32>)  : i32 {
        %broadcast_in_dim3A_758 = vector.broadcast %scan3A_749 : i32 to vector<16xi32>
        %broadcast_in_dim3A_759 = vector.shape_cast %broadcast_in_dim3A_758 : vector<16xi32> to vector<16x1xi32>
        %gather3A = vector.shape_cast %broadcast_in_dim3A_759 : vector<16x1xi32> to vector<16xi32>
        %gather3A_760 = tpu.dynamic_gather %get3A_513[%gather3A] in [0] : vector<16xf32>, vector<16xi32> -> vector<16xf32>
        %broadcast_in_dim3A_761 = vector.broadcast %scan3A_749 : i32 to vector<16xi32>
        %broadcast_in_dim3A_762 = vector.shape_cast %broadcast_in_dim3A_761 : vector<16xi32> to vector<16x1xi32>
        %gather3A_763 = vector.shape_cast %broadcast_in_dim3A_762 : vector<16x1xi32> to vector<16xi32>
        %gather3A_764 = tpu.dynamic_gather %get3A_518[%gather3A_763] in [0] : vector<16xf32>, vector<16xi32> -> vector<16xf32>
        %add3A_765 = arith.constant 32 : i32
        %add3A_766 = arith.addi %add3A_765, %scan3A_749 : i32
        %add3A_767 = arith.constant 16 : i32
        %add3A_768 = arith.addi %add3A_766, %add3A_767 : i32
        %get3A_769 = arith.index_cast %add3A_766 : i32 to index
        %get3A_770 = arith.constant 0 : index
        %get3A_771 = tpu.vector_load %arg9[%get3A_769, %get3A_770] {strides = array<i32>} : memref<128x128xf32, #tpu.memory_space<vmem>>, vector<1x16xf32>,
        %get3A_772 = vector.shape_cast %get3A_771 : vector<1x16xf32> to vector<16xf32>
        %mul3A_773 = arith.mulf %gather3A_760, %get3A_772 : vector<16xf32>
        %add3A_774 = arith.addf %scan3A_750, %mul3A_773 : vector<16xf32>
        %get3A_775 = arith.index_cast %add3A_768 : i32 to index
        %get3A_776 = arith.constant 0 : index
        %get3A_777 = tpu.vector_load %arg9[%get3A_775, %get3A_776] {strides = array<i32>} : memref<128x128xf32, #tpu.memory_space<vmem>>, vector<1x16xf32>,
        %get3A_778 = vector.shape_cast %get3A_777 : vector<1x16xf32> to vector<16xf32>
        %mul3A_779 = arith.mulf %gather3A_764, %get3A_778 : vector<16xf32>
        %add3A_780 = arith.addf %add3A_774, %mul3A_779 : vector<16xf32>
        %get3A_781 = arith.index_cast %add3A_766 : i32 to index
        %get3A_782 = arith.constant 16 : index
        %get3A_783 = tpu.vector_load %arg9[%get3A_781, %get3A_782] {strides = array<i32>} : memref<128x128xf32, #tpu.memory_space<vmem>>, vector<1x16xf32>,
        %get3A_784 = vector.shape_cast %get3A_783 : vector<1x16xf32> to vector<16xf32>
        %mul3A_785 = arith.mulf %gather3A_760, %get3A_784 : vector<16xf32>
        %add3A_786 = arith.addf %scan3A_751, %mul3A_785 : vector<16xf32>
        %get3A_787 = arith.index_cast %add3A_768 : i32 to index
        %get3A_788 = arith.constant 16 : index
        %get3A_789 = tpu.vector_load %arg9[%get3A_787, %get3A_788] {strides = array<i32>} : memref<128x128xf32, #tpu.memory_space<vmem>>, vector<1x16xf32>,
        %get3A_790 = vector.shape_cast %get3A_789 : vector<1x16xf32> to vector<16xf32>
        %mul3A_791 = arith.mulf %gather3A_764, %get3A_790 : vector<16xf32>
        %add3A_792 = arith.addf %add3A_786, %mul3A_791 : vector<16xf32>
        %get3A_793 = arith.index_cast %add3A_766 : i32 to index
        %get3A_794 = arith.constant 32 : index
        %get3A_795 = tpu.vector_load %arg9[%get3A_793, %get3A_794] {strides = array<i32>} : memref<128x128xf32, #tpu.memory_space<vmem>>, vector<1x16xf32>,
        %get3A_796 = vector.shape_cast %get3A_795 : vector<1x16xf32> to vector<16xf32>
        %mul3A_797 = arith.mulf %gather3A_760, %get3A_796 : vector<16xf32>
        %add3A_798 = arith.addf %scan3A_752, %mul3A_797 : vector<16xf32>
        %get3A_799 = arith.index_cast %add3A_768 : i32 to index
        %get3A_800 = arith.constant 32 : index
        %get3A_801 = tpu.vector_load %arg9[%get3A_799, %get3A_800] {strides = array<i32>} : memref<128x128xf32, #tpu.memory_space<vmem>>, vector<1x16xf32>,
        %get3A_802 = vector.shape_cast %get3A_801 : vector<1x16xf32> to vector<16xf32>
        %mul3A_803 = arith.mulf %gather3A_764, %get3A_802 : vector<16xf32>
        %add3A_804 = arith.addf %add3A_798, %mul3A_803 : vector<16xf32>
        %get3A_805 = arith.index_cast %add3A_766 : i32 to index
        %get3A_806 = arith.constant 48 : index
        %get3A_807 = tpu.vector_load %arg9[%get3A_805, %get3A_806] {strides = array<i32>} : memref<128x128xf32, #tpu.memory_space<vmem>>, vector<1x16xf32>,
        %get3A_808 = vector.shape_cast %get3A_807 : vector<1x16xf32> to vector<16xf32>
        %mul3A_809 = arith.mulf %gather3A_760, %get3A_808 : vector<16xf32>
        %add3A_810 = arith.addf %scan3A_753, %mul3A_809 : vector<16xf32>
        %get3A_811 = arith.index_cast %add3A_768 : i32 to index
        %get3A_812 = arith.constant 48 : index
        %get3A_813 = tpu.vector_load %arg9[%get3A_811, %get3A_812] {strides = array<i32>} : memref<128x128xf32, #tpu.memory_space<vmem>>, vector<1x16xf32>,
        %get3A_814 = vector.shape_cast %get3A_813 : vector<1x16xf32> to vector<16xf32>
        %mul3A_815 = arith.mulf %gather3A_764, %get3A_814 : vector<16xf32>
        %add3A_816 = arith.addf %add3A_810, %mul3A_815 : vector<16xf32>
        %get3A_817 = arith.index_cast %add3A_766 : i32 to index
        %get3A_818 = arith.constant 64 : index
        %get3A_819 = tpu.vector_load %arg9[%get3A_817, %get3A_818] {strides = array<i32>} : memref<128x128xf32, #tpu.memory_space<vmem>>, vector<1x16xf32>,
        %get3A_820 = vector.shape_cast %get3A_819 : vector<1x16xf32> to vector<16xf32>
        %mul3A_821 = arith.mulf %gather3A_760, %get3A_820 : vector<16xf32>
        %add3A_822 = arith.addf %scan3A_754, %mul3A_821 : vector<16xf32>
        %get3A_823 = arith.index_cast %add3A_768 : i32 to index
        %get3A_824 = arith.constant 64 : index
        %get3A_825 = tpu.vector_load %arg9[%get3A_823, %get3A_824] {strides = array<i32>} : memref<128x128xf32, #tpu.memory_space<vmem>>, vector<1x16xf32>,
        %get3A_826 = vector.shape_cast %get3A_825 : vector<1x16xf32> to vector<16xf32>
        %mul3A_827 = arith.mulf %gather3A_764, %get3A_826 : vector<16xf32>
        %add3A_828 = arith.addf %add3A_822, %mul3A_827 : vector<16xf32>
        %get3A_829 = arith.index_cast %add3A_766 : i32 to index
        %get3A_830 = arith.constant 80 : index
        %get3A_831 = tpu.vector_load %arg9[%get3A_829, %get3A_830] {strides = array<i32>} : memref<128x128xf32, #tpu.memory_space<vmem>>, vector<1x16xf32>,
        %get3A_832 = vector.shape_cast %get3A_831 : vector<1x16xf32> to vector<16xf32>
        %mul3A_833 = arith.mulf %gather3A_760, %get3A_832 : vector<16xf32>
        %add3A_834 = arith.addf %scan3A_755, %mul3A_833 : vector<16xf32>
        %get3A_835 = arith.index_cast %add3A_768 : i32 to index
        %get3A_836 = arith.constant 80 : index
        %get3A_837 = tpu.vector_load %arg9[%get3A_835, %get3A_836] {strides = array<i32>} : memref<128x128xf32, #tpu.memory_space<vmem>>, vector<1x16xf32>,
        %get3A_838 = vector.shape_cast %get3A_837 : vector<1x16xf32> to vector<16xf32>
        %mul3A_839 = arith.mulf %gather3A_764, %get3A_838 : vector<16xf32>
        %add3A_840 = arith.addf %add3A_834, %mul3A_839 : vector<16xf32>
        %get3A_841 = arith.index_cast %add3A_766 : i32 to index
        %get3A_842 = arith.constant 96 : index
        %get3A_843 = tpu.vector_load %arg9[%get3A_841, %get3A_842] {strides = array<i32>} : memref<128x128xf32, #tpu.memory_space<vmem>>, vector<1x16xf32>,
        %get3A_844 = vector.shape_cast %get3A_843 : vector<1x16xf32> to vector<16xf32>
        %mul3A_845 = arith.mulf %gather3A_760, %get3A_844 : vector<16xf32>
        %add3A_846 = arith.addf %scan3A_756, %mul3A_845 : vector<16xf32>
        %get3A_847 = arith.index_cast %add3A_768 : i32 to index
        %get3A_848 = arith.constant 96 : index
        %get3A_849 = tpu.vector_load %arg9[%get3A_847, %get3A_848] {strides = array<i32>} : memref<128x128xf32, #tpu.memory_space<vmem>>, vector<1x16xf32>,
        %get3A_850 = vector.shape_cast %get3A_849 : vector<1x16xf32> to vector<16xf32>
        %mul3A_851 = arith.mulf %gather3A_764, %get3A_850 : vector<16xf32>
        %add3A_852 = arith.addf %add3A_846, %mul3A_851 : vector<16xf32>
        %get3A_853 = arith.index_cast %add3A_766 : i32 to index
        %get3A_854 = arith.constant 112 : index
        %get3A_855 = tpu.vector_load %arg9[%get3A_853, %get3A_854] {strides = array<i32>} : memref<128x128xf32, #tpu.memory_space<vmem>>, vector<1x16xf32>,
        %get3A_856 = vector.shape_cast %get3A_855 : vector<1x16xf32> to vector<16xf32>
        %mul3A_857 = arith.mulf %gather3A_760, %get3A_856 : vector<16xf32>
        %add3A_858 = arith.addf %scan3A_757, %mul3A_857 : vector<16xf32>
        %get3A_859 = arith.index_cast %add3A_768 : i32 to index
        %get3A_860 = arith.constant 112 : index
        %get3A_861 = tpu.vector_load %arg9[%get3A_859, %get3A_860] {strides = array<i32>} : memref<128x128xf32, #tpu.memory_space<vmem>>, vector<1x16xf32>,
        %get3A_862 = vector.shape_cast %get3A_861 : vector<1x16xf32> to vector<16xf32>
        %mul3A_863 = arith.mulf %gather3A_764, %get3A_862 : vector<16xf32>
        %add3A_864 = arith.addf %add3A_858, %mul3A_863 : vector<16xf32>
        scf.yield %add3A_780, %add3A_792, %add3A_804, %add3A_816, %add3A_828, %add3A_840, %add3A_852, %add3A_864 : vector<16xf32>, vector<16xf32>, vector<16xf32>, vector<16xf32>, vector<16xf32>, vector<16xf32>, vector<16xf32>, vector<16xf32>
      }
      %scan3A_540 = arith.constant 16 : i32
      %mul3A_541 = arith.constant 4 : i32
      %mul3A_542 = arith.muli %add3A_95, %mul3A_541 : i32
      %add3A_543 = arith.constant 1 : i32
      %add3A_544 = arith.addi %mul3A_542, %add3A_543 : i32
      %swap3A_545 = arith.index_cast %add3A_544 : i32 to index
      %swap3A_546 = arith.constant 0 : index
      %swap3A_547 = tpu.vector_load %arg10[%swap3A_545, %swap3A_546] {strides = array<i32>} : memref<320x128xf32, #tpu.memory_space<vmem>>, vector<1x16xf32>,
      %swap3A_548 = vector.shape_cast %swap3A_547 : vector<1x16xf32> to vector<16xf32>
      %swap3A_549 = vector.shape_cast %scan3A_539#0 : vector<16xf32> to vector<1x16xf32>
      tpu.vector_store %arg10[%swap3A_545, %swap3A_546], %swap3A_549 {strides = array<i32>} : memref<320x128xf32, #tpu.memory_space<vmem>>, vector<1x16xf32>,
      %swap3A_550 = arith.index_cast %add3A_544 : i32 to index
      %swap3A_551 = arith.constant 16 : index
      %swap3A_552 = tpu.vector_load %arg10[%swap3A_550, %swap3A_551] {strides = array<i32>} : memref<320x128xf32, #tpu.memory_space<vmem>>, vector<1x16xf32>,
      %swap3A_553 = vector.shape_cast %swap3A_552 : vector<1x16xf32> to vector<16xf32>
      %swap3A_554 = vector.shape_cast %scan3A_539#1 : vector<16xf32> to vector<1x16xf32>
      tpu.vector_store %arg10[%swap3A_550, %swap3A_551], %swap3A_554 {strides = array<i32>} : memref<320x128xf32, #tpu.memory_space<vmem>>, vector<1x16xf32>,
      %swap3A_555 = arith.index_cast %add3A_544 : i32 to index
      %swap3A_556 = arith.constant 32 : index
      %swap3A_557 = tpu.vector_load %arg10[%swap3A_555, %swap3A_556] {strides = array<i32>} : memref<320x128xf32, #tpu.memory_space<vmem>>, vector<1x16xf32>,
      %swap3A_558 = vector.shape_cast %swap3A_557 : vector<1x16xf32> to vector<16xf32>
      %swap3A_559 = vector.shape_cast %scan3A_539#2 : vector<16xf32> to vector<1x16xf32>
      tpu.vector_store %arg10[%swap3A_555, %swap3A_556], %swap3A_559 {strides = array<i32>} : memref<320x128xf32, #tpu.memory_space<vmem>>, vector<1x16xf32>,
      %swap3A_560 = arith.index_cast %add3A_544 : i32 to index
      %swap3A_561 = arith.constant 48 : index
      %swap3A_562 = tpu.vector_load %arg10[%swap3A_560, %swap3A_561] {strides = array<i32>} : memref<320x128xf32, #tpu.memory_space<vmem>>, vector<1x16xf32>,
      %swap3A_563 = vector.shape_cast %swap3A_562 : vector<1x16xf32> to vector<16xf32>
      %swap3A_564 = vector.shape_cast %scan3A_539#3 : vector<16xf32> to vector<1x16xf32>
      tpu.vector_store %arg10[%swap3A_560, %swap3A_561], %swap3A_564 {strides = array<i32>} : memref<320x128xf32, #tpu.memory_space<vmem>>, vector<1x16xf32>,
      %swap3A_565 = arith.index_cast %add3A_544 : i32 to index
      %swap3A_566 = arith.constant 64 : index
      %swap3A_567 = tpu.vector_load %arg10[%swap3A_565, %swap3A_566] {strides = array<i32>} : memref<320x128xf32, #tpu.memory_space<vmem>>, vector<1x16xf32>,
      %swap3A_568 = vector.shape_cast %swap3A_567 : vector<1x16xf32> to vector<16xf32>
      %swap3A_569 = vector.shape_cast %scan3A_539#4 : vector<16xf32> to vector<1x16xf32>
      tpu.vector_store %arg10[%swap3A_565, %swap3A_566], %swap3A_569 {strides = array<i32>} : memref<320x128xf32, #tpu.memory_space<vmem>>, vector<1x16xf32>,
      %swap3A_570 = arith.index_cast %add3A_544 : i32 to index
      %swap3A_571 = arith.constant 80 : index
      %swap3A_572 = tpu.vector_load %arg10[%swap3A_570, %swap3A_571] {strides = array<i32>} : memref<320x128xf32, #tpu.memory_space<vmem>>, vector<1x16xf32>,
      %swap3A_573 = vector.shape_cast %swap3A_572 : vector<1x16xf32> to vector<16xf32>
      %swap3A_574 = vector.shape_cast %scan3A_539#5 : vector<16xf32> to vector<1x16xf32>
      tpu.vector_store %arg10[%swap3A_570, %swap3A_571], %swap3A_574 {strides = array<i32>} : memref<320x128xf32, #tpu.memory_space<vmem>>, vector<1x16xf32>,
      %swap3A_575 = arith.index_cast %add3A_544 : i32 to index
      %swap3A_576 = arith.constant 96 : index
      %swap3A_577 = tpu.vector_load %arg10[%swap3A_575, %swap3A_576] {strides = array<i32>} : memref<320x128xf32, #tpu.memory_space<vmem>>, vector<1x16xf32>,
      %swap3A_578 = vector.shape_cast %swap3A_577 : vector<1x16xf32> to vector<16xf32>
      %swap3A_579 = vector.shape_cast %scan3A_539#6 : vector<16xf32> to vector<1x16xf32>
      tpu.vector_store %arg10[%swap3A_575, %swap3A_576], %swap3A_579 {strides = array<i32>} : memref<320x128xf32, #tpu.memory_space<vmem>>, vector<1x16xf32>,
      %swap3A_580 = arith.index_cast %add3A_544 : i32 to index
      %swap3A_581 = arith.constant 112 : index
      %swap3A_582 = tpu.vector_load %arg10[%swap3A_580, %swap3A_581] {strides = array<i32>} : memref<320x128xf32, #tpu.memory_space<vmem>>, vector<1x16xf32>,
      %swap3A_583 = vector.shape_cast %swap3A_582 : vector<1x16xf32> to vector<16xf32>
      %swap3A_584 = vector.shape_cast %scan3A_539#7 : vector<16xf32> to vector<1x16xf32>
      tpu.vector_store %arg10[%swap3A_580, %swap3A_581], %swap3A_584 {strides = array<i32>} : memref<320x128xf32, #tpu.memory_space<vmem>>, vector<1x16xf32>,
      %mul3A_585 = arith.constant 128 : i32
      %mul3A_586 = arith.muli %add3A_95, %mul3A_585 : i32
      %add3A_587 = arith.constant 64 : i32
      %add3A_588 = arith.addi %mul3A_586, %add3A_587 : i32
      %multiple_of3A_589 = tpu.assume_multiple %add3A_588, 32 : i32
      %get3A_590 = arith.index_cast %multiple_of3A_589 : i32 to index
      %get3A_591 = tpu.vector_load %arg7[%get3A_590] {strides = array<i32>} : memref<10240xf32, #tpu.memory_space<vmem>>, vector<16xf32>,
      %get3A_592 = vector.shape_cast %get3A_591 : vector<16xf32> to vector<16xf32>
      %add3A_593 = arith.constant 16 : i32
      %add3A_594 = arith.addi %multiple_of3A_589, %add3A_593 : i32
      %get3A_595 = arith.index_cast %add3A_594 : i32 to index
      %get3A_596 = tpu.vector_load %arg7[%get3A_595] {strides = array<i32>} : memref<10240xf32, #tpu.memory_space<vmem>>, vector<16xf32>,
      %get3A_597 = vector.shape_cast %get3A_596 : vector<16xf32> to vector<16xf32>
      %broadcast_in_dim3A_598 = arith.constant 0.000000e+00 : f32
      %broadcast_in_dim3A_599 = vector.broadcast %broadcast_in_dim3A_598 : f32 to vector<16xf32>
      %broadcast_in_dim3A_600 = arith.constant 0.000000e+00 : f32
      %broadcast_in_dim3A_601 = vector.broadcast %broadcast_in_dim3A_600 : f32 to vector<16xf32>
      %broadcast_in_dim3A_602 = arith.constant 0.000000e+00 : f32
      %broadcast_in_dim3A_603 = vector.broadcast %broadcast_in_dim3A_602 : f32 to vector<16xf32>
      %broadcast_in_dim3A_604 = arith.constant 0.000000e+00 : f32
      %broadcast_in_dim3A_605 = vector.broadcast %broadcast_in_dim3A_604 : f32 to vector<16xf32>
      %broadcast_in_dim3A_606 = arith.constant 0.000000e+00 : f32
      %broadcast_in_dim3A_607 = vector.broadcast %broadcast_in_dim3A_606 : f32 to vector<16xf32>
      %broadcast_in_dim3A_608 = arith.constant 0.000000e+00 : f32
      %broadcast_in_dim3A_609 = vector.broadcast %broadcast_in_dim3A_608 : f32 to vector<16xf32>
      %broadcast_in_dim3A_610 = arith.constant 0.000000e+00 : f32
      %broadcast_in_dim3A_611 = vector.broadcast %broadcast_in_dim3A_610 : f32 to vector<16xf32>
      %broadcast_in_dim3A_612 = arith.constant 0.000000e+00 : f32
      %broadcast_in_dim3A_613 = vector.broadcast %broadcast_in_dim3A_612 : f32 to vector<16xf32>
      %scan3A_614 = arith.constant 0 : i32
      %scan3A_615 = arith.constant 16 : i32
      %scan3A_616 = arith.addi %scan3A_614, %scan3A_615 : i32
      %scan3A_617 = arith.constant 1 : i32
      %scan3A_618:8 = scf.for %scan3A_749 = %scan3A_614 to %scan3A_616 step %scan3A_617 iter_args(%scan3A_750 = %broadcast_in_dim3A_599, %scan3A_751 = %broadcast_in_dim3A_601, %scan3A_752 = %broadcast_in_dim3A_603, %scan3A_753 = %broadcast_in_dim3A_605, %scan3A_754 = %broadcast_in_dim3A_607, %scan3A_755 = %broadcast_in_dim3A_609, %scan3A_756 = %broadcast_in_dim3A_611, %scan3A_757 = %broadcast_in_dim3A_613) -> (vector<16xf32>, vector<16xf32>, vector<16xf32>, vector<16xf32>, vector<16xf32>, vector<16xf32>, vector<16xf32>, vector<16xf32>)  : i32 {
        %broadcast_in_dim3A_758 = vector.broadcast %scan3A_749 : i32 to vector<16xi32>
        %broadcast_in_dim3A_759 = vector.shape_cast %broadcast_in_dim3A_758 : vector<16xi32> to vector<16x1xi32>
        %gather3A = vector.shape_cast %broadcast_in_dim3A_759 : vector<16x1xi32> to vector<16xi32>
        %gather3A_760 = tpu.dynamic_gather %get3A_592[%gather3A] in [0] : vector<16xf32>, vector<16xi32> -> vector<16xf32>
        %broadcast_in_dim3A_761 = vector.broadcast %scan3A_749 : i32 to vector<16xi32>
        %broadcast_in_dim3A_762 = vector.shape_cast %broadcast_in_dim3A_761 : vector<16xi32> to vector<16x1xi32>
        %gather3A_763 = vector.shape_cast %broadcast_in_dim3A_762 : vector<16x1xi32> to vector<16xi32>
        %gather3A_764 = tpu.dynamic_gather %get3A_597[%gather3A_763] in [0] : vector<16xf32>, vector<16xi32> -> vector<16xf32>
        %add3A_765 = arith.constant 64 : i32
        %add3A_766 = arith.addi %add3A_765, %scan3A_749 : i32
        %add3A_767 = arith.constant 16 : i32
        %add3A_768 = arith.addi %add3A_766, %add3A_767 : i32
        %get3A_769 = arith.index_cast %add3A_766 : i32 to index
        %get3A_770 = arith.constant 0 : index
        %get3A_771 = tpu.vector_load %arg9[%get3A_769, %get3A_770] {strides = array<i32>} : memref<128x128xf32, #tpu.memory_space<vmem>>, vector<1x16xf32>,
        %get3A_772 = vector.shape_cast %get3A_771 : vector<1x16xf32> to vector<16xf32>
        %mul3A_773 = arith.mulf %gather3A_760, %get3A_772 : vector<16xf32>
        %add3A_774 = arith.addf %scan3A_750, %mul3A_773 : vector<16xf32>
        %get3A_775 = arith.index_cast %add3A_768 : i32 to index
        %get3A_776 = arith.constant 0 : index
        %get3A_777 = tpu.vector_load %arg9[%get3A_775, %get3A_776] {strides = array<i32>} : memref<128x128xf32, #tpu.memory_space<vmem>>, vector<1x16xf32>,
        %get3A_778 = vector.shape_cast %get3A_777 : vector<1x16xf32> to vector<16xf32>
        %mul3A_779 = arith.mulf %gather3A_764, %get3A_778 : vector<16xf32>
        %add3A_780 = arith.addf %add3A_774, %mul3A_779 : vector<16xf32>
        %get3A_781 = arith.index_cast %add3A_766 : i32 to index
        %get3A_782 = arith.constant 16 : index
        %get3A_783 = tpu.vector_load %arg9[%get3A_781, %get3A_782] {strides = array<i32>} : memref<128x128xf32, #tpu.memory_space<vmem>>, vector<1x16xf32>,
        %get3A_784 = vector.shape_cast %get3A_783 : vector<1x16xf32> to vector<16xf32>
        %mul3A_785 = arith.mulf %gather3A_760, %get3A_784 : vector<16xf32>
        %add3A_786 = arith.addf %scan3A_751, %mul3A_785 : vector<16xf32>
        %get3A_787 = arith.index_cast %add3A_768 : i32 to index
        %get3A_788 = arith.constant 16 : index
        %get3A_789 = tpu.vector_load %arg9[%get3A_787, %get3A_788] {strides = array<i32>} : memref<128x128xf32, #tpu.memory_space<vmem>>, vector<1x16xf32>,
        %get3A_790 = vector.shape_cast %get3A_789 : vector<1x16xf32> to vector<16xf32>
        %mul3A_791 = arith.mulf %gather3A_764, %get3A_790 : vector<16xf32>
        %add3A_792 = arith.addf %add3A_786, %mul3A_791 : vector<16xf32>
        %get3A_793 = arith.index_cast %add3A_766 : i32 to index
        %get3A_794 = arith.constant 32 : index
        %get3A_795 = tpu.vector_load %arg9[%get3A_793, %get3A_794] {strides = array<i32>} : memref<128x128xf32, #tpu.memory_space<vmem>>, vector<1x16xf32>,
        %get3A_796 = vector.shape_cast %get3A_795 : vector<1x16xf32> to vector<16xf32>
        %mul3A_797 = arith.mulf %gather3A_760, %get3A_796 : vector<16xf32>
        %add3A_798 = arith.addf %scan3A_752, %mul3A_797 : vector<16xf32>
        %get3A_799 = arith.index_cast %add3A_768 : i32 to index
        %get3A_800 = arith.constant 32 : index
        %get3A_801 = tpu.vector_load %arg9[%get3A_799, %get3A_800] {strides = array<i32>} : memref<128x128xf32, #tpu.memory_space<vmem>>, vector<1x16xf32>,
        %get3A_802 = vector.shape_cast %get3A_801 : vector<1x16xf32> to vector<16xf32>
        %mul3A_803 = arith.mulf %gather3A_764, %get3A_802 : vector<16xf32>
        %add3A_804 = arith.addf %add3A_798, %mul3A_803 : vector<16xf32>
        %get3A_805 = arith.index_cast %add3A_766 : i32 to index
        %get3A_806 = arith.constant 48 : index
        %get3A_807 = tpu.vector_load %arg9[%get3A_805, %get3A_806] {strides = array<i32>} : memref<128x128xf32, #tpu.memory_space<vmem>>, vector<1x16xf32>,
        %get3A_808 = vector.shape_cast %get3A_807 : vector<1x16xf32> to vector<16xf32>
        %mul3A_809 = arith.mulf %gather3A_760, %get3A_808 : vector<16xf32>
        %add3A_810 = arith.addf %scan3A_753, %mul3A_809 : vector<16xf32>
        %get3A_811 = arith.index_cast %add3A_768 : i32 to index
        %get3A_812 = arith.constant 48 : index
        %get3A_813 = tpu.vector_load %arg9[%get3A_811, %get3A_812] {strides = array<i32>} : memref<128x128xf32, #tpu.memory_space<vmem>>, vector<1x16xf32>,
        %get3A_814 = vector.shape_cast %get3A_813 : vector<1x16xf32> to vector<16xf32>
        %mul3A_815 = arith.mulf %gather3A_764, %get3A_814 : vector<16xf32>
        %add3A_816 = arith.addf %add3A_810, %mul3A_815 : vector<16xf32>
        %get3A_817 = arith.index_cast %add3A_766 : i32 to index
        %get3A_818 = arith.constant 64 : index
        %get3A_819 = tpu.vector_load %arg9[%get3A_817, %get3A_818] {strides = array<i32>} : memref<128x128xf32, #tpu.memory_space<vmem>>, vector<1x16xf32>,
        %get3A_820 = vector.shape_cast %get3A_819 : vector<1x16xf32> to vector<16xf32>
        %mul3A_821 = arith.mulf %gather3A_760, %get3A_820 : vector<16xf32>
        %add3A_822 = arith.addf %scan3A_754, %mul3A_821 : vector<16xf32>
        %get3A_823 = arith.index_cast %add3A_768 : i32 to index
        %get3A_824 = arith.constant 64 : index
        %get3A_825 = tpu.vector_load %arg9[%get3A_823, %get3A_824] {strides = array<i32>} : memref<128x128xf32, #tpu.memory_space<vmem>>, vector<1x16xf32>,
        %get3A_826 = vector.shape_cast %get3A_825 : vector<1x16xf32> to vector<16xf32>
        %mul3A_827 = arith.mulf %gather3A_764, %get3A_826 : vector<16xf32>
        %add3A_828 = arith.addf %add3A_822, %mul3A_827 : vector<16xf32>
        %get3A_829 = arith.index_cast %add3A_766 : i32 to index
        %get3A_830 = arith.constant 80 : index
        %get3A_831 = tpu.vector_load %arg9[%get3A_829, %get3A_830] {strides = array<i32>} : memref<128x128xf32, #tpu.memory_space<vmem>>, vector<1x16xf32>,
        %get3A_832 = vector.shape_cast %get3A_831 : vector<1x16xf32> to vector<16xf32>
        %mul3A_833 = arith.mulf %gather3A_760, %get3A_832 : vector<16xf32>
        %add3A_834 = arith.addf %scan3A_755, %mul3A_833 : vector<16xf32>
        %get3A_835 = arith.index_cast %add3A_768 : i32 to index
        %get3A_836 = arith.constant 80 : index
        %get3A_837 = tpu.vector_load %arg9[%get3A_835, %get3A_836] {strides = array<i32>} : memref<128x128xf32, #tpu.memory_space<vmem>>, vector<1x16xf32>,
        %get3A_838 = vector.shape_cast %get3A_837 : vector<1x16xf32> to vector<16xf32>
        %mul3A_839 = arith.mulf %gather3A_764, %get3A_838 : vector<16xf32>
        %add3A_840 = arith.addf %add3A_834, %mul3A_839 : vector<16xf32>
        %get3A_841 = arith.index_cast %add3A_766 : i32 to index
        %get3A_842 = arith.constant 96 : index
        %get3A_843 = tpu.vector_load %arg9[%get3A_841, %get3A_842] {strides = array<i32>} : memref<128x128xf32, #tpu.memory_space<vmem>>, vector<1x16xf32>,
        %get3A_844 = vector.shape_cast %get3A_843 : vector<1x16xf32> to vector<16xf32>
        %mul3A_845 = arith.mulf %gather3A_760, %get3A_844 : vector<16xf32>
        %add3A_846 = arith.addf %scan3A_756, %mul3A_845 : vector<16xf32>
        %get3A_847 = arith.index_cast %add3A_768 : i32 to index
        %get3A_848 = arith.constant 96 : index
        %get3A_849 = tpu.vector_load %arg9[%get3A_847, %get3A_848] {strides = array<i32>} : memref<128x128xf32, #tpu.memory_space<vmem>>, vector<1x16xf32>,
        %get3A_850 = vector.shape_cast %get3A_849 : vector<1x16xf32> to vector<16xf32>
        %mul3A_851 = arith.mulf %gather3A_764, %get3A_850 : vector<16xf32>
        %add3A_852 = arith.addf %add3A_846, %mul3A_851 : vector<16xf32>
        %get3A_853 = arith.index_cast %add3A_766 : i32 to index
        %get3A_854 = arith.constant 112 : index
        %get3A_855 = tpu.vector_load %arg9[%get3A_853, %get3A_854] {strides = array<i32>} : memref<128x128xf32, #tpu.memory_space<vmem>>, vector<1x16xf32>,
        %get3A_856 = vector.shape_cast %get3A_855 : vector<1x16xf32> to vector<16xf32>
        %mul3A_857 = arith.mulf %gather3A_760, %get3A_856 : vector<16xf32>
        %add3A_858 = arith.addf %scan3A_757, %mul3A_857 : vector<16xf32>
        %get3A_859 = arith.index_cast %add3A_768 : i32 to index
        %get3A_860 = arith.constant 112 : index
        %get3A_861 = tpu.vector_load %arg9[%get3A_859, %get3A_860] {strides = array<i32>} : memref<128x128xf32, #tpu.memory_space<vmem>>, vector<1x16xf32>,
        %get3A_862 = vector.shape_cast %get3A_861 : vector<1x16xf32> to vector<16xf32>
        %mul3A_863 = arith.mulf %gather3A_764, %get3A_862 : vector<16xf32>
        %add3A_864 = arith.addf %add3A_858, %mul3A_863 : vector<16xf32>
        scf.yield %add3A_780, %add3A_792, %add3A_804, %add3A_816, %add3A_828, %add3A_840, %add3A_852, %add3A_864 : vector<16xf32>, vector<16xf32>, vector<16xf32>, vector<16xf32>, vector<16xf32>, vector<16xf32>, vector<16xf32>, vector<16xf32>
      }
      %scan3A_619 = arith.constant 16 : i32
      %mul3A_620 = arith.constant 4 : i32
      %mul3A_621 = arith.muli %add3A_95, %mul3A_620 : i32
      %add3A_622 = arith.constant 2 : i32
      %add3A_623 = arith.addi %mul3A_621, %add3A_622 : i32
      %swap3A_624 = arith.index_cast %add3A_623 : i32 to index
      %swap3A_625 = arith.constant 0 : index
      %swap3A_626 = tpu.vector_load %arg10[%swap3A_624, %swap3A_625] {strides = array<i32>} : memref<320x128xf32, #tpu.memory_space<vmem>>, vector<1x16xf32>,
      %swap3A_627 = vector.shape_cast %swap3A_626 : vector<1x16xf32> to vector<16xf32>
      %swap3A_628 = vector.shape_cast %scan3A_618#0 : vector<16xf32> to vector<1x16xf32>
      tpu.vector_store %arg10[%swap3A_624, %swap3A_625], %swap3A_628 {strides = array<i32>} : memref<320x128xf32, #tpu.memory_space<vmem>>, vector<1x16xf32>,
      %swap3A_629 = arith.index_cast %add3A_623 : i32 to index
      %swap3A_630 = arith.constant 16 : index
      %swap3A_631 = tpu.vector_load %arg10[%swap3A_629, %swap3A_630] {strides = array<i32>} : memref<320x128xf32, #tpu.memory_space<vmem>>, vector<1x16xf32>,
      %swap3A_632 = vector.shape_cast %swap3A_631 : vector<1x16xf32> to vector<16xf32>
      %swap3A_633 = vector.shape_cast %scan3A_618#1 : vector<16xf32> to vector<1x16xf32>
      tpu.vector_store %arg10[%swap3A_629, %swap3A_630], %swap3A_633 {strides = array<i32>} : memref<320x128xf32, #tpu.memory_space<vmem>>, vector<1x16xf32>,
      %swap3A_634 = arith.index_cast %add3A_623 : i32 to index
      %swap3A_635 = arith.constant 32 : index
      %swap3A_636 = tpu.vector_load %arg10[%swap3A_634, %swap3A_635] {strides = array<i32>} : memref<320x128xf32, #tpu.memory_space<vmem>>, vector<1x16xf32>,
      %swap3A_637 = vector.shape_cast %swap3A_636 : vector<1x16xf32> to vector<16xf32>
      %swap3A_638 = vector.shape_cast %scan3A_618#2 : vector<16xf32> to vector<1x16xf32>
      tpu.vector_store %arg10[%swap3A_634, %swap3A_635], %swap3A_638 {strides = array<i32>} : memref<320x128xf32, #tpu.memory_space<vmem>>, vector<1x16xf32>,
      %swap3A_639 = arith.index_cast %add3A_623 : i32 to index
      %swap3A_640 = arith.constant 48 : index
      %swap3A_641 = tpu.vector_load %arg10[%swap3A_639, %swap3A_640] {strides = array<i32>} : memref<320x128xf32, #tpu.memory_space<vmem>>, vector<1x16xf32>,
      %swap3A_642 = vector.shape_cast %swap3A_641 : vector<1x16xf32> to vector<16xf32>
      %swap3A_643 = vector.shape_cast %scan3A_618#3 : vector<16xf32> to vector<1x16xf32>
      tpu.vector_store %arg10[%swap3A_639, %swap3A_640], %swap3A_643 {strides = array<i32>} : memref<320x128xf32, #tpu.memory_space<vmem>>, vector<1x16xf32>,
      %swap3A_644 = arith.index_cast %add3A_623 : i32 to index
      %swap3A_645 = arith.constant 64 : index
      %swap3A_646 = tpu.vector_load %arg10[%swap3A_644, %swap3A_645] {strides = array<i32>} : memref<320x128xf32, #tpu.memory_space<vmem>>, vector<1x16xf32>,
      %swap3A_647 = vector.shape_cast %swap3A_646 : vector<1x16xf32> to vector<16xf32>
      %swap3A_648 = vector.shape_cast %scan3A_618#4 : vector<16xf32> to vector<1x16xf32>
      tpu.vector_store %arg10[%swap3A_644, %swap3A_645], %swap3A_648 {strides = array<i32>} : memref<320x128xf32, #tpu.memory_space<vmem>>, vector<1x16xf32>,
      %swap3A_649 = arith.index_cast %add3A_623 : i32 to index
      %swap3A_650 = arith.constant 80 : index
      %swap3A_651 = tpu.vector_load %arg10[%swap3A_649, %swap3A_650] {strides = array<i32>} : memref<320x128xf32, #tpu.memory_space<vmem>>, vector<1x16xf32>,
      %swap3A_652 = vector.shape_cast %swap3A_651 : vector<1x16xf32> to vector<16xf32>
      %swap3A_653 = vector.shape_cast %scan3A_618#5 : vector<16xf32> to vector<1x16xf32>
      tpu.vector_store %arg10[%swap3A_649, %swap3A_650], %swap3A_653 {strides = array<i32>} : memref<320x128xf32, #tpu.memory_space<vmem>>, vector<1x16xf32>,
      %swap3A_654 = arith.index_cast %add3A_623 : i32 to index
      %swap3A_655 = arith.constant 96 : index
      %swap3A_656 = tpu.vector_load %arg10[%swap3A_654, %swap3A_655] {strides = array<i32>} : memref<320x128xf32, #tpu.memory_space<vmem>>, vector<1x16xf32>,
      %swap3A_657 = vector.shape_cast %swap3A_656 : vector<1x16xf32> to vector<16xf32>
      %swap3A_658 = vector.shape_cast %scan3A_618#6 : vector<16xf32> to vector<1x16xf32>
      tpu.vector_store %arg10[%swap3A_654, %swap3A_655], %swap3A_658 {strides = array<i32>} : memref<320x128xf32, #tpu.memory_space<vmem>>, vector<1x16xf32>,
      %swap3A_659 = arith.index_cast %add3A_623 : i32 to index
      %swap3A_660 = arith.constant 112 : index
      %swap3A_661 = tpu.vector_load %arg10[%swap3A_659, %swap3A_660] {strides = array<i32>} : memref<320x128xf32, #tpu.memory_space<vmem>>, vector<1x16xf32>,
      %swap3A_662 = vector.shape_cast %swap3A_661 : vector<1x16xf32> to vector<16xf32>
      %swap3A_663 = vector.shape_cast %scan3A_618#7 : vector<16xf32> to vector<1x16xf32>
      tpu.vector_store %arg10[%swap3A_659, %swap3A_660], %swap3A_663 {strides = array<i32>} : memref<320x128xf32, #tpu.memory_space<vmem>>, vector<1x16xf32>,
      %mul3A_664 = arith.constant 128 : i32
      %mul3A_665 = arith.muli %add3A_95, %mul3A_664 : i32
      %add3A_666 = arith.constant 96 : i32
      %add3A_667 = arith.addi %mul3A_665, %add3A_666 : i32
      %multiple_of3A_668 = tpu.assume_multiple %add3A_667, 32 : i32
      %get3A_669 = arith.index_cast %multiple_of3A_668 : i32 to index
      %get3A_670 = tpu.vector_load %arg7[%get3A_669] {strides = array<i32>} : memref<10240xf32, #tpu.memory_space<vmem>>, vector<16xf32>,
      %get3A_671 = vector.shape_cast %get3A_670 : vector<16xf32> to vector<16xf32>
      %add3A_672 = arith.constant 16 : i32
      %add3A_673 = arith.addi %multiple_of3A_668, %add3A_672 : i32
      %get3A_674 = arith.index_cast %add3A_673 : i32 to index
      %get3A_675 = tpu.vector_load %arg7[%get3A_674] {strides = array<i32>} : memref<10240xf32, #tpu.memory_space<vmem>>, vector<16xf32>,
      %get3A_676 = vector.shape_cast %get3A_675 : vector<16xf32> to vector<16xf32>
      %broadcast_in_dim3A_677 = arith.constant 0.000000e+00 : f32
      %broadcast_in_dim3A_678 = vector.broadcast %broadcast_in_dim3A_677 : f32 to vector<16xf32>
      %broadcast_in_dim3A_679 = arith.constant 0.000000e+00 : f32
      %broadcast_in_dim3A_680 = vector.broadcast %broadcast_in_dim3A_679 : f32 to vector<16xf32>
      %broadcast_in_dim3A_681 = arith.constant 0.000000e+00 : f32
      %broadcast_in_dim3A_682 = vector.broadcast %broadcast_in_dim3A_681 : f32 to vector<16xf32>
      %broadcast_in_dim3A_683 = arith.constant 0.000000e+00 : f32
      %broadcast_in_dim3A_684 = vector.broadcast %broadcast_in_dim3A_683 : f32 to vector<16xf32>
      %broadcast_in_dim3A_685 = arith.constant 0.000000e+00 : f32
      %broadcast_in_dim3A_686 = vector.broadcast %broadcast_in_dim3A_685 : f32 to vector<16xf32>
      %broadcast_in_dim3A_687 = arith.constant 0.000000e+00 : f32
      %broadcast_in_dim3A_688 = vector.broadcast %broadcast_in_dim3A_687 : f32 to vector<16xf32>
      %broadcast_in_dim3A_689 = arith.constant 0.000000e+00 : f32
      %broadcast_in_dim3A_690 = vector.broadcast %broadcast_in_dim3A_689 : f32 to vector<16xf32>
      %broadcast_in_dim3A_691 = arith.constant 0.000000e+00 : f32
      %broadcast_in_dim3A_692 = vector.broadcast %broadcast_in_dim3A_691 : f32 to vector<16xf32>
      %scan3A_693 = arith.constant 0 : i32
      %scan3A_694 = arith.constant 16 : i32
      %scan3A_695 = arith.addi %scan3A_693, %scan3A_694 : i32
      %scan3A_696 = arith.constant 1 : i32
      %scan3A_697:8 = scf.for %scan3A_749 = %scan3A_693 to %scan3A_695 step %scan3A_696 iter_args(%scan3A_750 = %broadcast_in_dim3A_678, %scan3A_751 = %broadcast_in_dim3A_680, %scan3A_752 = %broadcast_in_dim3A_682, %scan3A_753 = %broadcast_in_dim3A_684, %scan3A_754 = %broadcast_in_dim3A_686, %scan3A_755 = %broadcast_in_dim3A_688, %scan3A_756 = %broadcast_in_dim3A_690, %scan3A_757 = %broadcast_in_dim3A_692) -> (vector<16xf32>, vector<16xf32>, vector<16xf32>, vector<16xf32>, vector<16xf32>, vector<16xf32>, vector<16xf32>, vector<16xf32>)  : i32 {
        %broadcast_in_dim3A_758 = vector.broadcast %scan3A_749 : i32 to vector<16xi32>
        %broadcast_in_dim3A_759 = vector.shape_cast %broadcast_in_dim3A_758 : vector<16xi32> to vector<16x1xi32>
        %gather3A = vector.shape_cast %broadcast_in_dim3A_759 : vector<16x1xi32> to vector<16xi32>
        %gather3A_760 = tpu.dynamic_gather %get3A_671[%gather3A] in [0] : vector<16xf32>, vector<16xi32> -> vector<16xf32>
        %broadcast_in_dim3A_761 = vector.broadcast %scan3A_749 : i32 to vector<16xi32>
        %broadcast_in_dim3A_762 = vector.shape_cast %broadcast_in_dim3A_761 : vector<16xi32> to vector<16x1xi32>
        %gather3A_763 = vector.shape_cast %broadcast_in_dim3A_762 : vector<16x1xi32> to vector<16xi32>
        %gather3A_764 = tpu.dynamic_gather %get3A_676[%gather3A_763] in [0] : vector<16xf32>, vector<16xi32> -> vector<16xf32>
        %add3A_765 = arith.constant 96 : i32
        %add3A_766 = arith.addi %add3A_765, %scan3A_749 : i32
        %add3A_767 = arith.constant 16 : i32
        %add3A_768 = arith.addi %add3A_766, %add3A_767 : i32
        %get3A_769 = arith.index_cast %add3A_766 : i32 to index
        %get3A_770 = arith.constant 0 : index
        %get3A_771 = tpu.vector_load %arg9[%get3A_769, %get3A_770] {strides = array<i32>} : memref<128x128xf32, #tpu.memory_space<vmem>>, vector<1x16xf32>,
        %get3A_772 = vector.shape_cast %get3A_771 : vector<1x16xf32> to vector<16xf32>
        %mul3A_773 = arith.mulf %gather3A_760, %get3A_772 : vector<16xf32>
        %add3A_774 = arith.addf %scan3A_750, %mul3A_773 : vector<16xf32>
        %get3A_775 = arith.index_cast %add3A_768 : i32 to index
        %get3A_776 = arith.constant 0 : index
        %get3A_777 = tpu.vector_load %arg9[%get3A_775, %get3A_776] {strides = array<i32>} : memref<128x128xf32, #tpu.memory_space<vmem>>, vector<1x16xf32>,
        %get3A_778 = vector.shape_cast %get3A_777 : vector<1x16xf32> to vector<16xf32>
        %mul3A_779 = arith.mulf %gather3A_764, %get3A_778 : vector<16xf32>
        %add3A_780 = arith.addf %add3A_774, %mul3A_779 : vector<16xf32>
        %get3A_781 = arith.index_cast %add3A_766 : i32 to index
        %get3A_782 = arith.constant 16 : index
        %get3A_783 = tpu.vector_load %arg9[%get3A_781, %get3A_782] {strides = array<i32>} : memref<128x128xf32, #tpu.memory_space<vmem>>, vector<1x16xf32>,
        %get3A_784 = vector.shape_cast %get3A_783 : vector<1x16xf32> to vector<16xf32>
        %mul3A_785 = arith.mulf %gather3A_760, %get3A_784 : vector<16xf32>
        %add3A_786 = arith.addf %scan3A_751, %mul3A_785 : vector<16xf32>
        %get3A_787 = arith.index_cast %add3A_768 : i32 to index
        %get3A_788 = arith.constant 16 : index
        %get3A_789 = tpu.vector_load %arg9[%get3A_787, %get3A_788] {strides = array<i32>} : memref<128x128xf32, #tpu.memory_space<vmem>>, vector<1x16xf32>,
        %get3A_790 = vector.shape_cast %get3A_789 : vector<1x16xf32> to vector<16xf32>
        %mul3A_791 = arith.mulf %gather3A_764, %get3A_790 : vector<16xf32>
        %add3A_792 = arith.addf %add3A_786, %mul3A_791 : vector<16xf32>
        %get3A_793 = arith.index_cast %add3A_766 : i32 to index
        %get3A_794 = arith.constant 32 : index
        %get3A_795 = tpu.vector_load %arg9[%get3A_793, %get3A_794] {strides = array<i32>} : memref<128x128xf32, #tpu.memory_space<vmem>>, vector<1x16xf32>,
        %get3A_796 = vector.shape_cast %get3A_795 : vector<1x16xf32> to vector<16xf32>
        %mul3A_797 = arith.mulf %gather3A_760, %get3A_796 : vector<16xf32>
        %add3A_798 = arith.addf %scan3A_752, %mul3A_797 : vector<16xf32>
        %get3A_799 = arith.index_cast %add3A_768 : i32 to index
        %get3A_800 = arith.constant 32 : index
        %get3A_801 = tpu.vector_load %arg9[%get3A_799, %get3A_800] {strides = array<i32>} : memref<128x128xf32, #tpu.memory_space<vmem>>, vector<1x16xf32>,
        %get3A_802 = vector.shape_cast %get3A_801 : vector<1x16xf32> to vector<16xf32>
        %mul3A_803 = arith.mulf %gather3A_764, %get3A_802 : vector<16xf32>
        %add3A_804 = arith.addf %add3A_798, %mul3A_803 : vector<16xf32>
        %get3A_805 = arith.index_cast %add3A_766 : i32 to index
        %get3A_806 = arith.constant 48 : index
        %get3A_807 = tpu.vector_load %arg9[%get3A_805, %get3A_806] {strides = array<i32>} : memref<128x128xf32, #tpu.memory_space<vmem>>, vector<1x16xf32>,
        %get3A_808 = vector.shape_cast %get3A_807 : vector<1x16xf32> to vector<16xf32>
        %mul3A_809 = arith.mulf %gather3A_760, %get3A_808 : vector<16xf32>
        %add3A_810 = arith.addf %scan3A_753, %mul3A_809 : vector<16xf32>
        %get3A_811 = arith.index_cast %add3A_768 : i32 to index
        %get3A_812 = arith.constant 48 : index
        %get3A_813 = tpu.vector_load %arg9[%get3A_811, %get3A_812] {strides = array<i32>} : memref<128x128xf32, #tpu.memory_space<vmem>>, vector<1x16xf32>,
        %get3A_814 = vector.shape_cast %get3A_813 : vector<1x16xf32> to vector<16xf32>
        %mul3A_815 = arith.mulf %gather3A_764, %get3A_814 : vector<16xf32>
        %add3A_816 = arith.addf %add3A_810, %mul3A_815 : vector<16xf32>
        %get3A_817 = arith.index_cast %add3A_766 : i32 to index
        %get3A_818 = arith.constant 64 : index
        %get3A_819 = tpu.vector_load %arg9[%get3A_817, %get3A_818] {strides = array<i32>} : memref<128x128xf32, #tpu.memory_space<vmem>>, vector<1x16xf32>,
        %get3A_820 = vector.shape_cast %get3A_819 : vector<1x16xf32> to vector<16xf32>
        %mul3A_821 = arith.mulf %gather3A_760, %get3A_820 : vector<16xf32>
        %add3A_822 = arith.addf %scan3A_754, %mul3A_821 : vector<16xf32>
        %get3A_823 = arith.index_cast %add3A_768 : i32 to index
        %get3A_824 = arith.constant 64 : index
        %get3A_825 = tpu.vector_load %arg9[%get3A_823, %get3A_824] {strides = array<i32>} : memref<128x128xf32, #tpu.memory_space<vmem>>, vector<1x16xf32>,
        %get3A_826 = vector.shape_cast %get3A_825 : vector<1x16xf32> to vector<16xf32>
        %mul3A_827 = arith.mulf %gather3A_764, %get3A_826 : vector<16xf32>
        %add3A_828 = arith.addf %add3A_822, %mul3A_827 : vector<16xf32>
        %get3A_829 = arith.index_cast %add3A_766 : i32 to index
        %get3A_830 = arith.constant 80 : index
        %get3A_831 = tpu.vector_load %arg9[%get3A_829, %get3A_830] {strides = array<i32>} : memref<128x128xf32, #tpu.memory_space<vmem>>, vector<1x16xf32>,
        %get3A_832 = vector.shape_cast %get3A_831 : vector<1x16xf32> to vector<16xf32>
        %mul3A_833 = arith.mulf %gather3A_760, %get3A_832 : vector<16xf32>
        %add3A_834 = arith.addf %scan3A_755, %mul3A_833 : vector<16xf32>
        %get3A_835 = arith.index_cast %add3A_768 : i32 to index
        %get3A_836 = arith.constant 80 : index
        %get3A_837 = tpu.vector_load %arg9[%get3A_835, %get3A_836] {strides = array<i32>} : memref<128x128xf32, #tpu.memory_space<vmem>>, vector<1x16xf32>,
        %get3A_838 = vector.shape_cast %get3A_837 : vector<1x16xf32> to vector<16xf32>
        %mul3A_839 = arith.mulf %gather3A_764, %get3A_838 : vector<16xf32>
        %add3A_840 = arith.addf %add3A_834, %mul3A_839 : vector<16xf32>
        %get3A_841 = arith.index_cast %add3A_766 : i32 to index
        %get3A_842 = arith.constant 96 : index
        %get3A_843 = tpu.vector_load %arg9[%get3A_841, %get3A_842] {strides = array<i32>} : memref<128x128xf32, #tpu.memory_space<vmem>>, vector<1x16xf32>,
        %get3A_844 = vector.shape_cast %get3A_843 : vector<1x16xf32> to vector<16xf32>
        %mul3A_845 = arith.mulf %gather3A_760, %get3A_844 : vector<16xf32>
        %add3A_846 = arith.addf %scan3A_756, %mul3A_845 : vector<16xf32>
        %get3A_847 = arith.index_cast %add3A_768 : i32 to index
        %get3A_848 = arith.constant 96 : index
        %get3A_849 = tpu.vector_load %arg9[%get3A_847, %get3A_848] {strides = array<i32>} : memref<128x128xf32, #tpu.memory_space<vmem>>, vector<1x16xf32>,
        %get3A_850 = vector.shape_cast %get3A_849 : vector<1x16xf32> to vector<16xf32>
        %mul3A_851 = arith.mulf %gather3A_764, %get3A_850 : vector<16xf32>
        %add3A_852 = arith.addf %add3A_846, %mul3A_851 : vector<16xf32>
        %get3A_853 = arith.index_cast %add3A_766 : i32 to index
        %get3A_854 = arith.constant 112 : index
        %get3A_855 = tpu.vector_load %arg9[%get3A_853, %get3A_854] {strides = array<i32>} : memref<128x128xf32, #tpu.memory_space<vmem>>, vector<1x16xf32>,
        %get3A_856 = vector.shape_cast %get3A_855 : vector<1x16xf32> to vector<16xf32>
        %mul3A_857 = arith.mulf %gather3A_760, %get3A_856 : vector<16xf32>
        %add3A_858 = arith.addf %scan3A_757, %mul3A_857 : vector<16xf32>
        %get3A_859 = arith.index_cast %add3A_768 : i32 to index
        %get3A_860 = arith.constant 112 : index
        %get3A_861 = tpu.vector_load %arg9[%get3A_859, %get3A_860] {strides = array<i32>} : memref<128x128xf32, #tpu.memory_space<vmem>>, vector<1x16xf32>,
        %get3A_862 = vector.shape_cast %get3A_861 : vector<1x16xf32> to vector<16xf32>
        %mul3A_863 = arith.mulf %gather3A_764, %get3A_862 : vector<16xf32>
        %add3A_864 = arith.addf %add3A_858, %mul3A_863 : vector<16xf32>
        scf.yield %add3A_780, %add3A_792, %add3A_804, %add3A_816, %add3A_828, %add3A_840, %add3A_852, %add3A_864 : vector<16xf32>, vector<16xf32>, vector<16xf32>, vector<16xf32>, vector<16xf32>, vector<16xf32>, vector<16xf32>, vector<16xf32>
      }
      %scan3A_698 = arith.constant 16 : i32
      %mul3A_699 = arith.constant 4 : i32
      %mul3A_700 = arith.muli %add3A_95, %mul3A_699 : i32
      %add3A_701 = arith.constant 3 : i32
      %add3A_702 = arith.addi %mul3A_700, %add3A_701 : i32
      %swap3A_703 = arith.index_cast %add3A_702 : i32 to index
      %swap3A_704 = arith.constant 0 : index
      %swap3A_705 = tpu.vector_load %arg10[%swap3A_703, %swap3A_704] {strides = array<i32>} : memref<320x128xf32, #tpu.memory_space<vmem>>, vector<1x16xf32>,
      %swap3A_706 = vector.shape_cast %swap3A_705 : vector<1x16xf32> to vector<16xf32>
      %swap3A_707 = vector.shape_cast %scan3A_697#0 : vector<16xf32> to vector<1x16xf32>
      tpu.vector_store %arg10[%swap3A_703, %swap3A_704], %swap3A_707 {strides = array<i32>} : memref<320x128xf32, #tpu.memory_space<vmem>>, vector<1x16xf32>,
      %swap3A_708 = arith.index_cast %add3A_702 : i32 to index
      %swap3A_709 = arith.constant 16 : index
      %swap3A_710 = tpu.vector_load %arg10[%swap3A_708, %swap3A_709] {strides = array<i32>} : memref<320x128xf32, #tpu.memory_space<vmem>>, vector<1x16xf32>,
      %swap3A_711 = vector.shape_cast %swap3A_710 : vector<1x16xf32> to vector<16xf32>
      %swap3A_712 = vector.shape_cast %scan3A_697#1 : vector<16xf32> to vector<1x16xf32>
      tpu.vector_store %arg10[%swap3A_708, %swap3A_709], %swap3A_712 {strides = array<i32>} : memref<320x128xf32, #tpu.memory_space<vmem>>, vector<1x16xf32>,
      %swap3A_713 = arith.index_cast %add3A_702 : i32 to index
      %swap3A_714 = arith.constant 32 : index
      %swap3A_715 = tpu.vector_load %arg10[%swap3A_713, %swap3A_714] {strides = array<i32>} : memref<320x128xf32, #tpu.memory_space<vmem>>, vector<1x16xf32>,
      %swap3A_716 = vector.shape_cast %swap3A_715 : vector<1x16xf32> to vector<16xf32>
      %swap3A_717 = vector.shape_cast %scan3A_697#2 : vector<16xf32> to vector<1x16xf32>
      tpu.vector_store %arg10[%swap3A_713, %swap3A_714], %swap3A_717 {strides = array<i32>} : memref<320x128xf32, #tpu.memory_space<vmem>>, vector<1x16xf32>,
      %swap3A_718 = arith.index_cast %add3A_702 : i32 to index
      %swap3A_719 = arith.constant 48 : index
      %swap3A_720 = tpu.vector_load %arg10[%swap3A_718, %swap3A_719] {strides = array<i32>} : memref<320x128xf32, #tpu.memory_space<vmem>>, vector<1x16xf32>,
      %swap3A_721 = vector.shape_cast %swap3A_720 : vector<1x16xf32> to vector<16xf32>
      %swap3A_722 = vector.shape_cast %scan3A_697#3 : vector<16xf32> to vector<1x16xf32>
      tpu.vector_store %arg10[%swap3A_718, %swap3A_719], %swap3A_722 {strides = array<i32>} : memref<320x128xf32, #tpu.memory_space<vmem>>, vector<1x16xf32>,
      %swap3A_723 = arith.index_cast %add3A_702 : i32 to index
      %swap3A_724 = arith.constant 64 : index
      %swap3A_725 = tpu.vector_load %arg10[%swap3A_723, %swap3A_724] {strides = array<i32>} : memref<320x128xf32, #tpu.memory_space<vmem>>, vector<1x16xf32>,
      %swap3A_726 = vector.shape_cast %swap3A_725 : vector<1x16xf32> to vector<16xf32>
      %swap3A_727 = vector.shape_cast %scan3A_697#4 : vector<16xf32> to vector<1x16xf32>
      tpu.vector_store %arg10[%swap3A_723, %swap3A_724], %swap3A_727 {strides = array<i32>} : memref<320x128xf32, #tpu.memory_space<vmem>>, vector<1x16xf32>,
      %swap3A_728 = arith.index_cast %add3A_702 : i32 to index
      %swap3A_729 = arith.constant 80 : index
      %swap3A_730 = tpu.vector_load %arg10[%swap3A_728, %swap3A_729] {strides = array<i32>} : memref<320x128xf32, #tpu.memory_space<vmem>>, vector<1x16xf32>,
      %swap3A_731 = vector.shape_cast %swap3A_730 : vector<1x16xf32> to vector<16xf32>
      %swap3A_732 = vector.shape_cast %scan3A_697#5 : vector<16xf32> to vector<1x16xf32>
      tpu.vector_store %arg10[%swap3A_728, %swap3A_729], %swap3A_732 {strides = array<i32>} : memref<320x128xf32, #tpu.memory_space<vmem>>, vector<1x16xf32>,
      %swap3A_733 = arith.index_cast %add3A_702 : i32 to index
      %swap3A_734 = arith.constant 96 : index
      %swap3A_735 = tpu.vector_load %arg10[%swap3A_733, %swap3A_734] {strides = array<i32>} : memref<320x128xf32, #tpu.memory_space<vmem>>, vector<1x16xf32>,
      %swap3A_736 = vector.shape_cast %swap3A_735 : vector<1x16xf32> to vector<16xf32>
      %swap3A_737 = vector.shape_cast %scan3A_697#6 : vector<16xf32> to vector<1x16xf32>
      tpu.vector_store %arg10[%swap3A_733, %swap3A_734], %swap3A_737 {strides = array<i32>} : memref<320x128xf32, #tpu.memory_space<vmem>>, vector<1x16xf32>,
      %swap3A_738 = arith.index_cast %add3A_702 : i32 to index
      %swap3A_739 = arith.constant 112 : index
      %swap3A_740 = tpu.vector_load %arg10[%swap3A_738, %swap3A_739] {strides = array<i32>} : memref<320x128xf32, #tpu.memory_space<vmem>>, vector<1x16xf32>,
      %swap3A_741 = vector.shape_cast %swap3A_740 : vector<1x16xf32> to vector<16xf32>
      %swap3A_742 = vector.shape_cast %scan3A_697#7 : vector<16xf32> to vector<1x16xf32>
      tpu.vector_store %arg10[%swap3A_738, %swap3A_739], %swap3A_742 {strides = array<i32>} : memref<320x128xf32, #tpu.memory_space<vmem>>, vector<1x16xf32>,
      %add3A_743 = arith.constant 2 : i32
      %add3A_744 = arith.addi %add3A_95, %add3A_743 : i32
      %lt3A_745 = arith.cmpi slt, %add3A_744, %min3A_34 : i32
      %convert_element_type3A_746 = arith.extui %lt3A_745 : i1 to i32
      %cond3A_747 = arith.constant 0 : i32
      %cond3A_748 = arith.cmpi ne, %convert_element_type3A_746, %cond3A_747 : i32
      scf.if %cond3A_748 {
        %add3A_749 = arith.constant 2 : i32
        %add3A_750 = arith.addi %add3A_95, %add3A_749 : i32
        %mul3A_751 = arith.constant 128 : i32
        %mul3A_752 = arith.muli %add3A_750, %mul3A_751 : i32
        %multiple_of3A_753 = tpu.assume_multiple %mul3A_752, 128 : i32
        %dma_start3A_754 = tpu.memref_slice %arg6[%multiple_of3A_753] : memref<10240xi32, #tpu.memory_space<vmem>> -> memref<128xi32, #tpu.memory_space<vmem>>
        %dma_start3A_755 = arith.constant 0 : i32
        %dma_start3A_756 = arith.constant 0 : i32
        %dma_start3A_757 = tpu.memref_slice %arg2[%dma_start3A_755, %dma_start3A_756] : memref<10000x128xf32, #tpu.memory_space<hbm>> -> memref<10000x128xf32, #tpu.memory_space<hbm>>
        tpu.enqueue_indirect_dma source(%dma_start3A_757 : memref<10000x128xf32, #tpu.memory_space<hbm>>) target(%arg9 : memref<128x128xf32, #tpu.memory_space<vmem>>) offsets(%dma_start3A_754 : memref<128xi32, #tpu.memory_space<vmem>>) semaphore(%arg12 : memref<!tpu.dma_semaphore, #tpu.memory_space<semaphore_mem>>)
      } else {
      }
    }
    %while3A_78 = arith.constant 1 : i32
    scf.for %while3A_89 = %while3A_76 to %while3A_72 step %while3A_78  : i32 {
      %mul3A_90 = arith.constant 2 : i32
      %mul3A_91 = arith.muli %mul3A_90, %while3A_89 : i32
      %mul3A_92 = arith.constant 2 : i32
      %mul3A_93 = arith.muli %mul3A_92, %while3A_89 : i32
      %add3A_94 = arith.constant 1 : i32
      %add3A_95 = arith.addi %mul3A_93, %add3A_94 : i32
      %mul3A_96 = arith.constant 128 : i32
      %mul3A_97 = arith.muli %mul3A_91, %mul3A_96 : i32
      %multiple_of3A_98 = tpu.assume_multiple %mul3A_97, 128 : i32
      %dma_wait3A = tpu.memref_slice %arg6[%multiple_of3A_98] : memref<10240xi32, #tpu.memory_space<vmem>> -> memref<128xi32, #tpu.memory_space<vmem>>
      %dma_wait3A_99 = arith.constant 0 : i32
      %dma_wait3A_100 = arith.constant 0 : i32
      %dma_wait3A_101 = tpu.memref_slice %arg2[%dma_wait3A_99, %dma_wait3A_100] : memref<10000x128xf32, #tpu.memory_space<hbm>> -> memref<10000x128xf32, #tpu.memory_space<hbm>>
      tpu.wait_indirect_dma semaphore(%arg11 : memref<!tpu.dma_semaphore, #tpu.memory_space<semaphore_mem>>) src(%dma_wait3A_101 : memref<10000x128xf32, #tpu.memory_space<hbm>>) dst(%arg8 : memref<128x128xf32, #tpu.memory_space<vmem>>)
      %mul3A_102 = arith.constant 128 : i32
      %mul3A_103 = arith.muli %mul3A_91, %mul3A_102 : i32
      %add3A_104 = arith.constant 0 : i32
      %add3A_105 = arith.addi %mul3A_103, %add3A_104 : i32
      %multiple_of3A_106 = tpu.assume_multiple %add3A_105, 32 : i32
      %get3A = arith.index_cast %multiple_of3A_106 : i32 to index
      %get3A_107 = tpu.vector_load %arg7[%get3A] {strides = array<i32>} : memref<10240xf32, #tpu.memory_space<vmem>>, vector<16xf32>,
      %get3A_108 = vector.shape_cast %get3A_107 : vector<16xf32> to vector<16xf32>
      %add3A_109 = arith.constant 16 : i32
      %add3A_110 = arith.addi %multiple_of3A_106, %add3A_109 : i32
      %get3A_111 = arith.index_cast %add3A_110 : i32 to index
      %get3A_112 = tpu.vector_load %arg7[%get3A_111] {strides = array<i32>} : memref<10240xf32, #tpu.memory_space<vmem>>, vector<16xf32>,
      %get3A_113 = vector.shape_cast %get3A_112 : vector<16xf32> to vector<16xf32>
      %broadcast_in_dim3A = arith.constant 0.000000e+00 : f32
      %broadcast_in_dim3A_114 = vector.broadcast %broadcast_in_dim3A : f32 to vector<16xf32>
      %broadcast_in_dim3A_115 = arith.constant 0.000000e+00 : f32
      %broadcast_in_dim3A_116 = vector.broadcast %broadcast_in_dim3A_115 : f32 to vector<16xf32>
      %broadcast_in_dim3A_117 = arith.constant 0.000000e+00 : f32
      %broadcast_in_dim3A_118 = vector.broadcast %broadcast_in_dim3A_117 : f32 to vector<16xf32>
      %broadcast_in_dim3A_119 = arith.constant 0.000000e+00 : f32
      %broadcast_in_dim3A_120 = vector.broadcast %broadcast_in_dim3A_119 : f32 to vector<16xf32>
      %broadcast_in_dim3A_121 = arith.constant 0.000000e+00 : f32
      %broadcast_in_dim3A_122 = vector.broadcast %broadcast_in_dim3A_121 : f32 to vector<16xf32>
      %broadcast_in_dim3A_123 = arith.constant 0.000000e+00 : f32
      %broadcast_in_dim3A_124 = vector.broadcast %broadcast_in_dim3A_123 : f32 to vector<16xf32>
      %broadcast_in_dim3A_125 = arith.constant 0.000000e+00 : f32
      %broadcast_in_dim3A_126 = vector.broadcast %broadcast_in_dim3A_125 : f32 to vector<16xf32>
      %broadcast_in_dim3A_127 = arith.constant 0.000000e+00 : f32
      %broadcast_in_dim3A_128 = vector.broadcast %broadcast_in_dim3A_127 : f32 to vector<16xf32>
      %scan3A = arith.constant 0 : i32
      %scan3A_129 = arith.constant 16 : i32
      %scan3A_130 = arith.addi %scan3A, %scan3A_129 : i32
      %scan3A_131 = arith.constant 1 : i32
      %scan3A_132:8 = scf.for %scan3A_749 = %scan3A to %scan3A_130 step %scan3A_131 iter_args(%scan3A_750 = %broadcast_in_dim3A_114, %scan3A_751 = %broadcast_in_dim3A_116, %scan3A_752 = %broadcast_in_dim3A_118, %scan3A_753 = %broadcast_in_dim3A_120, %scan3A_754 = %broadcast_in_dim3A_122, %scan3A_755 = %broadcast_in_dim3A_124, %scan3A_756 = %broadcast_in_dim3A_126, %scan3A_757 = %broadcast_in_dim3A_128) -> (vector<16xf32>, vector<16xf32>, vector<16xf32>, vector<16xf32>, vector<16xf32>, vector<16xf32>, vector<16xf32>, vector<16xf32>)  : i32 {
        %broadcast_in_dim3A_758 = vector.broadcast %scan3A_749 : i32 to vector<16xi32>
        %broadcast_in_dim3A_759 = vector.shape_cast %broadcast_in_dim3A_758 : vector<16xi32> to vector<16x1xi32>
        %gather3A = vector.shape_cast %broadcast_in_dim3A_759 : vector<16x1xi32> to vector<16xi32>
        %gather3A_760 = tpu.dynamic_gather %get3A_108[%gather3A] in [0] : vector<16xf32>, vector<16xi32> -> vector<16xf32>
        %broadcast_in_dim3A_761 = vector.broadcast %scan3A_749 : i32 to vector<16xi32>
        %broadcast_in_dim3A_762 = vector.shape_cast %broadcast_in_dim3A_761 : vector<16xi32> to vector<16x1xi32>
        %gather3A_763 = vector.shape_cast %broadcast_in_dim3A_762 : vector<16x1xi32> to vector<16xi32>
        %gather3A_764 = tpu.dynamic_gather %get3A_113[%gather3A_763] in [0] : vector<16xf32>, vector<16xi32> -> vector<16xf32>
        %add3A_765 = arith.constant 0 : i32
        %add3A_766 = arith.addi %add3A_765, %scan3A_749 : i32
        %add3A_767 = arith.constant 16 : i32
        %add3A_768 = arith.addi %add3A_766, %add3A_767 : i32
        %get3A_769 = arith.index_cast %add3A_766 : i32 to index
        %get3A_770 = arith.constant 0 : index
        %get3A_771 = tpu.vector_load %arg8[%get3A_769, %get3A_770] {strides = array<i32>} : memref<128x128xf32, #tpu.memory_space<vmem>>, vector<1x16xf32>,
        %get3A_772 = vector.shape_cast %get3A_771 : vector<1x16xf32> to vector<16xf32>
        %mul3A_773 = arith.mulf %gather3A_760, %get3A_772 : vector<16xf32>
        %add3A_774 = arith.addf %scan3A_750, %mul3A_773 : vector<16xf32>
        %get3A_775 = arith.index_cast %add3A_768 : i32 to index
        %get3A_776 = arith.constant 0 : index
        %get3A_777 = tpu.vector_load %arg8[%get3A_775, %get3A_776] {strides = array<i32>} : memref<128x128xf32, #tpu.memory_space<vmem>>, vector<1x16xf32>,
        %get3A_778 = vector.shape_cast %get3A_777 : vector<1x16xf32> to vector<16xf32>
        %mul3A_779 = arith.mulf %gather3A_764, %get3A_778 : vector<16xf32>
        %add3A_780 = arith.addf %add3A_774, %mul3A_779 : vector<16xf32>
        %get3A_781 = arith.index_cast %add3A_766 : i32 to index
        %get3A_782 = arith.constant 16 : index
        %get3A_783 = tpu.vector_load %arg8[%get3A_781, %get3A_782] {strides = array<i32>} : memref<128x128xf32, #tpu.memory_space<vmem>>, vector<1x16xf32>,
        %get3A_784 = vector.shape_cast %get3A_783 : vector<1x16xf32> to vector<16xf32>
        %mul3A_785 = arith.mulf %gather3A_760, %get3A_784 : vector<16xf32>
        %add3A_786 = arith.addf %scan3A_751, %mul3A_785 : vector<16xf32>
        %get3A_787 = arith.index_cast %add3A_768 : i32 to index
        %get3A_788 = arith.constant 16 : index
        %get3A_789 = tpu.vector_load %arg8[%get3A_787, %get3A_788] {strides = array<i32>} : memref<128x128xf32, #tpu.memory_space<vmem>>, vector<1x16xf32>,
        %get3A_790 = vector.shape_cast %get3A_789 : vector<1x16xf32> to vector<16xf32>
        %mul3A_791 = arith.mulf %gather3A_764, %get3A_790 : vector<16xf32>
        %add3A_792 = arith.addf %add3A_786, %mul3A_791 : vector<16xf32>
        %get3A_793 = arith.index_cast %add3A_766 : i32 to index
        %get3A_794 = arith.constant 32 : index
        %get3A_795 = tpu.vector_load %arg8[%get3A_793, %get3A_794] {strides = array<i32>} : memref<128x128xf32, #tpu.memory_space<vmem>>, vector<1x16xf32>,
        %get3A_796 = vector.shape_cast %get3A_795 : vector<1x16xf32> to vector<16xf32>
        %mul3A_797 = arith.mulf %gather3A_760, %get3A_796 : vector<16xf32>
        %add3A_798 = arith.addf %scan3A_752, %mul3A_797 : vector<16xf32>
        %get3A_799 = arith.index_cast %add3A_768 : i32 to index
        %get3A_800 = arith.constant 32 : index
        %get3A_801 = tpu.vector_load %arg8[%get3A_799, %get3A_800] {strides = array<i32>} : memref<128x128xf32, #tpu.memory_space<vmem>>, vector<1x16xf32>,
        %get3A_802 = vector.shape_cast %get3A_801 : vector<1x16xf32> to vector<16xf32>
        %mul3A_803 = arith.mulf %gather3A_764, %get3A_802 : vector<16xf32>
        %add3A_804 = arith.addf %add3A_798, %mul3A_803 : vector<16xf32>
        %get3A_805 = arith.index_cast %add3A_766 : i32 to index
        %get3A_806 = arith.constant 48 : index
        %get3A_807 = tpu.vector_load %arg8[%get3A_805, %get3A_806] {strides = array<i32>} : memref<128x128xf32, #tpu.memory_space<vmem>>, vector<1x16xf32>,
        %get3A_808 = vector.shape_cast %get3A_807 : vector<1x16xf32> to vector<16xf32>
        %mul3A_809 = arith.mulf %gather3A_760, %get3A_808 : vector<16xf32>
        %add3A_810 = arith.addf %scan3A_753, %mul3A_809 : vector<16xf32>
        %get3A_811 = arith.index_cast %add3A_768 : i32 to index
        %get3A_812 = arith.constant 48 : index
        %get3A_813 = tpu.vector_load %arg8[%get3A_811, %get3A_812] {strides = array<i32>} : memref<128x128xf32, #tpu.memory_space<vmem>>, vector<1x16xf32>,
        %get3A_814 = vector.shape_cast %get3A_813 : vector<1x16xf32> to vector<16xf32>
        %mul3A_815 = arith.mulf %gather3A_764, %get3A_814 : vector<16xf32>
        %add3A_816 = arith.addf %add3A_810, %mul3A_815 : vector<16xf32>
        %get3A_817 = arith.index_cast %add3A_766 : i32 to index
        %get3A_818 = arith.constant 64 : index
        %get3A_819 = tpu.vector_load %arg8[%get3A_817, %get3A_818] {strides = array<i32>} : memref<128x128xf32, #tpu.memory_space<vmem>>, vector<1x16xf32>,
        %get3A_820 = vector.shape_cast %get3A_819 : vector<1x16xf32> to vector<16xf32>
        %mul3A_821 = arith.mulf %gather3A_760, %get3A_820 : vector<16xf32>
        %add3A_822 = arith.addf %scan3A_754, %mul3A_821 : vector<16xf32>
        %get3A_823 = arith.index_cast %add3A_768 : i32 to index
        %get3A_824 = arith.constant 64 : index
        %get3A_825 = tpu.vector_load %arg8[%get3A_823, %get3A_824] {strides = array<i32>} : memref<128x128xf32, #tpu.memory_space<vmem>>, vector<1x16xf32>,
        %get3A_826 = vector.shape_cast %get3A_825 : vector<1x16xf32> to vector<16xf32>
        %mul3A_827 = arith.mulf %gather3A_764, %get3A_826 : vector<16xf32>
        %add3A_828 = arith.addf %add3A_822, %mul3A_827 : vector<16xf32>
        %get3A_829 = arith.index_cast %add3A_766 : i32 to index
        %get3A_830 = arith.constant 80 : index
        %get3A_831 = tpu.vector_load %arg8[%get3A_829, %get3A_830] {strides = array<i32>} : memref<128x128xf32, #tpu.memory_space<vmem>>, vector<1x16xf32>,
        %get3A_832 = vector.shape_cast %get3A_831 : vector<1x16xf32> to vector<16xf32>
        %mul3A_833 = arith.mulf %gather3A_760, %get3A_832 : vector<16xf32>
        %add3A_834 = arith.addf %scan3A_755, %mul3A_833 : vector<16xf32>
        %get3A_835 = arith.index_cast %add3A_768 : i32 to index
        %get3A_836 = arith.constant 80 : index
        %get3A_837 = tpu.vector_load %arg8[%get3A_835, %get3A_836] {strides = array<i32>} : memref<128x128xf32, #tpu.memory_space<vmem>>, vector<1x16xf32>,
        %get3A_838 = vector.shape_cast %get3A_837 : vector<1x16xf32> to vector<16xf32>
        %mul3A_839 = arith.mulf %gather3A_764, %get3A_838 : vector<16xf32>
        %add3A_840 = arith.addf %add3A_834, %mul3A_839 : vector<16xf32>
        %get3A_841 = arith.index_cast %add3A_766 : i32 to index
        %get3A_842 = arith.constant 96 : index
        %get3A_843 = tpu.vector_load %arg8[%get3A_841, %get3A_842] {strides = array<i32>} : memref<128x128xf32, #tpu.memory_space<vmem>>, vector<1x16xf32>,
        %get3A_844 = vector.shape_cast %get3A_843 : vector<1x16xf32> to vector<16xf32>
        %mul3A_845 = arith.mulf %gather3A_760, %get3A_844 : vector<16xf32>
        %add3A_846 = arith.addf %scan3A_756, %mul3A_845 : vector<16xf32>
        %get3A_847 = arith.index_cast %add3A_768 : i32 to index
        %get3A_848 = arith.constant 96 : index
        %get3A_849 = tpu.vector_load %arg8[%get3A_847, %get3A_848] {strides = array<i32>} : memref<128x128xf32, #tpu.memory_space<vmem>>, vector<1x16xf32>,
        %get3A_850 = vector.shape_cast %get3A_849 : vector<1x16xf32> to vector<16xf32>
        %mul3A_851 = arith.mulf %gather3A_764, %get3A_850 : vector<16xf32>
        %add3A_852 = arith.addf %add3A_846, %mul3A_851 : vector<16xf32>
        %get3A_853 = arith.index_cast %add3A_766 : i32 to index
        %get3A_854 = arith.constant 112 : index
        %get3A_855 = tpu.vector_load %arg8[%get3A_853, %get3A_854] {strides = array<i32>} : memref<128x128xf32, #tpu.memory_space<vmem>>, vector<1x16xf32>,
        %get3A_856 = vector.shape_cast %get3A_855 : vector<1x16xf32> to vector<16xf32>
        %mul3A_857 = arith.mulf %gather3A_760, %get3A_856 : vector<16xf32>
        %add3A_858 = arith.addf %scan3A_757, %mul3A_857 : vector<16xf32>
        %get3A_859 = arith.index_cast %add3A_768 : i32 to index
        %get3A_860 = arith.constant 112 : index
        %get3A_861 = tpu.vector_load %arg8[%get3A_859, %get3A_860] {strides = array<i32>} : memref<128x128xf32, #tpu.memory_space<vmem>>, vector<1x16xf32>,
        %get3A_862 = vector.shape_cast %get3A_861 : vector<1x16xf32> to vector<16xf32>
        %mul3A_863 = arith.mulf %gather3A_764, %get3A_862 : vector<16xf32>
        %add3A_864 = arith.addf %add3A_858, %mul3A_863 : vector<16xf32>
        scf.yield %add3A_780, %add3A_792, %add3A_804, %add3A_816, %add3A_828, %add3A_840, %add3A_852, %add3A_864 : vector<16xf32>, vector<16xf32>, vector<16xf32>, vector<16xf32>, vector<16xf32>, vector<16xf32>, vector<16xf32>, vector<16xf32>
      }
      %scan3A_133 = arith.constant 16 : i32
      %mul3A_134 = arith.constant 4 : i32
      %mul3A_135 = arith.muli %mul3A_91, %mul3A_134 : i32
      %add3A_136 = arith.constant 0 : i32
      %add3A_137 = arith.addi %mul3A_135, %add3A_136 : i32
      %swap3A = arith.index_cast %add3A_137 : i32 to index
      %swap3A_138 = arith.constant 0 : index
      %swap3A_139 = tpu.vector_load %arg10[%swap3A, %swap3A_138] {strides = array<i32>} : memref<320x128xf32, #tpu.memory_space<vmem>>, vector<1x16xf32>,
      %swap3A_140 = vector.shape_cast %swap3A_139 : vector<1x16xf32> to vector<16xf32>
      %swap3A_141 = vector.shape_cast %scan3A_132#0 : vector<16xf32> to vector<1x16xf32>
      tpu.vector_store %arg10[%swap3A, %swap3A_138], %swap3A_141 {strides = array<i32>} : memref<320x128xf32, #tpu.memory_space<vmem>>, vector<1x16xf32>,
      %swap3A_142 = arith.index_cast %add3A_137 : i32 to index
      %swap3A_143 = arith.constant 16 : index
      %swap3A_144 = tpu.vector_load %arg10[%swap3A_142, %swap3A_143] {strides = array<i32>} : memref<320x128xf32, #tpu.memory_space<vmem>>, vector<1x16xf32>,
      %swap3A_145 = vector.shape_cast %swap3A_144 : vector<1x16xf32> to vector<16xf32>
      %swap3A_146 = vector.shape_cast %scan3A_132#1 : vector<16xf32> to vector<1x16xf32>
      tpu.vector_store %arg10[%swap3A_142, %swap3A_143], %swap3A_146 {strides = array<i32>} : memref<320x128xf32, #tpu.memory_space<vmem>>, vector<1x16xf32>,
      %swap3A_147 = arith.index_cast %add3A_137 : i32 to index
      %swap3A_148 = arith.constant 32 : index
      %swap3A_149 = tpu.vector_load %arg10[%swap3A_147, %swap3A_148] {strides = array<i32>} : memref<320x128xf32, #tpu.memory_space<vmem>>, vector<1x16xf32>,
      %swap3A_150 = vector.shape_cast %swap3A_149 : vector<1x16xf32> to vector<16xf32>
      %swap3A_151 = vector.shape_cast %scan3A_132#2 : vector<16xf32> to vector<1x16xf32>
      tpu.vector_store %arg10[%swap3A_147, %swap3A_148], %swap3A_151 {strides = array<i32>} : memref<320x128xf32, #tpu.memory_space<vmem>>, vector<1x16xf32>,
      %swap3A_152 = arith.index_cast %add3A_137 : i32 to index
      %swap3A_153 = arith.constant 48 : index
      %swap3A_154 = tpu.vector_load %arg10[%swap3A_152, %swap3A_153] {strides = array<i32>} : memref<320x128xf32, #tpu.memory_space<vmem>>, vector<1x16xf32>,
      %swap3A_155 = vector.shape_cast %swap3A_154 : vector<1x16xf32> to vector<16xf32>
      %swap3A_156 = vector.shape_cast %scan3A_132#3 : vector<16xf32> to vector<1x16xf32>
      tpu.vector_store %arg10[%swap3A_152, %swap3A_153], %swap3A_156 {strides = array<i32>} : memref<320x128xf32, #tpu.memory_space<vmem>>, vector<1x16xf32>,
      %swap3A_157 = arith.index_cast %add3A_137 : i32 to index
      %swap3A_158 = arith.constant 64 : index
      %swap3A_159 = tpu.vector_load %arg10[%swap3A_157, %swap3A_158] {strides = array<i32>} : memref<320x128xf32, #tpu.memory_space<vmem>>, vector<1x16xf32>,
      %swap3A_160 = vector.shape_cast %swap3A_159 : vector<1x16xf32> to vector<16xf32>
      %swap3A_161 = vector.shape_cast %scan3A_132#4 : vector<16xf32> to vector<1x16xf32>
      tpu.vector_store %arg10[%swap3A_157, %swap3A_158], %swap3A_161 {strides = array<i32>} : memref<320x128xf32, #tpu.memory_space<vmem>>, vector<1x16xf32>,
      %swap3A_162 = arith.index_cast %add3A_137 : i32 to index
      %swap3A_163 = arith.constant 80 : index
      %swap3A_164 = tpu.vector_load %arg10[%swap3A_162, %swap3A_163] {strides = array<i32>} : memref<320x128xf32, #tpu.memory_space<vmem>>, vector<1x16xf32>,
      %swap3A_165 = vector.shape_cast %swap3A_164 : vector<1x16xf32> to vector<16xf32>
      %swap3A_166 = vector.shape_cast %scan3A_132#5 : vector<16xf32> to vector<1x16xf32>
      tpu.vector_store %arg10[%swap3A_162, %swap3A_163], %swap3A_166 {strides = array<i32>} : memref<320x128xf32, #tpu.memory_space<vmem>>, vector<1x16xf32>,
      %swap3A_167 = arith.index_cast %add3A_137 : i32 to index
      %swap3A_168 = arith.constant 96 : index
      %swap3A_169 = tpu.vector_load %arg10[%swap3A_167, %swap3A_168] {strides = array<i32>} : memref<320x128xf32, #tpu.memory_space<vmem>>, vector<1x16xf32>,
      %swap3A_170 = vector.shape_cast %swap3A_169 : vector<1x16xf32> to vector<16xf32>
      %swap3A_171 = vector.shape_cast %scan3A_132#6 : vector<16xf32> to vector<1x16xf32>
      tpu.vector_store %arg10[%swap3A_167, %swap3A_168], %swap3A_171 {strides = array<i32>} : memref<320x128xf32, #tpu.memory_space<vmem>>, vector<1x16xf32>,
      %swap3A_172 = arith.index_cast %add3A_137 : i32 to index
      %swap3A_173 = arith.constant 112 : index
      %swap3A_174 = tpu.vector_load %arg10[%swap3A_172, %swap3A_173] {strides = array<i32>} : memref<320x128xf32, #tpu.memory_space<vmem>>, vector<1x16xf32>,
      %swap3A_175 = vector.shape_cast %swap3A_174 : vector<1x16xf32> to vector<16xf32>
      %swap3A_176 = vector.shape_cast %scan3A_132#7 : vector<16xf32> to vector<1x16xf32>
      tpu.vector_store %arg10[%swap3A_172, %swap3A_173], %swap3A_176 {strides = array<i32>} : memref<320x128xf32, #tpu.memory_space<vmem>>, vector<1x16xf32>,
      %mul3A_177 = arith.constant 128 : i32
      %mul3A_178 = arith.muli %mul3A_91, %mul3A_177 : i32
      %add3A_179 = arith.constant 32 : i32
      %add3A_180 = arith.addi %mul3A_178, %add3A_179 : i32
      %multiple_of3A_181 = tpu.assume_multiple %add3A_180, 32 : i32
      %get3A_182 = arith.index_cast %multiple_of3A_181 : i32 to index
      %get3A_183 = tpu.vector_load %arg7[%get3A_182] {strides = array<i32>} : memref<10240xf32, #tpu.memory_space<vmem>>, vector<16xf32>,
      %get3A_184 = vector.shape_cast %get3A_183 : vector<16xf32> to vector<16xf32>
      %add3A_185 = arith.constant 16 : i32
      %add3A_186 = arith.addi %multiple_of3A_181, %add3A_185 : i32
      %get3A_187 = arith.index_cast %add3A_186 : i32 to index
      %get3A_188 = tpu.vector_load %arg7[%get3A_187] {strides = array<i32>} : memref<10240xf32, #tpu.memory_space<vmem>>, vector<16xf32>,
      %get3A_189 = vector.shape_cast %get3A_188 : vector<16xf32> to vector<16xf32>
      %broadcast_in_dim3A_190 = arith.constant 0.000000e+00 : f32
      %broadcast_in_dim3A_191 = vector.broadcast %broadcast_in_dim3A_190 : f32 to vector<16xf32>
      %broadcast_in_dim3A_192 = arith.constant 0.000000e+00 : f32
      %broadcast_in_dim3A_193 = vector.broadcast %broadcast_in_dim3A_192 : f32 to vector<16xf32>
      %broadcast_in_dim3A_194 = arith.constant 0.000000e+00 : f32
      %broadcast_in_dim3A_195 = vector.broadcast %broadcast_in_dim3A_194 : f32 to vector<16xf32>
      %broadcast_in_dim3A_196 = arith.constant 0.000000e+00 : f32
      %broadcast_in_dim3A_197 = vector.broadcast %broadcast_in_dim3A_196 : f32 to vector<16xf32>
      %broadcast_in_dim3A_198 = arith.constant 0.000000e+00 : f32
      %broadcast_in_dim3A_199 = vector.broadcast %broadcast_in_dim3A_198 : f32 to vector<16xf32>
      %broadcast_in_dim3A_200 = arith.constant 0.000000e+00 : f32
      %broadcast_in_dim3A_201 = vector.broadcast %broadcast_in_dim3A_200 : f32 to vector<16xf32>
      %broadcast_in_dim3A_202 = arith.constant 0.000000e+00 : f32
      %broadcast_in_dim3A_203 = vector.broadcast %broadcast_in_dim3A_202 : f32 to vector<16xf32>
      %broadcast_in_dim3A_204 = arith.constant 0.000000e+00 : f32
      %broadcast_in_dim3A_205 = vector.broadcast %broadcast_in_dim3A_204 : f32 to vector<16xf32>
      %scan3A_206 = arith.constant 0 : i32
      %scan3A_207 = arith.constant 16 : i32
      %scan3A_208 = arith.addi %scan3A_206, %scan3A_207 : i32
      %scan3A_209 = arith.constant 1 : i32
      %scan3A_210:8 = scf.for %scan3A_749 = %scan3A_206 to %scan3A_208 step %scan3A_209 iter_args(%scan3A_750 = %broadcast_in_dim3A_191, %scan3A_751 = %broadcast_in_dim3A_193, %scan3A_752 = %broadcast_in_dim3A_195, %scan3A_753 = %broadcast_in_dim3A_197, %scan3A_754 = %broadcast_in_dim3A_199, %scan3A_755 = %broadcast_in_dim3A_201, %scan3A_756 = %broadcast_in_dim3A_203, %scan3A_757 = %broadcast_in_dim3A_205) -> (vector<16xf32>, vector<16xf32>, vector<16xf32>, vector<16xf32>, vector<16xf32>, vector<16xf32>, vector<16xf32>, vector<16xf32>)  : i32 {
        %broadcast_in_dim3A_758 = vector.broadcast %scan3A_749 : i32 to vector<16xi32>
        %broadcast_in_dim3A_759 = vector.shape_cast %broadcast_in_dim3A_758 : vector<16xi32> to vector<16x1xi32>
        %gather3A = vector.shape_cast %broadcast_in_dim3A_759 : vector<16x1xi32> to vector<16xi32>
        %gather3A_760 = tpu.dynamic_gather %get3A_184[%gather3A] in [0] : vector<16xf32>, vector<16xi32> -> vector<16xf32>
        %broadcast_in_dim3A_761 = vector.broadcast %scan3A_749 : i32 to vector<16xi32>
        %broadcast_in_dim3A_762 = vector.shape_cast %broadcast_in_dim3A_761 : vector<16xi32> to vector<16x1xi32>
        %gather3A_763 = vector.shape_cast %broadcast_in_dim3A_762 : vector<16x1xi32> to vector<16xi32>
        %gather3A_764 = tpu.dynamic_gather %get3A_189[%gather3A_763] in [0] : vector<16xf32>, vector<16xi32> -> vector<16xf32>
        %add3A_765 = arith.constant 32 : i32
        %add3A_766 = arith.addi %add3A_765, %scan3A_749 : i32
        %add3A_767 = arith.constant 16 : i32
        %add3A_768 = arith.addi %add3A_766, %add3A_767 : i32
        %get3A_769 = arith.index_cast %add3A_766 : i32 to index
        %get3A_770 = arith.constant 0 : index
        %get3A_771 = tpu.vector_load %arg8[%get3A_769, %get3A_770] {strides = array<i32>} : memref<128x128xf32, #tpu.memory_space<vmem>>, vector<1x16xf32>,
        %get3A_772 = vector.shape_cast %get3A_771 : vector<1x16xf32> to vector<16xf32>
        %mul3A_773 = arith.mulf %gather3A_760, %get3A_772 : vector<16xf32>
        %add3A_774 = arith.addf %scan3A_750, %mul3A_773 : vector<16xf32>
        %get3A_775 = arith.index_cast %add3A_768 : i32 to index
        %get3A_776 = arith.constant 0 : index
        %get3A_777 = tpu.vector_load %arg8[%get3A_775, %get3A_776] {strides = array<i32>} : memref<128x128xf32, #tpu.memory_space<vmem>>, vector<1x16xf32>,
        %get3A_778 = vector.shape_cast %get3A_777 : vector<1x16xf32> to vector<16xf32>
        %mul3A_779 = arith.mulf %gather3A_764, %get3A_778 : vector<16xf32>
        %add3A_780 = arith.addf %add3A_774, %mul3A_779 : vector<16xf32>
        %get3A_781 = arith.index_cast %add3A_766 : i32 to index
        %get3A_782 = arith.constant 16 : index
        %get3A_783 = tpu.vector_load %arg8[%get3A_781, %get3A_782] {strides = array<i32>} : memref<128x128xf32, #tpu.memory_space<vmem>>, vector<1x16xf32>,
        %get3A_784 = vector.shape_cast %get3A_783 : vector<1x16xf32> to vector<16xf32>
        %mul3A_785 = arith.mulf %gather3A_760, %get3A_784 : vector<16xf32>
        %add3A_786 = arith.addf %scan3A_751, %mul3A_785 : vector<16xf32>
        %get3A_787 = arith.index_cast %add3A_768 : i32 to index
        %get3A_788 = arith.constant 16 : index
        %get3A_789 = tpu.vector_load %arg8[%get3A_787, %get3A_788] {strides = array<i32>} : memref<128x128xf32, #tpu.memory_space<vmem>>, vector<1x16xf32>,
        %get3A_790 = vector.shape_cast %get3A_789 : vector<1x16xf32> to vector<16xf32>
        %mul3A_791 = arith.mulf %gather3A_764, %get3A_790 : vector<16xf32>
        %add3A_792 = arith.addf %add3A_786, %mul3A_791 : vector<16xf32>
        %get3A_793 = arith.index_cast %add3A_766 : i32 to index
        %get3A_794 = arith.constant 32 : index
        %get3A_795 = tpu.vector_load %arg8[%get3A_793, %get3A_794] {strides = array<i32>} : memref<128x128xf32, #tpu.memory_space<vmem>>, vector<1x16xf32>,
        %get3A_796 = vector.shape_cast %get3A_795 : vector<1x16xf32> to vector<16xf32>
        %mul3A_797 = arith.mulf %gather3A_760, %get3A_796 : vector<16xf32>
        %add3A_798 = arith.addf %scan3A_752, %mul3A_797 : vector<16xf32>
        %get3A_799 = arith.index_cast %add3A_768 : i32 to index
        %get3A_800 = arith.constant 32 : index
        %get3A_801 = tpu.vector_load %arg8[%get3A_799, %get3A_800] {strides = array<i32>} : memref<128x128xf32, #tpu.memory_space<vmem>>, vector<1x16xf32>,
        %get3A_802 = vector.shape_cast %get3A_801 : vector<1x16xf32> to vector<16xf32>
        %mul3A_803 = arith.mulf %gather3A_764, %get3A_802 : vector<16xf32>
        %add3A_804 = arith.addf %add3A_798, %mul3A_803 : vector<16xf32>
        %get3A_805 = arith.index_cast %add3A_766 : i32 to index
        %get3A_806 = arith.constant 48 : index
        %get3A_807 = tpu.vector_load %arg8[%get3A_805, %get3A_806] {strides = array<i32>} : memref<128x128xf32, #tpu.memory_space<vmem>>, vector<1x16xf32>,
        %get3A_808 = vector.shape_cast %get3A_807 : vector<1x16xf32> to vector<16xf32>
        %mul3A_809 = arith.mulf %gather3A_760, %get3A_808 : vector<16xf32>
        %add3A_810 = arith.addf %scan3A_753, %mul3A_809 : vector<16xf32>
        %get3A_811 = arith.index_cast %add3A_768 : i32 to index
        %get3A_812 = arith.constant 48 : index
        %get3A_813 = tpu.vector_load %arg8[%get3A_811, %get3A_812] {strides = array<i32>} : memref<128x128xf32, #tpu.memory_space<vmem>>, vector<1x16xf32>,
        %get3A_814 = vector.shape_cast %get3A_813 : vector<1x16xf32> to vector<16xf32>
        %mul3A_815 = arith.mulf %gather3A_764, %get3A_814 : vector<16xf32>
        %add3A_816 = arith.addf %add3A_810, %mul3A_815 : vector<16xf32>
        %get3A_817 = arith.index_cast %add3A_766 : i32 to index
        %get3A_818 = arith.constant 64 : index
        %get3A_819 = tpu.vector_load %arg8[%get3A_817, %get3A_818] {strides = array<i32>} : memref<128x128xf32, #tpu.memory_space<vmem>>, vector<1x16xf32>,
        %get3A_820 = vector.shape_cast %get3A_819 : vector<1x16xf32> to vector<16xf32>
        %mul3A_821 = arith.mulf %gather3A_760, %get3A_820 : vector<16xf32>
        %add3A_822 = arith.addf %scan3A_754, %mul3A_821 : vector<16xf32>
        %get3A_823 = arith.index_cast %add3A_768 : i32 to index
        %get3A_824 = arith.constant 64 : index
        %get3A_825 = tpu.vector_load %arg8[%get3A_823, %get3A_824] {strides = array<i32>} : memref<128x128xf32, #tpu.memory_space<vmem>>, vector<1x16xf32>,
        %get3A_826 = vector.shape_cast %get3A_825 : vector<1x16xf32> to vector<16xf32>
        %mul3A_827 = arith.mulf %gather3A_764, %get3A_826 : vector<16xf32>
        %add3A_828 = arith.addf %add3A_822, %mul3A_827 : vector<16xf32>
        %get3A_829 = arith.index_cast %add3A_766 : i32 to index
        %get3A_830 = arith.constant 80 : index
        %get3A_831 = tpu.vector_load %arg8[%get3A_829, %get3A_830] {strides = array<i32>} : memref<128x128xf32, #tpu.memory_space<vmem>>, vector<1x16xf32>,
        %get3A_832 = vector.shape_cast %get3A_831 : vector<1x16xf32> to vector<16xf32>
        %mul3A_833 = arith.mulf %gather3A_760, %get3A_832 : vector<16xf32>
        %add3A_834 = arith.addf %scan3A_755, %mul3A_833 : vector<16xf32>
        %get3A_835 = arith.index_cast %add3A_768 : i32 to index
        %get3A_836 = arith.constant 80 : index
        %get3A_837 = tpu.vector_load %arg8[%get3A_835, %get3A_836] {strides = array<i32>} : memref<128x128xf32, #tpu.memory_space<vmem>>, vector<1x16xf32>,
        %get3A_838 = vector.shape_cast %get3A_837 : vector<1x16xf32> to vector<16xf32>
        %mul3A_839 = arith.mulf %gather3A_764, %get3A_838 : vector<16xf32>
        %add3A_840 = arith.addf %add3A_834, %mul3A_839 : vector<16xf32>
        %get3A_841 = arith.index_cast %add3A_766 : i32 to index
        %get3A_842 = arith.constant 96 : index
        %get3A_843 = tpu.vector_load %arg8[%get3A_841, %get3A_842] {strides = array<i32>} : memref<128x128xf32, #tpu.memory_space<vmem>>, vector<1x16xf32>,
        %get3A_844 = vector.shape_cast %get3A_843 : vector<1x16xf32> to vector<16xf32>
        %mul3A_845 = arith.mulf %gather3A_760, %get3A_844 : vector<16xf32>
        %add3A_846 = arith.addf %scan3A_756, %mul3A_845 : vector<16xf32>
        %get3A_847 = arith.index_cast %add3A_768 : i32 to index
        %get3A_848 = arith.constant 96 : index
        %get3A_849 = tpu.vector_load %arg8[%get3A_847, %get3A_848] {strides = array<i32>} : memref<128x128xf32, #tpu.memory_space<vmem>>, vector<1x16xf32>,
        %get3A_850 = vector.shape_cast %get3A_849 : vector<1x16xf32> to vector<16xf32>
        %mul3A_851 = arith.mulf %gather3A_764, %get3A_850 : vector<16xf32>
        %add3A_852 = arith.addf %add3A_846, %mul3A_851 : vector<16xf32>
        %get3A_853 = arith.index_cast %add3A_766 : i32 to index
        %get3A_854 = arith.constant 112 : index
        %get3A_855 = tpu.vector_load %arg8[%get3A_853, %get3A_854] {strides = array<i32>} : memref<128x128xf32, #tpu.memory_space<vmem>>, vector<1x16xf32>,
        %get3A_856 = vector.shape_cast %get3A_855 : vector<1x16xf32> to vector<16xf32>
        %mul3A_857 = arith.mulf %gather3A_760, %get3A_856 : vector<16xf32>
        %add3A_858 = arith.addf %scan3A_757, %mul3A_857 : vector<16xf32>
        %get3A_859 = arith.index_cast %add3A_768 : i32 to index
        %get3A_860 = arith.constant 112 : index
        %get3A_861 = tpu.vector_load %arg8[%get3A_859, %get3A_860] {strides = array<i32>} : memref<128x128xf32, #tpu.memory_space<vmem>>, vector<1x16xf32>,
        %get3A_862 = vector.shape_cast %get3A_861 : vector<1x16xf32> to vector<16xf32>
        %mul3A_863 = arith.mulf %gather3A_764, %get3A_862 : vector<16xf32>
        %add3A_864 = arith.addf %add3A_858, %mul3A_863 : vector<16xf32>
        scf.yield %add3A_780, %add3A_792, %add3A_804, %add3A_816, %add3A_828, %add3A_840, %add3A_852, %add3A_864 : vector<16xf32>, vector<16xf32>, vector<16xf32>, vector<16xf32>, vector<16xf32>, vector<16xf32>, vector<16xf32>, vector<16xf32>
      }
      %scan3A_211 = arith.constant 16 : i32
      %mul3A_212 = arith.constant 4 : i32
      %mul3A_213 = arith.muli %mul3A_91, %mul3A_212 : i32
      %add3A_214 = arith.constant 1 : i32
      %add3A_215 = arith.addi %mul3A_213, %add3A_214 : i32
      %swap3A_216 = arith.index_cast %add3A_215 : i32 to index
      %swap3A_217 = arith.constant 0 : index
      %swap3A_218 = tpu.vector_load %arg10[%swap3A_216, %swap3A_217] {strides = array<i32>} : memref<320x128xf32, #tpu.memory_space<vmem>>, vector<1x16xf32>,
      %swap3A_219 = vector.shape_cast %swap3A_218 : vector<1x16xf32> to vector<16xf32>
      %swap3A_220 = vector.shape_cast %scan3A_210#0 : vector<16xf32> to vector<1x16xf32>
      tpu.vector_store %arg10[%swap3A_216, %swap3A_217], %swap3A_220 {strides = array<i32>} : memref<320x128xf32, #tpu.memory_space<vmem>>, vector<1x16xf32>,
      %swap3A_221 = arith.index_cast %add3A_215 : i32 to index
      %swap3A_222 = arith.constant 16 : index
      %swap3A_223 = tpu.vector_load %arg10[%swap3A_221, %swap3A_222] {strides = array<i32>} : memref<320x128xf32, #tpu.memory_space<vmem>>, vector<1x16xf32>,
      %swap3A_224 = vector.shape_cast %swap3A_223 : vector<1x16xf32> to vector<16xf32>
      %swap3A_225 = vector.shape_cast %scan3A_210#1 : vector<16xf32> to vector<1x16xf32>
      tpu.vector_store %arg10[%swap3A_221, %swap3A_222], %swap3A_225 {strides = array<i32>} : memref<320x128xf32, #tpu.memory_space<vmem>>, vector<1x16xf32>,
      %swap3A_226 = arith.index_cast %add3A_215 : i32 to index
      %swap3A_227 = arith.constant 32 : index
      %swap3A_228 = tpu.vector_load %arg10[%swap3A_226, %swap3A_227] {strides = array<i32>} : memref<320x128xf32, #tpu.memory_space<vmem>>, vector<1x16xf32>,
      %swap3A_229 = vector.shape_cast %swap3A_228 : vector<1x16xf32> to vector<16xf32>
      %swap3A_230 = vector.shape_cast %scan3A_210#2 : vector<16xf32> to vector<1x16xf32>
      tpu.vector_store %arg10[%swap3A_226, %swap3A_227], %swap3A_230 {strides = array<i32>} : memref<320x128xf32, #tpu.memory_space<vmem>>, vector<1x16xf32>,
      %swap3A_231 = arith.index_cast %add3A_215 : i32 to index
      %swap3A_232 = arith.constant 48 : index
      %swap3A_233 = tpu.vector_load %arg10[%swap3A_231, %swap3A_232] {strides = array<i32>} : memref<320x128xf32, #tpu.memory_space<vmem>>, vector<1x16xf32>,
      %swap3A_234 = vector.shape_cast %swap3A_233 : vector<1x16xf32> to vector<16xf32>
      %swap3A_235 = vector.shape_cast %scan3A_210#3 : vector<16xf32> to vector<1x16xf32>
      tpu.vector_store %arg10[%swap3A_231, %swap3A_232], %swap3A_235 {strides = array<i32>} : memref<320x128xf32, #tpu.memory_space<vmem>>, vector<1x16xf32>,
      %swap3A_236 = arith.index_cast %add3A_215 : i32 to index
      %swap3A_237 = arith.constant 64 : index
      %swap3A_238 = tpu.vector_load %arg10[%swap3A_236, %swap3A_237] {strides = array<i32>} : memref<320x128xf32, #tpu.memory_space<vmem>>, vector<1x16xf32>,
      %swap3A_239 = vector.shape_cast %swap3A_238 : vector<1x16xf32> to vector<16xf32>
      %swap3A_240 = vector.shape_cast %scan3A_210#4 : vector<16xf32> to vector<1x16xf32>
      tpu.vector_store %arg10[%swap3A_236, %swap3A_237], %swap3A_240 {strides = array<i32>} : memref<320x128xf32, #tpu.memory_space<vmem>>, vector<1x16xf32>,
      %swap3A_241 = arith.index_cast %add3A_215 : i32 to index
      %swap3A_242 = arith.constant 80 : index
      %swap3A_243 = tpu.vector_load %arg10[%swap3A_241, %swap3A_242] {strides = array<i32>} : memref<320x128xf32, #tpu.memory_space<vmem>>, vector<1x16xf32>,
      %swap3A_244 = vector.shape_cast %swap3A_243 : vector<1x16xf32> to vector<16xf32>
      %swap3A_245 = vector.shape_cast %scan3A_210#5 : vector<16xf32> to vector<1x16xf32>
      tpu.vector_store %arg10[%swap3A_241, %swap3A_242], %swap3A_245 {strides = array<i32>} : memref<320x128xf32, #tpu.memory_space<vmem>>, vector<1x16xf32>,
      %swap3A_246 = arith.index_cast %add3A_215 : i32 to index
      %swap3A_247 = arith.constant 96 : index
      %swap3A_248 = tpu.vector_load %arg10[%swap3A_246, %swap3A_247] {strides = array<i32>} : memref<320x128xf32, #tpu.memory_space<vmem>>, vector<1x16xf32>,
      %swap3A_249 = vector.shape_cast %swap3A_248 : vector<1x16xf32> to vector<16xf32>
      %swap3A_250 = vector.shape_cast %scan3A_210#6 : vector<16xf32> to vector<1x16xf32>
      tpu.vector_store %arg10[%swap3A_246, %swap3A_247], %swap3A_250 {strides = array<i32>} : memref<320x128xf32, #tpu.memory_space<vmem>>, vector<1x16xf32>,
      %swap3A_251 = arith.index_cast %add3A_215 : i32 to index
      %swap3A_252 = arith.constant 112 : index
      %swap3A_253 = tpu.vector_load %arg10[%swap3A_251, %swap3A_252] {strides = array<i32>} : memref<320x128xf32, #tpu.memory_space<vmem>>, vector<1x16xf32>,
      %swap3A_254 = vector.shape_cast %swap3A_253 : vector<1x16xf32> to vector<16xf32>
      %swap3A_255 = vector.shape_cast %scan3A_210#7 : vector<16xf32> to vector<1x16xf32>
      tpu.vector_store %arg10[%swap3A_251, %swap3A_252], %swap3A_255 {strides = array<i32>} : memref<320x128xf32, #tpu.memory_space<vmem>>, vector<1x16xf32>,
      %mul3A_256 = arith.constant 128 : i32
      %mul3A_257 = arith.muli %mul3A_91, %mul3A_256 : i32
      %add3A_258 = arith.constant 64 : i32
      %add3A_259 = arith.addi %mul3A_257, %add3A_258 : i32
      %multiple_of3A_260 = tpu.assume_multiple %add3A_259, 32 : i32
      %get3A_261 = arith.index_cast %multiple_of3A_260 : i32 to index
      %get3A_262 = tpu.vector_load %arg7[%get3A_261] {strides = array<i32>} : memref<10240xf32, #tpu.memory_space<vmem>>, vector<16xf32>,
      %get3A_263 = vector.shape_cast %get3A_262 : vector<16xf32> to vector<16xf32>
      %add3A_264 = arith.constant 16 : i32
      %add3A_265 = arith.addi %multiple_of3A_260, %add3A_264 : i32
      %get3A_266 = arith.index_cast %add3A_265 : i32 to index
      %get3A_267 = tpu.vector_load %arg7[%get3A_266] {strides = array<i32>} : memref<10240xf32, #tpu.memory_space<vmem>>, vector<16xf32>,
      %get3A_268 = vector.shape_cast %get3A_267 : vector<16xf32> to vector<16xf32>
      %broadcast_in_dim3A_269 = arith.constant 0.000000e+00 : f32
      %broadcast_in_dim3A_270 = vector.broadcast %broadcast_in_dim3A_269 : f32 to vector<16xf32>
      %broadcast_in_dim3A_271 = arith.constant 0.000000e+00 : f32
      %broadcast_in_dim3A_272 = vector.broadcast %broadcast_in_dim3A_271 : f32 to vector<16xf32>
      %broadcast_in_dim3A_273 = arith.constant 0.000000e+00 : f32
      %broadcast_in_dim3A_274 = vector.broadcast %broadcast_in_dim3A_273 : f32 to vector<16xf32>
      %broadcast_in_dim3A_275 = arith.constant 0.000000e+00 : f32
      %broadcast_in_dim3A_276 = vector.broadcast %broadcast_in_dim3A_275 : f32 to vector<16xf32>
      %broadcast_in_dim3A_277 = arith.constant 0.000000e+00 : f32
      %broadcast_in_dim3A_278 = vector.broadcast %broadcast_in_dim3A_277 : f32 to vector<16xf32>
      %broadcast_in_dim3A_279 = arith.constant 0.000000e+00 : f32
      %broadcast_in_dim3A_280 = vector.broadcast %broadcast_in_dim3A_279 : f32 to vector<16xf32>
      %broadcast_in_dim3A_281 = arith.constant 0.000000e+00 : f32
      %broadcast_in_dim3A_282 = vector.broadcast %broadcast_in_dim3A_281 : f32 to vector<16xf32>
      %broadcast_in_dim3A_283 = arith.constant 0.000000e+00 : f32
      %broadcast_in_dim3A_284 = vector.broadcast %broadcast_in_dim3A_283 : f32 to vector<16xf32>
      %scan3A_285 = arith.constant 0 : i32
      %scan3A_286 = arith.constant 16 : i32
      %scan3A_287 = arith.addi %scan3A_285, %scan3A_286 : i32
      %scan3A_288 = arith.constant 1 : i32
      %scan3A_289:8 = scf.for %scan3A_749 = %scan3A_285 to %scan3A_287 step %scan3A_288 iter_args(%scan3A_750 = %broadcast_in_dim3A_270, %scan3A_751 = %broadcast_in_dim3A_272, %scan3A_752 = %broadcast_in_dim3A_274, %scan3A_753 = %broadcast_in_dim3A_276, %scan3A_754 = %broadcast_in_dim3A_278, %scan3A_755 = %broadcast_in_dim3A_280, %scan3A_756 = %broadcast_in_dim3A_282, %scan3A_757 = %broadcast_in_dim3A_284) -> (vector<16xf32>, vector<16xf32>, vector<16xf32>, vector<16xf32>, vector<16xf32>, vector<16xf32>, vector<16xf32>, vector<16xf32>)  : i32 {
        %broadcast_in_dim3A_758 = vector.broadcast %scan3A_749 : i32 to vector<16xi32>
        %broadcast_in_dim3A_759 = vector.shape_cast %broadcast_in_dim3A_758 : vector<16xi32> to vector<16x1xi32>
        %gather3A = vector.shape_cast %broadcast_in_dim3A_759 : vector<16x1xi32> to vector<16xi32>
        %gather3A_760 = tpu.dynamic_gather %get3A_263[%gather3A] in [0] : vector<16xf32>, vector<16xi32> -> vector<16xf32>
        %broadcast_in_dim3A_761 = vector.broadcast %scan3A_749 : i32 to vector<16xi32>
        %broadcast_in_dim3A_762 = vector.shape_cast %broadcast_in_dim3A_761 : vector<16xi32> to vector<16x1xi32>
        %gather3A_763 = vector.shape_cast %broadcast_in_dim3A_762 : vector<16x1xi32> to vector<16xi32>
        %gather3A_764 = tpu.dynamic_gather %get3A_268[%gather3A_763] in [0] : vector<16xf32>, vector<16xi32> -> vector<16xf32>
        %add3A_765 = arith.constant 64 : i32
        %add3A_766 = arith.addi %add3A_765, %scan3A_749 : i32
        %add3A_767 = arith.constant 16 : i32
        %add3A_768 = arith.addi %add3A_766, %add3A_767 : i32
        %get3A_769 = arith.index_cast %add3A_766 : i32 to index
        %get3A_770 = arith.constant 0 : index
        %get3A_771 = tpu.vector_load %arg8[%get3A_769, %get3A_770] {strides = array<i32>} : memref<128x128xf32, #tpu.memory_space<vmem>>, vector<1x16xf32>,
        %get3A_772 = vector.shape_cast %get3A_771 : vector<1x16xf32> to vector<16xf32>
        %mul3A_773 = arith.mulf %gather3A_760, %get3A_772 : vector<16xf32>
        %add3A_774 = arith.addf %scan3A_750, %mul3A_773 : vector<16xf32>
        %get3A_775 = arith.index_cast %add3A_768 : i32 to index
        %get3A_776 = arith.constant 0 : index
        %get3A_777 = tpu.vector_load %arg8[%get3A_775, %get3A_776] {strides = array<i32>} : memref<128x128xf32, #tpu.memory_space<vmem>>, vector<1x16xf32>,
        %get3A_778 = vector.shape_cast %get3A_777 : vector<1x16xf32> to vector<16xf32>
        %mul3A_779 = arith.mulf %gather3A_764, %get3A_778 : vector<16xf32>
        %add3A_780 = arith.addf %add3A_774, %mul3A_779 : vector<16xf32>
        %get3A_781 = arith.index_cast %add3A_766 : i32 to index
        %get3A_782 = arith.constant 16 : index
        %get3A_783 = tpu.vector_load %arg8[%get3A_781, %get3A_782] {strides = array<i32>} : memref<128x128xf32, #tpu.memory_space<vmem>>, vector<1x16xf32>,
        %get3A_784 = vector.shape_cast %get3A_783 : vector<1x16xf32> to vector<16xf32>
        %mul3A_785 = arith.mulf %gather3A_760, %get3A_784 : vector<16xf32>
        %add3A_786 = arith.addf %scan3A_751, %mul3A_785 : vector<16xf32>
        %get3A_787 = arith.index_cast %add3A_768 : i32 to index
        %get3A_788 = arith.constant 16 : index
        %get3A_789 = tpu.vector_load %arg8[%get3A_787, %get3A_788] {strides = array<i32>} : memref<128x128xf32, #tpu.memory_space<vmem>>, vector<1x16xf32>,
        %get3A_790 = vector.shape_cast %get3A_789 : vector<1x16xf32> to vector<16xf32>
        %mul3A_791 = arith.mulf %gather3A_764, %get3A_790 : vector<16xf32>
        %add3A_792 = arith.addf %add3A_786, %mul3A_791 : vector<16xf32>
        %get3A_793 = arith.index_cast %add3A_766 : i32 to index
        %get3A_794 = arith.constant 32 : index
        %get3A_795 = tpu.vector_load %arg8[%get3A_793, %get3A_794] {strides = array<i32>} : memref<128x128xf32, #tpu.memory_space<vmem>>, vector<1x16xf32>,
        %get3A_796 = vector.shape_cast %get3A_795 : vector<1x16xf32> to vector<16xf32>
        %mul3A_797 = arith.mulf %gather3A_760, %get3A_796 : vector<16xf32>
        %add3A_798 = arith.addf %scan3A_752, %mul3A_797 : vector<16xf32>
        %get3A_799 = arith.index_cast %add3A_768 : i32 to index
        %get3A_800 = arith.constant 32 : index
        %get3A_801 = tpu.vector_load %arg8[%get3A_799, %get3A_800] {strides = array<i32>} : memref<128x128xf32, #tpu.memory_space<vmem>>, vector<1x16xf32>,
        %get3A_802 = vector.shape_cast %get3A_801 : vector<1x16xf32> to vector<16xf32>
        %mul3A_803 = arith.mulf %gather3A_764, %get3A_802 : vector<16xf32>
        %add3A_804 = arith.addf %add3A_798, %mul3A_803 : vector<16xf32>
        %get3A_805 = arith.index_cast %add3A_766 : i32 to index
        %get3A_806 = arith.constant 48 : index
        %get3A_807 = tpu.vector_load %arg8[%get3A_805, %get3A_806] {strides = array<i32>} : memref<128x128xf32, #tpu.memory_space<vmem>>, vector<1x16xf32>,
        %get3A_808 = vector.shape_cast %get3A_807 : vector<1x16xf32> to vector<16xf32>
        %mul3A_809 = arith.mulf %gather3A_760, %get3A_808 : vector<16xf32>
        %add3A_810 = arith.addf %scan3A_753, %mul3A_809 : vector<16xf32>
        %get3A_811 = arith.index_cast %add3A_768 : i32 to index
        %get3A_812 = arith.constant 48 : index
        %get3A_813 = tpu.vector_load %arg8[%get3A_811, %get3A_812] {strides = array<i32>} : memref<128x128xf32, #tpu.memory_space<vmem>>, vector<1x16xf32>,
        %get3A_814 = vector.shape_cast %get3A_813 : vector<1x16xf32> to vector<16xf32>
        %mul3A_815 = arith.mulf %gather3A_764, %get3A_814 : vector<16xf32>
        %add3A_816 = arith.addf %add3A_810, %mul3A_815 : vector<16xf32>
        %get3A_817 = arith.index_cast %add3A_766 : i32 to index
        %get3A_818 = arith.constant 64 : index
        %get3A_819 = tpu.vector_load %arg8[%get3A_817, %get3A_818] {strides = array<i32>} : memref<128x128xf32, #tpu.memory_space<vmem>>, vector<1x16xf32>,
        %get3A_820 = vector.shape_cast %get3A_819 : vector<1x16xf32> to vector<16xf32>
        %mul3A_821 = arith.mulf %gather3A_760, %get3A_820 : vector<16xf32>
        %add3A_822 = arith.addf %scan3A_754, %mul3A_821 : vector<16xf32>
        %get3A_823 = arith.index_cast %add3A_768 : i32 to index
        %get3A_824 = arith.constant 64 : index
        %get3A_825 = tpu.vector_load %arg8[%get3A_823, %get3A_824] {strides = array<i32>} : memref<128x128xf32, #tpu.memory_space<vmem>>, vector<1x16xf32>,
        %get3A_826 = vector.shape_cast %get3A_825 : vector<1x16xf32> to vector<16xf32>
        %mul3A_827 = arith.mulf %gather3A_764, %get3A_826 : vector<16xf32>
        %add3A_828 = arith.addf %add3A_822, %mul3A_827 : vector<16xf32>
        %get3A_829 = arith.index_cast %add3A_766 : i32 to index
        %get3A_830 = arith.constant 80 : index
        %get3A_831 = tpu.vector_load %arg8[%get3A_829, %get3A_830] {strides = array<i32>} : memref<128x128xf32, #tpu.memory_space<vmem>>, vector<1x16xf32>,
        %get3A_832 = vector.shape_cast %get3A_831 : vector<1x16xf32> to vector<16xf32>
        %mul3A_833 = arith.mulf %gather3A_760, %get3A_832 : vector<16xf32>
        %add3A_834 = arith.addf %scan3A_755, %mul3A_833 : vector<16xf32>
        %get3A_835 = arith.index_cast %add3A_768 : i32 to index
        %get3A_836 = arith.constant 80 : index
        %get3A_837 = tpu.vector_load %arg8[%get3A_835, %get3A_836] {strides = array<i32>} : memref<128x128xf32, #tpu.memory_space<vmem>>, vector<1x16xf32>,
        %get3A_838 = vector.shape_cast %get3A_837 : vector<1x16xf32> to vector<16xf32>
        %mul3A_839 = arith.mulf %gather3A_764, %get3A_838 : vector<16xf32>
        %add3A_840 = arith.addf %add3A_834, %mul3A_839 : vector<16xf32>
        %get3A_841 = arith.index_cast %add3A_766 : i32 to index
        %get3A_842 = arith.constant 96 : index
        %get3A_843 = tpu.vector_load %arg8[%get3A_841, %get3A_842] {strides = array<i32>} : memref<128x128xf32, #tpu.memory_space<vmem>>, vector<1x16xf32>,
        %get3A_844 = vector.shape_cast %get3A_843 : vector<1x16xf32> to vector<16xf32>
        %mul3A_845 = arith.mulf %gather3A_760, %get3A_844 : vector<16xf32>
        %add3A_846 = arith.addf %scan3A_756, %mul3A_845 : vector<16xf32>
        %get3A_847 = arith.index_cast %add3A_768 : i32 to index
        %get3A_848 = arith.constant 96 : index
        %get3A_849 = tpu.vector_load %arg8[%get3A_847, %get3A_848] {strides = array<i32>} : memref<128x128xf32, #tpu.memory_space<vmem>>, vector<1x16xf32>,
        %get3A_850 = vector.shape_cast %get3A_849 : vector<1x16xf32> to vector<16xf32>
        %mul3A_851 = arith.mulf %gather3A_764, %get3A_850 : vector<16xf32>
        %add3A_852 = arith.addf %add3A_846, %mul3A_851 : vector<16xf32>
        %get3A_853 = arith.index_cast %add3A_766 : i32 to index
        %get3A_854 = arith.constant 112 : index
        %get3A_855 = tpu.vector_load %arg8[%get3A_853, %get3A_854] {strides = array<i32>} : memref<128x128xf32, #tpu.memory_space<vmem>>, vector<1x16xf32>,
        %get3A_856 = vector.shape_cast %get3A_855 : vector<1x16xf32> to vector<16xf32>
        %mul3A_857 = arith.mulf %gather3A_760, %get3A_856 : vector<16xf32>
        %add3A_858 = arith.addf %scan3A_757, %mul3A_857 : vector<16xf32>
        %get3A_859 = arith.index_cast %add3A_768 : i32 to index
        %get3A_860 = arith.constant 112 : index
        %get3A_861 = tpu.vector_load %arg8[%get3A_859, %get3A_860] {strides = array<i32>} : memref<128x128xf32, #tpu.memory_space<vmem>>, vector<1x16xf32>,
        %get3A_862 = vector.shape_cast %get3A_861 : vector<1x16xf32> to vector<16xf32>
        %mul3A_863 = arith.mulf %gather3A_764, %get3A_862 : vector<16xf32>
        %add3A_864 = arith.addf %add3A_858, %mul3A_863 : vector<16xf32>
        scf.yield %add3A_780, %add3A_792, %add3A_804, %add3A_816, %add3A_828, %add3A_840, %add3A_852, %add3A_864 : vector<16xf32>, vector<16xf32>, vector<16xf32>, vector<16xf32>, vector<16xf32>, vector<16xf32>, vector<16xf32>, vector<16xf32>
      }
      %scan3A_290 = arith.constant 16 : i32
      %mul3A_291 = arith.constant 4 : i32
      %mul3A_292 = arith.muli %mul3A_91, %mul3A_291 : i32
      %add3A_293 = arith.constant 2 : i32
      %add3A_294 = arith.addi %mul3A_292, %add3A_293 : i32
      %swap3A_295 = arith.index_cast %add3A_294 : i32 to index
      %swap3A_296 = arith.constant 0 : index
      %swap3A_297 = tpu.vector_load %arg10[%swap3A_295, %swap3A_296] {strides = array<i32>} : memref<320x128xf32, #tpu.memory_space<vmem>>, vector<1x16xf32>,
      %swap3A_298 = vector.shape_cast %swap3A_297 : vector<1x16xf32> to vector<16xf32>
      %swap3A_299 = vector.shape_cast %scan3A_289#0 : vector<16xf32> to vector<1x16xf32>
      tpu.vector_store %arg10[%swap3A_295, %swap3A_296], %swap3A_299 {strides = array<i32>} : memref<320x128xf32, #tpu.memory_space<vmem>>, vector<1x16xf32>,
      %swap3A_300 = arith.index_cast %add3A_294 : i32 to index
      %swap3A_301 = arith.constant 16 : index
      %swap3A_302 = tpu.vector_load %arg10[%swap3A_300, %swap3A_301] {strides = array<i32>} : memref<320x128xf32, #tpu.memory_space<vmem>>, vector<1x16xf32>,
      %swap3A_303 = vector.shape_cast %swap3A_302 : vector<1x16xf32> to vector<16xf32>
      %swap3A_304 = vector.shape_cast %scan3A_289#1 : vector<16xf32> to vector<1x16xf32>
      tpu.vector_store %arg10[%swap3A_300, %swap3A_301], %swap3A_304 {strides = array<i32>} : memref<320x128xf32, #tpu.memory_space<vmem>>, vector<1x16xf32>,
      %swap3A_305 = arith.index_cast %add3A_294 : i32 to index
      %swap3A_306 = arith.constant 32 : index
      %swap3A_307 = tpu.vector_load %arg10[%swap3A_305, %swap3A_306] {strides = array<i32>} : memref<320x128xf32, #tpu.memory_space<vmem>>, vector<1x16xf32>,
      %swap3A_308 = vector.shape_cast %swap3A_307 : vector<1x16xf32> to vector<16xf32>
      %swap3A_309 = vector.shape_cast %scan3A_289#2 : vector<16xf32> to vector<1x16xf32>
      tpu.vector_store %arg10[%swap3A_305, %swap3A_306], %swap3A_309 {strides = array<i32>} : memref<320x128xf32, #tpu.memory_space<vmem>>, vector<1x16xf32>,
      %swap3A_310 = arith.index_cast %add3A_294 : i32 to index
      %swap3A_311 = arith.constant 48 : index
      %swap3A_312 = tpu.vector_load %arg10[%swap3A_310, %swap3A_311] {strides = array<i32>} : memref<320x128xf32, #tpu.memory_space<vmem>>, vector<1x16xf32>,
      %swap3A_313 = vector.shape_cast %swap3A_312 : vector<1x16xf32> to vector<16xf32>
      %swap3A_314 = vector.shape_cast %scan3A_289#3 : vector<16xf32> to vector<1x16xf32>
      tpu.vector_store %arg10[%swap3A_310, %swap3A_311], %swap3A_314 {strides = array<i32>} : memref<320x128xf32, #tpu.memory_space<vmem>>, vector<1x16xf32>,
      %swap3A_315 = arith.index_cast %add3A_294 : i32 to index
      %swap3A_316 = arith.constant 64 : index
      %swap3A_317 = tpu.vector_load %arg10[%swap3A_315, %swap3A_316] {strides = array<i32>} : memref<320x128xf32, #tpu.memory_space<vmem>>, vector<1x16xf32>,
      %swap3A_318 = vector.shape_cast %swap3A_317 : vector<1x16xf32> to vector<16xf32>
      %swap3A_319 = vector.shape_cast %scan3A_289#4 : vector<16xf32> to vector<1x16xf32>
      tpu.vector_store %arg10[%swap3A_315, %swap3A_316], %swap3A_319 {strides = array<i32>} : memref<320x128xf32, #tpu.memory_space<vmem>>, vector<1x16xf32>,
      %swap3A_320 = arith.index_cast %add3A_294 : i32 to index
      %swap3A_321 = arith.constant 80 : index
      %swap3A_322 = tpu.vector_load %arg10[%swap3A_320, %swap3A_321] {strides = array<i32>} : memref<320x128xf32, #tpu.memory_space<vmem>>, vector<1x16xf32>,
      %swap3A_323 = vector.shape_cast %swap3A_322 : vector<1x16xf32> to vector<16xf32>
      %swap3A_324 = vector.shape_cast %scan3A_289#5 : vector<16xf32> to vector<1x16xf32>
      tpu.vector_store %arg10[%swap3A_320, %swap3A_321], %swap3A_324 {strides = array<i32>} : memref<320x128xf32, #tpu.memory_space<vmem>>, vector<1x16xf32>,
      %swap3A_325 = arith.index_cast %add3A_294 : i32 to index
      %swap3A_326 = arith.constant 96 : index
      %swap3A_327 = tpu.vector_load %arg10[%swap3A_325, %swap3A_326] {strides = array<i32>} : memref<320x128xf32, #tpu.memory_space<vmem>>, vector<1x16xf32>,
      %swap3A_328 = vector.shape_cast %swap3A_327 : vector<1x16xf32> to vector<16xf32>
      %swap3A_329 = vector.shape_cast %scan3A_289#6 : vector<16xf32> to vector<1x16xf32>
      tpu.vector_store %arg10[%swap3A_325, %swap3A_326], %swap3A_329 {strides = array<i32>} : memref<320x128xf32, #tpu.memory_space<vmem>>, vector<1x16xf32>,
      %swap3A_330 = arith.index_cast %add3A_294 : i32 to index
      %swap3A_331 = arith.constant 112 : index
      %swap3A_332 = tpu.vector_load %arg10[%swap3A_330, %swap3A_331] {strides = array<i32>} : memref<320x128xf32, #tpu.memory_space<vmem>>, vector<1x16xf32>,
      %swap3A_333 = vector.shape_cast %swap3A_332 : vector<1x16xf32> to vector<16xf32>
      %swap3A_334 = vector.shape_cast %scan3A_289#7 : vector<16xf32> to vector<1x16xf32>
      tpu.vector_store %arg10[%swap3A_330, %swap3A_331], %swap3A_334 {strides = array<i32>} : memref<320x128xf32, #tpu.memory_space<vmem>>, vector<1x16xf32>,
      %mul3A_335 = arith.constant 128 : i32
      %mul3A_336 = arith.muli %mul3A_91, %mul3A_335 : i32
      %add3A_337 = arith.constant 96 : i32
      %add3A_338 = arith.addi %mul3A_336, %add3A_337 : i32
      %multiple_of3A_339 = tpu.assume_multiple %add3A_338, 32 : i32
      %get3A_340 = arith.index_cast %multiple_of3A_339 : i32 to index
      %get3A_341 = tpu.vector_load %arg7[%get3A_340] {strides = array<i32>} : memref<10240xf32, #tpu.memory_space<vmem>>, vector<16xf32>,
      %get3A_342 = vector.shape_cast %get3A_341 : vector<16xf32> to vector<16xf32>
      %add3A_343 = arith.constant 16 : i32
      %add3A_344 = arith.addi %multiple_of3A_339, %add3A_343 : i32
      %get3A_345 = arith.index_cast %add3A_344 : i32 to index
      %get3A_346 = tpu.vector_load %arg7[%get3A_345] {strides = array<i32>} : memref<10240xf32, #tpu.memory_space<vmem>>, vector<16xf32>,
      %get3A_347 = vector.shape_cast %get3A_346 : vector<16xf32> to vector<16xf32>
      %broadcast_in_dim3A_348 = arith.constant 0.000000e+00 : f32
      %broadcast_in_dim3A_349 = vector.broadcast %broadcast_in_dim3A_348 : f32 to vector<16xf32>
      %broadcast_in_dim3A_350 = arith.constant 0.000000e+00 : f32
      %broadcast_in_dim3A_351 = vector.broadcast %broadcast_in_dim3A_350 : f32 to vector<16xf32>
      %broadcast_in_dim3A_352 = arith.constant 0.000000e+00 : f32
      %broadcast_in_dim3A_353 = vector.broadcast %broadcast_in_dim3A_352 : f32 to vector<16xf32>
      %broadcast_in_dim3A_354 = arith.constant 0.000000e+00 : f32
      %broadcast_in_dim3A_355 = vector.broadcast %broadcast_in_dim3A_354 : f32 to vector<16xf32>
      %broadcast_in_dim3A_356 = arith.constant 0.000000e+00 : f32
      %broadcast_in_dim3A_357 = vector.broadcast %broadcast_in_dim3A_356 : f32 to vector<16xf32>
      %broadcast_in_dim3A_358 = arith.constant 0.000000e+00 : f32
      %broadcast_in_dim3A_359 = vector.broadcast %broadcast_in_dim3A_358 : f32 to vector<16xf32>
      %broadcast_in_dim3A_360 = arith.constant 0.000000e+00 : f32
      %broadcast_in_dim3A_361 = vector.broadcast %broadcast_in_dim3A_360 : f32 to vector<16xf32>
      %broadcast_in_dim3A_362 = arith.constant 0.000000e+00 : f32
      %broadcast_in_dim3A_363 = vector.broadcast %broadcast_in_dim3A_362 : f32 to vector<16xf32>
      %scan3A_364 = arith.constant 0 : i32
      %scan3A_365 = arith.constant 16 : i32
      %scan3A_366 = arith.addi %scan3A_364, %scan3A_365 : i32
      %scan3A_367 = arith.constant 1 : i32
      %scan3A_368:8 = scf.for %scan3A_749 = %scan3A_364 to %scan3A_366 step %scan3A_367 iter_args(%scan3A_750 = %broadcast_in_dim3A_349, %scan3A_751 = %broadcast_in_dim3A_351, %scan3A_752 = %broadcast_in_dim3A_353, %scan3A_753 = %broadcast_in_dim3A_355, %scan3A_754 = %broadcast_in_dim3A_357, %scan3A_755 = %broadcast_in_dim3A_359, %scan3A_756 = %broadcast_in_dim3A_361, %scan3A_757 = %broadcast_in_dim3A_363) -> (vector<16xf32>, vector<16xf32>, vector<16xf32>, vector<16xf32>, vector<16xf32>, vector<16xf32>, vector<16xf32>, vector<16xf32>)  : i32 {
        %broadcast_in_dim3A_758 = vector.broadcast %scan3A_749 : i32 to vector<16xi32>
        %broadcast_in_dim3A_759 = vector.shape_cast %broadcast_in_dim3A_758 : vector<16xi32> to vector<16x1xi32>
        %gather3A = vector.shape_cast %broadcast_in_dim3A_759 : vector<16x1xi32> to vector<16xi32>
        %gather3A_760 = tpu.dynamic_gather %get3A_342[%gather3A] in [0] : vector<16xf32>, vector<16xi32> -> vector<16xf32>
        %broadcast_in_dim3A_761 = vector.broadcast %scan3A_749 : i32 to vector<16xi32>
        %broadcast_in_dim3A_762 = vector.shape_cast %broadcast_in_dim3A_761 : vector<16xi32> to vector<16x1xi32>
        %gather3A_763 = vector.shape_cast %broadcast_in_dim3A_762 : vector<16x1xi32> to vector<16xi32>
        %gather3A_764 = tpu.dynamic_gather %get3A_347[%gather3A_763] in [0] : vector<16xf32>, vector<16xi32> -> vector<16xf32>
        %add3A_765 = arith.constant 96 : i32
        %add3A_766 = arith.addi %add3A_765, %scan3A_749 : i32
        %add3A_767 = arith.constant 16 : i32
        %add3A_768 = arith.addi %add3A_766, %add3A_767 : i32
        %get3A_769 = arith.index_cast %add3A_766 : i32 to index
        %get3A_770 = arith.constant 0 : index
        %get3A_771 = tpu.vector_load %arg8[%get3A_769, %get3A_770] {strides = array<i32>} : memref<128x128xf32, #tpu.memory_space<vmem>>, vector<1x16xf32>,
        %get3A_772 = vector.shape_cast %get3A_771 : vector<1x16xf32> to vector<16xf32>
        %mul3A_773 = arith.mulf %gather3A_760, %get3A_772 : vector<16xf32>
        %add3A_774 = arith.addf %scan3A_750, %mul3A_773 : vector<16xf32>
        %get3A_775 = arith.index_cast %add3A_768 : i32 to index
        %get3A_776 = arith.constant 0 : index
        %get3A_777 = tpu.vector_load %arg8[%get3A_775, %get3A_776] {strides = array<i32>} : memref<128x128xf32, #tpu.memory_space<vmem>>, vector<1x16xf32>,
        %get3A_778 = vector.shape_cast %get3A_777 : vector<1x16xf32> to vector<16xf32>
        %mul3A_779 = arith.mulf %gather3A_764, %get3A_778 : vector<16xf32>
        %add3A_780 = arith.addf %add3A_774, %mul3A_779 : vector<16xf32>
        %get3A_781 = arith.index_cast %add3A_766 : i32 to index
        %get3A_782 = arith.constant 16 : index
        %get3A_783 = tpu.vector_load %arg8[%get3A_781, %get3A_782] {strides = array<i32>} : memref<128x128xf32, #tpu.memory_space<vmem>>, vector<1x16xf32>,
        %get3A_784 = vector.shape_cast %get3A_783 : vector<1x16xf32> to vector<16xf32>
        %mul3A_785 = arith.mulf %gather3A_760, %get3A_784 : vector<16xf32>
        %add3A_786 = arith.addf %scan3A_751, %mul3A_785 : vector<16xf32>
        %get3A_787 = arith.index_cast %add3A_768 : i32 to index
        %get3A_788 = arith.constant 16 : index
        %get3A_789 = tpu.vector_load %arg8[%get3A_787, %get3A_788] {strides = array<i32>} : memref<128x128xf32, #tpu.memory_space<vmem>>, vector<1x16xf32>,
        %get3A_790 = vector.shape_cast %get3A_789 : vector<1x16xf32> to vector<16xf32>
        %mul3A_791 = arith.mulf %gather3A_764, %get3A_790 : vector<16xf32>
        %add3A_792 = arith.addf %add3A_786, %mul3A_791 : vector<16xf32>
        %get3A_793 = arith.index_cast %add3A_766 : i32 to index
        %get3A_794 = arith.constant 32 : index
        %get3A_795 = tpu.vector_load %arg8[%get3A_793, %get3A_794] {strides = array<i32>} : memref<128x128xf32, #tpu.memory_space<vmem>>, vector<1x16xf32>,
        %get3A_796 = vector.shape_cast %get3A_795 : vector<1x16xf32> to vector<16xf32>
        %mul3A_797 = arith.mulf %gather3A_760, %get3A_796 : vector<16xf32>
        %add3A_798 = arith.addf %scan3A_752, %mul3A_797 : vector<16xf32>
        %get3A_799 = arith.index_cast %add3A_768 : i32 to index
        %get3A_800 = arith.constant 32 : index
        %get3A_801 = tpu.vector_load %arg8[%get3A_799, %get3A_800] {strides = array<i32>} : memref<128x128xf32, #tpu.memory_space<vmem>>, vector<1x16xf32>,
        %get3A_802 = vector.shape_cast %get3A_801 : vector<1x16xf32> to vector<16xf32>
        %mul3A_803 = arith.mulf %gather3A_764, %get3A_802 : vector<16xf32>
        %add3A_804 = arith.addf %add3A_798, %mul3A_803 : vector<16xf32>
        %get3A_805 = arith.index_cast %add3A_766 : i32 to index
        %get3A_806 = arith.constant 48 : index
        %get3A_807 = tpu.vector_load %arg8[%get3A_805, %get3A_806] {strides = array<i32>} : memref<128x128xf32, #tpu.memory_space<vmem>>, vector<1x16xf32>,
        %get3A_808 = vector.shape_cast %get3A_807 : vector<1x16xf32> to vector<16xf32>
        %mul3A_809 = arith.mulf %gather3A_760, %get3A_808 : vector<16xf32>
        %add3A_810 = arith.addf %scan3A_753, %mul3A_809 : vector<16xf32>
        %get3A_811 = arith.index_cast %add3A_768 : i32 to index
        %get3A_812 = arith.constant 48 : index
        %get3A_813 = tpu.vector_load %arg8[%get3A_811, %get3A_812] {strides = array<i32>} : memref<128x128xf32, #tpu.memory_space<vmem>>, vector<1x16xf32>,
        %get3A_814 = vector.shape_cast %get3A_813 : vector<1x16xf32> to vector<16xf32>
        %mul3A_815 = arith.mulf %gather3A_764, %get3A_814 : vector<16xf32>
        %add3A_816 = arith.addf %add3A_810, %mul3A_815 : vector<16xf32>
        %get3A_817 = arith.index_cast %add3A_766 : i32 to index
        %get3A_818 = arith.constant 64 : index
        %get3A_819 = tpu.vector_load %arg8[%get3A_817, %get3A_818] {strides = array<i32>} : memref<128x128xf32, #tpu.memory_space<vmem>>, vector<1x16xf32>,
        %get3A_820 = vector.shape_cast %get3A_819 : vector<1x16xf32> to vector<16xf32>
        %mul3A_821 = arith.mulf %gather3A_760, %get3A_820 : vector<16xf32>
        %add3A_822 = arith.addf %scan3A_754, %mul3A_821 : vector<16xf32>
        %get3A_823 = arith.index_cast %add3A_768 : i32 to index
        %get3A_824 = arith.constant 64 : index
        %get3A_825 = tpu.vector_load %arg8[%get3A_823, %get3A_824] {strides = array<i32>} : memref<128x128xf32, #tpu.memory_space<vmem>>, vector<1x16xf32>,
        %get3A_826 = vector.shape_cast %get3A_825 : vector<1x16xf32> to vector<16xf32>
        %mul3A_827 = arith.mulf %gather3A_764, %get3A_826 : vector<16xf32>
        %add3A_828 = arith.addf %add3A_822, %mul3A_827 : vector<16xf32>
        %get3A_829 = arith.index_cast %add3A_766 : i32 to index
        %get3A_830 = arith.constant 80 : index
        %get3A_831 = tpu.vector_load %arg8[%get3A_829, %get3A_830] {strides = array<i32>} : memref<128x128xf32, #tpu.memory_space<vmem>>, vector<1x16xf32>,
        %get3A_832 = vector.shape_cast %get3A_831 : vector<1x16xf32> to vector<16xf32>
        %mul3A_833 = arith.mulf %gather3A_760, %get3A_832 : vector<16xf32>
        %add3A_834 = arith.addf %scan3A_755, %mul3A_833 : vector<16xf32>
        %get3A_835 = arith.index_cast %add3A_768 : i32 to index
        %get3A_836 = arith.constant 80 : index
        %get3A_837 = tpu.vector_load %arg8[%get3A_835, %get3A_836] {strides = array<i32>} : memref<128x128xf32, #tpu.memory_space<vmem>>, vector<1x16xf32>,
        %get3A_838 = vector.shape_cast %get3A_837 : vector<1x16xf32> to vector<16xf32>
        %mul3A_839 = arith.mulf %gather3A_764, %get3A_838 : vector<16xf32>
        %add3A_840 = arith.addf %add3A_834, %mul3A_839 : vector<16xf32>
        %get3A_841 = arith.index_cast %add3A_766 : i32 to index
        %get3A_842 = arith.constant 96 : index
        %get3A_843 = tpu.vector_load %arg8[%get3A_841, %get3A_842] {strides = array<i32>} : memref<128x128xf32, #tpu.memory_space<vmem>>, vector<1x16xf32>,
        %get3A_844 = vector.shape_cast %get3A_843 : vector<1x16xf32> to vector<16xf32>
        %mul3A_845 = arith.mulf %gather3A_760, %get3A_844 : vector<16xf32>
        %add3A_846 = arith.addf %scan3A_756, %mul3A_845 : vector<16xf32>
        %get3A_847 = arith.index_cast %add3A_768 : i32 to index
        %get3A_848 = arith.constant 96 : index
        %get3A_849 = tpu.vector_load %arg8[%get3A_847, %get3A_848] {strides = array<i32>} : memref<128x128xf32, #tpu.memory_space<vmem>>, vector<1x16xf32>,
        %get3A_850 = vector.shape_cast %get3A_849 : vector<1x16xf32> to vector<16xf32>
        %mul3A_851 = arith.mulf %gather3A_764, %get3A_850 : vector<16xf32>
        %add3A_852 = arith.addf %add3A_846, %mul3A_851 : vector<16xf32>
        %get3A_853 = arith.index_cast %add3A_766 : i32 to index
        %get3A_854 = arith.constant 112 : index
        %get3A_855 = tpu.vector_load %arg8[%get3A_853, %get3A_854] {strides = array<i32>} : memref<128x128xf32, #tpu.memory_space<vmem>>, vector<1x16xf32>,
        %get3A_856 = vector.shape_cast %get3A_855 : vector<1x16xf32> to vector<16xf32>
        %mul3A_857 = arith.mulf %gather3A_760, %get3A_856 : vector<16xf32>
        %add3A_858 = arith.addf %scan3A_757, %mul3A_857 : vector<16xf32>
        %get3A_859 = arith.index_cast %add3A_768 : i32 to index
        %get3A_860 = arith.constant 112 : index
        %get3A_861 = tpu.vector_load %arg8[%get3A_859, %get3A_860] {strides = array<i32>} : memref<128x128xf32, #tpu.memory_space<vmem>>, vector<1x16xf32>,
        %get3A_862 = vector.shape_cast %get3A_861 : vector<1x16xf32> to vector<16xf32>
        %mul3A_863 = arith.mulf %gather3A_764, %get3A_862 : vector<16xf32>
        %add3A_864 = arith.addf %add3A_858, %mul3A_863 : vector<16xf32>
        scf.yield %add3A_780, %add3A_792, %add3A_804, %add3A_816, %add3A_828, %add3A_840, %add3A_852, %add3A_864 : vector<16xf32>, vector<16xf32>, vector<16xf32>, vector<16xf32>, vector<16xf32>, vector<16xf32>, vector<16xf32>, vector<16xf32>
      }
      %scan3A_369 = arith.constant 16 : i32
      %mul3A_370 = arith.constant 4 : i32
      %mul3A_371 = arith.muli %mul3A_91, %mul3A_370 : i32
      %add3A_372 = arith.constant 3 : i32
      %add3A_373 = arith.addi %mul3A_371, %add3A_372 : i32
      %swap3A_374 = arith.index_cast %add3A_373 : i32 to index
      %swap3A_375 = arith.constant 0 : index
      %swap3A_376 = tpu.vector_load %arg10[%swap3A_374, %swap3A_375] {strides = array<i32>} : memref<320x128xf32, #tpu.memory_space<vmem>>, vector<1x16xf32>,
      %swap3A_377 = vector.shape_cast %swap3A_376 : vector<1x16xf32> to vector<16xf32>
      %swap3A_378 = vector.shape_cast %scan3A_368#0 : vector<16xf32> to vector<1x16xf32>
      tpu.vector_store %arg10[%swap3A_374, %swap3A_375], %swap3A_378 {strides = array<i32>} : memref<320x128xf32, #tpu.memory_space<vmem>>, vector<1x16xf32>,
      %swap3A_379 = arith.index_cast %add3A_373 : i32 to index
      %swap3A_380 = arith.constant 16 : index
      %swap3A_381 = tpu.vector_load %arg10[%swap3A_379, %swap3A_380] {strides = array<i32>} : memref<320x128xf32, #tpu.memory_space<vmem>>, vector<1x16xf32>,
      %swap3A_382 = vector.shape_cast %swap3A_381 : vector<1x16xf32> to vector<16xf32>
      %swap3A_383 = vector.shape_cast %scan3A_368#1 : vector<16xf32> to vector<1x16xf32>
      tpu.vector_store %arg10[%swap3A_379, %swap3A_380], %swap3A_383 {strides = array<i32>} : memref<320x128xf32, #tpu.memory_space<vmem>>, vector<1x16xf32>,
      %swap3A_384 = arith.index_cast %add3A_373 : i32 to index
      %swap3A_385 = arith.constant 32 : index
      %swap3A_386 = tpu.vector_load %arg10[%swap3A_384, %swap3A_385] {strides = array<i32>} : memref<320x128xf32, #tpu.memory_space<vmem>>, vector<1x16xf32>,
      %swap3A_387 = vector.shape_cast %swap3A_386 : vector<1x16xf32> to vector<16xf32>
      %swap3A_388 = vector.shape_cast %scan3A_368#2 : vector<16xf32> to vector<1x16xf32>
      tpu.vector_store %arg10[%swap3A_384, %swap3A_385], %swap3A_388 {strides = array<i32>} : memref<320x128xf32, #tpu.memory_space<vmem>>, vector<1x16xf32>,
      %swap3A_389 = arith.index_cast %add3A_373 : i32 to index
      %swap3A_390 = arith.constant 48 : index
      %swap3A_391 = tpu.vector_load %arg10[%swap3A_389, %swap3A_390] {strides = array<i32>} : memref<320x128xf32, #tpu.memory_space<vmem>>, vector<1x16xf32>,
      %swap3A_392 = vector.shape_cast %swap3A_391 : vector<1x16xf32> to vector<16xf32>
      %swap3A_393 = vector.shape_cast %scan3A_368#3 : vector<16xf32> to vector<1x16xf32>
      tpu.vector_store %arg10[%swap3A_389, %swap3A_390], %swap3A_393 {strides = array<i32>} : memref<320x128xf32, #tpu.memory_space<vmem>>, vector<1x16xf32>,
      %swap3A_394 = arith.index_cast %add3A_373 : i32 to index
      %swap3A_395 = arith.constant 64 : index
      %swap3A_396 = tpu.vector_load %arg10[%swap3A_394, %swap3A_395] {strides = array<i32>} : memref<320x128xf32, #tpu.memory_space<vmem>>, vector<1x16xf32>,
      %swap3A_397 = vector.shape_cast %swap3A_396 : vector<1x16xf32> to vector<16xf32>
      %swap3A_398 = vector.shape_cast %scan3A_368#4 : vector<16xf32> to vector<1x16xf32>
      tpu.vector_store %arg10[%swap3A_394, %swap3A_395], %swap3A_398 {strides = array<i32>} : memref<320x128xf32, #tpu.memory_space<vmem>>, vector<1x16xf32>,
      %swap3A_399 = arith.index_cast %add3A_373 : i32 to index
      %swap3A_400 = arith.constant 80 : index
      %swap3A_401 = tpu.vector_load %arg10[%swap3A_399, %swap3A_400] {strides = array<i32>} : memref<320x128xf32, #tpu.memory_space<vmem>>, vector<1x16xf32>,
      %swap3A_402 = vector.shape_cast %swap3A_401 : vector<1x16xf32> to vector<16xf32>
      %swap3A_403 = vector.shape_cast %scan3A_368#5 : vector<16xf32> to vector<1x16xf32>
      tpu.vector_store %arg10[%swap3A_399, %swap3A_400], %swap3A_403 {strides = array<i32>} : memref<320x128xf32, #tpu.memory_space<vmem>>, vector<1x16xf32>,
      %swap3A_404 = arith.index_cast %add3A_373 : i32 to index
      %swap3A_405 = arith.constant 96 : index
      %swap3A_406 = tpu.vector_load %arg10[%swap3A_404, %swap3A_405] {strides = array<i32>} : memref<320x128xf32, #tpu.memory_space<vmem>>, vector<1x16xf32>,
      %swap3A_407 = vector.shape_cast %swap3A_406 : vector<1x16xf32> to vector<16xf32>
      %swap3A_408 = vector.shape_cast %scan3A_368#6 : vector<16xf32> to vector<1x16xf32>
      tpu.vector_store %arg10[%swap3A_404, %swap3A_405], %swap3A_408 {strides = array<i32>} : memref<320x128xf32, #tpu.memory_space<vmem>>, vector<1x16xf32>,
      %swap3A_409 = arith.index_cast %add3A_373 : i32 to index
      %swap3A_410 = arith.constant 112 : index
      %swap3A_411 = tpu.vector_load %arg10[%swap3A_409, %swap3A_410] {strides = array<i32>} : memref<320x128xf32, #tpu.memory_space<vmem>>, vector<1x16xf32>,
      %swap3A_412 = vector.shape_cast %swap3A_411 : vector<1x16xf32> to vector<16xf32>
      %swap3A_413 = vector.shape_cast %scan3A_368#7 : vector<16xf32> to vector<1x16xf32>
      tpu.vector_store %arg10[%swap3A_409, %swap3A_410], %swap3A_413 {strides = array<i32>} : memref<320x128xf32, #tpu.memory_space<vmem>>, vector<1x16xf32>,
      %add3A_414 = arith.constant 2 : i32
      %add3A_415 = arith.addi %mul3A_91, %add3A_414 : i32
      %lt3A_416 = arith.cmpi slt, %add3A_415, %min3A_34 : i32
      %convert_element_type3A_417 = arith.extui %lt3A_416 : i1 to i32
      %cond3A_418 = arith.constant 0 : i32
      %cond3A_419 = arith.cmpi ne, %convert_element_type3A_417, %cond3A_418 : i32
      scf.if %cond3A_419 {
        %add3A_749 = arith.constant 2 : i32
        %add3A_750 = arith.addi %mul3A_91, %add3A_749 : i32
        %mul3A_751 = arith.constant 128 : i32
        %mul3A_752 = arith.muli %add3A_750, %mul3A_751 : i32
        %multiple_of3A_753 = tpu.assume_multiple %mul3A_752, 128 : i32
        %dma_start3A_754 = tpu.memref_slice %arg6[%multiple_of3A_753] : memref<10240xi32, #tpu.memory_space<vmem>> -> memref<128xi32, #tpu.memory_space<vmem>>
        %dma_start3A_755 = arith.constant 0 : i32
        %dma_start3A_756 = arith.constant 0 : i32
        %dma_start3A_757 = tpu.memref_slice %arg2[%dma_start3A_755, %dma_start3A_756] : memref<10000x128xf32, #tpu.memory_space<hbm>> -> memref<10000x128xf32, #tpu.memory_space<hbm>>
        tpu.enqueue_indirect_dma source(%dma_start3A_757 : memref<10000x128xf32, #tpu.memory_space<hbm>>) target(%arg8 : memref<128x128xf32, #tpu.memory_space<vmem>>) offsets(%dma_start3A_754 : memref<128xi32, #tpu.memory_space<vmem>>) semaphore(%arg11 : memref<!tpu.dma_semaphore, #tpu.memory_space<semaphore_mem>>)
      } else {
      }
      %mul3A_420 = arith.constant 128 : i32
      %mul3A_421 = arith.muli %add3A_95, %mul3A_420 : i32
      %multiple_of3A_422 = tpu.assume_multiple %mul3A_421, 128 : i32
      %dma_wait3A_423 = tpu.memref_slice %arg6[%multiple_of3A_422] : memref<10240xi32, #tpu.memory_space<vmem>> -> memref<128xi32, #tpu.memory_space<vmem>>
      %dma_wait3A_424 = arith.constant 0 : i32
      %dma_wait3A_425 = arith.constant 0 : i32
      %dma_wait3A_426 = tpu.memref_slice %arg2[%dma_wait3A_424, %dma_wait3A_425] : memref<10000x128xf32, #tpu.memory_space<hbm>> -> memref<10000x128xf32, #tpu.memory_space<hbm>>
      tpu.wait_indirect_dma semaphore(%arg12 : memref<!tpu.dma_semaphore, #tpu.memory_space<semaphore_mem>>) src(%dma_wait3A_426 : memref<10000x128xf32, #tpu.memory_space<hbm>>) dst(%arg9 : memref<128x128xf32, #tpu.memory_space<vmem>>)
      %mul3A_427 = arith.constant 128 : i32
      %mul3A_428 = arith.muli %add3A_95, %mul3A_427 : i32
      %add3A_429 = arith.constant 0 : i32
      %add3A_430 = arith.addi %mul3A_428, %add3A_429 : i32
      %multiple_of3A_431 = tpu.assume_multiple %add3A_430, 32 : i32
      %get3A_432 = arith.index_cast %multiple_of3A_431 : i32 to index
      %get3A_433 = tpu.vector_load %arg7[%get3A_432] {strides = array<i32>} : memref<10240xf32, #tpu.memory_space<vmem>>, vector<16xf32>,
      %get3A_434 = vector.shape_cast %get3A_433 : vector<16xf32> to vector<16xf32>
      %add3A_435 = arith.constant 16 : i32
      %add3A_436 = arith.addi %multiple_of3A_431, %add3A_435 : i32
      %get3A_437 = arith.index_cast %add3A_436 : i32 to index
      %get3A_438 = tpu.vector_load %arg7[%get3A_437] {strides = array<i32>} : memref<10240xf32, #tpu.memory_space<vmem>>, vector<16xf32>,
      %get3A_439 = vector.shape_cast %get3A_438 : vector<16xf32> to vector<16xf32>
      %broadcast_in_dim3A_440 = arith.constant 0.000000e+00 : f32
      %broadcast_in_dim3A_441 = vector.broadcast %broadcast_in_dim3A_440 : f32 to vector<16xf32>
      %broadcast_in_dim3A_442 = arith.constant 0.000000e+00 : f32
      %broadcast_in_dim3A_443 = vector.broadcast %broadcast_in_dim3A_442 : f32 to vector<16xf32>
      %broadcast_in_dim3A_444 = arith.constant 0.000000e+00 : f32
      %broadcast_in_dim3A_445 = vector.broadcast %broadcast_in_dim3A_444 : f32 to vector<16xf32>
      %broadcast_in_dim3A_446 = arith.constant 0.000000e+00 : f32
      %broadcast_in_dim3A_447 = vector.broadcast %broadcast_in_dim3A_446 : f32 to vector<16xf32>
      %broadcast_in_dim3A_448 = arith.constant 0.000000e+00 : f32
      %broadcast_in_dim3A_449 = vector.broadcast %broadcast_in_dim3A_448 : f32 to vector<16xf32>
      %broadcast_in_dim3A_450 = arith.constant 0.000000e+00 : f32
      %broadcast_in_dim3A_451 = vector.broadcast %broadcast_in_dim3A_450 : f32 to vector<16xf32>
      %broadcast_in_dim3A_452 = arith.constant 0.000000e+00 : f32
      %broadcast_in_dim3A_453 = vector.broadcast %broadcast_in_dim3A_452 : f32 to vector<16xf32>
      %broadcast_in_dim3A_454 = arith.constant 0.000000e+00 : f32
      %broadcast_in_dim3A_455 = vector.broadcast %broadcast_in_dim3A_454 : f32 to vector<16xf32>
      %scan3A_456 = arith.constant 0 : i32
      %scan3A_457 = arith.constant 16 : i32
      %scan3A_458 = arith.addi %scan3A_456, %scan3A_457 : i32
      %scan3A_459 = arith.constant 1 : i32
      %scan3A_460:8 = scf.for %scan3A_749 = %scan3A_456 to %scan3A_458 step %scan3A_459 iter_args(%scan3A_750 = %broadcast_in_dim3A_441, %scan3A_751 = %broadcast_in_dim3A_443, %scan3A_752 = %broadcast_in_dim3A_445, %scan3A_753 = %broadcast_in_dim3A_447, %scan3A_754 = %broadcast_in_dim3A_449, %scan3A_755 = %broadcast_in_dim3A_451, %scan3A_756 = %broadcast_in_dim3A_453, %scan3A_757 = %broadcast_in_dim3A_455) -> (vector<16xf32>, vector<16xf32>, vector<16xf32>, vector<16xf32>, vector<16xf32>, vector<16xf32>, vector<16xf32>, vector<16xf32>)  : i32 {
        %broadcast_in_dim3A_758 = vector.broadcast %scan3A_749 : i32 to vector<16xi32>
        %broadcast_in_dim3A_759 = vector.shape_cast %broadcast_in_dim3A_758 : vector<16xi32> to vector<16x1xi32>
        %gather3A = vector.shape_cast %broadcast_in_dim3A_759 : vector<16x1xi32> to vector<16xi32>
        %gather3A_760 = tpu.dynamic_gather %get3A_434[%gather3A] in [0] : vector<16xf32>, vector<16xi32> -> vector<16xf32>
        %broadcast_in_dim3A_761 = vector.broadcast %scan3A_749 : i32 to vector<16xi32>
        %broadcast_in_dim3A_762 = vector.shape_cast %broadcast_in_dim3A_761 : vector<16xi32> to vector<16x1xi32>
        %gather3A_763 = vector.shape_cast %broadcast_in_dim3A_762 : vector<16x1xi32> to vector<16xi32>
        %gather3A_764 = tpu.dynamic_gather %get3A_439[%gather3A_763] in [0] : vector<16xf32>, vector<16xi32> -> vector<16xf32>
        %add3A_765 = arith.constant 0 : i32
        %add3A_766 = arith.addi %add3A_765, %scan3A_749 : i32
        %add3A_767 = arith.constant 16 : i32
        %add3A_768 = arith.addi %add3A_766, %add3A_767 : i32
        %get3A_769 = arith.index_cast %add3A_766 : i32 to index
        %get3A_770 = arith.constant 0 : index
        %get3A_771 = tpu.vector_load %arg9[%get3A_769, %get3A_770] {strides = array<i32>} : memref<128x128xf32, #tpu.memory_space<vmem>>, vector<1x16xf32>,
        %get3A_772 = vector.shape_cast %get3A_771 : vector<1x16xf32> to vector<16xf32>
        %mul3A_773 = arith.mulf %gather3A_760, %get3A_772 : vector<16xf32>
        %add3A_774 = arith.addf %scan3A_750, %mul3A_773 : vector<16xf32>
        %get3A_775 = arith.index_cast %add3A_768 : i32 to index
        %get3A_776 = arith.constant 0 : index
        %get3A_777 = tpu.vector_load %arg9[%get3A_775, %get3A_776] {strides = array<i32>} : memref<128x128xf32, #tpu.memory_space<vmem>>, vector<1x16xf32>,
        %get3A_778 = vector.shape_cast %get3A_777 : vector<1x16xf32> to vector<16xf32>
        %mul3A_779 = arith.mulf %gather3A_764, %get3A_778 : vector<16xf32>
        %add3A_780 = arith.addf %add3A_774, %mul3A_779 : vector<16xf32>
        %get3A_781 = arith.index_cast %add3A_766 : i32 to index
        %get3A_782 = arith.constant 16 : index
        %get3A_783 = tpu.vector_load %arg9[%get3A_781, %get3A_782] {strides = array<i32>} : memref<128x128xf32, #tpu.memory_space<vmem>>, vector<1x16xf32>,
        %get3A_784 = vector.shape_cast %get3A_783 : vector<1x16xf32> to vector<16xf32>
        %mul3A_785 = arith.mulf %gather3A_760, %get3A_784 : vector<16xf32>
        %add3A_786 = arith.addf %scan3A_751, %mul3A_785 : vector<16xf32>
        %get3A_787 = arith.index_cast %add3A_768 : i32 to index
        %get3A_788 = arith.constant 16 : index
        %get3A_789 = tpu.vector_load %arg9[%get3A_787, %get3A_788] {strides = array<i32>} : memref<128x128xf32, #tpu.memory_space<vmem>>, vector<1x16xf32>,
        %get3A_790 = vector.shape_cast %get3A_789 : vector<1x16xf32> to vector<16xf32>
        %mul3A_791 = arith.mulf %gather3A_764, %get3A_790 : vector<16xf32>
        %add3A_792 = arith.addf %add3A_786, %mul3A_791 : vector<16xf32>
        %get3A_793 = arith.index_cast %add3A_766 : i32 to index
        %get3A_794 = arith.constant 32 : index
        %get3A_795 = tpu.vector_load %arg9[%get3A_793, %get3A_794] {strides = array<i32>} : memref<128x128xf32, #tpu.memory_space<vmem>>, vector<1x16xf32>,
        %get3A_796 = vector.shape_cast %get3A_795 : vector<1x16xf32> to vector<16xf32>
        %mul3A_797 = arith.mulf %gather3A_760, %get3A_796 : vector<16xf32>
        %add3A_798 = arith.addf %scan3A_752, %mul3A_797 : vector<16xf32>
        %get3A_799 = arith.index_cast %add3A_768 : i32 to index
        %get3A_800 = arith.constant 32 : index
        %get3A_801 = tpu.vector_load %arg9[%get3A_799, %get3A_800] {strides = array<i32>} : memref<128x128xf32, #tpu.memory_space<vmem>>, vector<1x16xf32>,
        %get3A_802 = vector.shape_cast %get3A_801 : vector<1x16xf32> to vector<16xf32>
        %mul3A_803 = arith.mulf %gather3A_764, %get3A_802 : vector<16xf32>
        %add3A_804 = arith.addf %add3A_798, %mul3A_803 : vector<16xf32>
        %get3A_805 = arith.index_cast %add3A_766 : i32 to index
        %get3A_806 = arith.constant 48 : index
        %get3A_807 = tpu.vector_load %arg9[%get3A_805, %get3A_806] {strides = array<i32>} : memref<128x128xf32, #tpu.memory_space<vmem>>, vector<1x16xf32>,
        %get3A_808 = vector.shape_cast %get3A_807 : vector<1x16xf32> to vector<16xf32>
        %mul3A_809 = arith.mulf %gather3A_760, %get3A_808 : vector<16xf32>
        %add3A_810 = arith.addf %scan3A_753, %mul3A_809 : vector<16xf32>
        %get3A_811 = arith.index_cast %add3A_768 : i32 to index
        %get3A_812 = arith.constant 48 : index
        %get3A_813 = tpu.vector_load %arg9[%get3A_811, %get3A_812] {strides = array<i32>} : memref<128x128xf32, #tpu.memory_space<vmem>>, vector<1x16xf32>,
        %get3A_814 = vector.shape_cast %get3A_813 : vector<1x16xf32> to vector<16xf32>
        %mul3A_815 = arith.mulf %gather3A_764, %get3A_814 : vector<16xf32>
        %add3A_816 = arith.addf %add3A_810, %mul3A_815 : vector<16xf32>
        %get3A_817 = arith.index_cast %add3A_766 : i32 to index
        %get3A_818 = arith.constant 64 : index
        %get3A_819 = tpu.vector_load %arg9[%get3A_817, %get3A_818] {strides = array<i32>} : memref<128x128xf32, #tpu.memory_space<vmem>>, vector<1x16xf32>,
        %get3A_820 = vector.shape_cast %get3A_819 : vector<1x16xf32> to vector<16xf32>
        %mul3A_821 = arith.mulf %gather3A_760, %get3A_820 : vector<16xf32>
        %add3A_822 = arith.addf %scan3A_754, %mul3A_821 : vector<16xf32>
        %get3A_823 = arith.index_cast %add3A_768 : i32 to index
        %get3A_824 = arith.constant 64 : index
        %get3A_825 = tpu.vector_load %arg9[%get3A_823, %get3A_824] {strides = array<i32>} : memref<128x128xf32, #tpu.memory_space<vmem>>, vector<1x16xf32>,
        %get3A_826 = vector.shape_cast %get3A_825 : vector<1x16xf32> to vector<16xf32>
        %mul3A_827 = arith.mulf %gather3A_764, %get3A_826 : vector<16xf32>
        %add3A_828 = arith.addf %add3A_822, %mul3A_827 : vector<16xf32>
        %get3A_829 = arith.index_cast %add3A_766 : i32 to index
        %get3A_830 = arith.constant 80 : index
        %get3A_831 = tpu.vector_load %arg9[%get3A_829, %get3A_830] {strides = array<i32>} : memref<128x128xf32, #tpu.memory_space<vmem>>, vector<1x16xf32>,
        %get3A_832 = vector.shape_cast %get3A_831 : vector<1x16xf32> to vector<16xf32>
        %mul3A_833 = arith.mulf %gather3A_760, %get3A_832 : vector<16xf32>
        %add3A_834 = arith.addf %scan3A_755, %mul3A_833 : vector<16xf32>
        %get3A_835 = arith.index_cast %add3A_768 : i32 to index
        %get3A_836 = arith.constant 80 : index
        %get3A_837 = tpu.vector_load %arg9[%get3A_835, %get3A_836] {strides = array<i32>} : memref<128x128xf32, #tpu.memory_space<vmem>>, vector<1x16xf32>,
        %get3A_838 = vector.shape_cast %get3A_837 : vector<1x16xf32> to vector<16xf32>
        %mul3A_839 = arith.mulf %gather3A_764, %get3A_838 : vector<16xf32>
        %add3A_840 = arith.addf %add3A_834, %mul3A_839 : vector<16xf32>
        %get3A_841 = arith.index_cast %add3A_766 : i32 to index
        %get3A_842 = arith.constant 96 : index
        %get3A_843 = tpu.vector_load %arg9[%get3A_841, %get3A_842] {strides = array<i32>} : memref<128x128xf32, #tpu.memory_space<vmem>>, vector<1x16xf32>,
        %get3A_844 = vector.shape_cast %get3A_843 : vector<1x16xf32> to vector<16xf32>
        %mul3A_845 = arith.mulf %gather3A_760, %get3A_844 : vector<16xf32>
        %add3A_846 = arith.addf %scan3A_756, %mul3A_845 : vector<16xf32>
        %get3A_847 = arith.index_cast %add3A_768 : i32 to index
        %get3A_848 = arith.constant 96 : index
        %get3A_849 = tpu.vector_load %arg9[%get3A_847, %get3A_848] {strides = array<i32>} : memref<128x128xf32, #tpu.memory_space<vmem>>, vector<1x16xf32>,
        %get3A_850 = vector.shape_cast %get3A_849 : vector<1x16xf32> to vector<16xf32>
        %mul3A_851 = arith.mulf %gather3A_764, %get3A_850 : vector<16xf32>
        %add3A_852 = arith.addf %add3A_846, %mul3A_851 : vector<16xf32>
        %get3A_853 = arith.index_cast %add3A_766 : i32 to index
        %get3A_854 = arith.constant 112 : index
        %get3A_855 = tpu.vector_load %arg9[%get3A_853, %get3A_854] {strides = array<i32>} : memref<128x128xf32, #tpu.memory_space<vmem>>, vector<1x16xf32>,
        %get3A_856 = vector.shape_cast %get3A_855 : vector<1x16xf32> to vector<16xf32>
        %mul3A_857 = arith.mulf %gather3A_760, %get3A_856 : vector<16xf32>
        %add3A_858 = arith.addf %scan3A_757, %mul3A_857 : vector<16xf32>
        %get3A_859 = arith.index_cast %add3A_768 : i32 to index
        %get3A_860 = arith.constant 112 : index
        %get3A_861 = tpu.vector_load %arg9[%get3A_859, %get3A_860] {strides = array<i32>} : memref<128x128xf32, #tpu.memory_space<vmem>>, vector<1x16xf32>,
        %get3A_862 = vector.shape_cast %get3A_861 : vector<1x16xf32> to vector<16xf32>
        %mul3A_863 = arith.mulf %gather3A_764, %get3A_862 : vector<16xf32>
        %add3A_864 = arith.addf %add3A_858, %mul3A_863 : vector<16xf32>
        scf.yield %add3A_780, %add3A_792, %add3A_804, %add3A_816, %add3A_828, %add3A_840, %add3A_852, %add3A_864 : vector<16xf32>, vector<16xf32>, vector<16xf32>, vector<16xf32>, vector<16xf32>, vector<16xf32>, vector<16xf32>, vector<16xf32>
      }
      %scan3A_461 = arith.constant 16 : i32
      %mul3A_462 = arith.constant 4 : i32
      %mul3A_463 = arith.muli %add3A_95, %mul3A_462 : i32
      %add3A_464 = arith.constant 0 : i32
      %add3A_465 = arith.addi %mul3A_463, %add3A_464 : i32
      %swap3A_466 = arith.index_cast %add3A_465 : i32 to index
      %swap3A_467 = arith.constant 0 : index
      %swap3A_468 = tpu.vector_load %arg10[%swap3A_466, %swap3A_467] {strides = array<i32>} : memref<320x128xf32, #tpu.memory_space<vmem>>, vector<1x16xf32>,
      %swap3A_469 = vector.shape_cast %swap3A_468 : vector<1x16xf32> to vector<16xf32>
      %swap3A_470 = vector.shape_cast %scan3A_460#0 : vector<16xf32> to vector<1x16xf32>
      tpu.vector_store %arg10[%swap3A_466, %swap3A_467], %swap3A_470 {strides = array<i32>} : memref<320x128xf32, #tpu.memory_space<vmem>>, vector<1x16xf32>,
      %swap3A_471 = arith.index_cast %add3A_465 : i32 to index
      %swap3A_472 = arith.constant 16 : index
      %swap3A_473 = tpu.vector_load %arg10[%swap3A_471, %swap3A_472] {strides = array<i32>} : memref<320x128xf32, #tpu.memory_space<vmem>>, vector<1x16xf32>,
      %swap3A_474 = vector.shape_cast %swap3A_473 : vector<1x16xf32> to vector<16xf32>
      %swap3A_475 = vector.shape_cast %scan3A_460#1 : vector<16xf32> to vector<1x16xf32>
      tpu.vector_store %arg10[%swap3A_471, %swap3A_472], %swap3A_475 {strides = array<i32>} : memref<320x128xf32, #tpu.memory_space<vmem>>, vector<1x16xf32>,
      %swap3A_476 = arith.index_cast %add3A_465 : i32 to index
      %swap3A_477 = arith.constant 32 : index
      %swap3A_478 = tpu.vector_load %arg10[%swap3A_476, %swap3A_477] {strides = array<i32>} : memref<320x128xf32, #tpu.memory_space<vmem>>, vector<1x16xf32>,
      %swap3A_479 = vector.shape_cast %swap3A_478 : vector<1x16xf32> to vector<16xf32>
      %swap3A_480 = vector.shape_cast %scan3A_460#2 : vector<16xf32> to vector<1x16xf32>
      tpu.vector_store %arg10[%swap3A_476, %swap3A_477], %swap3A_480 {strides = array<i32>} : memref<320x128xf32, #tpu.memory_space<vmem>>, vector<1x16xf32>,
      %swap3A_481 = arith.index_cast %add3A_465 : i32 to index
      %swap3A_482 = arith.constant 48 : index
      %swap3A_483 = tpu.vector_load %arg10[%swap3A_481, %swap3A_482] {strides = array<i32>} : memref<320x128xf32, #tpu.memory_space<vmem>>, vector<1x16xf32>,
      %swap3A_484 = vector.shape_cast %swap3A_483 : vector<1x16xf32> to vector<16xf32>
      %swap3A_485 = vector.shape_cast %scan3A_460#3 : vector<16xf32> to vector<1x16xf32>
      tpu.vector_store %arg10[%swap3A_481, %swap3A_482], %swap3A_485 {strides = array<i32>} : memref<320x128xf32, #tpu.memory_space<vmem>>, vector<1x16xf32>,
      %swap3A_486 = arith.index_cast %add3A_465 : i32 to index
      %swap3A_487 = arith.constant 64 : index
      %swap3A_488 = tpu.vector_load %arg10[%swap3A_486, %swap3A_487] {strides = array<i32>} : memref<320x128xf32, #tpu.memory_space<vmem>>, vector<1x16xf32>,
      %swap3A_489 = vector.shape_cast %swap3A_488 : vector<1x16xf32> to vector<16xf32>
      %swap3A_490 = vector.shape_cast %scan3A_460#4 : vector<16xf32> to vector<1x16xf32>
      tpu.vector_store %arg10[%swap3A_486, %swap3A_487], %swap3A_490 {strides = array<i32>} : memref<320x128xf32, #tpu.memory_space<vmem>>, vector<1x16xf32>,
      %swap3A_491 = arith.index_cast %add3A_465 : i32 to index
      %swap3A_492 = arith.constant 80 : index
      %swap3A_493 = tpu.vector_load %arg10[%swap3A_491, %swap3A_492] {strides = array<i32>} : memref<320x128xf32, #tpu.memory_space<vmem>>, vector<1x16xf32>,
      %swap3A_494 = vector.shape_cast %swap3A_493 : vector<1x16xf32> to vector<16xf32>
      %swap3A_495 = vector.shape_cast %scan3A_460#5 : vector<16xf32> to vector<1x16xf32>
      tpu.vector_store %arg10[%swap3A_491, %swap3A_492], %swap3A_495 {strides = array<i32>} : memref<320x128xf32, #tpu.memory_space<vmem>>, vector<1x16xf32>,
      %swap3A_496 = arith.index_cast %add3A_465 : i32 to index
      %swap3A_497 = arith.constant 96 : index
      %swap3A_498 = tpu.vector_load %arg10[%swap3A_496, %swap3A_497] {strides = array<i32>} : memref<320x128xf32, #tpu.memory_space<vmem>>, vector<1x16xf32>,
      %swap3A_499 = vector.shape_cast %swap3A_498 : vector<1x16xf32> to vector<16xf32>
      %swap3A_500 = vector.shape_cast %scan3A_460#6 : vector<16xf32> to vector<1x16xf32>
      tpu.vector_store %arg10[%swap3A_496, %swap3A_497], %swap3A_500 {strides = array<i32>} : memref<320x128xf32, #tpu.memory_space<vmem>>, vector<1x16xf32>,
      %swap3A_501 = arith.index_cast %add3A_465 : i32 to index
      %swap3A_502 = arith.constant 112 : index
      %swap3A_503 = tpu.vector_load %arg10[%swap3A_501, %swap3A_502] {strides = array<i32>} : memref<320x128xf32, #tpu.memory_space<vmem>>, vector<1x16xf32>,
      %swap3A_504 = vector.shape_cast %swap3A_503 : vector<1x16xf32> to vector<16xf32>
      %swap3A_505 = vector.shape_cast %scan3A_460#7 : vector<16xf32> to vector<1x16xf32>
      tpu.vector_store %arg10[%swap3A_501, %swap3A_502], %swap3A_505 {strides = array<i32>} : memref<320x128xf32, #tpu.memory_space<vmem>>, vector<1x16xf32>,
      %mul3A_506 = arith.constant 128 : i32
      %mul3A_507 = arith.muli %add3A_95, %mul3A_506 : i32
      %add3A_508 = arith.constant 32 : i32
      %add3A_509 = arith.addi %mul3A_507, %add3A_508 : i32
      %multiple_of3A_510 = tpu.assume_multiple %add3A_509, 32 : i32
      %get3A_511 = arith.index_cast %multiple_of3A_510 : i32 to index
      %get3A_512 = tpu.vector_load %arg7[%get3A_511] {strides = array<i32>} : memref<10240xf32, #tpu.memory_space<vmem>>, vector<16xf32>,
      %get3A_513 = vector.shape_cast %get3A_512 : vector<16xf32> to vector<16xf32>
      %add3A_514 = arith.constant 16 : i32
      %add3A_515 = arith.addi %multiple_of3A_510, %add3A_514 : i32
      %get3A_516 = arith.index_cast %add3A_515 : i32 to index
      %get3A_517 = tpu.vector_load %arg7[%get3A_516] {strides = array<i32>} : memref<10240xf32, #tpu.memory_space<vmem>>, vector<16xf32>,
      %get3A_518 = vector.shape_cast %get3A_517 : vector<16xf32> to vector<16xf32>
      %broadcast_in_dim3A_519 = arith.constant 0.000000e+00 : f32
      %broadcast_in_dim3A_520 = vector.broadcast %broadcast_in_dim3A_519 : f32 to vector<16xf32>
      %broadcast_in_dim3A_521 = arith.constant 0.000000e+00 : f32
      %broadcast_in_dim3A_522 = vector.broadcast %broadcast_in_dim3A_521 : f32 to vector<16xf32>
      %broadcast_in_dim3A_523 = arith.constant 0.000000e+00 : f32
      %broadcast_in_dim3A_524 = vector.broadcast %broadcast_in_dim3A_523 : f32 to vector<16xf32>
      %broadcast_in_dim3A_525 = arith.constant 0.000000e+00 : f32
      %broadcast_in_dim3A_526 = vector.broadcast %broadcast_in_dim3A_525 : f32 to vector<16xf32>
      %broadcast_in_dim3A_527 = arith.constant 0.000000e+00 : f32
      %broadcast_in_dim3A_528 = vector.broadcast %broadcast_in_dim3A_527 : f32 to vector<16xf32>
      %broadcast_in_dim3A_529 = arith.constant 0.000000e+00 : f32
      %broadcast_in_dim3A_530 = vector.broadcast %broadcast_in_dim3A_529 : f32 to vector<16xf32>
      %broadcast_in_dim3A_531 = arith.constant 0.000000e+00 : f32
      %broadcast_in_dim3A_532 = vector.broadcast %broadcast_in_dim3A_531 : f32 to vector<16xf32>
      %broadcast_in_dim3A_533 = arith.constant 0.000000e+00 : f32
      %broadcast_in_dim3A_534 = vector.broadcast %broadcast_in_dim3A_533 : f32 to vector<16xf32>
      %scan3A_535 = arith.constant 0 : i32
      %scan3A_536 = arith.constant 16 : i32
      %scan3A_537 = arith.addi %scan3A_535, %scan3A_536 : i32
      %scan3A_538 = arith.constant 1 : i32
      %scan3A_539:8 = scf.for %scan3A_749 = %scan3A_535 to %scan3A_537 step %scan3A_538 iter_args(%scan3A_750 = %broadcast_in_dim3A_520, %scan3A_751 = %broadcast_in_dim3A_522, %scan3A_752 = %broadcast_in_dim3A_524, %scan3A_753 = %broadcast_in_dim3A_526, %scan3A_754 = %broadcast_in_dim3A_528, %scan3A_755 = %broadcast_in_dim3A_530, %scan3A_756 = %broadcast_in_dim3A_532, %scan3A_757 = %broadcast_in_dim3A_534) -> (vector<16xf32>, vector<16xf32>, vector<16xf32>, vector<16xf32>, vector<16xf32>, vector<16xf32>, vector<16xf32>, vector<16xf32>)  : i32 {
        %broadcast_in_dim3A_758 = vector.broadcast %scan3A_749 : i32 to vector<16xi32>
        %broadcast_in_dim3A_759 = vector.shape_cast %broadcast_in_dim3A_758 : vector<16xi32> to vector<16x1xi32>
        %gather3A = vector.shape_cast %broadcast_in_dim3A_759 : vector<16x1xi32> to vector<16xi32>
        %gather3A_760 = tpu.dynamic_gather %get3A_513[%gather3A] in [0] : vector<16xf32>, vector<16xi32> -> vector<16xf32>
        %broadcast_in_dim3A_761 = vector.broadcast %scan3A_749 : i32 to vector<16xi32>
        %broadcast_in_dim3A_762 = vector.shape_cast %broadcast_in_dim3A_761 : vector<16xi32> to vector<16x1xi32>
        %gather3A_763 = vector.shape_cast %broadcast_in_dim3A_762 : vector<16x1xi32> to vector<16xi32>
        %gather3A_764 = tpu.dynamic_gather %get3A_518[%gather3A_763] in [0] : vector<16xf32>, vector<16xi32> -> vector<16xf32>
        %add3A_765 = arith.constant 32 : i32
        %add3A_766 = arith.addi %add3A_765, %scan3A_749 : i32
        %add3A_767 = arith.constant 16 : i32
        %add3A_768 = arith.addi %add3A_766, %add3A_767 : i32
        %get3A_769 = arith.index_cast %add3A_766 : i32 to index
        %get3A_770 = arith.constant 0 : index
        %get3A_771 = tpu.vector_load %arg9[%get3A_769, %get3A_770] {strides = array<i32>} : memref<128x128xf32, #tpu.memory_space<vmem>>, vector<1x16xf32>,
        %get3A_772 = vector.shape_cast %get3A_771 : vector<1x16xf32> to vector<16xf32>
        %mul3A_773 = arith.mulf %gather3A_760, %get3A_772 : vector<16xf32>
        %add3A_774 = arith.addf %scan3A_750, %mul3A_773 : vector<16xf32>
        %get3A_775 = arith.index_cast %add3A_768 : i32 to index
        %get3A_776 = arith.constant 0 : index
        %get3A_777 = tpu.vector_load %arg9[%get3A_775, %get3A_776] {strides = array<i32>} : memref<128x128xf32, #tpu.memory_space<vmem>>, vector<1x16xf32>,
        %get3A_778 = vector.shape_cast %get3A_777 : vector<1x16xf32> to vector<16xf32>
        %mul3A_779 = arith.mulf %gather3A_764, %get3A_778 : vector<16xf32>
        %add3A_780 = arith.addf %add3A_774, %mul3A_779 : vector<16xf32>
        %get3A_781 = arith.index_cast %add3A_766 : i32 to index
        %get3A_782 = arith.constant 16 : index
        %get3A_783 = tpu.vector_load %arg9[%get3A_781, %get3A_782] {strides = array<i32>} : memref<128x128xf32, #tpu.memory_space<vmem>>, vector<1x16xf32>,
        %get3A_784 = vector.shape_cast %get3A_783 : vector<1x16xf32> to vector<16xf32>
        %mul3A_785 = arith.mulf %gather3A_760, %get3A_784 : vector<16xf32>
        %add3A_786 = arith.addf %scan3A_751, %mul3A_785 : vector<16xf32>
        %get3A_787 = arith.index_cast %add3A_768 : i32 to index
        %get3A_788 = arith.constant 16 : index
        %get3A_789 = tpu.vector_load %arg9[%get3A_787, %get3A_788] {strides = array<i32>} : memref<128x128xf32, #tpu.memory_space<vmem>>, vector<1x16xf32>,
        %get3A_790 = vector.shape_cast %get3A_789 : vector<1x16xf32> to vector<16xf32>
        %mul3A_791 = arith.mulf %gather3A_764, %get3A_790 : vector<16xf32>
        %add3A_792 = arith.addf %add3A_786, %mul3A_791 : vector<16xf32>
        %get3A_793 = arith.index_cast %add3A_766 : i32 to index
        %get3A_794 = arith.constant 32 : index
        %get3A_795 = tpu.vector_load %arg9[%get3A_793, %get3A_794] {strides = array<i32>} : memref<128x128xf32, #tpu.memory_space<vmem>>, vector<1x16xf32>,
        %get3A_796 = vector.shape_cast %get3A_795 : vector<1x16xf32> to vector<16xf32>
        %mul3A_797 = arith.mulf %gather3A_760, %get3A_796 : vector<16xf32>
        %add3A_798 = arith.addf %scan3A_752, %mul3A_797 : vector<16xf32>
        %get3A_799 = arith.index_cast %add3A_768 : i32 to index
        %get3A_800 = arith.constant 32 : index
        %get3A_801 = tpu.vector_load %arg9[%get3A_799, %get3A_800] {strides = array<i32>} : memref<128x128xf32, #tpu.memory_space<vmem>>, vector<1x16xf32>,
        %get3A_802 = vector.shape_cast %get3A_801 : vector<1x16xf32> to vector<16xf32>
        %mul3A_803 = arith.mulf %gather3A_764, %get3A_802 : vector<16xf32>
        %add3A_804 = arith.addf %add3A_798, %mul3A_803 : vector<16xf32>
        %get3A_805 = arith.index_cast %add3A_766 : i32 to index
        %get3A_806 = arith.constant 48 : index
        %get3A_807 = tpu.vector_load %arg9[%get3A_805, %get3A_806] {strides = array<i32>} : memref<128x128xf32, #tpu.memory_space<vmem>>, vector<1x16xf32>,
        %get3A_808 = vector.shape_cast %get3A_807 : vector<1x16xf32> to vector<16xf32>
        %mul3A_809 = arith.mulf %gather3A_760, %get3A_808 : vector<16xf32>
        %add3A_810 = arith.addf %scan3A_753, %mul3A_809 : vector<16xf32>
        %get3A_811 = arith.index_cast %add3A_768 : i32 to index
        %get3A_812 = arith.constant 48 : index
        %get3A_813 = tpu.vector_load %arg9[%get3A_811, %get3A_812] {strides = array<i32>} : memref<128x128xf32, #tpu.memory_space<vmem>>, vector<1x16xf32>,
        %get3A_814 = vector.shape_cast %get3A_813 : vector<1x16xf32> to vector<16xf32>
        %mul3A_815 = arith.mulf %gather3A_764, %get3A_814 : vector<16xf32>
        %add3A_816 = arith.addf %add3A_810, %mul3A_815 : vector<16xf32>
        %get3A_817 = arith.index_cast %add3A_766 : i32 to index
        %get3A_818 = arith.constant 64 : index
        %get3A_819 = tpu.vector_load %arg9[%get3A_817, %get3A_818] {strides = array<i32>} : memref<128x128xf32, #tpu.memory_space<vmem>>, vector<1x16xf32>,
        %get3A_820 = vector.shape_cast %get3A_819 : vector<1x16xf32> to vector<16xf32>
        %mul3A_821 = arith.mulf %gather3A_760, %get3A_820 : vector<16xf32>
        %add3A_822 = arith.addf %scan3A_754, %mul3A_821 : vector<16xf32>
        %get3A_823 = arith.index_cast %add3A_768 : i32 to index
        %get3A_824 = arith.constant 64 : index
        %get3A_825 = tpu.vector_load %arg9[%get3A_823, %get3A_824] {strides = array<i32>} : memref<128x128xf32, #tpu.memory_space<vmem>>, vector<1x16xf32>,
        %get3A_826 = vector.shape_cast %get3A_825 : vector<1x16xf32> to vector<16xf32>
        %mul3A_827 = arith.mulf %gather3A_764, %get3A_826 : vector<16xf32>
        %add3A_828 = arith.addf %add3A_822, %mul3A_827 : vector<16xf32>
        %get3A_829 = arith.index_cast %add3A_766 : i32 to index
        %get3A_830 = arith.constant 80 : index
        %get3A_831 = tpu.vector_load %arg9[%get3A_829, %get3A_830] {strides = array<i32>} : memref<128x128xf32, #tpu.memory_space<vmem>>, vector<1x16xf32>,
        %get3A_832 = vector.shape_cast %get3A_831 : vector<1x16xf32> to vector<16xf32>
        %mul3A_833 = arith.mulf %gather3A_760, %get3A_832 : vector<16xf32>
        %add3A_834 = arith.addf %scan3A_755, %mul3A_833 : vector<16xf32>
        %get3A_835 = arith.index_cast %add3A_768 : i32 to index
        %get3A_836 = arith.constant 80 : index
        %get3A_837 = tpu.vector_load %arg9[%get3A_835, %get3A_836] {strides = array<i32>} : memref<128x128xf32, #tpu.memory_space<vmem>>, vector<1x16xf32>,
        %get3A_838 = vector.shape_cast %get3A_837 : vector<1x16xf32> to vector<16xf32>
        %mul3A_839 = arith.mulf %gather3A_764, %get3A_838 : vector<16xf32>
        %add3A_840 = arith.addf %add3A_834, %mul3A_839 : vector<16xf32>
        %get3A_841 = arith.index_cast %add3A_766 : i32 to index
        %get3A_842 = arith.constant 96 : index
        %get3A_843 = tpu.vector_load %arg9[%get3A_841, %get3A_842] {strides = array<i32>} : memref<128x128xf32, #tpu.memory_space<vmem>>, vector<1x16xf32>,
        %get3A_844 = vector.shape_cast %get3A_843 : vector<1x16xf32> to vector<16xf32>
        %mul3A_845 = arith.mulf %gather3A_760, %get3A_844 : vector<16xf32>
        %add3A_846 = arith.addf %scan3A_756, %mul3A_845 : vector<16xf32>
        %get3A_847 = arith.index_cast %add3A_768 : i32 to index
        %get3A_848 = arith.constant 96 : index
        %get3A_849 = tpu.vector_load %arg9[%get3A_847, %get3A_848] {strides = array<i32>} : memref<128x128xf32, #tpu.memory_space<vmem>>, vector<1x16xf32>,
        %get3A_850 = vector.shape_cast %get3A_849 : vector<1x16xf32> to vector<16xf32>
        %mul3A_851 = arith.mulf %gather3A_764, %get3A_850 : vector<16xf32>
        %add3A_852 = arith.addf %add3A_846, %mul3A_851 : vector<16xf32>
        %get3A_853 = arith.index_cast %add3A_766 : i32 to index
        %get3A_854 = arith.constant 112 : index
        %get3A_855 = tpu.vector_load %arg9[%get3A_853, %get3A_854] {strides = array<i32>} : memref<128x128xf32, #tpu.memory_space<vmem>>, vector<1x16xf32>,
        %get3A_856 = vector.shape_cast %get3A_855 : vector<1x16xf32> to vector<16xf32>
        %mul3A_857 = arith.mulf %gather3A_760, %get3A_856 : vector<16xf32>
        %add3A_858 = arith.addf %scan3A_757, %mul3A_857 : vector<16xf32>
        %get3A_859 = arith.index_cast %add3A_768 : i32 to index
        %get3A_860 = arith.constant 112 : index
        %get3A_861 = tpu.vector_load %arg9[%get3A_859, %get3A_860] {strides = array<i32>} : memref<128x128xf32, #tpu.memory_space<vmem>>, vector<1x16xf32>,
        %get3A_862 = vector.shape_cast %get3A_861 : vector<1x16xf32> to vector<16xf32>
        %mul3A_863 = arith.mulf %gather3A_764, %get3A_862 : vector<16xf32>
        %add3A_864 = arith.addf %add3A_858, %mul3A_863 : vector<16xf32>
        scf.yield %add3A_780, %add3A_792, %add3A_804, %add3A_816, %add3A_828, %add3A_840, %add3A_852, %add3A_864 : vector<16xf32>, vector<16xf32>, vector<16xf32>, vector<16xf32>, vector<16xf32>, vector<16xf32>, vector<16xf32>, vector<16xf32>
      }
      %scan3A_540 = arith.constant 16 : i32
      %mul3A_541 = arith.constant 4 : i32
      %mul3A_542 = arith.muli %add3A_95, %mul3A_541 : i32
      %add3A_543 = arith.constant 1 : i32
      %add3A_544 = arith.addi %mul3A_542, %add3A_543 : i32
      %swap3A_545 = arith.index_cast %add3A_544 : i32 to index
      %swap3A_546 = arith.constant 0 : index
      %swap3A_547 = tpu.vector_load %arg10[%swap3A_545, %swap3A_546] {strides = array<i32>} : memref<320x128xf32, #tpu.memory_space<vmem>>, vector<1x16xf32>,
      %swap3A_548 = vector.shape_cast %swap3A_547 : vector<1x16xf32> to vector<16xf32>
      %swap3A_549 = vector.shape_cast %scan3A_539#0 : vector<16xf32> to vector<1x16xf32>
      tpu.vector_store %arg10[%swap3A_545, %swap3A_546], %swap3A_549 {strides = array<i32>} : memref<320x128xf32, #tpu.memory_space<vmem>>, vector<1x16xf32>,
      %swap3A_550 = arith.index_cast %add3A_544 : i32 to index
      %swap3A_551 = arith.constant 16 : index
      %swap3A_552 = tpu.vector_load %arg10[%swap3A_550, %swap3A_551] {strides = array<i32>} : memref<320x128xf32, #tpu.memory_space<vmem>>, vector<1x16xf32>,
      %swap3A_553 = vector.shape_cast %swap3A_552 : vector<1x16xf32> to vector<16xf32>
      %swap3A_554 = vector.shape_cast %scan3A_539#1 : vector<16xf32> to vector<1x16xf32>
      tpu.vector_store %arg10[%swap3A_550, %swap3A_551], %swap3A_554 {strides = array<i32>} : memref<320x128xf32, #tpu.memory_space<vmem>>, vector<1x16xf32>,
      %swap3A_555 = arith.index_cast %add3A_544 : i32 to index
      %swap3A_556 = arith.constant 32 : index
      %swap3A_557 = tpu.vector_load %arg10[%swap3A_555, %swap3A_556] {strides = array<i32>} : memref<320x128xf32, #tpu.memory_space<vmem>>, vector<1x16xf32>,
      %swap3A_558 = vector.shape_cast %swap3A_557 : vector<1x16xf32> to vector<16xf32>
      %swap3A_559 = vector.shape_cast %scan3A_539#2 : vector<16xf32> to vector<1x16xf32>
      tpu.vector_store %arg10[%swap3A_555, %swap3A_556], %swap3A_559 {strides = array<i32>} : memref<320x128xf32, #tpu.memory_space<vmem>>, vector<1x16xf32>,
      %swap3A_560 = arith.index_cast %add3A_544 : i32 to index
      %swap3A_561 = arith.constant 48 : index
      %swap3A_562 = tpu.vector_load %arg10[%swap3A_560, %swap3A_561] {strides = array<i32>} : memref<320x128xf32, #tpu.memory_space<vmem>>, vector<1x16xf32>,
      %swap3A_563 = vector.shape_cast %swap3A_562 : vector<1x16xf32> to vector<16xf32>
      %swap3A_564 = vector.shape_cast %scan3A_539#3 : vector<16xf32> to vector<1x16xf32>
      tpu.vector_store %arg10[%swap3A_560, %swap3A_561], %swap3A_564 {strides = array<i32>} : memref<320x128xf32, #tpu.memory_space<vmem>>, vector<1x16xf32>,
      %swap3A_565 = arith.index_cast %add3A_544 : i32 to index
      %swap3A_566 = arith.constant 64 : index
      %swap3A_567 = tpu.vector_load %arg10[%swap3A_565, %swap3A_566] {strides = array<i32>} : memref<320x128xf32, #tpu.memory_space<vmem>>, vector<1x16xf32>,
      %swap3A_568 = vector.shape_cast %swap3A_567 : vector<1x16xf32> to vector<16xf32>
      %swap3A_569 = vector.shape_cast %scan3A_539#4 : vector<16xf32> to vector<1x16xf32>
      tpu.vector_store %arg10[%swap3A_565, %swap3A_566], %swap3A_569 {strides = array<i32>} : memref<320x128xf32, #tpu.memory_space<vmem>>, vector<1x16xf32>,
      %swap3A_570 = arith.index_cast %add3A_544 : i32 to index
      %swap3A_571 = arith.constant 80 : index
      %swap3A_572 = tpu.vector_load %arg10[%swap3A_570, %swap3A_571] {strides = array<i32>} : memref<320x128xf32, #tpu.memory_space<vmem>>, vector<1x16xf32>,
      %swap3A_573 = vector.shape_cast %swap3A_572 : vector<1x16xf32> to vector<16xf32>
      %swap3A_574 = vector.shape_cast %scan3A_539#5 : vector<16xf32> to vector<1x16xf32>
      tpu.vector_store %arg10[%swap3A_570, %swap3A_571], %swap3A_574 {strides = array<i32>} : memref<320x128xf32, #tpu.memory_space<vmem>>, vector<1x16xf32>,
      %swap3A_575 = arith.index_cast %add3A_544 : i32 to index
      %swap3A_576 = arith.constant 96 : index
      %swap3A_577 = tpu.vector_load %arg10[%swap3A_575, %swap3A_576] {strides = array<i32>} : memref<320x128xf32, #tpu.memory_space<vmem>>, vector<1x16xf32>,
      %swap3A_578 = vector.shape_cast %swap3A_577 : vector<1x16xf32> to vector<16xf32>
      %swap3A_579 = vector.shape_cast %scan3A_539#6 : vector<16xf32> to vector<1x16xf32>
      tpu.vector_store %arg10[%swap3A_575, %swap3A_576], %swap3A_579 {strides = array<i32>} : memref<320x128xf32, #tpu.memory_space<vmem>>, vector<1x16xf32>,
      %swap3A_580 = arith.index_cast %add3A_544 : i32 to index
      %swap3A_581 = arith.constant 112 : index
      %swap3A_582 = tpu.vector_load %arg10[%swap3A_580, %swap3A_581] {strides = array<i32>} : memref<320x128xf32, #tpu.memory_space<vmem>>, vector<1x16xf32>,
      %swap3A_583 = vector.shape_cast %swap3A_582 : vector<1x16xf32> to vector<16xf32>
      %swap3A_584 = vector.shape_cast %scan3A_539#7 : vector<16xf32> to vector<1x16xf32>
      tpu.vector_store %arg10[%swap3A_580, %swap3A_581], %swap3A_584 {strides = array<i32>} : memref<320x128xf32, #tpu.memory_space<vmem>>, vector<1x16xf32>,
      %mul3A_585 = arith.constant 128 : i32
      %mul3A_586 = arith.muli %add3A_95, %mul3A_585 : i32
      %add3A_587 = arith.constant 64 : i32
      %add3A_588 = arith.addi %mul3A_586, %add3A_587 : i32
      %multiple_of3A_589 = tpu.assume_multiple %add3A_588, 32 : i32
      %get3A_590 = arith.index_cast %multiple_of3A_589 : i32 to index
      %get3A_591 = tpu.vector_load %arg7[%get3A_590] {strides = array<i32>} : memref<10240xf32, #tpu.memory_space<vmem>>, vector<16xf32>,
      %get3A_592 = vector.shape_cast %get3A_591 : vector<16xf32> to vector<16xf32>
      %add3A_593 = arith.constant 16 : i32
      %add3A_594 = arith.addi %multiple_of3A_589, %add3A_593 : i32
      %get3A_595 = arith.index_cast %add3A_594 : i32 to index
      %get3A_596 = tpu.vector_load %arg7[%get3A_595] {strides = array<i32>} : memref<10240xf32, #tpu.memory_space<vmem>>, vector<16xf32>,
      %get3A_597 = vector.shape_cast %get3A_596 : vector<16xf32> to vector<16xf32>
      %broadcast_in_dim3A_598 = arith.constant 0.000000e+00 : f32
      %broadcast_in_dim3A_599 = vector.broadcast %broadcast_in_dim3A_598 : f32 to vector<16xf32>
      %broadcast_in_dim3A_600 = arith.constant 0.000000e+00 : f32
      %broadcast_in_dim3A_601 = vector.broadcast %broadcast_in_dim3A_600 : f32 to vector<16xf32>
      %broadcast_in_dim3A_602 = arith.constant 0.000000e+00 : f32
      %broadcast_in_dim3A_603 = vector.broadcast %broadcast_in_dim3A_602 : f32 to vector<16xf32>
      %broadcast_in_dim3A_604 = arith.constant 0.000000e+00 : f32
      %broadcast_in_dim3A_605 = vector.broadcast %broadcast_in_dim3A_604 : f32 to vector<16xf32>
      %broadcast_in_dim3A_606 = arith.constant 0.000000e+00 : f32
      %broadcast_in_dim3A_607 = vector.broadcast %broadcast_in_dim3A_606 : f32 to vector<16xf32>
      %broadcast_in_dim3A_608 = arith.constant 0.000000e+00 : f32
      %broadcast_in_dim3A_609 = vector.broadcast %broadcast_in_dim3A_608 : f32 to vector<16xf32>
      %broadcast_in_dim3A_610 = arith.constant 0.000000e+00 : f32
      %broadcast_in_dim3A_611 = vector.broadcast %broadcast_in_dim3A_610 : f32 to vector<16xf32>
      %broadcast_in_dim3A_612 = arith.constant 0.000000e+00 : f32
      %broadcast_in_dim3A_613 = vector.broadcast %broadcast_in_dim3A_612 : f32 to vector<16xf32>
      %scan3A_614 = arith.constant 0 : i32
      %scan3A_615 = arith.constant 16 : i32
      %scan3A_616 = arith.addi %scan3A_614, %scan3A_615 : i32
      %scan3A_617 = arith.constant 1 : i32
      %scan3A_618:8 = scf.for %scan3A_749 = %scan3A_614 to %scan3A_616 step %scan3A_617 iter_args(%scan3A_750 = %broadcast_in_dim3A_599, %scan3A_751 = %broadcast_in_dim3A_601, %scan3A_752 = %broadcast_in_dim3A_603, %scan3A_753 = %broadcast_in_dim3A_605, %scan3A_754 = %broadcast_in_dim3A_607, %scan3A_755 = %broadcast_in_dim3A_609, %scan3A_756 = %broadcast_in_dim3A_611, %scan3A_757 = %broadcast_in_dim3A_613) -> (vector<16xf32>, vector<16xf32>, vector<16xf32>, vector<16xf32>, vector<16xf32>, vector<16xf32>, vector<16xf32>, vector<16xf32>)  : i32 {
        %broadcast_in_dim3A_758 = vector.broadcast %scan3A_749 : i32 to vector<16xi32>
        %broadcast_in_dim3A_759 = vector.shape_cast %broadcast_in_dim3A_758 : vector<16xi32> to vector<16x1xi32>
        %gather3A = vector.shape_cast %broadcast_in_dim3A_759 : vector<16x1xi32> to vector<16xi32>
        %gather3A_760 = tpu.dynamic_gather %get3A_592[%gather3A] in [0] : vector<16xf32>, vector<16xi32> -> vector<16xf32>
        %broadcast_in_dim3A_761 = vector.broadcast %scan3A_749 : i32 to vector<16xi32>
        %broadcast_in_dim3A_762 = vector.shape_cast %broadcast_in_dim3A_761 : vector<16xi32> to vector<16x1xi32>
        %gather3A_763 = vector.shape_cast %broadcast_in_dim3A_762 : vector<16x1xi32> to vector<16xi32>
        %gather3A_764 = tpu.dynamic_gather %get3A_597[%gather3A_763] in [0] : vector<16xf32>, vector<16xi32> -> vector<16xf32>
        %add3A_765 = arith.constant 64 : i32
        %add3A_766 = arith.addi %add3A_765, %scan3A_749 : i32
        %add3A_767 = arith.constant 16 : i32
        %add3A_768 = arith.addi %add3A_766, %add3A_767 : i32
        %get3A_769 = arith.index_cast %add3A_766 : i32 to index
        %get3A_770 = arith.constant 0 : index
        %get3A_771 = tpu.vector_load %arg9[%get3A_769, %get3A_770] {strides = array<i32>} : memref<128x128xf32, #tpu.memory_space<vmem>>, vector<1x16xf32>,
        %get3A_772 = vector.shape_cast %get3A_771 : vector<1x16xf32> to vector<16xf32>
        %mul3A_773 = arith.mulf %gather3A_760, %get3A_772 : vector<16xf32>
        %add3A_774 = arith.addf %scan3A_750, %mul3A_773 : vector<16xf32>
        %get3A_775 = arith.index_cast %add3A_768 : i32 to index
        %get3A_776 = arith.constant 0 : index
        %get3A_777 = tpu.vector_load %arg9[%get3A_775, %get3A_776] {strides = array<i32>} : memref<128x128xf32, #tpu.memory_space<vmem>>, vector<1x16xf32>,
        %get3A_778 = vector.shape_cast %get3A_777 : vector<1x16xf32> to vector<16xf32>
        %mul3A_779 = arith.mulf %gather3A_764, %get3A_778 : vector<16xf32>
        %add3A_780 = arith.addf %add3A_774, %mul3A_779 : vector<16xf32>
        %get3A_781 = arith.index_cast %add3A_766 : i32 to index
        %get3A_782 = arith.constant 16 : index
        %get3A_783 = tpu.vector_load %arg9[%get3A_781, %get3A_782] {strides = array<i32>} : memref<128x128xf32, #tpu.memory_space<vmem>>, vector<1x16xf32>,
        %get3A_784 = vector.shape_cast %get3A_783 : vector<1x16xf32> to vector<16xf32>
        %mul3A_785 = arith.mulf %gather3A_760, %get3A_784 : vector<16xf32>
        %add3A_786 = arith.addf %scan3A_751, %mul3A_785 : vector<16xf32>
        %get3A_787 = arith.index_cast %add3A_768 : i32 to index
        %get3A_788 = arith.constant 16 : index
        %get3A_789 = tpu.vector_load %arg9[%get3A_787, %get3A_788] {strides = array<i32>} : memref<128x128xf32, #tpu.memory_space<vmem>>, vector<1x16xf32>,
        %get3A_790 = vector.shape_cast %get3A_789 : vector<1x16xf32> to vector<16xf32>
        %mul3A_791 = arith.mulf %gather3A_764, %get3A_790 : vector<16xf32>
        %add3A_792 = arith.addf %add3A_786, %mul3A_791 : vector<16xf32>
        %get3A_793 = arith.index_cast %add3A_766 : i32 to index
        %get3A_794 = arith.constant 32 : index
        %get3A_795 = tpu.vector_load %arg9[%get3A_793, %get3A_794] {strides = array<i32>} : memref<128x128xf32, #tpu.memory_space<vmem>>, vector<1x16xf32>,
        %get3A_796 = vector.shape_cast %get3A_795 : vector<1x16xf32> to vector<16xf32>
        %mul3A_797 = arith.mulf %gather3A_760, %get3A_796 : vector<16xf32>
        %add3A_798 = arith.addf %scan3A_752, %mul3A_797 : vector<16xf32>
        %get3A_799 = arith.index_cast %add3A_768 : i32 to index
        %get3A_800 = arith.constant 32 : index
        %get3A_801 = tpu.vector_load %arg9[%get3A_799, %get3A_800] {strides = array<i32>} : memref<128x128xf32, #tpu.memory_space<vmem>>, vector<1x16xf32>,
        %get3A_802 = vector.shape_cast %get3A_801 : vector<1x16xf32> to vector<16xf32>
        %mul3A_803 = arith.mulf %gather3A_764, %get3A_802 : vector<16xf32>
        %add3A_804 = arith.addf %add3A_798, %mul3A_803 : vector<16xf32>
        %get3A_805 = arith.index_cast %add3A_766 : i32 to index
        %get3A_806 = arith.constant 48 : index
        %get3A_807 = tpu.vector_load %arg9[%get3A_805, %get3A_806] {strides = array<i32>} : memref<128x128xf32, #tpu.memory_space<vmem>>, vector<1x16xf32>,
        %get3A_808 = vector.shape_cast %get3A_807 : vector<1x16xf32> to vector<16xf32>
        %mul3A_809 = arith.mulf %gather3A_760, %get3A_808 : vector<16xf32>
        %add3A_810 = arith.addf %scan3A_753, %mul3A_809 : vector<16xf32>
        %get3A_811 = arith.index_cast %add3A_768 : i32 to index
        %get3A_812 = arith.constant 48 : index
        %get3A_813 = tpu.vector_load %arg9[%get3A_811, %get3A_812] {strides = array<i32>} : memref<128x128xf32, #tpu.memory_space<vmem>>, vector<1x16xf32>,
        %get3A_814 = vector.shape_cast %get3A_813 : vector<1x16xf32> to vector<16xf32>
        %mul3A_815 = arith.mulf %gather3A_764, %get3A_814 : vector<16xf32>
        %add3A_816 = arith.addf %add3A_810, %mul3A_815 : vector<16xf32>
        %get3A_817 = arith.index_cast %add3A_766 : i32 to index
        %get3A_818 = arith.constant 64 : index
        %get3A_819 = tpu.vector_load %arg9[%get3A_817, %get3A_818] {strides = array<i32>} : memref<128x128xf32, #tpu.memory_space<vmem>>, vector<1x16xf32>,
        %get3A_820 = vector.shape_cast %get3A_819 : vector<1x16xf32> to vector<16xf32>
        %mul3A_821 = arith.mulf %gather3A_760, %get3A_820 : vector<16xf32>
        %add3A_822 = arith.addf %scan3A_754, %mul3A_821 : vector<16xf32>
        %get3A_823 = arith.index_cast %add3A_768 : i32 to index
        %get3A_824 = arith.constant 64 : index
        %get3A_825 = tpu.vector_load %arg9[%get3A_823, %get3A_824] {strides = array<i32>} : memref<128x128xf32, #tpu.memory_space<vmem>>, vector<1x16xf32>,
        %get3A_826 = vector.shape_cast %get3A_825 : vector<1x16xf32> to vector<16xf32>
        %mul3A_827 = arith.mulf %gather3A_764, %get3A_826 : vector<16xf32>
        %add3A_828 = arith.addf %add3A_822, %mul3A_827 : vector<16xf32>
        %get3A_829 = arith.index_cast %add3A_766 : i32 to index
        %get3A_830 = arith.constant 80 : index
        %get3A_831 = tpu.vector_load %arg9[%get3A_829, %get3A_830] {strides = array<i32>} : memref<128x128xf32, #tpu.memory_space<vmem>>, vector<1x16xf32>,
        %get3A_832 = vector.shape_cast %get3A_831 : vector<1x16xf32> to vector<16xf32>
        %mul3A_833 = arith.mulf %gather3A_760, %get3A_832 : vector<16xf32>
        %add3A_834 = arith.addf %scan3A_755, %mul3A_833 : vector<16xf32>
        %get3A_835 = arith.index_cast %add3A_768 : i32 to index
        %get3A_836 = arith.constant 80 : index
        %get3A_837 = tpu.vector_load %arg9[%get3A_835, %get3A_836] {strides = array<i32>} : memref<128x128xf32, #tpu.memory_space<vmem>>, vector<1x16xf32>,
        %get3A_838 = vector.shape_cast %get3A_837 : vector<1x16xf32> to vector<16xf32>
        %mul3A_839 = arith.mulf %gather3A_764, %get3A_838 : vector<16xf32>
        %add3A_840 = arith.addf %add3A_834, %mul3A_839 : vector<16xf32>
        %get3A_841 = arith.index_cast %add3A_766 : i32 to index
        %get3A_842 = arith.constant 96 : index
        %get3A_843 = tpu.vector_load %arg9[%get3A_841, %get3A_842] {strides = array<i32>} : memref<128x128xf32, #tpu.memory_space<vmem>>, vector<1x16xf32>,
        %get3A_844 = vector.shape_cast %get3A_843 : vector<1x16xf32> to vector<16xf32>
        %mul3A_845 = arith.mulf %gather3A_760, %get3A_844 : vector<16xf32>
        %add3A_846 = arith.addf %scan3A_756, %mul3A_845 : vector<16xf32>
        %get3A_847 = arith.index_cast %add3A_768 : i32 to index
        %get3A_848 = arith.constant 96 : index
        %get3A_849 = tpu.vector_load %arg9[%get3A_847, %get3A_848] {strides = array<i32>} : memref<128x128xf32, #tpu.memory_space<vmem>>, vector<1x16xf32>,
        %get3A_850 = vector.shape_cast %get3A_849 : vector<1x16xf32> to vector<16xf32>
        %mul3A_851 = arith.mulf %gather3A_764, %get3A_850 : vector<16xf32>
        %add3A_852 = arith.addf %add3A_846, %mul3A_851 : vector<16xf32>
        %get3A_853 = arith.index_cast %add3A_766 : i32 to index
        %get3A_854 = arith.constant 112 : index
        %get3A_855 = tpu.vector_load %arg9[%get3A_853, %get3A_854] {strides = array<i32>} : memref<128x128xf32, #tpu.memory_space<vmem>>, vector<1x16xf32>,
        %get3A_856 = vector.shape_cast %get3A_855 : vector<1x16xf32> to vector<16xf32>
        %mul3A_857 = arith.mulf %gather3A_760, %get3A_856 : vector<16xf32>
        %add3A_858 = arith.addf %scan3A_757, %mul3A_857 : vector<16xf32>
        %get3A_859 = arith.index_cast %add3A_768 : i32 to index
        %get3A_860 = arith.constant 112 : index
        %get3A_861 = tpu.vector_load %arg9[%get3A_859, %get3A_860] {strides = array<i32>} : memref<128x128xf32, #tpu.memory_space<vmem>>, vector<1x16xf32>,
        %get3A_862 = vector.shape_cast %get3A_861 : vector<1x16xf32> to vector<16xf32>
        %mul3A_863 = arith.mulf %gather3A_764, %get3A_862 : vector<16xf32>
        %add3A_864 = arith.addf %add3A_858, %mul3A_863 : vector<16xf32>
        scf.yield %add3A_780, %add3A_792, %add3A_804, %add3A_816, %add3A_828, %add3A_840, %add3A_852, %add3A_864 : vector<16xf32>, vector<16xf32>, vector<16xf32>, vector<16xf32>, vector<16xf32>, vector<16xf32>, vector<16xf32>, vector<16xf32>
      }
      %scan3A_619 = arith.constant 16 : i32
      %mul3A_620 = arith.constant 4 : i32
      %mul3A_621 = arith.muli %add3A_95, %mul3A_620 : i32
      %add3A_622 = arith.constant 2 : i32
      %add3A_623 = arith.addi %mul3A_621, %add3A_622 : i32
      %swap3A_624 = arith.index_cast %add3A_623 : i32 to index
      %swap3A_625 = arith.constant 0 : index
      %swap3A_626 = tpu.vector_load %arg10[%swap3A_624, %swap3A_625] {strides = array<i32>} : memref<320x128xf32, #tpu.memory_space<vmem>>, vector<1x16xf32>,
      %swap3A_627 = vector.shape_cast %swap3A_626 : vector<1x16xf32> to vector<16xf32>
      %swap3A_628 = vector.shape_cast %scan3A_618#0 : vector<16xf32> to vector<1x16xf32>
      tpu.vector_store %arg10[%swap3A_624, %swap3A_625], %swap3A_628 {strides = array<i32>} : memref<320x128xf32, #tpu.memory_space<vmem>>, vector<1x16xf32>,
      %swap3A_629 = arith.index_cast %add3A_623 : i32 to index
      %swap3A_630 = arith.constant 16 : index
      %swap3A_631 = tpu.vector_load %arg10[%swap3A_629, %swap3A_630] {strides = array<i32>} : memref<320x128xf32, #tpu.memory_space<vmem>>, vector<1x16xf32>,
      %swap3A_632 = vector.shape_cast %swap3A_631 : vector<1x16xf32> to vector<16xf32>
      %swap3A_633 = vector.shape_cast %scan3A_618#1 : vector<16xf32> to vector<1x16xf32>
      tpu.vector_store %arg10[%swap3A_629, %swap3A_630], %swap3A_633 {strides = array<i32>} : memref<320x128xf32, #tpu.memory_space<vmem>>, vector<1x16xf32>,
      %swap3A_634 = arith.index_cast %add3A_623 : i32 to index
      %swap3A_635 = arith.constant 32 : index
      %swap3A_636 = tpu.vector_load %arg10[%swap3A_634, %swap3A_635] {strides = array<i32>} : memref<320x128xf32, #tpu.memory_space<vmem>>, vector<1x16xf32>,
      %swap3A_637 = vector.shape_cast %swap3A_636 : vector<1x16xf32> to vector<16xf32>
      %swap3A_638 = vector.shape_cast %scan3A_618#2 : vector<16xf32> to vector<1x16xf32>
      tpu.vector_store %arg10[%swap3A_634, %swap3A_635], %swap3A_638 {strides = array<i32>} : memref<320x128xf32, #tpu.memory_space<vmem>>, vector<1x16xf32>,
      %swap3A_639 = arith.index_cast %add3A_623 : i32 to index
      %swap3A_640 = arith.constant 48 : index
      %swap3A_641 = tpu.vector_load %arg10[%swap3A_639, %swap3A_640] {strides = array<i32>} : memref<320x128xf32, #tpu.memory_space<vmem>>, vector<1x16xf32>,
      %swap3A_642 = vector.shape_cast %swap3A_641 : vector<1x16xf32> to vector<16xf32>
      %swap3A_643 = vector.shape_cast %scan3A_618#3 : vector<16xf32> to vector<1x16xf32>
      tpu.vector_store %arg10[%swap3A_639, %swap3A_640], %swap3A_643 {strides = array<i32>} : memref<320x128xf32, #tpu.memory_space<vmem>>, vector<1x16xf32>,
      %swap3A_644 = arith.index_cast %add3A_623 : i32 to index
      %swap3A_645 = arith.constant 64 : index
      %swap3A_646 = tpu.vector_load %arg10[%swap3A_644, %swap3A_645] {strides = array<i32>} : memref<320x128xf32, #tpu.memory_space<vmem>>, vector<1x16xf32>,
      %swap3A_647 = vector.shape_cast %swap3A_646 : vector<1x16xf32> to vector<16xf32>
      %swap3A_648 = vector.shape_cast %scan3A_618#4 : vector<16xf32> to vector<1x16xf32>
      tpu.vector_store %arg10[%swap3A_644, %swap3A_645], %swap3A_648 {strides = array<i32>} : memref<320x128xf32, #tpu.memory_space<vmem>>, vector<1x16xf32>,
      %swap3A_649 = arith.index_cast %add3A_623 : i32 to index
      %swap3A_650 = arith.constant 80 : index
      %swap3A_651 = tpu.vector_load %arg10[%swap3A_649, %swap3A_650] {strides = array<i32>} : memref<320x128xf32, #tpu.memory_space<vmem>>, vector<1x16xf32>,
      %swap3A_652 = vector.shape_cast %swap3A_651 : vector<1x16xf32> to vector<16xf32>
      %swap3A_653 = vector.shape_cast %scan3A_618#5 : vector<16xf32> to vector<1x16xf32>
      tpu.vector_store %arg10[%swap3A_649, %swap3A_650], %swap3A_653 {strides = array<i32>} : memref<320x128xf32, #tpu.memory_space<vmem>>, vector<1x16xf32>,
      %swap3A_654 = arith.index_cast %add3A_623 : i32 to index
      %swap3A_655 = arith.constant 96 : index
      %swap3A_656 = tpu.vector_load %arg10[%swap3A_654, %swap3A_655] {strides = array<i32>} : memref<320x128xf32, #tpu.memory_space<vmem>>, vector<1x16xf32>,
      %swap3A_657 = vector.shape_cast %swap3A_656 : vector<1x16xf32> to vector<16xf32>
      %swap3A_658 = vector.shape_cast %scan3A_618#6 : vector<16xf32> to vector<1x16xf32>
      tpu.vector_store %arg10[%swap3A_654, %swap3A_655], %swap3A_658 {strides = array<i32>} : memref<320x128xf32, #tpu.memory_space<vmem>>, vector<1x16xf32>,
      %swap3A_659 = arith.index_cast %add3A_623 : i32 to index
      %swap3A_660 = arith.constant 112 : index
      %swap3A_661 = tpu.vector_load %arg10[%swap3A_659, %swap3A_660] {strides = array<i32>} : memref<320x128xf32, #tpu.memory_space<vmem>>, vector<1x16xf32>,
      %swap3A_662 = vector.shape_cast %swap3A_661 : vector<1x16xf32> to vector<16xf32>
      %swap3A_663 = vector.shape_cast %scan3A_618#7 : vector<16xf32> to vector<1x16xf32>
      tpu.vector_store %arg10[%swap3A_659, %swap3A_660], %swap3A_663 {strides = array<i32>} : memref<320x128xf32, #tpu.memory_space<vmem>>, vector<1x16xf32>,
      %mul3A_664 = arith.constant 128 : i32
      %mul3A_665 = arith.muli %add3A_95, %mul3A_664 : i32
      %add3A_666 = arith.constant 96 : i32
      %add3A_667 = arith.addi %mul3A_665, %add3A_666 : i32
      %multiple_of3A_668 = tpu.assume_multiple %add3A_667, 32 : i32
      %get3A_669 = arith.index_cast %multiple_of3A_668 : i32 to index
      %get3A_670 = tpu.vector_load %arg7[%get3A_669] {strides = array<i32>} : memref<10240xf32, #tpu.memory_space<vmem>>, vector<16xf32>,
      %get3A_671 = vector.shape_cast %get3A_670 : vector<16xf32> to vector<16xf32>
      %add3A_672 = arith.constant 16 : i32
      %add3A_673 = arith.addi %multiple_of3A_668, %add3A_672 : i32
      %get3A_674 = arith.index_cast %add3A_673 : i32 to index
      %get3A_675 = tpu.vector_load %arg7[%get3A_674] {strides = array<i32>} : memref<10240xf32, #tpu.memory_space<vmem>>, vector<16xf32>,
      %get3A_676 = vector.shape_cast %get3A_675 : vector<16xf32> to vector<16xf32>
      %broadcast_in_dim3A_677 = arith.constant 0.000000e+00 : f32
      %broadcast_in_dim3A_678 = vector.broadcast %broadcast_in_dim3A_677 : f32 to vector<16xf32>
      %broadcast_in_dim3A_679 = arith.constant 0.000000e+00 : f32
      %broadcast_in_dim3A_680 = vector.broadcast %broadcast_in_dim3A_679 : f32 to vector<16xf32>
      %broadcast_in_dim3A_681 = arith.constant 0.000000e+00 : f32
      %broadcast_in_dim3A_682 = vector.broadcast %broadcast_in_dim3A_681 : f32 to vector<16xf32>
      %broadcast_in_dim3A_683 = arith.constant 0.000000e+00 : f32
      %broadcast_in_dim3A_684 = vector.broadcast %broadcast_in_dim3A_683 : f32 to vector<16xf32>
      %broadcast_in_dim3A_685 = arith.constant 0.000000e+00 : f32
      %broadcast_in_dim3A_686 = vector.broadcast %broadcast_in_dim3A_685 : f32 to vector<16xf32>
      %broadcast_in_dim3A_687 = arith.constant 0.000000e+00 : f32
      %broadcast_in_dim3A_688 = vector.broadcast %broadcast_in_dim3A_687 : f32 to vector<16xf32>
      %broadcast_in_dim3A_689 = arith.constant 0.000000e+00 : f32
      %broadcast_in_dim3A_690 = vector.broadcast %broadcast_in_dim3A_689 : f32 to vector<16xf32>
      %broadcast_in_dim3A_691 = arith.constant 0.000000e+00 : f32
      %broadcast_in_dim3A_692 = vector.broadcast %broadcast_in_dim3A_691 : f32 to vector<16xf32>
      %scan3A_693 = arith.constant 0 : i32
      %scan3A_694 = arith.constant 16 : i32
      %scan3A_695 = arith.addi %scan3A_693, %scan3A_694 : i32
      %scan3A_696 = arith.constant 1 : i32
      %scan3A_697:8 = scf.for %scan3A_749 = %scan3A_693 to %scan3A_695 step %scan3A_696 iter_args(%scan3A_750 = %broadcast_in_dim3A_678, %scan3A_751 = %broadcast_in_dim3A_680, %scan3A_752 = %broadcast_in_dim3A_682, %scan3A_753 = %broadcast_in_dim3A_684, %scan3A_754 = %broadcast_in_dim3A_686, %scan3A_755 = %broadcast_in_dim3A_688, %scan3A_756 = %broadcast_in_dim3A_690, %scan3A_757 = %broadcast_in_dim3A_692) -> (vector<16xf32>, vector<16xf32>, vector<16xf32>, vector<16xf32>, vector<16xf32>, vector<16xf32>, vector<16xf32>, vector<16xf32>)  : i32 {
        %broadcast_in_dim3A_758 = vector.broadcast %scan3A_749 : i32 to vector<16xi32>
        %broadcast_in_dim3A_759 = vector.shape_cast %broadcast_in_dim3A_758 : vector<16xi32> to vector<16x1xi32>
        %gather3A = vector.shape_cast %broadcast_in_dim3A_759 : vector<16x1xi32> to vector<16xi32>
        %gather3A_760 = tpu.dynamic_gather %get3A_671[%gather3A] in [0] : vector<16xf32>, vector<16xi32> -> vector<16xf32>
        %broadcast_in_dim3A_761 = vector.broadcast %scan3A_749 : i32 to vector<16xi32>
        %broadcast_in_dim3A_762 = vector.shape_cast %broadcast_in_dim3A_761 : vector<16xi32> to vector<16x1xi32>
        %gather3A_763 = vector.shape_cast %broadcast_in_dim3A_762 : vector<16x1xi32> to vector<16xi32>
        %gather3A_764 = tpu.dynamic_gather %get3A_676[%gather3A_763] in [0] : vector<16xf32>, vector<16xi32> -> vector<16xf32>
        %add3A_765 = arith.constant 96 : i32
        %add3A_766 = arith.addi %add3A_765, %scan3A_749 : i32
        %add3A_767 = arith.constant 16 : i32
        %add3A_768 = arith.addi %add3A_766, %add3A_767 : i32
        %get3A_769 = arith.index_cast %add3A_766 : i32 to index
        %get3A_770 = arith.constant 0 : index
        %get3A_771 = tpu.vector_load %arg9[%get3A_769, %get3A_770] {strides = array<i32>} : memref<128x128xf32, #tpu.memory_space<vmem>>, vector<1x16xf32>,
        %get3A_772 = vector.shape_cast %get3A_771 : vector<1x16xf32> to vector<16xf32>
        %mul3A_773 = arith.mulf %gather3A_760, %get3A_772 : vector<16xf32>
        %add3A_774 = arith.addf %scan3A_750, %mul3A_773 : vector<16xf32>
        %get3A_775 = arith.index_cast %add3A_768 : i32 to index
        %get3A_776 = arith.constant 0 : index
        %get3A_777 = tpu.vector_load %arg9[%get3A_775, %get3A_776] {strides = array<i32>} : memref<128x128xf32, #tpu.memory_space<vmem>>, vector<1x16xf32>,
        %get3A_778 = vector.shape_cast %get3A_777 : vector<1x16xf32> to vector<16xf32>
        %mul3A_779 = arith.mulf %gather3A_764, %get3A_778 : vector<16xf32>
        %add3A_780 = arith.addf %add3A_774, %mul3A_779 : vector<16xf32>
        %get3A_781 = arith.index_cast %add3A_766 : i32 to index
        %get3A_782 = arith.constant 16 : index
        %get3A_783 = tpu.vector_load %arg9[%get3A_781, %get3A_782] {strides = array<i32>} : memref<128x128xf32, #tpu.memory_space<vmem>>, vector<1x16xf32>,
        %get3A_784 = vector.shape_cast %get3A_783 : vector<1x16xf32> to vector<16xf32>
        %mul3A_785 = arith.mulf %gather3A_760, %get3A_784 : vector<16xf32>
        %add3A_786 = arith.addf %scan3A_751, %mul3A_785 : vector<16xf32>
        %get3A_787 = arith.index_cast %add3A_768 : i32 to index
        %get3A_788 = arith.constant 16 : index
        %get3A_789 = tpu.vector_load %arg9[%get3A_787, %get3A_788] {strides = array<i32>} : memref<128x128xf32, #tpu.memory_space<vmem>>, vector<1x16xf32>,
        %get3A_790 = vector.shape_cast %get3A_789 : vector<1x16xf32> to vector<16xf32>
        %mul3A_791 = arith.mulf %gather3A_764, %get3A_790 : vector<16xf32>
        %add3A_792 = arith.addf %add3A_786, %mul3A_791 : vector<16xf32>
        %get3A_793 = arith.index_cast %add3A_766 : i32 to index
        %get3A_794 = arith.constant 32 : index
        %get3A_795 = tpu.vector_load %arg9[%get3A_793, %get3A_794] {strides = array<i32>} : memref<128x128xf32, #tpu.memory_space<vmem>>, vector<1x16xf32>,
        %get3A_796 = vector.shape_cast %get3A_795 : vector<1x16xf32> to vector<16xf32>
        %mul3A_797 = arith.mulf %gather3A_760, %get3A_796 : vector<16xf32>
        %add3A_798 = arith.addf %scan3A_752, %mul3A_797 : vector<16xf32>
        %get3A_799 = arith.index_cast %add3A_768 : i32 to index
        %get3A_800 = arith.constant 32 : index
        %get3A_801 = tpu.vector_load %arg9[%get3A_799, %get3A_800] {strides = array<i32>} : memref<128x128xf32, #tpu.memory_space<vmem>>, vector<1x16xf32>,
        %get3A_802 = vector.shape_cast %get3A_801 : vector<1x16xf32> to vector<16xf32>
        %mul3A_803 = arith.mulf %gather3A_764, %get3A_802 : vector<16xf32>
        %add3A_804 = arith.addf %add3A_798, %mul3A_803 : vector<16xf32>
        %get3A_805 = arith.index_cast %add3A_766 : i32 to index
        %get3A_806 = arith.constant 48 : index
        %get3A_807 = tpu.vector_load %arg9[%get3A_805, %get3A_806] {strides = array<i32>} : memref<128x128xf32, #tpu.memory_space<vmem>>, vector<1x16xf32>,
        %get3A_808 = vector.shape_cast %get3A_807 : vector<1x16xf32> to vector<16xf32>
        %mul3A_809 = arith.mulf %gather3A_760, %get3A_808 : vector<16xf32>
        %add3A_810 = arith.addf %scan3A_753, %mul3A_809 : vector<16xf32>
        %get3A_811 = arith.index_cast %add3A_768 : i32 to index
        %get3A_812 = arith.constant 48 : index
        %get3A_813 = tpu.vector_load %arg9[%get3A_811, %get3A_812] {strides = array<i32>} : memref<128x128xf32, #tpu.memory_space<vmem>>, vector<1x16xf32>,
        %get3A_814 = vector.shape_cast %get3A_813 : vector<1x16xf32> to vector<16xf32>
        %mul3A_815 = arith.mulf %gather3A_764, %get3A_814 : vector<16xf32>
        %add3A_816 = arith.addf %add3A_810, %mul3A_815 : vector<16xf32>
        %get3A_817 = arith.index_cast %add3A_766 : i32 to index
        %get3A_818 = arith.constant 64 : index
        %get3A_819 = tpu.vector_load %arg9[%get3A_817, %get3A_818] {strides = array<i32>} : memref<128x128xf32, #tpu.memory_space<vmem>>, vector<1x16xf32>,
        %get3A_820 = vector.shape_cast %get3A_819 : vector<1x16xf32> to vector<16xf32>
        %mul3A_821 = arith.mulf %gather3A_760, %get3A_820 : vector<16xf32>
        %add3A_822 = arith.addf %scan3A_754, %mul3A_821 : vector<16xf32>
        %get3A_823 = arith.index_cast %add3A_768 : i32 to index
        %get3A_824 = arith.constant 64 : index
        %get3A_825 = tpu.vector_load %arg9[%get3A_823, %get3A_824] {strides = array<i32>} : memref<128x128xf32, #tpu.memory_space<vmem>>, vector<1x16xf32>,
        %get3A_826 = vector.shape_cast %get3A_825 : vector<1x16xf32> to vector<16xf32>
        %mul3A_827 = arith.mulf %gather3A_764, %get3A_826 : vector<16xf32>
        %add3A_828 = arith.addf %add3A_822, %mul3A_827 : vector<16xf32>
        %get3A_829 = arith.index_cast %add3A_766 : i32 to index
        %get3A_830 = arith.constant 80 : index
        %get3A_831 = tpu.vector_load %arg9[%get3A_829, %get3A_830] {strides = array<i32>} : memref<128x128xf32, #tpu.memory_space<vmem>>, vector<1x16xf32>,
        %get3A_832 = vector.shape_cast %get3A_831 : vector<1x16xf32> to vector<16xf32>
        %mul3A_833 = arith.mulf %gather3A_760, %get3A_832 : vector<16xf32>
        %add3A_834 = arith.addf %scan3A_755, %mul3A_833 : vector<16xf32>
        %get3A_835 = arith.index_cast %add3A_768 : i32 to index
        %get3A_836 = arith.constant 80 : index
        %get3A_837 = tpu.vector_load %arg9[%get3A_835, %get3A_836] {strides = array<i32>} : memref<128x128xf32, #tpu.memory_space<vmem>>, vector<1x16xf32>,
        %get3A_838 = vector.shape_cast %get3A_837 : vector<1x16xf32> to vector<16xf32>
        %mul3A_839 = arith.mulf %gather3A_764, %get3A_838 : vector<16xf32>
        %add3A_840 = arith.addf %add3A_834, %mul3A_839 : vector<16xf32>
        %get3A_841 = arith.index_cast %add3A_766 : i32 to index
        %get3A_842 = arith.constant 96 : index
        %get3A_843 = tpu.vector_load %arg9[%get3A_841, %get3A_842] {strides = array<i32>} : memref<128x128xf32, #tpu.memory_space<vmem>>, vector<1x16xf32>,
        %get3A_844 = vector.shape_cast %get3A_843 : vector<1x16xf32> to vector<16xf32>
        %mul3A_845 = arith.mulf %gather3A_760, %get3A_844 : vector<16xf32>
        %add3A_846 = arith.addf %scan3A_756, %mul3A_845 : vector<16xf32>
        %get3A_847 = arith.index_cast %add3A_768 : i32 to index
        %get3A_848 = arith.constant 96 : index
        %get3A_849 = tpu.vector_load %arg9[%get3A_847, %get3A_848] {strides = array<i32>} : memref<128x128xf32, #tpu.memory_space<vmem>>, vector<1x16xf32>,
        %get3A_850 = vector.shape_cast %get3A_849 : vector<1x16xf32> to vector<16xf32>
        %mul3A_851 = arith.mulf %gather3A_764, %get3A_850 : vector<16xf32>
        %add3A_852 = arith.addf %add3A_846, %mul3A_851 : vector<16xf32>
        %get3A_853 = arith.index_cast %add3A_766 : i32 to index
        %get3A_854 = arith.constant 112 : index
        %get3A_855 = tpu.vector_load %arg9[%get3A_853, %get3A_854] {strides = array<i32>} : memref<128x128xf32, #tpu.memory_space<vmem>>, vector<1x16xf32>,
        %get3A_856 = vector.shape_cast %get3A_855 : vector<1x16xf32> to vector<16xf32>
        %mul3A_857 = arith.mulf %gather3A_760, %get3A_856 : vector<16xf32>
        %add3A_858 = arith.addf %scan3A_757, %mul3A_857 : vector<16xf32>
        %get3A_859 = arith.index_cast %add3A_768 : i32 to index
        %get3A_860 = arith.constant 112 : index
        %get3A_861 = tpu.vector_load %arg9[%get3A_859, %get3A_860] {strides = array<i32>} : memref<128x128xf32, #tpu.memory_space<vmem>>, vector<1x16xf32>,
        %get3A_862 = vector.shape_cast %get3A_861 : vector<1x16xf32> to vector<16xf32>
        %mul3A_863 = arith.mulf %gather3A_764, %get3A_862 : vector<16xf32>
        %add3A_864 = arith.addf %add3A_858, %mul3A_863 : vector<16xf32>
        scf.yield %add3A_780, %add3A_792, %add3A_804, %add3A_816, %add3A_828, %add3A_840, %add3A_852, %add3A_864 : vector<16xf32>, vector<16xf32>, vector<16xf32>, vector<16xf32>, vector<16xf32>, vector<16xf32>, vector<16xf32>, vector<16xf32>
      }
      %scan3A_698 = arith.constant 16 : i32
      %mul3A_699 = arith.constant 4 : i32
      %mul3A_700 = arith.muli %add3A_95, %mul3A_699 : i32
      %add3A_701 = arith.constant 3 : i32
      %add3A_702 = arith.addi %mul3A_700, %add3A_701 : i32
      %swap3A_703 = arith.index_cast %add3A_702 : i32 to index
      %swap3A_704 = arith.constant 0 : index
      %swap3A_705 = tpu.vector_load %arg10[%swap3A_703, %swap3A_704] {strides = array<i32>} : memref<320x128xf32, #tpu.memory_space<vmem>>, vector<1x16xf32>,
      %swap3A_706 = vector.shape_cast %swap3A_705 : vector<1x16xf32> to vector<16xf32>
      %swap3A_707 = vector.shape_cast %scan3A_697#0 : vector<16xf32> to vector<1x16xf32>
      tpu.vector_store %arg10[%swap3A_703, %swap3A_704], %swap3A_707 {strides = array<i32>} : memref<320x128xf32, #tpu.memory_space<vmem>>, vector<1x16xf32>,
      %swap3A_708 = arith.index_cast %add3A_702 : i32 to index
      %swap3A_709 = arith.constant 16 : index
      %swap3A_710 = tpu.vector_load %arg10[%swap3A_708, %swap3A_709] {strides = array<i32>} : memref<320x128xf32, #tpu.memory_space<vmem>>, vector<1x16xf32>,
      %swap3A_711 = vector.shape_cast %swap3A_710 : vector<1x16xf32> to vector<16xf32>
      %swap3A_712 = vector.shape_cast %scan3A_697#1 : vector<16xf32> to vector<1x16xf32>
      tpu.vector_store %arg10[%swap3A_708, %swap3A_709], %swap3A_712 {strides = array<i32>} : memref<320x128xf32, #tpu.memory_space<vmem>>, vector<1x16xf32>,
      %swap3A_713 = arith.index_cast %add3A_702 : i32 to index
      %swap3A_714 = arith.constant 32 : index
      %swap3A_715 = tpu.vector_load %arg10[%swap3A_713, %swap3A_714] {strides = array<i32>} : memref<320x128xf32, #tpu.memory_space<vmem>>, vector<1x16xf32>,
      %swap3A_716 = vector.shape_cast %swap3A_715 : vector<1x16xf32> to vector<16xf32>
      %swap3A_717 = vector.shape_cast %scan3A_697#2 : vector<16xf32> to vector<1x16xf32>
      tpu.vector_store %arg10[%swap3A_713, %swap3A_714], %swap3A_717 {strides = array<i32>} : memref<320x128xf32, #tpu.memory_space<vmem>>, vector<1x16xf32>,
      %swap3A_718 = arith.index_cast %add3A_702 : i32 to index
      %swap3A_719 = arith.constant 48 : index
      %swap3A_720 = tpu.vector_load %arg10[%swap3A_718, %swap3A_719] {strides = array<i32>} : memref<320x128xf32, #tpu.memory_space<vmem>>, vector<1x16xf32>,
      %swap3A_721 = vector.shape_cast %swap3A_720 : vector<1x16xf32> to vector<16xf32>
      %swap3A_722 = vector.shape_cast %scan3A_697#3 : vector<16xf32> to vector<1x16xf32>
      tpu.vector_store %arg10[%swap3A_718, %swap3A_719], %swap3A_722 {strides = array<i32>} : memref<320x128xf32, #tpu.memory_space<vmem>>, vector<1x16xf32>,
      %swap3A_723 = arith.index_cast %add3A_702 : i32 to index
      %swap3A_724 = arith.constant 64 : index
      %swap3A_725 = tpu.vector_load %arg10[%swap3A_723, %swap3A_724] {strides = array<i32>} : memref<320x128xf32, #tpu.memory_space<vmem>>, vector<1x16xf32>,
      %swap3A_726 = vector.shape_cast %swap3A_725 : vector<1x16xf32> to vector<16xf32>
      %swap3A_727 = vector.shape_cast %scan3A_697#4 : vector<16xf32> to vector<1x16xf32>
      tpu.vector_store %arg10[%swap3A_723, %swap3A_724], %swap3A_727 {strides = array<i32>} : memref<320x128xf32, #tpu.memory_space<vmem>>, vector<1x16xf32>,
      %swap3A_728 = arith.index_cast %add3A_702 : i32 to index
      %swap3A_729 = arith.constant 80 : index
      %swap3A_730 = tpu.vector_load %arg10[%swap3A_728, %swap3A_729] {strides = array<i32>} : memref<320x128xf32, #tpu.memory_space<vmem>>, vector<1x16xf32>,
      %swap3A_731 = vector.shape_cast %swap3A_730 : vector<1x16xf32> to vector<16xf32>
      %swap3A_732 = vector.shape_cast %scan3A_697#5 : vector<16xf32> to vector<1x16xf32>
      tpu.vector_store %arg10[%swap3A_728, %swap3A_729], %swap3A_732 {strides = array<i32>} : memref<320x128xf32, #tpu.memory_space<vmem>>, vector<1x16xf32>,
      %swap3A_733 = arith.index_cast %add3A_702 : i32 to index
      %swap3A_734 = arith.constant 96 : index
      %swap3A_735 = tpu.vector_load %arg10[%swap3A_733, %swap3A_734] {strides = array<i32>} : memref<320x128xf32, #tpu.memory_space<vmem>>, vector<1x16xf32>,
      %swap3A_736 = vector.shape_cast %swap3A_735 : vector<1x16xf32> to vector<16xf32>
      %swap3A_737 = vector.shape_cast %scan3A_697#6 : vector<16xf32> to vector<1x16xf32>
      tpu.vector_store %arg10[%swap3A_733, %swap3A_734], %swap3A_737 {strides = array<i32>} : memref<320x128xf32, #tpu.memory_space<vmem>>, vector<1x16xf32>,
      %swap3A_738 = arith.index_cast %add3A_702 : i32 to index
      %swap3A_739 = arith.constant 112 : index
      %swap3A_740 = tpu.vector_load %arg10[%swap3A_738, %swap3A_739] {strides = array<i32>} : memref<320x128xf32, #tpu.memory_space<vmem>>, vector<1x16xf32>,
      %swap3A_741 = vector.shape_cast %swap3A_740 : vector<1x16xf32> to vector<16xf32>
      %swap3A_742 = vector.shape_cast %scan3A_697#7 : vector<16xf32> to vector<1x16xf32>
      tpu.vector_store %arg10[%swap3A_738, %swap3A_739], %swap3A_742 {strides = array<i32>} : memref<320x128xf32, #tpu.memory_space<vmem>>, vector<1x16xf32>,
      %add3A_743 = arith.constant 2 : i32
      %add3A_744 = arith.addi %add3A_95, %add3A_743 : i32
      %lt3A_745 = arith.cmpi slt, %add3A_744, %min3A_34 : i32
      %convert_element_type3A_746 = arith.extui %lt3A_745 : i1 to i32
      %cond3A_747 = arith.constant 0 : i32
      %cond3A_748 = arith.cmpi ne, %convert_element_type3A_746, %cond3A_747 : i32
      scf.if %cond3A_748 {
        %add3A_749 = arith.constant 2 : i32
        %add3A_750 = arith.addi %add3A_95, %add3A_749 : i32
        %mul3A_751 = arith.constant 128 : i32
        %mul3A_752 = arith.muli %add3A_750, %mul3A_751 : i32
        %multiple_of3A_753 = tpu.assume_multiple %mul3A_752, 128 : i32
        %dma_start3A_754 = tpu.memref_slice %arg6[%multiple_of3A_753] : memref<10240xi32, #tpu.memory_space<vmem>> -> memref<128xi32, #tpu.memory_space<vmem>>
        %dma_start3A_755 = arith.constant 0 : i32
        %dma_start3A_756 = arith.constant 0 : i32
        %dma_start3A_757 = tpu.memref_slice %arg2[%dma_start3A_755, %dma_start3A_756] : memref<10000x128xf32, #tpu.memory_space<hbm>> -> memref<10000x128xf32, #tpu.memory_space<hbm>>
        tpu.enqueue_indirect_dma source(%dma_start3A_757 : memref<10000x128xf32, #tpu.memory_space<hbm>>) target(%arg9 : memref<128x128xf32, #tpu.memory_space<vmem>>) offsets(%dma_start3A_754 : memref<128xi32, #tpu.memory_space<vmem>>) semaphore(%arg12 : memref<!tpu.dma_semaphore, #tpu.memory_space<semaphore_mem>>)
      } else {
      }
    }
    %lt3A_79 = arith.constant 31 : i32
    %lt3A_80 = arith.cmpi slt, %add3A, %lt3A_79 : i32
    %convert_element_type3A_81 = arith.extui %lt3A_80 : i1 to i32
    %cond3A_82 = arith.constant 0 : i32
    %cond3A_83 = arith.cmpi ne, %convert_element_type3A_81, %cond3A_82 : i32
    scf.if %cond3A_83 {
      "tpu.region"() ({
        %run_scoped3A = tpu.sem_alloc : memref<!tpu.dma_semaphore, #tpu.memory_space<semaphore_mem>>
        %dma_start3A_89 = arith.constant 0 : i32
        %dma_start3A_90 = tpu.memref_slice %arg5[%multiple_of3A_5, %dma_start3A_89] : memref<10000x128xf32, #tpu.memory_space<hbm>> -> memref<320x128xf32, #tpu.memory_space<hbm>>
        %dma_start3A_91 = arith.constant 0 : i32
        %dma_start3A_92 = tpu.memref_slice %arg5[%multiple_of3A_5, %dma_start3A_91] : memref<10000x128xf32, #tpu.memory_space<hbm>> -> memref<320x128xf32, #tpu.memory_space<hbm>>
        tpu.enqueue_dma source(%arg10 : memref<320x128xf32, #tpu.memory_space<vmem>>) target(%dma_start3A_92 : memref<320x128xf32, #tpu.memory_space<hbm>>) target_semaphore(%run_scoped3A : memref<!tpu.dma_semaphore, #tpu.memory_space<semaphore_mem>>)
        %dma_wait3A = arith.constant 0 : i32
        %dma_wait3A_93 = tpu.memref_slice %arg5[%multiple_of3A_5, %dma_wait3A] : memref<10000x128xf32, #tpu.memory_space<hbm>> -> memref<320x128xf32, #tpu.memory_space<hbm>>
        %dma_wait3A_94 = arith.constant 0 : i32
        %dma_wait3A_95 = tpu.memref_slice %arg5[%multiple_of3A_5, %dma_wait3A_94] : memref<10000x128xf32, #tpu.memory_space<hbm>> -> memref<320x128xf32, #tpu.memory_space<hbm>>
        tpu.wait_dma2 semaphore(%run_scoped3A : memref<!tpu.dma_semaphore, #tpu.memory_space<semaphore_mem>>) src(%arg10 : memref<320x128xf32, #tpu.memory_space<vmem>>) dst(%dma_wait3A_95 : memref<320x128xf32, #tpu.memory_space<hbm>>)
        tpu.yield
      }) : () -> ()
    } else {
    }
    %eq3A_84 = arith.constant 31 : i32
    %eq3A_85 = arith.cmpi eq, %add3A, %eq3A_84 : i32
    %convert_element_type3A_86 = arith.extui %eq3A_85 : i1 to i32
    %cond3A_87 = arith.constant 0 : i32
    %cond3A_88 = arith.cmpi ne, %convert_element_type3A_86, %cond3A_87 : i32
    scf.if %cond3A_88 {
      "tpu.region"() ({
        %run_scoped3A = tpu.sem_alloc : memref<!tpu.dma_semaphore, #tpu.memory_space<semaphore_mem>>
        %dma_start3A_89 = arith.constant 0 : i32
        %dma_start3A_90 = arith.constant 0 : i32
        %dma_start3A_91 = tpu.memref_slice %arg10[%dma_start3A_89, %dma_start3A_90] : memref<320x128xf32, #tpu.memory_space<vmem>> -> memref<80x128xf32, #tpu.memory_space<vmem>>
        %dma_start3A_92 = arith.constant 0 : i32
        %dma_start3A_93 = tpu.memref_slice %arg5[%multiple_of3A_5, %dma_start3A_92] : memref<10000x128xf32, #tpu.memory_space<hbm>> -> memref<80x128xf32, #tpu.memory_space<hbm>>
        %dma_start3A_94 = arith.constant 0 : i32
        %dma_start3A_95 = tpu.memref_slice %arg5[%multiple_of3A_5, %dma_start3A_94] : memref<10000x128xf32, #tpu.memory_space<hbm>> -> memref<80x128xf32, #tpu.memory_space<hbm>>
        %dma_start3A_96 = arith.constant 0 : i32
        %dma_start3A_97 = arith.constant 0 : i32
        %dma_start3A_98 = tpu.memref_slice %arg10[%dma_start3A_96, %dma_start3A_97] : memref<320x128xf32, #tpu.memory_space<vmem>> -> memref<80x128xf32, #tpu.memory_space<vmem>>
        tpu.enqueue_dma source(%dma_start3A_98 : memref<80x128xf32, #tpu.memory_space<vmem>>) target(%dma_start3A_95 : memref<80x128xf32, #tpu.memory_space<hbm>>) target_semaphore(%run_scoped3A : memref<!tpu.dma_semaphore, #tpu.memory_space<semaphore_mem>>)
        %dma_wait3A = arith.constant 0 : i32
        %dma_wait3A_99 = arith.constant 0 : i32
        %dma_wait3A_100 = tpu.memref_slice %arg10[%dma_wait3A, %dma_wait3A_99] : memref<320x128xf32, #tpu.memory_space<vmem>> -> memref<80x128xf32, #tpu.memory_space<vmem>>
        %dma_wait3A_101 = arith.constant 0 : i32
        %dma_wait3A_102 = tpu.memref_slice %arg5[%multiple_of3A_5, %dma_wait3A_101] : memref<10000x128xf32, #tpu.memory_space<hbm>> -> memref<80x128xf32, #tpu.memory_space<hbm>>
        %dma_wait3A_103 = arith.constant 0 : i32
        %dma_wait3A_104 = tpu.memref_slice %arg5[%multiple_of3A_5, %dma_wait3A_103] : memref<10000x128xf32, #tpu.memory_space<hbm>> -> memref<80x128xf32, #tpu.memory_space<hbm>>
        %dma_wait3A_105 = arith.constant 0 : i32
        %dma_wait3A_106 = arith.constant 0 : i32
        %dma_wait3A_107 = tpu.memref_slice %arg10[%dma_wait3A_105, %dma_wait3A_106] : memref<320x128xf32, #tpu.memory_space<vmem>> -> memref<80x128xf32, #tpu.memory_space<vmem>>
        tpu.wait_dma2 semaphore(%run_scoped3A : memref<!tpu.dma_semaphore, #tpu.memory_space<semaphore_mem>>) src(%dma_wait3A_107 : memref<80x128xf32, #tpu.memory_space<vmem>>) dst(%dma_wait3A_104 : memref<80x128xf32, #tpu.memory_space<hbm>>)
        tpu.yield
      }) : () -> ()
    } else {
    }
    return
  }
}

module attributes {stable_mosaic.version = 14 : i64} {
  func.func @_radial_body(%arg0: i32, %arg1: memref<128x10000xf32, #tpu.memory_space<vmem>>, %arg2: memref<128x128xf32, #tpu.memory_space<vmem>>, %arg3: memref<128x1xf32, #tpu.memory_space<vmem>>, %arg4: memref<8x128xf32, #tpu.memory_space<vmem>>, %arg5: memref<1x1xf32, #tpu.memory_space<vmem>>, %arg6: memref<8x10000xf32, #tpu.memory_space<vmem>>) attributes {dimension_semantics = [#tpu.dimension_semantics<arbitrary>], iteration_bounds = array<i64: 4>, scalar_prefetch = 0 : i64, scratch_operands = 0 : i64, tpu.core_type = #tpu.core_type<tc>, window_params = [{transform_indices = @transform_0, window_bounds = array<i64: 128, 10000>}, {pipeline_mode = #tpu.pipeline_mode<synchronous>, transform_indices = @transform_1, window_bounds = array<i64: 128, 128>}, {pipeline_mode = #tpu.pipeline_mode<synchronous>, transform_indices = @transform_2, window_bounds = array<i64: 128, 1>}, {pipeline_mode = #tpu.pipeline_mode<synchronous>, transform_indices = @transform_3, window_bounds = array<i64: 8, 128>}, {pipeline_mode = #tpu.pipeline_mode<synchronous>, transform_indices = @transform_4, window_bounds = array<i64: 1, 1>}, {transform_indices = @transform_5, window_bounds = array<i64: 8, 10000>}]} {
    %get3A = arith.constant 0 : index
    %get3A_0 = arith.constant 0 : index
    %get3A_1 = vector.load %arg2[%get3A, %get3A_0] : memref<128x128xf32, #tpu.memory_space<vmem>>, vector<128x128xf32>
    %convert_element_type3A = arith.truncf %get3A_1 : vector<128x128xf32> to vector<128x128xbf16>
    %get3A_2 = arith.constant 0 : index
    %get3A_3 = arith.constant 0 : index
    %get3A_4 = vector.load %arg1[%get3A_2, %get3A_3] : memref<128x10000xf32, #tpu.memory_space<vmem>>, vector<128x10000xf32>
    %convert_element_type3A_5 = arith.truncf %get3A_4 : vector<128x10000xf32> to vector<128x10000xbf16>
    %dot_general3A = arith.constant dense<0.000000e+00> : vector<128x10000xf32>
    %dot_general3A_6 = tpu.matmul %convert_element_type3A, %convert_element_type3A_5, %dot_general3A {dimension_numbers = #tpu.dot_dimension_numbers<[1], [0], [0], [1], [0, 0, 1, 1], [], []>, transpose_lhs_hint = false} : vector<128x128xbf16>, vector<128x10000xbf16>, vector<128x10000xf32> -> vector<128x10000xf32>
    %get3A_7 = arith.constant 0 : index
    %get3A_8 = arith.constant 0 : index
    %get3A_9 = vector.load %arg3[%get3A_7, %get3A_8] : memref<128x1xf32, #tpu.memory_space<vmem>>, vector<128x1xf32>
    %add3A = vector.broadcast %get3A_9 : vector<128x1xf32> to vector<128x10000xf32>
    %add3A_10 = arith.addf %dot_general3A_6, %add3A : vector<128x10000xf32>
    %max3A = arith.constant 0.000000e+00 : f32
    %max3A_11 = vector.broadcast %max3A : f32 to vector<128x10000xf32>
    %max3A_12 = arith.maximumf %add3A_10, %max3A_11 : vector<128x10000xf32>
    %abs3A = math.absf %add3A_10 : vector<128x10000xf32>
    %neg3A = arith.constant 0.000000e+00 : f32
    %neg3A_13 = vector.broadcast %neg3A : f32 to vector<128x10000xf32>
    %neg3A_14 = arith.subf %neg3A_13, %abs3A : vector<128x10000xf32>
    %exp3A = math.exp %neg3A_14 : vector<128x10000xf32>
    %log1p3A = math.log1p %exp3A : vector<128x10000xf32>
    %add3A_15 = arith.addf %max3A_12, %log1p3A : vector<128x10000xf32>
    %get3A_16 = arith.constant 0 : index
    %get3A_17 = arith.constant 0 : index
    %get3A_18 = vector.load %arg4[%get3A_16, %get3A_17] : memref<8x128xf32, #tpu.memory_space<vmem>>, vector<8x128xf32>
    %dot_general3A_19 = arith.constant dense<0.000000e+00> : vector<8x10000xf32>
    %dot_general3A_20 = tpu.matmul %get3A_18, %add3A_15, %dot_general3A_19 {dimension_numbers = #tpu.dot_dimension_numbers<[1], [0], [0], [1], [0, 0, 1, 1], [], []>, transpose_lhs_hint = false} : vector<8x128xf32>, vector<128x10000xf32>, vector<8x10000xf32> -> vector<8x10000xf32>
    %get3A_21 = arith.constant 0 : index
    %get3A_22 = arith.constant 0 : index
    %get3A_23 = vector.load %arg5[%get3A_21, %get3A_22] : memref<1x1xf32, #tpu.memory_space<vmem>>, vector<1x1xf32>
    %get3A_24 = vector.extract %get3A_23[0, 0] : f32 from vector<1x1xf32>
    %add3A_25 = vector.broadcast %get3A_24 : f32 to vector<8x10000xf32>
    %add3A_26 = arith.addf %dot_general3A_20, %add3A_25 : vector<8x10000xf32>
    %swap3A = arith.constant 0 : index
    %swap3A_27 = arith.constant 0 : index
    %swap3A_28 = vector.load %arg6[%swap3A, %swap3A_27] : memref<8x10000xf32, #tpu.memory_space<vmem>>, vector<8x10000xf32>
    tpu.vector_store %arg6[%swap3A, %swap3A_27], %add3A_26 {strides = array<i32>} : memref<8x10000xf32, #tpu.memory_space<vmem>>, vector<8x10000xf32>,
    return
  }
  func.func @transform_0(%arg0: i32) -> (i32, i32) {
    %c0_i32 = arith.constant 0 : i32
    %c0_i32_0 = arith.constant 0 : i32
    return %arg0, %c0_i32 : i32, i32
  }
  func.func @transform_1(%arg0: i32) -> (i32, i32) {
    %c0_i32 = arith.constant 0 : i32
    %c0_i32_0 = arith.constant 0 : i32
    %c0_i32_1 = arith.constant 0 : i32
    return %c0_i32, %c0_i32_0 : i32, i32
  }
  func.func @transform_2(%arg0: i32) -> (i32, i32) {
    %c0_i32 = arith.constant 0 : i32
    %c0_i32_0 = arith.constant 0 : i32
    %c0_i32_1 = arith.constant 0 : i32
    return %c0_i32, %c0_i32_0 : i32, i32
  }
  func.func @transform_3(%arg0: i32) -> (i32, i32) {
    %c0_i32 = arith.constant 0 : i32
    %c0_i32_0 = arith.constant 0 : i32
    %c0_i32_1 = arith.constant 0 : i32
    return %c0_i32, %c0_i32_0 : i32, i32
  }
  func.func @transform_4(%arg0: i32) -> (i32, i32) {
    %c0_i32 = arith.constant 0 : i32
    %c0_i32_0 = arith.constant 0 : i32
    %c0_i32_1 = arith.constant 0 : i32
    return %c0_i32, %c0_i32_0 : i32, i32
  }
  func.func @transform_5(%arg0: i32) -> (i32, i32) {
    %c0_i32 = arith.constant 0 : i32
    %c0_i32_0 = arith.constant 0 : i32
    return %arg0, %c0_i32 : i32, i32
  }
}

module attributes {stable_mosaic.version = 14 : i64} {
  func.func @_finish_body(%arg0: memref<10000x128xf32, #tpu.memory_space<vmem>>, %arg1: memref<10000x128xf32, #tpu.memory_space<vmem>>, %arg2: memref<128x128xf32, #tpu.memory_space<vmem>>, %arg3: memref<1x128xf32, #tpu.memory_space<vmem>>, %arg4: memref<1x128xf32, #tpu.memory_space<vmem>>, %arg5: memref<10000x128xf32, #tpu.memory_space<vmem>>) attributes {dimension_semantics = [], scalar_prefetch = 0 : i64, scratch_operands = 0 : i64, tpu.core_type = #tpu.core_type<tc>} {
    %get3A = arith.constant 0 : index
    %get3A_0 = arith.constant 0 : index
    %get3A_1 = vector.load %arg0[%get3A, %get3A_0] : memref<10000x128xf32, #tpu.memory_space<vmem>>, vector<10000x128xf32>
    %get3A_2 = arith.constant 0 : index
    %get3A_3 = arith.constant 0 : index
    %get3A_4 = vector.load %arg1[%get3A_2, %get3A_3] : memref<10000x128xf32, #tpu.memory_space<vmem>>, vector<10000x128xf32>
    %sqrt3A = arith.constant 1.280000e+02 : f32
    %sqrt3A_5 = math.sqrt %sqrt3A : f32
    %mul3A = arith.constant 3.200000e+01 : f32
    %mul3A_6 = arith.mulf %sqrt3A_5, %mul3A : f32
    %div3A = arith.constant 1.000000e+00 : f32
    %div3A_7 = arith.divf %div3A, %mul3A_6 : f32
    %get3A_8 = arith.constant 0 : index
    %get3A_9 = arith.constant 0 : index
    %get3A_10 = vector.load %arg2[%get3A_8, %get3A_9] : memref<128x128xf32, #tpu.memory_space<vmem>>, vector<128x128xf32>
    %dot_general3A = arith.constant dense<0.000000e+00> : vector<10000x128xf32>
    %dot_general3A_11 = tpu.matmul %get3A_1, %get3A_10, %dot_general3A {dimension_numbers = #tpu.dot_dimension_numbers<[1], [0], [0], [1], [0, 0, 1, 1], [], []>, transpose_lhs_hint = false} : vector<10000x128xf32>, vector<128x128xf32>, vector<10000x128xf32> -> vector<10000x128xf32>
    %mul3A_12 = vector.broadcast %div3A_7 : f32 to vector<10000x128xf32>
    %mul3A_13 = arith.mulf %dot_general3A_11, %mul3A_12 : vector<10000x128xf32>
    %add3A = arith.addf %get3A_4, %mul3A_13 : vector<10000x128xf32>
    %reduce_sum3A = arith.constant dense<0.000000e+00> : vector<128xf32>
    %reduce_sum3A_14 = vector.multi_reduction <add>, %add3A, %reduce_sum3A [0] : vector<10000x128xf32> to vector<128xf32>
    %broadcast_in_dim3A = vector.shape_cast %reduce_sum3A_14 : vector<128xf32> to vector<1x128xf32>
    %div3A_15 = arith.constant 1.000000e+04 : f32
    %div3A_16 = vector.broadcast %div3A_15 : f32 to vector<1x128xf32>
    %div3A_17 = arith.divf %broadcast_in_dim3A, %div3A_16 : vector<1x128xf32>
    %sub3A = vector.broadcast %div3A_17 : vector<1x128xf32> to vector<10000x128xf32>
    %sub3A_18 = arith.subf %add3A, %sub3A : vector<10000x128xf32>
    %integer_pow3A = arith.mulf %sub3A_18, %sub3A_18 : vector<10000x128xf32>
    %reduce_sum3A_19 = arith.constant dense<0.000000e+00> : vector<128xf32>
    %reduce_sum3A_20 = vector.multi_reduction <add>, %integer_pow3A, %reduce_sum3A_19 [0] : vector<10000x128xf32> to vector<128xf32>
    %broadcast_in_dim3A_21 = vector.shape_cast %reduce_sum3A_20 : vector<128xf32> to vector<1x128xf32>
    %div3A_22 = arith.constant 1.000000e+04 : f32
    %div3A_23 = vector.broadcast %div3A_22 : f32 to vector<1x128xf32>
    %div3A_24 = arith.divf %broadcast_in_dim3A_21, %div3A_23 : vector<1x128xf32>
    %sub3A_25 = vector.broadcast %div3A_17 : vector<1x128xf32> to vector<10000x128xf32>
    %sub3A_26 = arith.subf %add3A, %sub3A_25 : vector<10000x128xf32>
    %add3A_27 = arith.constant 9.99999974E-6 : f32
    %add3A_28 = vector.broadcast %add3A_27 : f32 to vector<1x128xf32>
    %add3A_29 = arith.addf %div3A_24, %add3A_28 : vector<1x128xf32>
    %sqrt3A_30 = math.sqrt %add3A_29 : vector<1x128xf32>
    %div3A_31 = vector.broadcast %sqrt3A_30 : vector<1x128xf32> to vector<10000x128xf32>
    %div3A_32 = arith.divf %sub3A_26, %div3A_31 : vector<10000x128xf32>
    %get3A_33 = arith.constant 0 : index
    %get3A_34 = arith.constant 0 : index
    %get3A_35 = vector.load %arg3[%get3A_33, %get3A_34] : memref<1x128xf32, #tpu.memory_space<vmem>>, vector<1x128xf32>
    %mul3A_36 = vector.broadcast %get3A_35 : vector<1x128xf32> to vector<10000x128xf32>
    %mul3A_37 = arith.mulf %div3A_32, %mul3A_36 : vector<10000x128xf32>
    %get3A_38 = arith.constant 0 : index
    %get3A_39 = arith.constant 0 : index
    %get3A_40 = vector.load %arg4[%get3A_38, %get3A_39] : memref<1x128xf32, #tpu.memory_space<vmem>>, vector<1x128xf32>
    %add3A_41 = vector.broadcast %get3A_40 : vector<1x128xf32> to vector<10000x128xf32>
    %add3A_42 = arith.addf %mul3A_37, %add3A_41 : vector<10000x128xf32>
    %max3A = arith.constant 0.000000e+00 : f32
    %max3A_43 = vector.broadcast %max3A : f32 to vector<10000x128xf32>
    %max3A_44 = arith.maximumf %add3A_42, %max3A_43 : vector<10000x128xf32>
    %abs3A = math.absf %add3A_42 : vector<10000x128xf32>
    %neg3A = arith.constant 0.000000e+00 : f32
    %neg3A_45 = vector.broadcast %neg3A : f32 to vector<10000x128xf32>
    %neg3A_46 = arith.subf %neg3A_45, %abs3A : vector<10000x128xf32>
    %exp3A = math.exp %neg3A_46 : vector<10000x128xf32>
    %log1p3A = math.log1p %exp3A : vector<10000x128xf32>
    %add3A_47 = arith.addf %max3A_44, %log1p3A : vector<10000x128xf32>
    %swap3A = arith.constant 0 : index
    %swap3A_48 = arith.constant 0 : index
    %swap3A_49 = vector.load %arg5[%swap3A, %swap3A_48] : memref<10000x128xf32, #tpu.memory_space<vmem>>, vector<10000x128xf32>
    tpu.vector_store %arg5[%swap3A, %swap3A_48], %add3A_47 {strides = array<i32>} : memref<10000x128xf32, #tpu.memory_space<vmem>>, vector<10000x128xf32>,
    return
  }
}

</mosaic_0001>

<sc_bundles>
// kernel: kernel.5.cloned.1.call-start
scs
__scs_entry_jumppad:
0x0: {  	(pc) =	sbr.rel $0x88, $3  }
0x1: {  	(tag) =	ssettag $0x0;
	lr =	simm.s32 $0x1  }
0x2: {  	[smem:$0x3F97] =	sst lr;
	_ =	strace $0xD0000000  }
0x3: {  	_ = 	snop  }
0x4: {  	_ = 	snop  }
0x5: {  	_ = 	snop  }
0x6: {  	_ = 	snop  }
0x7: {  	_ = 	snop  }
__scs_overlays_trampoline_lowered:
0x8: {  	[smem:$0x3FA6] =	sst s0  }
0x9: {  	[smem:$0x3FA7] =	sst s1  }
0xa: {  	[smem:$0x3FA8] =	sst s2  }
0xb: {  	[smem:$0x3FA9] =	sst s3  }
0xc: {  	[smem:$0x3FAA] =	sst s4  }
0xd: {  	[smem:$0x3FAB] =	sst s5  }
0xe: {  	[smem:$0x3FAC] =	sst s6  }
0xf: {  	[smem:$0x3FAD] =	sst s7  }
0x10: {  	[smem:$0x3FAE] =	sst s8  }
0x11: {  	[smem:$0x3FAF] =	sst s9;
	s0 =	simm.s32 @!p0 $0x0  }
0x12: {  	s1 =	sld [smem:$0x3F95];
	s0 =	simm.s32 @p0 $0x1  }
0x13: {  	[smem:$0x3FB0] =	sst s0;
	s0 =	simm.s32 @!p1 $0x0  }
0x14: {  	s2 =	sld [smem:$0x3F94];
	s0 =	simm.s32 @p1 $0x1  }
0x15: {  	[smem:$0x3FB1] =	sst s0;
	s0 =	simm.s32 @!p2 $0x0  }
0x16: {  	s3 =	sld [smem:$0x3FDB];
	s0 =	simm.s32 @p2 $0x1  }
0x17: {  	s4 =	simm.s32 $0x1BF5;
	[smem:$0x3FB3] =	sst s0  }
0x18: {  	s0 =	sld [smem:$0x3F96];
	_ =	swait.ge [sflag:s4], $0x0  }
0x19: {  	s7 =	sld [smem:$0x3F97]  }
0x1a: {  	s8 =	sadd.s32 $0xFFFFE003, lr  }
0x1b: {  	s9 =	sadd.s32 $0xFFFFFEF7, lr;
	s5 =	simm.s32 $0xFFFFFFFF;
	p2 =	slt.u32 s8, $0xFFFFF086  }
0x1c: {  	p1 =	slt.u32 s9, $0xF7A;
	s5 =	simm.s32 @!p2 $0x0  }
0x1d: {  	s5 =	simm.s32 @p1 $0x1;
	p0 =	seq.s32 s7, s2  }
0x1e: {  	s7 =	smul.u32 @!p0 $0xF7A, s2;
	p2 =	seq.s32 @!p0 s5, $0x0  }
0x1f: {  	s9 =	smul.u32 $0xF7A, s1;
	s8 =	simm.s32 @!p0 $0x1BF5;
	p2 =	por !p2, p0  }
0x20: {  	[sflag:s8] =	ssyncset.s32 @!p0 $0xFFFFF086;
	s6 =	sadd.s32 @!p0 s3, s7;
	s7 =	simm.s32 @!p0 $0x108  }
0x21: {  	s3 =	sadd.s32 s3, s9;
	s6 =	sadd.s32 @!p0 $0x88, s6;
	s7 =	simm.s32 @p2 $0x1082  }
0x22: {  	[simem:s7], [sflag:s8] =	dma.local @!p0 [hbm:s6], $0xF7A  }
0x23: {  	s9 =	sor.u32 $0xD0000000, s2;
	s6 =	simm.s32 $0x108;
	_ =	swait.ge @!p0 [sflag:s8], $0x0  }
0x24: {  	s3 =	sadd.s32 $0x88, s3;
	s6 =	simm.s32 @!p1 $0x1082;
	[sflag:s4] =	ssyncset.s32 $0xFFFFF086  }
0x25: {  	[simem:s6], [sflag:s4] =	dma.local [hbm:s3], $0xF7A  }
0x26: {  	[smem:$0x3F97] =	sst s1;
	(tag) =	ssettag s2;
	_ =	strace s9  }
0x27: {  	s1 =	sld [smem:$0x3FA7]  }
0x28: {  	s2 =	sld [smem:$0x3FA8]  }
0x29: {  	s4 =	sld [smem:$0x3FAA]  }
0x2a: {  	p0 =	seq.s32 s5, $0x0;
	s5 =	sld [smem:$0x3FAB]  }
0x2b: {  	s6 =	sld [smem:$0x3FAC]  }
0x2c: {  	s7 =	sld [smem:$0x3FAD]  }
0x2d: {  	s3 =	simm.s32 $0x108;
	s8 =	sld [smem:$0x3FAE]  }
0x2e: {  	s3 =	simm.s32 @!p0 $0x1082;
	s9 =	sld [smem:$0x3FAF]  }
0x2f: {  	lr =	sadd.s32 s0, s3;
	s0 =	sld [smem:$0x3FA6]  }
0x30: {  	s3 =	sld [smem:$0x3FA9]  }
0x31: {  	[smem:$0x3FB2] =	sst s10  }
0x32: {  	s10 =	sld [smem:$0x3FB0];
	_ =	sdelay $0x3  }
0x33: {  	p0 =	seq.s32 s10, $0x1;
	s10 =	sld [smem:$0x3FB2];
	_ =	sdelay $0x3  }
0x34: {  	[smem:$0x3FB2] =	sst s10  }
0x35: {  	s10 =	sld [smem:$0x3FB1];
	_ =	sdelay $0x3  }
0x36: {  	p1 =	seq.s32 s10, $0x1;
	s10 =	sld [smem:$0x3FB2];
	_ =	sdelay $0x3  }
0x37: {  	[smem:$0x3FB2] =	sst s10  }
0x38: {  	s10 =	sld [smem:$0x3FB3]  }
0x39: {  	_ = 	snop;
	(pc) =	sbr.ind lr, $3  }
0x3a: {  	_ = 	snop  }
0x3b: {  	_ = 	snop  }
0x3c: {  	p2 =	seq.s32 s10, $0x1;
	s10 =	sld [smem:$0x3FB2]  }
0x3d: {  	_ =	shalt  }
0x3e: {  	_ =	shalt  }
0x3f: {  	_ =	shalt  }
0x40: {  	_ =	shalt  }
0x41: {  	_ =	shalt  }
0x42: {  	_ =	shalt  }
0x43: {  	_ =	shalt  }
0x44: {  	_ =	shalt  }
0x45: {  	_ =	shalt  }
0x46: {  	_ =	shalt  }
0x47: {  	_ =	shalt  }
0x48: {  	_ =	shalt  }
0x49: {  	_ =	shalt  }
0x4a: {  	_ =	shalt  }
0x4b: {  	_ =	shalt  }
0x4c: {  	_ =	shalt  }
0x4d: {  	_ =	shalt  }
0x4e: {  	_ =	shalt  }
0x4f: {  	_ =	shalt  }
0x50: {  	_ =	shalt  }
0x51: {  	_ =	shalt  }
0x52: {  	_ =	shalt  }
0x53: {  	_ =	shalt  }
0x54: {  	_ =	shalt  }
0x55: {  	_ =	shalt  }
0x56: {  	_ =	shalt  }
0x57: {  	_ =	shalt  }
0x58: {  	_ =	shalt  }
0x59: {  	_ =	shalt  }
0x5a: {  	_ =	shalt  }
0x5b: {  	_ =	shalt  }
0x5c: {  	_ =	shalt  }
0x5d: {  	_ =	shalt  }
0x5e: {  	_ =	shalt  }
0x5f: {  	_ =	shalt  }
0x60: {  	_ =	shalt  }
0x61: {  	_ =	shalt  }
0x62: {  	_ =	shalt  }
0x63: {  	_ =	shalt  }
0x64: {  	_ =	shalt  }
0x65: {  	_ =	shalt  }
0x66: {  	_ =	shalt  }
0x67: {  	_ =	shalt  }
0x68: {  	_ =	shalt  }
0x69: {  	_ =	shalt  }
0x6a: {  	_ =	shalt  }
0x6b: {  	_ =	shalt  }
0x6c: {  	_ =	shalt  }
0x6d: {  	_ =	shalt  }
0x6e: {  	_ =	shalt  }
0x6f: {  	_ =	shalt  }
0x70: {  	_ =	shalt  }
0x71: {  	_ =	shalt  }
0x72: {  	_ =	shalt  }
0x73: {  	_ =	shalt  }
0x74: {  	_ =	shalt  }
0x75: {  	_ =	shalt  }
0x76: {  	_ =	shalt  }
0x77: {  	_ =	shalt  }
0x78: {  	_ =	shalt  }
0x79: {  	_ =	shalt  }
0x7a: {  	_ =	shalt  }
0x7b: {  	_ =	shalt  }
0x7c: {  	_ =	shalt  }
0x7d: {  	_ =	shalt  }
0x7e: {  	_ =	shalt  }
0x7f: {  	_ =	shalt  }
0x80: {  	_ =	shalt  }
0x81: {  	_ =	shalt  }
0x82: {  	_ =	shalt  }
0x83: {  	_ =	shalt  }
0x84: {  	_ =	shalt  }
0x85: {  	_ =	shalt  }
0x86: {  	_ =	shalt  }
0x87: {  	_ =	shalt  }
.Lfunc_end0:
.L_simem_size_0:
called_computation_lowered:
.L_overlay_start_0:
0x88: {  	s2 =	sld [smem:$0x3FD9]  }
0x89: {  	s3 =	sld [smem:$0x3FFE];
	_ =	sdelay $0x1  }
0x8a: {  	s1 =	srdreg.scid  }
0x8b: {  	s0 =	sand.u32 $0x1, s1  }
0x8c: {  	s17 =	sshll.u32 s0, $0xA;
	s2 =	sadd.s32 s3, s2  }
0x8d: {  	s2 =	sadd.s32 s2, s17  }
0x8e: {  	[smem:$0x3FBE] =	sst s2  }
0x8f: {  	_ = 	snop  }
0x90: {  	s2 =	sld [smem:$0x3FC9]  }
0x91: {  	s18 =	sld [smem:$0x3FD0];
	(tm) =	ssettm $0x1  }
0x92: {  	s4 =	sld [smem:$0x3FFB];
	_ =	sdelay $0x3  }
0x93: {  	_ =	strace s4  }
0x94: {  	s4 =	sld [smem:$0x3FFC];
	_ =	sdelay $0x3  }
0x95: {  	_ =	strace s4  }
0x96: {  	s4 =	sld [smem:$0x3FFD];
	_ =	sdelay $0x3  }
0x97: {  	_ =	strace s4  }
0x98: {  	_ =	strace $0x8FFFFFFF  }
0x99: {  	s19 =	sld [smem:$0x3FDB];
	_ =	sdelay $0x1  }
0x9a: {  	s5 =	simm.s32 $_scs_section_size  }
0x9b: {  	s6 =	simm.s32 $_size__tile_overlayer_lowered;
	s7 =	simm.s32 $_tile_overlayer_lowered  }
0x9c: {  	s22 =	simm.s32 $0x1BFF;
	s21 =	sshll.u32 s7, $0x1;
	s4 =	sadd.s32 s5, s19  }
0x9d: {  	s8 =	simm.s32 $0x0;
	s20 =	sshll.u32 s6, $0x1;
	s6 =	sadd.s32 s21, s4  }
0x9e: {  	[timem:s8], [sflag:s22] =	dma.local [hbm:s6], s20  }
0x9f: {  	_ =	swait.ge [sflag:s22], s20  }
0xa0: {  	s5 =	ssub.s32 $0x0, s20;
	[sflag:s22] =	ssyncset.done $0x0  }
0xa1: {  	[sflag:s22] =	ssyncadd.s32 s5;
	_ =	sdelay $0x1  }
0xa2: {  	s23 =	simm.s32 $0x1B8B  }
0xa3: {  	_ =	swait.ge [sflag:s23], $0x1  }
0xa4: {  	[sflag:s23] =	ssyncset.done $0x0  }
0xa5: {  	s25 =	simm.s32 $0x1B8E;
	s24 =	sld [smem:$0x3FFE];
	[sflag:s23] =	ssyncadd.s32 $0xFFFFFFFF  }
0xa6: {  	s26 =	simm.s32 $execute0_lowered;
	[smem:$0x3FD2] =	sst s25  }
0xa7: {  	s6 =	sshll.u32 s26, $0x1;
	_ =	strace $0x80000046;
	[dreg:$0x1] =	wrdreg $0xFFFFFFFF  }
0xa8: {  	s28 =	simm.s32 $_size_execute0_lowered;
	s4 =	sadd.s32 s4, s6;
	[dreg:$0x0] =	wrdreg $0x0  }
0xa9: {  	s6 =	sshll.u32 s28, $0x1;
	[dreg:$0x2] =	wrdreg s4  }
0xaa: {  	[dreg:$0x3] =	wrdreg s6  }
0xab: {  	[dreg:$0x4] =	wrdreg $0xC0  }
0xac: {  	_ =	task [dreg:s8], $0x5FFFF  }
0xad: {  	[dreg:$0x1] =	wrdreg $0xFFFFFFFF  }
0xae: {  	[dreg:$0x0] =	wrdreg $0x60  }
0xaf: {  	[dreg:$0x2] =	wrdreg s2  }
0xb0: {  	[dreg:$0x3] =	wrdreg s24  }
0xb1: {  	[dreg:$0x4] =	wrdreg s18  }
0xb2: {  	[dreg:$0x5] =	wrdreg $0x9  }
0xb3: {  	_ =	task.clear_ibuf [dreg:s8], $0x6FFFF;
	_ =	strace $0x90000046  }
0xb4: {  	s29 =	simm.s32 $0x9;
	_ =	strace $0x80000048  }
0xb5: {  	_ =	swait.ge [sflag:s29], $0x1  }
0xb6: {  	[sflag:s29] =	ssyncadd.s32 $0xFFFFFFFF  }
0xb7: {  	_ =	strace $0x90000048  }
0xb8: {  	_ =	sfence  }
0xb9: {  	s30 =	sld [smem:$0x0];
	_ =	sdelay $0x2  }
0xba: {  	s31 =	sshll.u32 s1, $0xD;
	s1 =	sshrl.u32 s1, $0x2  }
0xbb: {  	s3 =	sand.u32 $0x4000, s31;
	s1 =	sadd.s32 s1, s30  }
0xbc: {  	s0 =	sor.u32 s3, s0;
	s1 =	sshll.u32 s1, $0x11  }
0xbd: {  	s0 =	sor.u32 s1, s0  }
0xbe: {  	s0 =	sadd.s32 $0x8F2B, s0  }
0xbf: {  	[sflag:s0] =	ssyncadd.remote.s32 $0x1  }
0xc0: {  	_ =	sfence.sel $0xFFFF  }
0xc1: {  	[dreg:$0x0] =	wrdreg $0xFFFFFFFF;
	(pc) =	sbr.abs _section_cstart, $3  }
0xc2: {  	[dreg:$0x1] =	wrdreg $0xFFFFFFFF  }
0xc3: {  	_ =	task.clear_ibuf [dreg:s8], $0x2FFFF;
	_ =	strace $0x9FFFFFFF  }
0xc4: {  	(tm) =	ssettm $0x7FFFFFFF  }
0xc5: {  	_ =	shalt  }
tec
execute0_lowered:
.L_overlay_start_1:
0x0: {  	(tag) =	ssettag $0x1  }
0x1: {  	s1 =	rddreg [dreg:$0x0]  }
0x2: {  	s2 =	srdreg.scid;
	s8 =	rddreg [dreg:$0x1]  }
0x3: {  	s0 =	stileid.u32;
	s11 =	rddreg [dreg:$0x2]  }
0x4: {  	s3 =	simm.s32 $0x0;
	s14 =	simm.s32 $0x5000;
	s15 =	simm.s32 $0x9000  }
0x5: {  	s16 =	simm.s32 $0x1;
	s4 =	sand.u32 $0x1, s2;
	s31 =	sshll.u32 s0, $0x1  }
0x6: {  	s17 =	simm.s32 $0x2;
	s2 =	rddreg [dreg:$0x3];
	s13 =	sor.u32 s4, s31  }
0x7: {  	s18 =	simm.s32 $0x0;
	[smem:$0x7FF] =	sst s3;
	s5 =	smul.u32 $0xFFFFFEC0, s13  }
0x8: {  	s4 =	ssub.s32 $0x2, s4;
	_ =	strace $0x80000047;
	s6 =	smul.u32 $0x500, s13  }
0x9: {  	s7 =	sshrl.u32 s4, $0x1;
	s10 =	smul.u32 $0x1400, s13;
	p0 =	seq.s32 s13, $0x1F  }
0xa: {  	s13 =	simm.s32 $0x80;
	s12 =	ssub.s32 s4, s7;
	s5 =	sadd.s32 $0x270C, s5  }
0xb: {  	s7 =	sadd.s32 $0x14F00, s8;
	s6 =	sadd.s32 s6, s8;
	s5 =	sshrl.u32 s5, $0x2  }
0xc: {  	s8 =	sadd.s32 $0xB100, s8;
	s10 =	sadd.s32 s11, s10;
	s5 =	smin.u32 s5, $0x4F  }
0xd: {  	s11 =	sadd.s32 $0x26C00, s11;
	s12 =	smax.u32 s12, $0x1;
	s9 =	sadd.s32 $0x1, s5  }
0xe: {  	s4 =	sadd.s32 $0xB400, s6;
	s6 =	sadd.s32 $0x1600, s6;
	s9 =	sshrl.u32 s9, $0x1  }
.LBB2_1:
0xf: {  	s19 =	simm.s32 @p0 $0x0;
	s20 =	simm.s32 @p0 $0x3  }
0x10: {  	[tilespmem:s19], [sflag:$0x3] =	stream.linear.gather @p0 [hbm4b:s7+s19], $0xA00, $0x38;
	[tilespmem:$0x17000] =	vst v63  }
0x11: {  	_ =	swait.ge @p0 [sflag:s20], $0xA00  }
0x12: {  	[sflag:s20] =	ssyncset.done @p0 $0x0  }
0x13: {  	s21 =	simm.s32 @p0 $0x2800;
	[sflag:s20] =	ssyncadd.s32 @p0 $0xFFFFF600  }
0x14: {  	[tilespmem:s21], [sflag:$0x3] =	stream.linear.gather @p0 [hbm4b:s8+s19], $0xA00, $0x38;
	[tilespmem:$0x17000] =	vst v63  }
0x15: {  	_ =	swait.ge @p0 [sflag:s20], $0xA00  }
0x16: {  	[sflag:s20] =	ssyncset.done @p0 $0x0  }
0x17: {  	s19 =	simm.s32 @!p0 $0x0;
	[sflag:s20] =	ssyncadd.s32 @p0 $0xFFFFF600;
	s20 =	simm.s32 @!p0 $0x3  }
0x18: {  	[tilespmem:s19], [sflag:$0x3] =	stream.linear.gather @!p0 [hbm4b:s4+s19], $0x2800, $0x38;
	[tilespmem:$0x17000] =	vst v63  }
0x19: {  	_ =	swait.ge @!p0 [sflag:s20], $0x2800  }
0x1a: {  	[sflag:s20] =	ssyncset.done @!p0 $0x0  }
0x1b: {  	s21 =	simm.s32 @!p0 $0x2800;
	[sflag:s20] =	ssyncadd.s32 @!p0 $0xFFFFD800  }
0x1c: {  	[tilespmem:s21], [sflag:$0x3] =	stream.linear.gather @!p0 [hbm4b:s6+s19], $0x2800, $0x38;
	[tilespmem:$0x17000] =	vst v63  }
0x1d: {  	_ =	swait.ge @!p0 [sflag:s20], $0x2800  }
0x1e: {  	[sflag:s20] =	ssyncset.done @!p0 $0x0  }
0x1f: {  	[sflag:s20] =	ssyncadd.s32 @!p0 $0xFFFFD800  }
0x20: {  	[tilespmem:s14], [sflag:$0x1] =	stream.indirect.gather [hbm4b:s1+s13], $0x80, s3, s13, $0xb8;
	[tilespmem:$0x17000] =	vst v63  }
0x21: {  	s19 =	simm.s32 $0x0  }
0x22: {  	[tilespmem:s15], [sflag:$0x2] =	stream.indirect.gather [hbm4b:s1+s13], $0x80, s13, s13, $0xb8;
	[tilespmem:$0x17000] =	vst v63  }
.LBB2_2:
0x23: {  	_ =	swait.ge [sflag:s16], $0x4000  }
0x24: {  	s21 =	sshll.u32 s19, $0xA;
	[sflag:s16] =	ssyncset.done $0x0  }
0x25: {  	s20 =	sshra.s32 s21, $0x2;
	[sflag:s16] =	ssyncadd.s32 $0xFFFFC000  }
0x26: {  	v1 =	vld [tilespmem:s20+$0x2800]  }
0x27: {  	s22 =	simm.s32 $0x5800;
	v2 =	vld [tilespmem:s20+$0x2810]  }
0x28: {  	v3 =	vld [tilespmem:s22+$0x0]  }
0x29: {  	v4 =	vld [tilespmem:s22+$0x10]  }
0x2a: {  	s23 =	simm.s32 $0x0;
	v5 =	vld [tilespmem:s22+$0x20]  }
0x2b: {  	v0 =	vmov s23;
	v7 =	vld [tilespmem:s22+$0x30]  }
0x2c: {  	v0 =	vand.u32 $0xF, v0;
	v8 =	vld [tilespmem:s22+$0x40]  }
0x2d: {  	v6 =	vbroadcast v0, $0x0;
	v9 =	vld [tilespmem:s22+$0x50]  }
0x2e: {  	v18 =	vld [tilespmem:s22+$0xFFFFF800]  }
0x2f: {  	v22 =	vld [tilespmem:s22+$0xFFFFF810];
	v0 =	vperm.xlane v2, v6  }
0x30: {  	v11 =	vimm.f32 $0.0e+00;
	v13 =	vimm.f32 $0.0e+00;
	v21 =	vld [tilespmem:s22+$0xFFFFF820];
	v6 =	vperm.xlane v1, v6  }
0x31: {  	v12 =	vimm.f32 $0.0e+00;
	v24 =	vld [tilespmem:s22+$0xFFFFF830];
	v17 =	vmul.f32 v3, v0;
	v16 =	vmul.f32 v4, v0  }
0x32: {  	v10 =	vimm.f32 $0.0e+00;
	v23 =	vld [tilespmem:s22+$0xFFFFF840];
	v15 =	vmul.f32 v5, v0;
	v14 =	vmul.f32 v7, v0  }
0x33: {  	v19 =	vld [tilespmem:s22+$0xFFFFF850];
	v8 =	vmul.f32 v8, v0;
	v4 =	vmul.f32 v9, v0;
	v9 =	vimm.f32 $0.0e+00  }
0x34: {  	s23 =	simm.s32 $0x1;
	v20 =	vld [tilespmem:s22+$0xFFFFF860];
	v7 =	vimm.f32 $0.0e+00;
	v5 =	vimm.f32 $0.0e+00;
	v3 =	vimm.f32 $0.0e+00  }
.LBB2_3:
0x35: {  	p1 =	sne.s32 s23, $0xF;
	v18 =	vmul.f32 v18, v6;
	v22 =	vmul.f32 v22, v6;
	v25 =	vld [tilespmem:s22+$0xFFFFF870]  }
0x36: {  	v26 =	vmov s23;
	v21 =	vmul.f32 v21, v6;
	v24 =	vmul.f32 v24, v6;
	v27 =	vld [tilespmem:s22+$0x60]  }
0x37: {  	v11 =	vadd.f32 v18, v11;
	v13 =	vadd.f32 v22, v13;
	v18 =	vmul.f32 v23, v6;
	v22 =	vld [tilespmem:s22+$0x70];
	s22 =	sadd.s32 $0x80, s22  }
0x38: {  	v12 =	vadd.f32 v21, v12;
	v23 =	vld [tilespmem:s22+$0x0];
	v10 =	vadd.f32 v24, v10;
	v19 =	vmul.f32 v19, v6  }
0x39: {  	v28 =	vld [tilespmem:s22+$0x10];
	v11 =	vadd.f32 v17, v11;
	v13 =	vadd.f32 v16, v13;
	v16 =	vmul.f32 v20, v6  }
0x3a: {  	v12 =	vadd.f32 v15, v12;
	v20 =	vld [tilespmem:s22+$0x20];
	v10 =	vadd.f32 v14, v10;
	v6 =	vmul.f32 v25, v6  }
0x3b: {  	v9 =	vadd.f32 v18, v9;
	v7 =	vadd.f32 v19, v7;
	v14 =	vld [tilespmem:s22+$0x30];
	v15 =	vmul.f32 v27, v0  }
0x3c: {  	v5 =	vadd.f32 v16, v5;
	v25 =	vld [tilespmem:s22+$0x40];
	v3 =	vadd.f32 v6, v3;
	v0 =	vmul.f32 v22, v0  }
0x3d: {  	v9 =	vadd.f32 v8, v9;
	v6 =	vand.u32 $0xF, v26;
	v7 =	vadd.f32 v4, v7;
	v26 =	vld [tilespmem:s22+$0x50]  }
0x3e: {  	v4 =	vbroadcast v6, $0x0;
	v5 =	vadd.f32 v15, v5;
	v18 =	vld [tilespmem:s22+$0xFFFFF800];
	v3 =	vadd.f32 v0, v3  }
0x3f: {  	v22 =	vld [tilespmem:s22+$0xFFFFF810]  }
.Ltmp0:
0x40: {  	v0 =	vperm.xlane v2, v4;
	v21 =	vld [tilespmem:s22+$0xFFFFF820];
	(pc) =	sbr.rel @p1 .LBB2_3-.Ltmp0, $4  }
0x41: {  	v6 =	vperm.xlane v1, v4;
	v24 =	vld [tilespmem:s22+$0xFFFFF830]  }
0x42: {  	v17 =	vmul.f32 v23, v0;
	v16 =	vmul.f32 v28, v0;
	v23 =	vld [tilespmem:s22+$0xFFFFF840]  }
0x43: {  	v15 =	vmul.f32 v20, v0;
	v14 =	vmul.f32 v14, v0;
	v19 =	vld [tilespmem:s22+$0xFFFFF850]  }
0x44: {  	s23 =	sadd.s32 $0x1, s23;
	v8 =	vmul.f32 v25, v0;
	v4 =	vmul.f32 v26, v0;
	v20 =	vld [tilespmem:s22+$0xFFFFF860]  }
0x45: {  	v1 =	vmul.f32 v18, v6  }
0x46: {  	v2 =	vmul.f32 v22, v6  }
0x47: {  	v18 =	vld [tilespmem:s22+$0xFFFFF870];
	v21 =	vmul.f32 v21, v6;
	v1 =	vadd.f32 v1, v11  }
0x48: {  	v22 =	vld [tilespmem:s22+$0x60];
	v11 =	vmul.f32 v24, v6;
	v2 =	vadd.f32 v2, v13  }
0x49: {  	s31 =	sshll.u32 s19, $0xC;
	v13 =	vmul.f32 v23, v6;
	v23 =	vld [tilespmem:s22+$0x70];
	v12 =	vadd.f32 v21, v12;
	v1 =	vadd.f32 v17, v1  }
0x4a: {  	s22 =	sshra.s32 s31, $0x2;
	v10 =	vadd.f32 v11, v10;
	v11 =	vmul.f32 v19, v6;
	v2 =	vadd.f32 v16, v2  }
0x4b: {  	v16 =	vmul.f32 v20, v6;
	v12 =	vadd.f32 v15, v12;
	v9 =	vadd.f32 v13, v9;
	[tilespmem:s22+$0xD000] =	vst v1  }
0x4c: {  	v6 =	vmul.f32 v18, v6;
	v1 =	vadd.f32 v14, v10;
	v7 =	vadd.f32 v11, v7;
	[tilespmem:s22+$0xD010] =	vst v2  }
0x4d: {  	v2 =	vmul.f32 v22, v0;
	v5 =	vadd.f32 v16, v5;
	v8 =	vadd.f32 v8, v9;
	[tilespmem:s22+$0xD020] =	vst v12  }
0x4e: {  	v3 =	vadd.f32 v6, v3;
	v0 =	vmul.f32 v23, v0;
	v4 =	vadd.f32 v4, v7;
	[tilespmem:s22+$0xD030] =	vst v1  }
0x4f: {  	v1 =	vadd.f32 v2, v5;
	[tilespmem:s22+$0xD040] =	vst v8  }
0x50: {  	v0 =	vadd.f32 v0, v3;
	[tilespmem:s22+$0xD050] =	vst v4  }
0x51: {  	[tilespmem:s22+$0xD060] =	vst v1  }
0x52: {  	[tilespmem:s22+$0xD070] =	vst v0  }
0x53: {  	v1 =	vld [tilespmem:s20+$0x2820]  }
0x54: {  	s23 =	simm.s32 $0x6870;
	v2 =	vld [tilespmem:s20+$0x2830]  }
0x55: {  	v3 =	vld [tilespmem:s23+$0xFFFFFF90]  }
0x56: {  	v4 =	vld [tilespmem:s23+$0xFFFFFFA0]  }
0x57: {  	s24 =	simm.s32 $0x0;
	v5 =	vld [tilespmem:s23+$0xFFFFFFB0]  }
0x58: {  	v0 =	vmov s24;
	v7 =	vld [tilespmem:s23+$0xFFFFFFC0]  }
0x59: {  	v0 =	vand.u32 $0xF, v0;
	v8 =	vld [tilespmem:s23+$0xFFFFFFD0]  }
0x5a: {  	v9 =	vld [tilespmem:s23+$0xFFFFFFE0];
	v6 =	vbroadcast v0, $0x0  }
0x5b: {  	v18 =	vld [tilespmem:s23+$0xFFFFF790]  }
0x5c: {  	v22 =	vld [tilespmem:s23+$0xFFFFF7A0];
	v0 =	vperm.xlane v2, v6  }
0x5d: {  	v13 =	vimm.f32 $0.0e+00;
	v10 =	vimm.f32 $0.0e+00;
	v20 =	vld [tilespmem:s23+$0xFFFFF7B0];
	v6 =	vperm.xlane v1, v6  }
0x5e: {  	v12 =	vimm.f32 $0.0e+00;
	v24 =	vld [tilespmem:s23+$0xFFFFF7C0];
	v17 =	vmul.f32 v3, v0;
	v15 =	vmul.f32 v4, v0  }
0x5f: {  	v11 =	vimm.f32 $0.0e+00;
	v23 =	vld [tilespmem:s23+$0xFFFFF7D0];
	v16 =	vmul.f32 v5, v0;
	v14 =	vmul.f32 v7, v0  }
0x60: {  	v19 =	vld [tilespmem:s23+$0xFFFFF7E0];
	v8 =	vmul.f32 v8, v0;
	v4 =	vmul.f32 v9, v0;
	v9 =	vimm.f32 $0.0e+00  }
0x61: {  	s24 =	simm.s32 $0x1;
	v21 =	vld [tilespmem:s23+$0xFFFFF7F0];
	v7 =	vimm.f32 $0.0e+00;
	v5 =	vimm.f32 $0.0e+00;
	v3 =	vimm.f32 $0.0e+00  }
.LBB2_5:
0x62: {  	p1 =	sne.s32 s24, $0xF;
	v18 =	vmul.f32 v18, v6;
	v22 =	vmul.f32 v22, v6;
	v25 =	vld [tilespmem:s23+$0xFFFFF800]  }
0x63: {  	v26 =	vmov s24;
	v20 =	vmul.f32 v20, v6;
	v24 =	vmul.f32 v24, v6;
	v27 =	vld [tilespmem:s23+$0xFFFFFFF0]  }
0x64: {  	v10 =	vadd.f32 v18, v10;
	v13 =	vadd.f32 v22, v13;
	v18 =	vmul.f32 v23, v6;
	v22 =	vld [tilespmem:s23+$0x0];
	s23 =	sadd.s32 $0x80, s23  }
0x65: {  	v12 =	vadd.f32 v20, v12;
	v23 =	vld [tilespmem:s23+$0xFFFFFF90];
	v11 =	vadd.f32 v24, v11;
	v19 =	vmul.f32 v19, v6  }
0x66: {  	v28 =	vld [tilespmem:s23+$0xFFFFFFA0];
	v10 =	vadd.f32 v17, v10;
	v13 =	vadd.f32 v15, v13;
	v15 =	vmul.f32 v21, v6  }
0x67: {  	v12 =	vadd.f32 v16, v12;
	v21 =	vld [tilespmem:s23+$0xFFFFFFB0];
	v11 =	vadd.f32 v14, v11;
	v6 =	vmul.f32 v25, v6  }
0x68: {  	v9 =	vadd.f32 v18, v9;
	v7 =	vadd.f32 v19, v7;
	v14 =	vld [tilespmem:s23+$0xFFFFFFC0];
	v16 =	vmul.f32 v27, v0  }
0x69: {  	v5 =	vadd.f32 v15, v5;
	v25 =	vld [tilespmem:s23+$0xFFFFFFD0];
	v3 =	vadd.f32 v6, v3;
	v0 =	vmul.f32 v22, v0  }
0x6a: {  	v9 =	vadd.f32 v8, v9;
	v6 =	vand.u32 $0xF, v26;
	v7 =	vadd.f32 v4, v7;
	v26 =	vld [tilespmem:s23+$0xFFFFFFE0]  }
0x6b: {  	v4 =	vbroadcast v6, $0x0;
	v5 =	vadd.f32 v16, v5;
	v18 =	vld [tilespmem:s23+$0xFFFFF790];
	v3 =	vadd.f32 v0, v3  }
0x6c: {  	v22 =	vld [tilespmem:s23+$0xFFFFF7A0]  }
.Ltmp1:
0x6d: {  	v0 =	vperm.xlane v2, v4;
	v20 =	vld [tilespmem:s23+$0xFFFFF7B0];
	(pc) =	sbr.rel @p1 .LBB2_5-.Ltmp1, $4  }
0x6e: {  	v6 =	vperm.xlane v1, v4;
	v24 =	vld [tilespmem:s23+$0xFFFFF7C0]  }
0x6f: {  	v17 =	vmul.f32 v23, v0;
	v15 =	vmul.f32 v28, v0;
	v23 =	vld [tilespmem:s23+$0xFFFFF7D0]  }
0x70: {  	v16 =	vmul.f32 v21, v0;
	v14 =	vmul.f32 v14, v0;
	v19 =	vld [tilespmem:s23+$0xFFFFF7E0]  }
0x71: {  	s24 =	sadd.s32 $0x1, s24;
	v8 =	vmul.f32 v25, v0;
	v4 =	vmul.f32 v26, v0;
	v21 =	vld [tilespmem:s23+$0xFFFFF7F0]  }
0x72: {  	v1 =	vmul.f32 v18, v6  }
0x73: {  	v2 =	vmul.f32 v22, v6  }
0x74: {  	v18 =	vld [tilespmem:s23+$0xFFFFF800];
	v20 =	vmul.f32 v20, v6;
	v1 =	vadd.f32 v1, v10  }
0x75: {  	v22 =	vld [tilespmem:s23+$0xFFFFFFF0];
	v10 =	vmul.f32 v24, v6;
	v2 =	vadd.f32 v2, v13  }
0x76: {  	v13 =	vmul.f32 v23, v6;
	v23 =	vld [tilespmem:s23+$0x0];
	v12 =	vadd.f32 v20, v12;
	v1 =	vadd.f32 v17, v1  }
0x77: {  	v10 =	vadd.f32 v10, v11;
	v11 =	vmul.f32 v19, v6;
	v2 =	vadd.f32 v15, v2  }
0x78: {  	v15 =	vmul.f32 v21, v6;
	v12 =	vadd.f32 v16, v12;
	v9 =	vadd.f32 v13, v9;
	[tilespmem:s22+$0xD080] =	vst v1  }
0x79: {  	v6 =	vmul.f32 v18, v6;
	v1 =	vadd.f32 v14, v10;
	v7 =	vadd.f32 v11, v7;
	[tilespmem:s22+$0xD090] =	vst v2  }
0x7a: {  	v2 =	vmul.f32 v22, v0;
	v5 =	vadd.f32 v15, v5;
	v8 =	vadd.f32 v8, v9;
	[tilespmem:s22+$0xD0A0] =	vst v12  }
0x7b: {  	v3 =	vadd.f32 v6, v3;
	v0 =	vmul.f32 v23, v0;
	v4 =	vadd.f32 v4, v7;
	[tilespmem:s22+$0xD0B0] =	vst v1  }
0x7c: {  	v1 =	vadd.f32 v2, v5;
	[tilespmem:s22+$0xD0C0] =	vst v8  }
0x7d: {  	v0 =	vadd.f32 v0, v3;
	[tilespmem:s22+$0xD0D0] =	vst v4  }
0x7e: {  	[tilespmem:s22+$0xD0E0] =	vst v1  }
0x7f: {  	[tilespmem:s22+$0xD0F0] =	vst v0  }
0x80: {  	v1 =	vld [tilespmem:s20+$0x2840]  }
0x81: {  	s23 =	simm.s32 $0x7870;
	v2 =	vld [tilespmem:s20+$0x2850]  }
0x82: {  	v3 =	vld [tilespmem:s23+$0xFFFFFF90]  }
0x83: {  	v4 =	vld [tilespmem:s23+$0xFFFFFFA0]  }
0x84: {  	s24 =	simm.s32 $0x0;
	v5 =	vld [tilespmem:s23+$0xFFFFFFB0]  }
0x85: {  	v0 =	vmov s24;
	v7 =	vld [tilespmem:s23+$0xFFFFFFC0]  }
0x86: {  	v0 =	vand.u32 $0xF, v0;
	v8 =	vld [tilespmem:s23+$0xFFFFFFD0]  }
0x87: {  	v9 =	vld [tilespmem:s23+$0xFFFFFFE0];
	v6 =	vbroadcast v0, $0x0  }
0x88: {  	v18 =	vld [tilespmem:s23+$0xFFFFF790]  }
0x89: {  	v22 =	vld [tilespmem:s23+$0xFFFFF7A0];
	v0 =	vperm.xlane v2, v6  }
0x8a: {  	v13 =	vimm.f32 $0.0e+00;
	v10 =	vimm.f32 $0.0e+00;
	v20 =	vld [tilespmem:s23+$0xFFFFF7B0];
	v6 =	vperm.xlane v1, v6  }
0x8b: {  	v12 =	vimm.f32 $0.0e+00;
	v24 =	vld [tilespmem:s23+$0xFFFFF7C0];
	v17 =	vmul.f32 v3, v0;
	v15 =	vmul.f32 v4, v0  }
0x8c: {  	v11 =	vimm.f32 $0.0e+00;
	v23 =	vld [tilespmem:s23+$0xFFFFF7D0];
	v16 =	vmul.f32 v5, v0;
	v14 =	vmul.f32 v7, v0  }
0x8d: {  	v19 =	vld [tilespmem:s23+$0xFFFFF7E0];
	v8 =	vmul.f32 v8, v0;
	v4 =	vmul.f32 v9, v0;
	v9 =	vimm.f32 $0.0e+00  }
0x8e: {  	s24 =	simm.s32 $0x1;
	v21 =	vld [tilespmem:s23+$0xFFFFF7F0];
	v7 =	vimm.f32 $0.0e+00;
	v5 =	vimm.f32 $0.0e+00;
	v3 =	vimm.f32 $0.0e+00  }
.LBB2_7:
0x8f: {  	p1 =	sne.s32 s24, $0xF;
	v18 =	vmul.f32 v18, v6;
	v22 =	vmul.f32 v22, v6;
	v25 =	vld [tilespmem:s23+$0xFFFFF800]  }
0x90: {  	v26 =	vmov s24;
	v20 =	vmul.f32 v20, v6;
	v24 =	vmul.f32 v24, v6;
	v27 =	vld [tilespmem:s23+$0xFFFFFFF0]  }
0x91: {  	v10 =	vadd.f32 v18, v10;
	v13 =	vadd.f32 v22, v13;
	v18 =	vmul.f32 v23, v6;
	v22 =	vld [tilespmem:s23+$0x0];
	s23 =	sadd.s32 $0x80, s23  }
0x92: {  	v12 =	vadd.f32 v20, v12;
	v23 =	vld [tilespmem:s23+$0xFFFFFF90];
	v11 =	vadd.f32 v24, v11;
	v19 =	vmul.f32 v19, v6  }
0x93: {  	v28 =	vld [tilespmem:s23+$0xFFFFFFA0];
	v10 =	vadd.f32 v17, v10;
	v13 =	vadd.f32 v15, v13;
	v15 =	vmul.f32 v21, v6  }
0x94: {  	v12 =	vadd.f32 v16, v12;
	v21 =	vld [tilespmem:s23+$0xFFFFFFB0];
	v11 =	vadd.f32 v14, v11;
	v6 =	vmul.f32 v25, v6  }
0x95: {  	v9 =	vadd.f32 v18, v9;
	v7 =	vadd.f32 v19, v7;
	v14 =	vld [tilespmem:s23+$0xFFFFFFC0];
	v16 =	vmul.f32 v27, v0  }
0x96: {  	v5 =	vadd.f32 v15, v5;
	v25 =	vld [tilespmem:s23+$0xFFFFFFD0];
	v3 =	vadd.f32 v6, v3;
	v0 =	vmul.f32 v22, v0  }
0x97: {  	v9 =	vadd.f32 v8, v9;
	v6 =	vand.u32 $0xF, v26;
	v7 =	vadd.f32 v4, v7;
	v26 =	vld [tilespmem:s23+$0xFFFFFFE0]  }
0x98: {  	v4 =	vbroadcast v6, $0x0;
	v5 =	vadd.f32 v16, v5;
	v18 =	vld [tilespmem:s23+$0xFFFFF790];
	v3 =	vadd.f32 v0, v3  }
0x99: {  	v22 =	vld [tilespmem:s23+$0xFFFFF7A0]  }
.Ltmp2:
0x9a: {  	v0 =	vperm.xlane v2, v4;
	v20 =	vld [tilespmem:s23+$0xFFFFF7B0];
	(pc) =	sbr.rel @p1 .LBB2_7-.Ltmp2, $4  }
0x9b: {  	v6 =	vperm.xlane v1, v4;
	v24 =	vld [tilespmem:s23+$0xFFFFF7C0]  }
0x9c: {  	v17 =	vmul.f32 v23, v0;
	v15 =	vmul.f32 v28, v0;
	v23 =	vld [tilespmem:s23+$0xFFFFF7D0]  }
0x9d: {  	v16 =	vmul.f32 v21, v0;
	v14 =	vmul.f32 v14, v0;
	v19 =	vld [tilespmem:s23+$0xFFFFF7E0]  }
0x9e: {  	s24 =	sadd.s32 $0x1, s24;
	v8 =	vmul.f32 v25, v0;
	v4 =	vmul.f32 v26, v0;
	v21 =	vld [tilespmem:s23+$0xFFFFF7F0]  }
0x9f: {  	v1 =	vmul.f32 v18, v6  }
0xa0: {  	v2 =	vmul.f32 v22, v6  }
0xa1: {  	v18 =	vld [tilespmem:s23+$0xFFFFF800];
	v20 =	vmul.f32 v20, v6;
	v1 =	vadd.f32 v1, v10  }
0xa2: {  	v22 =	vld [tilespmem:s23+$0xFFFFFFF0];
	v10 =	vmul.f32 v24, v6;
	v2 =	vadd.f32 v2, v13  }
0xa3: {  	v13 =	vmul.f32 v23, v6;
	v23 =	vld [tilespmem:s23+$0x0];
	v12 =	vadd.f32 v20, v12;
	v1 =	vadd.f32 v17, v1  }
0xa4: {  	v10 =	vadd.f32 v10, v11;
	v11 =	vmul.f32 v19, v6;
	v2 =	vadd.f32 v15, v2  }
0xa5: {  	v15 =	vmul.f32 v21, v6;
	v12 =	vadd.f32 v16, v12;
	v9 =	vadd.f32 v13, v9;
	[tilespmem:s22+$0xD100] =	vst v1  }
0xa6: {  	v6 =	vmul.f32 v18, v6;
	v1 =	vadd.f32 v14, v10;
	v7 =	vadd.f32 v11, v7;
	[tilespmem:s22+$0xD110] =	vst v2  }
0xa7: {  	v2 =	vmul.f32 v22, v0;
	v5 =	vadd.f32 v15, v5;
	v8 =	vadd.f32 v8, v9;
	[tilespmem:s22+$0xD120] =	vst v12  }
0xa8: {  	v3 =	vadd.f32 v6, v3;
	v0 =	vmul.f32 v23, v0;
	v4 =	vadd.f32 v4, v7;
	[tilespmem:s22+$0xD130] =	vst v1  }
0xa9: {  	v1 =	vadd.f32 v2, v5;
	[tilespmem:s22+$0xD140] =	vst v8  }
0xaa: {  	v0 =	vadd.f32 v0, v3;
	[tilespmem:s22+$0xD150] =	vst v4  }
0xab: {  	[tilespmem:s22+$0xD160] =	vst v1  }
0xac: {  	[tilespmem:s22+$0xD170] =	vst v0  }
0xad: {  	v1 =	vld [tilespmem:s20+$0x2860]  }
0xae: {  	v2 =	vld [tilespmem:s20+$0x2870];
	s20 =	simm.s32 $0x8870  }
0xaf: {  	v3 =	vld [tilespmem:s20+$0xFFFFFF90]  }
0xb0: {  	v4 =	vld [tilespmem:s20+$0xFFFFFFA0]  }
0xb1: {  	s31 =	simm.s32 $0x0;
	v5 =	vld [tilespmem:s20+$0xFFFFFFB0]  }
0xb2: {  	v0 =	vmov s31;
	v7 =	vld [tilespmem:s20+$0xFFFFFFC0]  }
0xb3: {  	v0 =	vand.u32 $0xF, v0;
	v8 =	vld [tilespmem:s20+$0xFFFFFFD0]  }
0xb4: {  	v6 =	vbroadcast v0, $0x0;
	v9 =	vld [tilespmem:s20+$0xFFFFFFE0]  }
0xb5: {  	v18 =	vld [tilespmem:s20+$0xFFFFF790]  }
0xb6: {  	v22 =	vld [tilespmem:s20+$0xFFFFF7A0];
	v0 =	vperm.xlane v2, v6  }
0xb7: {  	v13 =	vimm.f32 $0.0e+00;
	v10 =	vimm.f32 $0.0e+00;
	v20 =	vld [tilespmem:s20+$0xFFFFF7B0];
	v6 =	vperm.xlane v1, v6  }
0xb8: {  	v12 =	vimm.f32 $0.0e+00;
	v24 =	vld [tilespmem:s20+$0xFFFFF7C0];
	v17 =	vmul.f32 v3, v0;
	v15 =	vmul.f32 v4, v0  }
0xb9: {  	v11 =	vimm.f32 $0.0e+00;
	v23 =	vld [tilespmem:s20+$0xFFFFF7D0];
	v16 =	vmul.f32 v5, v0;
	v14 =	vmul.f32 v7, v0  }
0xba: {  	v19 =	vld [tilespmem:s20+$0xFFFFF7E0];
	v8 =	vmul.f32 v8, v0;
	v4 =	vmul.f32 v9, v0;
	v9 =	vimm.f32 $0.0e+00  }
0xbb: {  	s23 =	simm.s32 $0x1;
	v21 =	vld [tilespmem:s20+$0xFFFFF7F0];
	v7 =	vimm.f32 $0.0e+00;
	v5 =	vimm.f32 $0.0e+00;
	v3 =	vimm.f32 $0.0e+00  }
.LBB2_9:
0xbc: {  	p1 =	sne.s32 s23, $0xF;
	v18 =	vmul.f32 v18, v6;
	v22 =	vmul.f32 v22, v6;
	v25 =	vld [tilespmem:s20+$0xFFFFF800]  }
0xbd: {  	v26 =	vmov s23;
	v20 =	vmul.f32 v20, v6;
	v24 =	vmul.f32 v24, v6;
	v27 =	vld [tilespmem:s20+$0xFFFFFFF0]  }
0xbe: {  	v10 =	vadd.f32 v18, v10;
	v13 =	vadd.f32 v22, v13;
	v18 =	vmul.f32 v23, v6;
	v22 =	vld [tilespmem:s20+$0x0];
	s20 =	sadd.s32 $0x80, s20  }
0xbf: {  	v12 =	vadd.f32 v20, v12;
	v23 =	vld [tilespmem:s20+$0xFFFFFF90];
	v11 =	vadd.f32 v24, v11;
	v19 =	vmul.f32 v19, v6  }
0xc0: {  	v28 =	vld [tilespmem:s20+$0xFFFFFFA0];
	v10 =	vadd.f32 v17, v10;
	v13 =	vadd.f32 v15, v13;
	v15 =	vmul.f32 v21, v6  }
0xc1: {  	v12 =	vadd.f32 v16, v12;
	v21 =	vld [tilespmem:s20+$0xFFFFFFB0];
	v11 =	vadd.f32 v14, v11;
	v6 =	vmul.f32 v25, v6  }
0xc2: {  	v9 =	vadd.f32 v18, v9;
	v7 =	vadd.f32 v19, v7;
	v14 =	vld [tilespmem:s20+$0xFFFFFFC0];
	v16 =	vmul.f32 v27, v0  }
0xc3: {  	v5 =	vadd.f32 v15, v5;
	v25 =	vld [tilespmem:s20+$0xFFFFFFD0];
	v3 =	vadd.f32 v6, v3;
	v0 =	vmul.f32 v22, v0  }
0xc4: {  	v9 =	vadd.f32 v8, v9;
	v6 =	vand.u32 $0xF, v26;
	v7 =	vadd.f32 v4, v7;
	v26 =	vld [tilespmem:s20+$0xFFFFFFE0]  }
0xc5: {  	v4 =	vbroadcast v6, $0x0;
	v5 =	vadd.f32 v16, v5;
	v18 =	vld [tilespmem:s20+$0xFFFFF790];
	v3 =	vadd.f32 v0, v3  }
0xc6: {  	v22 =	vld [tilespmem:s20+$0xFFFFF7A0]  }
.Ltmp3:
0xc7: {  	v0 =	vperm.xlane v2, v4;
	v20 =	vld [tilespmem:s20+$0xFFFFF7B0];
	(pc) =	sbr.rel @p1 .LBB2_9-.Ltmp3, $4  }
0xc8: {  	v6 =	vperm.xlane v1, v4;
	v24 =	vld [tilespmem:s20+$0xFFFFF7C0]  }
0xc9: {  	v17 =	vmul.f32 v23, v0;
	v15 =	vmul.f32 v28, v0;
	v23 =	vld [tilespmem:s20+$0xFFFFF7D0]  }
0xca: {  	v16 =	vmul.f32 v21, v0;
	v14 =	vmul.f32 v14, v0;
	v19 =	vld [tilespmem:s20+$0xFFFFF7E0]  }
0xcb: {  	s23 =	sadd.s32 $0x1, s23;
	v8 =	vmul.f32 v25, v0;
	v4 =	vmul.f32 v26, v0;
	v21 =	vld [tilespmem:s20+$0xFFFFF7F0]  }
0xcc: {  	v1 =	vmul.f32 v18, v6  }
0xcd: {  	v2 =	vmul.f32 v22, v6  }
0xce: {  	v18 =	vld [tilespmem:s20+$0xFFFFF800];
	v20 =	vmul.f32 v20, v6;
	v1 =	vadd.f32 v1, v10  }
0xcf: {  	v22 =	vld [tilespmem:s20+$0xFFFFFFF0];
	v10 =	vmul.f32 v24, v6;
	v2 =	vadd.f32 v2, v13  }
0xd0: {  	v13 =	vmul.f32 v23, v6;
	v23 =	vld [tilespmem:s20+$0x0];
	v12 =	vadd.f32 v20, v12;
	v1 =	vadd.f32 v17, v1  }
0xd1: {  	v10 =	vadd.f32 v10, v11;
	v11 =	vmul.f32 v19, v6;
	v2 =	vadd.f32 v15, v2  }
0xd2: {  	v15 =	vmul.f32 v21, v6;
	v12 =	vadd.f32 v16, v12;
	v9 =	vadd.f32 v13, v9;
	[tilespmem:s22+$0xD180] =	vst v1  }
0xd3: {  	v6 =	vmul.f32 v18, v6;
	v1 =	vadd.f32 v14, v10;
	v7 =	vadd.f32 v11, v7;
	[tilespmem:s22+$0xD190] =	vst v2  }
0xd4: {  	v2 =	vmul.f32 v22, v0;
	v5 =	vadd.f32 v15, v5;
	v8 =	vadd.f32 v8, v9;
	[tilespmem:s22+$0xD1A0] =	vst v12  }
0xd5: {  	s20 =	sshll.u32 s19, $0x1;
	v3 =	vadd.f32 v6, v3;
	v0 =	vmul.f32 v23, v0;
	v4 =	vadd.f32 v4, v7;
	[tilespmem:s22+$0xD1B0] =	vst v1  }
0xd6: {  	s23 =	sadd.s32 $0x2, s20;
	v1 =	vadd.f32 v2, v5;
	[tilespmem:s22+$0xD1C0] =	vst v8  }
0xd7: {  	p1 =	sgt.u32 s23, s5;
	v0 =	vadd.f32 v0, v3;
	[tilespmem:s22+$0xD1D0] =	vst v4  }
0xd8: {  	s23 =	sshll.u32 @!p1 s23, $0x7;
	[tilespmem:s22+$0xD1E0] =	vst v1  }
0xd9: {  	s24 =	simm.s32 @!p1 $0x5000;
	[tilespmem:s22+$0xD1F0] =	vst v0;
	s22 =	sand.u32 @!p1 $0x3FFFFF80, s23;
	s23 =	simm.s32 @!p1 $0x80  }
0xda: {  	[tilespmem:s24], [sflag:$0x1] =	stream.indirect.gather @!p1 [hbm4b:s1+s23], $0x80, s22, s23, $0xb8;
	[tilespmem:$0x17000] =	vst v63  }
0xdb: {  	_ =	swait.ge [sflag:s17], $0x4000  }
0xdc: {  	s21 =	sor.u32 $0x200, s21;
	[sflag:s17] =	ssyncset.done $0x0  }
0xdd: {  	s22 =	sshra.s32 s21, $0x2;
	[sflag:s17] =	ssyncadd.s32 $0xFFFFC000  }
0xde: {  	v1 =	vld [tilespmem:s22+$0x2800]  }
0xdf: {  	s23 =	simm.s32 $0x9800;
	v2 =	vld [tilespmem:s22+$0x2810]  }
0xe0: {  	v3 =	vld [tilespmem:s23+$0x0]  }
0xe1: {  	v4 =	vld [tilespmem:s23+$0x10]  }
0xe2: {  	s31 =	simm.s32 $0x0;
	v5 =	vld [tilespmem:s23+$0x20]  }
0xe3: {  	v0 =	vmov s31;
	v7 =	vld [tilespmem:s23+$0x30]  }
0xe4: {  	v0 =	vand.u32 $0xF, v0;
	v8 =	vld [tilespmem:s23+$0x40]  }
0xe5: {  	v6 =	vbroadcast v0, $0x0;
	v9 =	vld [tilespmem:s23+$0x50]  }
0xe6: {  	v18 =	vld [tilespmem:s23+$0xFFFFF800]  }
0xe7: {  	v22 =	vld [tilespmem:s23+$0xFFFFF810];
	v0 =	vperm.xlane v2, v6  }
0xe8: {  	v13 =	vimm.f32 $0.0e+00;
	v10 =	vimm.f32 $0.0e+00;
	v20 =	vld [tilespmem:s23+$0xFFFFF820];
	v6 =	vperm.xlane v1, v6  }
0xe9: {  	v12 =	vimm.f32 $0.0e+00;
	v24 =	vld [tilespmem:s23+$0xFFFFF830];
	v17 =	vmul.f32 v3, v0;
	v15 =	vmul.f32 v4, v0  }
0xea: {  	v11 =	vimm.f32 $0.0e+00;
	v23 =	vld [tilespmem:s23+$0xFFFFF840];
	v16 =	vmul.f32 v5, v0;
	v14 =	vmul.f32 v7, v0  }
0xeb: {  	v19 =	vld [tilespmem:s23+$0xFFFFF850];
	v8 =	vmul.f32 v8, v0;
	v4 =	vmul.f32 v9, v0;
	v9 =	vimm.f32 $0.0e+00  }
0xec: {  	s24 =	simm.s32 $0x1;
	v21 =	vld [tilespmem:s23+$0xFFFFF860];
	v7 =	vimm.f32 $0.0e+00;
	v5 =	vimm.f32 $0.0e+00;
	v3 =	vimm.f32 $0.0e+00  }
.LBB2_11:
0xed: {  	p1 =	sne.s32 s24, $0xF;
	v18 =	vmul.f32 v18, v6;
	v22 =	vmul.f32 v22, v6;
	v25 =	vld [tilespmem:s23+$0xFFFFF870]  }
0xee: {  	v26 =	vmov s24;
	v20 =	vmul.f32 v20, v6;
	v24 =	vmul.f32 v24, v6;
	v27 =	vld [tilespmem:s23+$0x60]  }
0xef: {  	v10 =	vadd.f32 v18, v10;
	v13 =	vadd.f32 v22, v13;
	v18 =	vmul.f32 v23, v6;
	v22 =	vld [tilespmem:s23+$0x70];
	s23 =	sadd.s32 $0x80, s23  }
0xf0: {  	v12 =	vadd.f32 v20, v12;
	v23 =	vld [tilespmem:s23+$0x0];
	v11 =	vadd.f32 v24, v11;
	v19 =	vmul.f32 v19, v6  }
0xf1: {  	v28 =	vld [tilespmem:s23+$0x10];
	v10 =	vadd.f32 v17, v10;
	v13 =	vadd.f32 v15, v13;
	v15 =	vmul.f32 v21, v6  }
0xf2: {  	v12 =	vadd.f32 v16, v12;
	v21 =	vld [tilespmem:s23+$0x20];
	v11 =	vadd.f32 v14, v11;
	v6 =	vmul.f32 v25, v6  }
0xf3: {  	v9 =	vadd.f32 v18, v9;
	v7 =	vadd.f32 v19, v7;
	v14 =	vld [tilespmem:s23+$0x30];
	v16 =	vmul.f32 v27, v0  }
0xf4: {  	v5 =	vadd.f32 v15, v5;
	v25 =	vld [tilespmem:s23+$0x40];
	v3 =	vadd.f32 v6, v3;
	v0 =	vmul.f32 v22, v0  }
0xf5: {  	v9 =	vadd.f32 v8, v9;
	v6 =	vand.u32 $0xF, v26;
	v7 =	vadd.f32 v4, v7;
	v26 =	vld [tilespmem:s23+$0x50]  }
0xf6: {  	v4 =	vbroadcast v6, $0x0;
	v5 =	vadd.f32 v16, v5;
	v18 =	vld [tilespmem:s23+$0xFFFFF800];
	v3 =	vadd.f32 v0, v3  }
0xf7: {  	v22 =	vld [tilespmem:s23+$0xFFFFF810]  }
.Ltmp4:
0xf8: {  	v0 =	vperm.xlane v2, v4;
	v20 =	vld [tilespmem:s23+$0xFFFFF820];
	(pc) =	sbr.rel @p1 .LBB2_11-.Ltmp4, $4  }
0xf9: {  	v6 =	vperm.xlane v1, v4;
	v24 =	vld [tilespmem:s23+$0xFFFFF830]  }
0xfa: {  	v17 =	vmul.f32 v23, v0;
	v15 =	vmul.f32 v28, v0;
	v23 =	vld [tilespmem:s23+$0xFFFFF840]  }
0xfb: {  	v16 =	vmul.f32 v21, v0;
	v14 =	vmul.f32 v14, v0;
	v19 =	vld [tilespmem:s23+$0xFFFFF850]  }
0xfc: {  	s24 =	sadd.s32 $0x1, s24;
	v8 =	vmul.f32 v25, v0;
	v4 =	vmul.f32 v26, v0;
	v21 =	vld [tilespmem:s23+$0xFFFFF860]  }
0xfd: {  	v1 =	vmul.f32 v18, v6  }
0xfe: {  	v2 =	vmul.f32 v22, v6  }
0xff: {  	v18 =	vld [tilespmem:s23+$0xFFFFF870];
	v20 =	vmul.f32 v20, v6;
	v1 =	vadd.f32 v1, v10  }
0x100: {  	v22 =	vld [tilespmem:s23+$0x60];
	v10 =	vmul.f32 v24, v6;
	v2 =	vadd.f32 v2, v13  }
0x101: {  	v13 =	vmul.f32 v23, v6;
	v23 =	vld [tilespmem:s23+$0x70];
	v12 =	vadd.f32 v20, v12;
	v1 =	vadd.f32 v17, v1  }
0x102: {  	v10 =	vadd.f32 v10, v11;
	v11 =	vmul.f32 v19, v6;
	v2 =	vadd.f32 v15, v2  }
0x103: {  	v15 =	vmul.f32 v21, v6;
	v12 =	vadd.f32 v16, v12;
	v9 =	vadd.f32 v13, v9;
	[tilespmem:s21+$0xD000] =	vst v1  }
0x104: {  	v6 =	vmul.f32 v18, v6;
	v1 =	vadd.f32 v14, v10;
	v7 =	vadd.f32 v11, v7;
	[tilespmem:s21+$0xD010] =	vst v2  }
0x105: {  	v2 =	vmul.f32 v22, v0;
	v5 =	vadd.f32 v15, v5;
	v8 =	vadd.f32 v8, v9;
	[tilespmem:s21+$0xD020] =	vst v12  }
0x106: {  	v3 =	vadd.f32 v6, v3;
	v0 =	vmul.f32 v23, v0;
	v4 =	vadd.f32 v4, v7;
	[tilespmem:s21+$0xD030] =	vst v1  }
0x107: {  	v1 =	vadd.f32 v2, v5;
	[tilespmem:s21+$0xD040] =	vst v8  }
0x108: {  	v0 =	vadd.f32 v0, v3;
	[tilespmem:s21+$0xD050] =	vst v4  }
0x109: {  	[tilespmem:s21+$0xD060] =	vst v1  }
0x10a: {  	[tilespmem:s21+$0xD070] =	vst v0  }
0x10b: {  	v1 =	vld [tilespmem:s22+$0x2820]  }
0x10c: {  	s23 =	simm.s32 $0xA870;
	v2 =	vld [tilespmem:s22+$0x2830]  }
0x10d: {  	v3 =	vld [tilespmem:s23+$0xFFFFFF90]  }
0x10e: {  	v4 =	vld [tilespmem:s23+$0xFFFFFFA0]  }
0x10f: {  	s24 =	simm.s32 $0x0;
	v5 =	vld [tilespmem:s23+$0xFFFFFFB0]  }
0x110: {  	v0 =	vmov s24;
	v7 =	vld [tilespmem:s23+$0xFFFFFFC0]  }
0x111: {  	v0 =	vand.u32 $0xF, v0;
	v8 =	vld [tilespmem:s23+$0xFFFFFFD0]  }
0x112: {  	v9 =	vld [tilespmem:s23+$0xFFFFFFE0];
	v6 =	vbroadcast v0, $0x0  }
0x113: {  	v18 =	vld [tilespmem:s23+$0xFFFFF790]  }
0x114: {  	v22 =	vld [tilespmem:s23+$0xFFFFF7A0];
	v0 =	vperm.xlane v2, v6  }
0x115: {  	v13 =	vimm.f32 $0.0e+00;
	v10 =	vimm.f32 $0.0e+00;
	v20 =	vld [tilespmem:s23+$0xFFFFF7B0];
	v6 =	vperm.xlane v1, v6  }
0x116: {  	v12 =	vimm.f32 $0.0e+00;
	v24 =	vld [tilespmem:s23+$0xFFFFF7C0];
	v17 =	vmul.f32 v3, v0;
	v15 =	vmul.f32 v4, v0  }
0x117: {  	v11 =	vimm.f32 $0.0e+00;
	v23 =	vld [tilespmem:s23+$0xFFFFF7D0];
	v16 =	vmul.f32 v5, v0;
	v14 =	vmul.f32 v7, v0  }
0x118: {  	v19 =	vld [tilespmem:s23+$0xFFFFF7E0];
	v8 =	vmul.f32 v8, v0;
	v4 =	vmul.f32 v9, v0;
	v9 =	vimm.f32 $0.0e+00  }
0x119: {  	s24 =	simm.s32 $0x1;
	v21 =	vld [tilespmem:s23+$0xFFFFF7F0];
	v7 =	vimm.f32 $0.0e+00;
	v5 =	vimm.f32 $0.0e+00;
	v3 =	vimm.f32 $0.0e+00  }
.LBB2_13:
0x11a: {  	p1 =	sne.s32 s24, $0xF;
	v18 =	vmul.f32 v18, v6;
	v22 =	vmul.f32 v22, v6;
	v25 =	vld [tilespmem:s23+$0xFFFFF800]  }
0x11b: {  	v26 =	vmov s24;
	v20 =	vmul.f32 v20, v6;
	v24 =	vmul.f32 v24, v6;
	v27 =	vld [tilespmem:s23+$0xFFFFFFF0]  }
0x11c: {  	v10 =	vadd.f32 v18, v10;
	v13 =	vadd.f32 v22, v13;
	v18 =	vmul.f32 v23, v6;
	v22 =	vld [tilespmem:s23+$0x0];
	s23 =	sadd.s32 $0x80, s23  }
0x11d: {  	v12 =	vadd.f32 v20, v12;
	v23 =	vld [tilespmem:s23+$0xFFFFFF90];
	v11 =	vadd.f32 v24, v11;
	v19 =	vmul.f32 v19, v6  }
0x11e: {  	v28 =	vld [tilespmem:s23+$0xFFFFFFA0];
	v10 =	vadd.f32 v17, v10;
	v13 =	vadd.f32 v15, v13;
	v15 =	vmul.f32 v21, v6  }
0x11f: {  	v12 =	vadd.f32 v16, v12;
	v21 =	vld [tilespmem:s23+$0xFFFFFFB0];
	v11 =	vadd.f32 v14, v11;
	v6 =	vmul.f32 v25, v6  }
0x120: {  	v9 =	vadd.f32 v18, v9;
	v7 =	vadd.f32 v19, v7;
	v14 =	vld [tilespmem:s23+$0xFFFFFFC0];
	v16 =	vmul.f32 v27, v0  }
0x121: {  	v5 =	vadd.f32 v15, v5;
	v25 =	vld [tilespmem:s23+$0xFFFFFFD0];
	v3 =	vadd.f32 v6, v3;
	v0 =	vmul.f32 v22, v0  }
0x122: {  	v9 =	vadd.f32 v8, v9;
	v6 =	vand.u32 $0xF, v26;
	v7 =	vadd.f32 v4, v7;
	v26 =	vld [tilespmem:s23+$0xFFFFFFE0]  }
0x123: {  	v4 =	vbroadcast v6, $0x0;
	v5 =	vadd.f32 v16, v5;
	v18 =	vld [tilespmem:s23+$0xFFFFF790];
	v3 =	vadd.f32 v0, v3  }
0x124: {  	v22 =	vld [tilespmem:s23+$0xFFFFF7A0]  }
.Ltmp5:
0x125: {  	v0 =	vperm.xlane v2, v4;
	v20 =	vld [tilespmem:s23+$0xFFFFF7B0];
	(pc) =	sbr.rel @p1 .LBB2_13-.Ltmp5, $4  }
0x126: {  	v6 =	vperm.xlane v1, v4;
	v24 =	vld [tilespmem:s23+$0xFFFFF7C0]  }
0x127: {  	v17 =	vmul.f32 v23, v0;
	v15 =	vmul.f32 v28, v0;
	v23 =	vld [tilespmem:s23+$0xFFFFF7D0]  }
0x128: {  	v16 =	vmul.f32 v21, v0;
	v14 =	vmul.f32 v14, v0;
	v19 =	vld [tilespmem:s23+$0xFFFFF7E0]  }
0x129: {  	s24 =	sadd.s32 $0x1, s24;
	v8 =	vmul.f32 v25, v0;
	v4 =	vmul.f32 v26, v0;
	v21 =	vld [tilespmem:s23+$0xFFFFF7F0]  }
0x12a: {  	v1 =	vmul.f32 v18, v6  }
0x12b: {  	v2 =	vmul.f32 v22, v6  }
0x12c: {  	v18 =	vld [tilespmem:s23+$0xFFFFF800];
	v20 =	vmul.f32 v20, v6;
	v1 =	vadd.f32 v1, v10  }
0x12d: {  	v22 =	vld [tilespmem:s23+$0xFFFFFFF0];
	v10 =	vmul.f32 v24, v6;
	v2 =	vadd.f32 v2, v13  }
0x12e: {  	v13 =	vmul.f32 v23, v6;
	v23 =	vld [tilespmem:s23+$0x0];
	v12 =	vadd.f32 v20, v12;
	v1 =	vadd.f32 v17, v1  }
0x12f: {  	v10 =	vadd.f32 v10, v11;
	v11 =	vmul.f32 v19, v6;
	v2 =	vadd.f32 v15, v2  }
0x130: {  	v15 =	vmul.f32 v21, v6;
	v12 =	vadd.f32 v16, v12;
	v9 =	vadd.f32 v13, v9;
	[tilespmem:s21+$0xD080] =	vst v1  }
0x131: {  	v6 =	vmul.f32 v18, v6;
	v1 =	vadd.f32 v14, v10;
	v7 =	vadd.f32 v11, v7;
	[tilespmem:s21+$0xD090] =	vst v2  }
0x132: {  	v2 =	vmul.f32 v22, v0;
	v5 =	vadd.f32 v15, v5;
	v8 =	vadd.f32 v8, v9;
	[tilespmem:s21+$0xD0A0] =	vst v12  }
0x133: {  	v3 =	vadd.f32 v6, v3;
	v0 =	vmul.f32 v23, v0;
	v4 =	vadd.f32 v4, v7;
	[tilespmem:s21+$0xD0B0] =	vst v1  }
0x134: {  	v1 =	vadd.f32 v2, v5;
	[tilespmem:s21+$0xD0C0] =	vst v8  }
0x135: {  	v0 =	vadd.f32 v0, v3;
	[tilespmem:s21+$0xD0D0] =	vst v4  }
0x136: {  	[tilespmem:s21+$0xD0E0] =	vst v1  }
0x137: {  	[tilespmem:s21+$0xD0F0] =	vst v0  }
0x138: {  	v1 =	vld [tilespmem:s22+$0x2840]  }
0x139: {  	s23 =	simm.s32 $0xB870;
	v2 =	vld [tilespmem:s22+$0x2850]  }
0x13a: {  	v3 =	vld [tilespmem:s23+$0xFFFFFF90]  }
0x13b: {  	v4 =	vld [tilespmem:s23+$0xFFFFFFA0]  }
0x13c: {  	s24 =	simm.s32 $0x0;
	v5 =	vld [tilespmem:s23+$0xFFFFFFB0]  }
0x13d: {  	v0 =	vmov s24;
	v7 =	vld [tilespmem:s23+$0xFFFFFFC0]  }
0x13e: {  	v0 =	vand.u32 $0xF, v0;
	v8 =	vld [tilespmem:s23+$0xFFFFFFD0]  }
0x13f: {  	v9 =	vld [tilespmem:s23+$0xFFFFFFE0];
	v6 =	vbroadcast v0, $0x0  }
0x140: {  	v18 =	vld [tilespmem:s23+$0xFFFFF790]  }
0x141: {  	v22 =	vld [tilespmem:s23+$0xFFFFF7A0];
	v0 =	vperm.xlane v2, v6  }
0x142: {  	v13 =	vimm.f32 $0.0e+00;
	v10 =	vimm.f32 $0.0e+00;
	v20 =	vld [tilespmem:s23+$0xFFFFF7B0];
	v6 =	vperm.xlane v1, v6  }
0x143: {  	v12 =	vimm.f32 $0.0e+00;
	v24 =	vld [tilespmem:s23+$0xFFFFF7C0];
	v17 =	vmul.f32 v3, v0;
	v15 =	vmul.f32 v4, v0  }
0x144: {  	v11 =	vimm.f32 $0.0e+00;
	v23 =	vld [tilespmem:s23+$0xFFFFF7D0];
	v16 =	vmul.f32 v5, v0;
	v14 =	vmul.f32 v7, v0  }
0x145: {  	v19 =	vld [tilespmem:s23+$0xFFFFF7E0];
	v8 =	vmul.f32 v8, v0;
	v4 =	vmul.f32 v9, v0;
	v9 =	vimm.f32 $0.0e+00  }
0x146: {  	s24 =	simm.s32 $0x1;
	v21 =	vld [tilespmem:s23+$0xFFFFF7F0];
	v7 =	vimm.f32 $0.0e+00;
	v5 =	vimm.f32 $0.0e+00;
	v3 =	vimm.f32 $0.0e+00  }
.LBB2_15:
0x147: {  	p1 =	sne.s32 s24, $0xF;
	v18 =	vmul.f32 v18, v6;
	v22 =	vmul.f32 v22, v6;
	v25 =	vld [tilespmem:s23+$0xFFFFF800]  }
0x148: {  	v26 =	vmov s24;
	v20 =	vmul.f32 v20, v6;
	v24 =	vmul.f32 v24, v6;
	v27 =	vld [tilespmem:s23+$0xFFFFFFF0]  }
0x149: {  	v10 =	vadd.f32 v18, v10;
	v13 =	vadd.f32 v22, v13;
	v18 =	vmul.f32 v23, v6;
	v22 =	vld [tilespmem:s23+$0x0];
	s23 =	sadd.s32 $0x80, s23  }
0x14a: {  	v12 =	vadd.f32 v20, v12;
	v23 =	vld [tilespmem:s23+$0xFFFFFF90];
	v11 =	vadd.f32 v24, v11;
	v19 =	vmul.f32 v19, v6  }
0x14b: {  	v28 =	vld [tilespmem:s23+$0xFFFFFFA0];
	v10 =	vadd.f32 v17, v10;
	v13 =	vadd.f32 v15, v13;
	v15 =	vmul.f32 v21, v6  }
0x14c: {  	v12 =	vadd.f32 v16, v12;
	v21 =	vld [tilespmem:s23+$0xFFFFFFB0];
	v11 =	vadd.f32 v14, v11;
	v6 =	vmul.f32 v25, v6  }
0x14d: {  	v9 =	vadd.f32 v18, v9;
	v7 =	vadd.f32 v19, v7;
	v14 =	vld [tilespmem:s23+$0xFFFFFFC0];
	v16 =	vmul.f32 v27, v0  }
0x14e: {  	v5 =	vadd.f32 v15, v5;
	v25 =	vld [tilespmem:s23+$0xFFFFFFD0];
	v3 =	vadd.f32 v6, v3;
	v0 =	vmul.f32 v22, v0  }
0x14f: {  	v9 =	vadd.f32 v8, v9;
	v6 =	vand.u32 $0xF, v26;
	v7 =	vadd.f32 v4, v7;
	v26 =	vld [tilespmem:s23+$0xFFFFFFE0]  }
0x150: {  	v4 =	vbroadcast v6, $0x0;
	v5 =	vadd.f32 v16, v5;
	v18 =	vld [tilespmem:s23+$0xFFFFF790];
	v3 =	vadd.f32 v0, v3  }
0x151: {  	v22 =	vld [tilespmem:s23+$0xFFFFF7A0]  }
.Ltmp6:
0x152: {  	v0 =	vperm.xlane v2, v4;
	v20 =	vld [tilespmem:s23+$0xFFFFF7B0];
	(pc) =	sbr.rel @p1 .LBB2_15-.Ltmp6, $4  }
0x153: {  	v6 =	vperm.xlane v1, v4;
	v24 =	vld [tilespmem:s23+$0xFFFFF7C0]  }
0x154: {  	v17 =	vmul.f32 v23, v0;
	v15 =	vmul.f32 v28, v0;
	v23 =	vld [tilespmem:s23+$0xFFFFF7D0]  }
0x155: {  	v16 =	vmul.f32 v21, v0;
	v14 =	vmul.f32 v14, v0;
	v19 =	vld [tilespmem:s23+$0xFFFFF7E0]  }
0x156: {  	s24 =	sadd.s32 $0x1, s24;
	v8 =	vmul.f32 v25, v0;
	v4 =	vmul.f32 v26, v0;
	v21 =	vld [tilespmem:s23+$0xFFFFF7F0]  }
0x157: {  	v1 =	vmul.f32 v18, v6  }
0x158: {  	v2 =	vmul.f32 v22, v6  }
0x159: {  	v18 =	vld [tilespmem:s23+$0xFFFFF800];
	v20 =	vmul.f32 v20, v6;
	v1 =	vadd.f32 v1, v10  }
0x15a: {  	v22 =	vld [tilespmem:s23+$0xFFFFFFF0];
	v10 =	vmul.f32 v24, v6;
	v2 =	vadd.f32 v2, v13  }
0x15b: {  	v13 =	vmul.f32 v23, v6;
	v23 =	vld [tilespmem:s23+$0x0];
	v12 =	vadd.f32 v20, v12;
	v1 =	vadd.f32 v17, v1  }
0x15c: {  	v10 =	vadd.f32 v10, v11;
	v11 =	vmul.f32 v19, v6;
	v2 =	vadd.f32 v15, v2  }
0x15d: {  	v15 =	vmul.f32 v21, v6;
	v12 =	vadd.f32 v16, v12;
	v9 =	vadd.f32 v13, v9;
	[tilespmem:s21+$0xD100] =	vst v1  }
0x15e: {  	v6 =	vmul.f32 v18, v6;
	v1 =	vadd.f32 v14, v10;
	v7 =	vadd.f32 v11, v7;
	[tilespmem:s21+$0xD110] =	vst v2  }
0x15f: {  	v2 =	vmul.f32 v22, v0;
	v5 =	vadd.f32 v15, v5;
	v8 =	vadd.f32 v8, v9;
	[tilespmem:s21+$0xD120] =	vst v12  }
0x160: {  	v3 =	vadd.f32 v6, v3;
	v0 =	vmul.f32 v23, v0;
	v4 =	vadd.f32 v4, v7;
	[tilespmem:s21+$0xD130] =	vst v1  }
0x161: {  	v1 =	vadd.f32 v2, v5;
	[tilespmem:s21+$0xD140] =	vst v8  }
0x162: {  	v0 =	vadd.f32 v0, v3;
	[tilespmem:s21+$0xD150] =	vst v4  }
0x163: {  	[tilespmem:s21+$0xD160] =	vst v1  }
0x164: {  	[tilespmem:s21+$0xD170] =	vst v0  }
0x165: {  	v1 =	vld [tilespmem:s22+$0x2860]  }
0x166: {  	v2 =	vld [tilespmem:s22+$0x2870];
	s22 =	simm.s32 $0xC870  }
0x167: {  	v3 =	vld [tilespmem:s22+$0xFFFFFF90]  }
0x168: {  	v4 =	vld [tilespmem:s22+$0xFFFFFFA0]  }
0x169: {  	s31 =	simm.s32 $0x0;
	v5 =	vld [tilespmem:s22+$0xFFFFFFB0]  }
0x16a: {  	v0 =	vmov s31;
	v7 =	vld [tilespmem:s22+$0xFFFFFFC0]  }
0x16b: {  	v0 =	vand.u32 $0xF, v0;
	v8 =	vld [tilespmem:s22+$0xFFFFFFD0]  }
0x16c: {  	v6 =	vbroadcast v0, $0x0;
	v9 =	vld [tilespmem:s22+$0xFFFFFFE0]  }
0x16d: {  	v18 =	vld [tilespmem:s22+$0xFFFFF790]  }
0x16e: {  	v22 =	vld [tilespmem:s22+$0xFFFFF7A0];
	v0 =	vperm.xlane v2, v6  }
0x16f: {  	v13 =	vimm.f32 $0.0e+00;
	v10 =	vimm.f32 $0.0e+00;
	v20 =	vld [tilespmem:s22+$0xFFFFF7B0];
	v6 =	vperm.xlane v1, v6  }
0x170: {  	v12 =	vimm.f32 $0.0e+00;
	v24 =	vld [tilespmem:s22+$0xFFFFF7C0];
	v17 =	vmul.f32 v3, v0;
	v15 =	vmul.f32 v4, v0  }
0x171: {  	v11 =	vimm.f32 $0.0e+00;
	v23 =	vld [tilespmem:s22+$0xFFFFF7D0];
	v16 =	vmul.f32 v5, v0;
	v14 =	vmul.f32 v7, v0  }
0x172: {  	v19 =	vld [tilespmem:s22+$0xFFFFF7E0];
	v8 =	vmul.f32 v8, v0;
	v4 =	vmul.f32 v9, v0;
	v9 =	vimm.f32 $0.0e+00  }
0x173: {  	s23 =	simm.s32 $0x1;
	v21 =	vld [tilespmem:s22+$0xFFFFF7F0];
	v7 =	vimm.f32 $0.0e+00;
	v5 =	vimm.f32 $0.0e+00;
	v3 =	vimm.f32 $0.0e+00  }
.LBB2_17:
0x174: {  	p1 =	sne.s32 s23, $0xF;
	v18 =	vmul.f32 v18, v6;
	v22 =	vmul.f32 v22, v6;
	v25 =	vld [tilespmem:s22+$0xFFFFF800]  }
0x175: {  	v26 =	vmov s23;
	v20 =	vmul.f32 v20, v6;
	v24 =	vmul.f32 v24, v6;
	v27 =	vld [tilespmem:s22+$0xFFFFFFF0]  }
0x176: {  	v10 =	vadd.f32 v18, v10;
	v13 =	vadd.f32 v22, v13;
	v18 =	vmul.f32 v23, v6;
	v22 =	vld [tilespmem:s22+$0x0];
	s22 =	sadd.s32 $0x80, s22  }
0x177: {  	v12 =	vadd.f32 v20, v12;
	v23 =	vld [tilespmem:s22+$0xFFFFFF90];
	v11 =	vadd.f32 v24, v11;
	v19 =	vmul.f32 v19, v6  }
0x178: {  	v28 =	vld [tilespmem:s22+$0xFFFFFFA0];
	v10 =	vadd.f32 v17, v10;
	v13 =	vadd.f32 v15, v13;
	v15 =	vmul.f32 v21, v6  }
0x179: {  	v12 =	vadd.f32 v16, v12;
	v21 =	vld [tilespmem:s22+$0xFFFFFFB0];
	v11 =	vadd.f32 v14, v11;
	v6 =	vmul.f32 v25, v6  }
0x17a: {  	v9 =	vadd.f32 v18, v9;
	v7 =	vadd.f32 v19, v7;
	v14 =	vld [tilespmem:s22+$0xFFFFFFC0];
	v16 =	vmul.f32 v27, v0  }
0x17b: {  	v5 =	vadd.f32 v15, v5;
	v25 =	vld [tilespmem:s22+$0xFFFFFFD0];
	v3 =	vadd.f32 v6, v3;
	v0 =	vmul.f32 v22, v0  }
0x17c: {  	v9 =	vadd.f32 v8, v9;
	v6 =	vand.u32 $0xF, v26;
	v7 =	vadd.f32 v4, v7;
	v26 =	vld [tilespmem:s22+$0xFFFFFFE0]  }
0x17d: {  	v4 =	vbroadcast v6, $0x0;
	v5 =	vadd.f32 v16, v5;
	v18 =	vld [tilespmem:s22+$0xFFFFF790];
	v3 =	vadd.f32 v0, v3  }
0x17e: {  	v22 =	vld [tilespmem:s22+$0xFFFFF7A0]  }
.Ltmp7:
0x17f: {  	v0 =	vperm.xlane v2, v4;
	v20 =	vld [tilespmem:s22+$0xFFFFF7B0];
	(pc) =	sbr.rel @p1 .LBB2_17-.Ltmp7, $4  }
0x180: {  	v6 =	vperm.xlane v1, v4;
	v24 =	vld [tilespmem:s22+$0xFFFFF7C0]  }
0x181: {  	v17 =	vmul.f32 v23, v0;
	v15 =	vmul.f32 v28, v0;
	v23 =	vld [tilespmem:s22+$0xFFFFF7D0]  }
0x182: {  	v16 =	vmul.f32 v21, v0;
	v14 =	vmul.f32 v14, v0;
	v19 =	vld [tilespmem:s22+$0xFFFFF7E0]  }
0x183: {  	s23 =	sadd.s32 $0x1, s23;
	v8 =	vmul.f32 v25, v0;
	v4 =	vmul.f32 v26, v0;
	v21 =	vld [tilespmem:s22+$0xFFFFF7F0]  }
0x184: {  	v1 =	vmul.f32 v18, v6  }
0x185: {  	v2 =	vmul.f32 v22, v6  }
0x186: {  	v52 =	vld [tilespmem:s22+$0xFFFFF800];
	v20 =	vmul.f32 v20, v6;
	v1 =	vadd.f32 v1, v10  }
0x187: {  	v54 =	vld [tilespmem:s22+$0xFFFFFFF0];
	v53 =	vmul.f32 v24, v6;
	v2 =	vadd.f32 v2, v13  }
0x188: {  	v56 =	vld [tilespmem:s22+$0x0];
	v55 =	vmul.f32 v23, v6;
	v12 =	vadd.f32 v20, v12;
	v1 =	vadd.f32 v17, v1  }
0x189: {  	v10 =	vadd.f32 v53, v11;
	v57 =	vmul.f32 v19, v6;
	v2 =	vadd.f32 v15, v2  }
0x18a: {  	v58 =	vmul.f32 v21, v6;
	v12 =	vadd.f32 v16, v12;
	v9 =	vadd.f32 v55, v9;
	[tilespmem:s21+$0xD180] =	vst v1  }
0x18b: {  	v59 =	vadd.f32 v14, v10;
	v60 =	vmul.f32 v52, v6;
	v7 =	vadd.f32 v57, v7;
	[tilespmem:s21+$0xD190] =	vst v2  }
0x18c: {  	v61 =	vmul.f32 v54, v0;
	v5 =	vadd.f32 v58, v5;
	v8 =	vadd.f32 v8, v9;
	[tilespmem:s21+$0xD1A0] =	vst v12  }
0x18d: {  	v62 =	vmul.f32 v56, v0;
	v3 =	vadd.f32 v60, v3;
	v4 =	vadd.f32 v4, v7;
	[tilespmem:s21+$0xD1B0] =	vst v59  }
0x18e: {  	s20 =	sadd.s32 $0x3, s20;
	v63 =	vadd.f32 v61, v5;
	[tilespmem:s21+$0xD1C0] =	vst v8  }
0x18f: {  	p1 =	sgt.u32 s20, s5;
	v0 =	vadd.f32 v62, v3;
	[tilespmem:s21+$0xD1D0] =	vst v4  }
0x190: {  	s19 =	sadd.s32 $0x1, s19;
	s20 =	sshll.u32 @!p1 s20, $0x7;
	[tilespmem:s21+$0xD1E0] =	vst v63  }
0x191: {  	s22 =	simm.s32 @!p1 $0x9000;
	s20 =	sand.u32 @!p1 $0x3FFFFF80, s20;
	[tilespmem:s21+$0xD1F0] =	vst v0;
	s21 =	simm.s32 @!p1 $0x80  }
0x192: {  	[tilespmem:s22], [sflag:$0x2] =	stream.indirect.gather @!p1 [hbm4b:s1+s21], $0x80, s20, s21, $0xb8;
	[tilespmem:$0x17000] =	vst v63  }
0x193: {  	p1 =	sne.s32 s19, s9  }
.Ltmp8:
0x194: {  	_ = 	snop;
	(pc) =	sbr.rel @p1 .LBB2_2-.Ltmp8, $1  }
0x195: {  	_ =	sdelay $0x3  }
0x196: {  	s19 =	simm.s32 @p0 $0x0;
	s20 =	simm.s32 @p0 $0xD000  }
0x197: {  	[hbm4b:s11+s19] =	stream.linear.scatter @p0 [tilespmem:s20], [sflag:$0x3], $0x2800, $0x38;
	[tilespmem:$0x17000] =	vst v63  }
0x198: {  	s19 =	simm.s32 @p0 $0x3  }
0x199: {  	_ =	swait.ge @p0 [sflag:s19], $0x2800  }
0x19a: {  	s18 =	sadd.s32 $0x1, s18;
	s20 =	simm.s32 @!p0 $0xD000;
	[sflag:s19] =	ssyncset.done @p0 $0x0  }
0x19b: {  	p1 =	sne.s32 s18, s12;
	[sflag:s19] =	ssyncadd.s32 @p0 $0xFFFFD800;
	s19 =	simm.s32 @!p0 $0x0  }
0x19c: {  	[hbm4b:s10+s19] =	stream.linear.scatter @!p0 [tilespmem:s20], [sflag:$0x3], $0xA000, $0x38;
	[tilespmem:$0x17000] =	vst v63  }
.Ltmp9:
0x19d: {  	_ = 	snop;
	(pc) =	sbr.rel @p1 .LBB2_1-.Ltmp9, $4  }
0x19e: {  	s19 =	simm.s32 @!p0 $0x3  }
0x19f: {  	_ =	swait.ge @!p0 [sflag:s19], $0xA000  }
0x1a0: {  	[sflag:s19] =	ssyncset.done @!p0 $0x0  }
0x1a1: {  	[sflag:s19] =	ssyncadd.s32 @!p0 $0xFFFF6000  }
0x1a2: {  	_ =	sfence.sel $0x180000  }
0x1a3: {  	[bflag:$0x0] =	sbarrier.arrive $0xFFFF  }
0x1a4: {  	p0 =	sne.s32 s0, $0x0;
	_ =	strace $0x90000047  }
0x1a5: {  	s0 =	sadd.s32 @!p0 $0x100000, s2;
	[bflag:$0x2] =	sbarrier.arrive $0xFFFF  }
0x1a6: {  	[sflag:s0] =	ssyncadd.tile.s32 @!p0 $0x1;
	_ =	shalt  }
.Lfunc_end2:
_tile_overlayer_lowered:
.L_overlay_start_2:
0x1a7: {  	(tag) =	ssettag $0x2  }
0x1a8: {  	s0 =	rddreg [dreg:$0x0];
	s2 =	stileid.u32  }
0x1a9: {  	s1 =	rddreg [dreg:$0x1];
	p0 =	sne.s32 s2, $0x0  }
0x1aa: {  	s3 =	rddreg [dreg:$0x2];
	[bflag:$0x3] =	sbarrier.arrive $0xFFFF;
	s2 =	simm.s32 @!p0 $0x1C03  }
0x1ab: {  	[timem:s3], [sflag:s2] =	dma.local @!p0 [hbm:s0], s1  }
0x1ac: {  	s0 =	simm.s32 @!p0 $0x3  }
0x1ad: {  	_ =	swait.ge @!p0 [sflag:s0], s1  }
0x1ae: {  	s1 =	ssub.s32 @!p0 $0x0, s1;
	[sflag:s0] =	ssyncset.done @!p0 $0x0  }
0x1af: {  	[sflag:s0] =	ssyncadd.s32 @!p0 s1  }
0x1b0: {  	[bflag:$0x3] =	sbarrier.arrive $0xFFFF  }
0x1b1: {  	_ =	shalt  }

</sc_bundles>
